<compile_context>
chip_gen: v7x
topology: tpu7x:2x2x1
jax: 0.10.2.dev20260603
libtpu: 0.0.44.dev20260713+nightly
codegen_flags: <defaults>
</compile_context>

<pallas_src>
import functools
import math

import jax
import jax.numpy as jnp
from jax import lax
from jax.experimental import pallas as pl
from jax.experimental.pallas import tpu as pltpu
from jax.experimental.pallas import tpu_sc as plsc

_CHUNK = 128
_SH = 2
_TBLK = 512
_VMEM = 56 * 1024 * 1024



def _sc_gather(table, ei_arr, oi_arr):
    NW, n_chunks, _ = ei_arr.shape
    D = table.shape[1]
    q_rows = n_chunks * _CHUNK
    half = _SH
    sc_q = half * _CHUNK
    n_super = n_chunks // half
    assert n_chunks % half == 0 and n_super % 2 == 0
    mesh = plsc.VectorSubcoreMesh(core_axis_name="c", subcore_axis_name="s")

    @functools.partial(
        pl.kernel,
        out_type=jax.ShapeDtypeStruct((NW * q_rows, 2 * D), jnp.float32),
        mesh=mesh,
        scratch_types=[
            pltpu.VMEM((2 * n_chunks, _CHUNK), jnp.int32),
            pltpu.VMEM((2, 2 * sc_q, D), jnp.float32),
            pltpu.SemaphoreType.DMA,
            pltpu.SemaphoreType.DMA,
            pltpu.SemaphoreType.DMA,
            pltpu.SemaphoreType.DMA,
        ],
        compiler_params=pltpu.CompilerParams(use_tc_tiling_on_sc=False),
    )
    def k(tab, ei, oi, out_hbm, idx_v, rows2, g0, g1, o0, o1):
        wid = lax.axis_index("s") * 2 + lax.axis_index("c")
        base = wid * q_rows
        gsems = (g0, g1)
        osems = (o0, o1)
        pltpu.sync_copy(ei.at[wid], idx_v.at[pl.ds(0, n_chunks)])
        pltpu.sync_copy(oi.at[wid], idx_v.at[pl.ds(n_chunks, n_chunks)])

        def drain_write(buf, g, sem):
            q0 = base + g * sc_q
            pltpu.make_async_copy(
                buf.at[pl.ds(0, sc_q)],
                out_hbm.at[pl.ds(q0, sc_q), pl.ds(0, D)],
                sem,
            ).wait()
            pltpu.make_async_copy(
                buf.at[pl.ds(sc_q, sc_q)],
                out_hbm.at[pl.ds(q0, sc_q), pl.ds(D, D)],
                sem,
            ).wait()

        def fire_gathers(buf, g, sem):
            for par in range(2):
                for sblk in range(half):
                    j = par * n_chunks + g * half + sblk
                    pltpu.async_copy(
                        tab.at[idx_v.at[j]],
                        buf.at[pl.ds((par * half + sblk) * _CHUNK, _CHUNK)],
                        sem,
                    )

        def drain_gathers(buf, g, sem):
            for par in range(2):
                for sblk in range(half):
                    j = par * n_chunks + g * half + sblk
                    pltpu.make_async_copy(
                        tab.at[idx_v.at[j]],
                        buf.at[pl.ds((par * half + sblk) * _CHUNK, _CHUNK)],
                        sem,
                    ).wait()

        def fire_write(buf, g, sem):
            q0 = base + g * sc_q
            pltpu.async_copy(
                buf.at[pl.ds(0, sc_q)],
                out_hbm.at[pl.ds(q0, sc_q), pl.ds(0, D)],
                sem,
            )
            pltpu.async_copy(
                buf.at[pl.ds(sc_q, sc_q)],
                out_hbm.at[pl.ds(q0, sc_q), pl.ds(D, D)],
                sem,
            )

        fire_gathers(rows2.at[0], 0, gsems[0])

        @pl.loop(0, n_super, step=2)
        def _(gg):
            for cur in range(2):
                g = gg + cur
                nxt = 1 - cur

                @pl.when(g + 1 < n_super)
                def _():
                    @pl.when(g >= 1)
                    def _():
                        drain_write(rows2.at[nxt], g - 1, osems[nxt])

                    fire_gathers(rows2.at[nxt], g + 1, gsems[nxt])

                drain_gathers(rows2.at[cur], g, gsems[cur])
                fire_write(rows2.at[cur], g, osems[cur])

        for cur in range(2):
            drain_write(rows2.at[cur], n_super - 2 + cur, osems[cur])

    return k(table, ei_arr, oi_arr)



def _gate_x_body(gx_ref, pe_ref, w_ref, b_ref, *rest, d, nt, scale):
    out_ref, ex_ref = rest[-2], rest[-1]
    w = w_ref[...]
    wt = jnp.transpose(w)
    pe_col = jnp.transpose(pe_ref[0])
    bcat = jnp.concatenate([b_ref[...], b_ref[...]], axis=0)

    @pl.loop(0, nt)
    def _(t):
        slab = gx_ref[pl.ds(t * _TBLK, _TBLK), :]
        sx = jnp.transpose(slab) * scale
        ex_ref[:, 0, :, pl.ds(t * _TBLK, _TBLK)] = sx.reshape(2, d, _TBLK)
        xx = sx + pe_col
        r_top = jnp.dot(wt, xx[:d], preferred_element_type=jnp.float32)
        r_bot = jnp.dot(wt, xx[d:], preferred_element_type=jnp.float32)
        r = jnp.concatenate([r_top, r_bot], axis=0) + bcat + 1.0
        out_ref[:, 0, :, pl.ds(t * _TBLK, _TBLK)] = (xx * r).reshape(2, d, _TBLK)


def _scale_t_body(gm_ref, em_ref, *, d, nt, scale):
    @pl.loop(0, nt)
    def _(t):
        slab = gm_ref[pl.ds(t * _TBLK, _TBLK), :]
        sx = jnp.transpose(slab) * scale
        em_ref[:, 0, :, pl.ds(t * _TBLK, _TBLK)] = sx.reshape(2, d, _TBLK)


def _gate_x(gx2, peP, W, bcol, B, K, k0, bufs=None):
    _, D2 = gx2.shape
    Kh = gx2.shape[0] // B
    d = D2 // 2
    in_specs = [
        pl.BlockSpec((B, D2), lambda k: (k, 0)),
        pl.BlockSpec((1, 1, D2), lambda k: (k0 + k, 0, 0)),
        pl.BlockSpec((d, d), lambda k: (0, 0)),
        pl.BlockSpec((d, 1), lambda k: (0, 0)),
    ]
    operands = [gx2, peP, W, bcol]
    aliases = {}
    if bufs is not None:
        in_specs += [pl.BlockSpec(memory_space=pltpu.MemorySpace.HBM)] * 2
        operands += list(bufs)
        aliases = {4: 0, 5: 1}
    return pl.pallas_call(
        functools.partial(_gate_x_body, d=d, nt=B // _TBLK, scale=math.sqrt(d)),
        grid=(Kh,),
        in_specs=in_specs,
        out_specs=[pl.BlockSpec((2, 1, d, B), lambda k: (0, k0 + k, 0, 0))] * 2,
        out_shape=[jax.ShapeDtypeStruct((2, K, d, B), jnp.float32)] * 2,
        input_output_aliases=aliases,
        compiler_params=pltpu.CompilerParams(vmem_limit_bytes=_VMEM),
    )(*operands)


def _scale_t(gm2, B):
    _, D2 = gm2.shape
    K = gm2.shape[0] // B
    d = D2 // 2
    return pl.pallas_call(
        functools.partial(_scale_t_body, d=d, nt=B // _TBLK, scale=math.sqrt(d)),
        grid=(K,),
        in_specs=[pl.BlockSpec((B, D2), lambda k: (k, 0))],
        out_specs=pl.BlockSpec((2, 1, d, B), lambda k: (0, k, 0, 0)),
        out_shape=jax.ShapeDtypeStruct((2, K, d, B), jnp.float32),
        compiler_params=pltpu.CompilerParams(vmem_limit_bytes=_VMEM),
    )(gm2)


def kernel(x, m, x_table, m_table, W, b, pe):
    B, L = x.shape
    V, D = x_table.shape
    NW = 32
    K = L // 2

    xT = jnp.transpose(x)
    mT = jnp.transpose(m)
    K2 = 48
    nc_a = K2 * B // NW // _CHUNK
    nc_b = (K - K2) * B // NW // _CHUNK
    n_chunks = K * B // NW // _CHUNK
    xe_a = xT[:K2].reshape(NW, nc_a, _CHUNK)
    xo_a = xT[K:K + K2].reshape(NW, nc_a, _CHUNK)
    xe_b = xT[K2:K].reshape(NW, nc_b, _CHUNK)
    xo_b = xT[K + K2:].reshape(NW, nc_b, _CHUNK)
    me = mT[:K].reshape(NW, n_chunks, _CHUNK)
    mo = mT[K:].reshape(NW, n_chunks, _CHUNK)

    gx_a = _sc_gather(x_table, xe_a, xo_a)
    tie_a = (gx_a[0, 0] * 0.0).astype(jnp.int32)
    gx_b = _sc_gather(x_table, xe_b + tie_a, xo_b + tie_a)
    gm = _sc_gather(m_table, me + tie_a, mo + tie_a)
    pe0 = pe[0, :L, :]
    peP = jnp.concatenate([pe0[:K], pe0[K:]], axis=1)[:, None, :]

    oa, ea = _gate_x(gx_a, peP, W, b[:, None], B, K, 0)
    out4, ex4 = _gate_x(gx_b, peP, W, b[:, None], B, K, K2, bufs=(oa, ea))
    em4 = _scale_t(gm, B)
    tr = lambda a: jnp.transpose(a.reshape(L, D, B), (2, 0, 1))
    return tr(out4), tr(ex4), tr(em4)

# --- scband reference (transcript-rebuilt; emitter-appended) ---
"""Pipeline reference for scband-embedding-multilinear-sinusoidal-42666205119218 (READ-ONLY COPY).

The authoritative reference and input builder live on the scoring server;
editing this copy changes nothing except your own understanding.
"""

import jax, jax.numpy as jnp
import numpy as np
import math

D_VOCAB = 100000
D_X = 64
D_R = 64
MAX_LEN = 256
B = 4096
L = 200


def _make_pe():
    position = jnp.arange(0.0, MAX_LEN, dtype=jnp.float32)[:, None]
    div_term = jnp.exp(jnp.arange(0.0, D_X, 2, dtype=jnp.float32) * -(math.log(10000.0) / D_X))
    pe = jnp.zeros((MAX_LEN, D_X), dtype=jnp.float32)
    pe = pe.at[:, 0::2].set(jnp.sin(position * div_term))
    pe = pe.at[:, 1::2].set(jnp.cos(position * div_term))
    return pe[None, :, :]


def setup_inputs(seed: int = 0) -> dict:
    key = jax.random.key(seed)
    k1, k2, k3, k4, k5 = jax.random.split(key, 5)
    x = jax.random.randint(k1, (B, L), 0, D_VOCAB, dtype=jnp.int32)
    m = jax.random.randint(k2, (B, L), 0, D_VOCAB, dtype=jnp.int32)
    std = 1.0 / math.sqrt(D_X)
    x_table = jax.random.normal(k3, (D_VOCAB, D_X), dtype=jnp.float32) * std
    m_table = jax.random.normal(k4, (D_VOCAB, D_X), dtype=jnp.float32) * std
    W = jax.random.normal(k5, (D_X, D_R), dtype=jnp.float32) * std
    b = jnp.zeros((D_R,), dtype=jnp.float32)
    pe = _make_pe()
    return {"x": x, "m": m, "x_table": x_table, "m_table": m_table, "W": W, "b": b, "pe": pe}


def reference(x, m, x_table, m_table, W, b, pe):
    scale = jnp.sqrt(jnp.asarray(D_X, dtype=jnp.float32))
    emb_x = jnp.take(x_table, x, axis=0) * scale
    emb_m = jnp.take(m_table, m, axis=0) * scale
    xx = emb_x + pe[:, : x.shape[1]]
    r = xx @ W + b + 1.0
    out = xx * r
    # dropout p=0.0 -> identity
    return (out, emb_x, emb_m)

if __name__ == "__main__":
    import jax
    _d = setup_inputs()
    print(jax.jit(kernel)(*tuple(_d.values())))

</pallas_src>

<mosaic_0001>
#map = affine_map<(d0, d1) -> (0, 0)>
#map1 = affine_map<(d0, d1) -> (0, 0, 0)>
module attributes {stable_mosaic.version = 14 : i64} {
  func.func @k(%arg0: i32, %arg1: i32, %arg2: memref<100000x64xf32, #tpu.memory_space<hbm>>, %arg3: memref<32x100x128xi32, #tpu.memory_space<hbm>>, %arg4: memref<32x100x128xi32, #tpu.memory_space<hbm>>, %arg5: memref<409600x128xf32, #tpu.memory_space<hbm>>, %arg6: memref<200x128xi32, #tpu.memory_space<vmem>>, %arg7: memref<2x512x64xf32, #tpu.memory_space<vmem>>, %arg8: memref<!tpu.dma_semaphore, #tpu.memory_space<semaphore_mem>>, %arg9: memref<!tpu.dma_semaphore, #tpu.memory_space<semaphore_mem>>, %arg10: memref<!tpu.dma_semaphore, #tpu.memory_space<semaphore_mem>>, %arg11: memref<!tpu.dma_semaphore, #tpu.memory_space<semaphore_mem>>) attributes {dimension_semantics = [#tpu.dimension_semantics<core_parallel>, #tpu.dimension_semantics<subcore_parallel>], iteration_bounds = array<i64: 2, 16>, scalar_prefetch = 0 : i64, scratch_operands = 6 : i64, tpu.core_type = #tpu.core_type<sc_vector_subcore>, window_params = [{transform_indices = #map}, {transform_indices = #map1}, {transform_indices = #map1}, {transform_indices = #map}]} {
    %mul3A = arith.constant 2 : i32
    %mul3A_0 = arith.muli %arg1, %mul3A : i32
    %add3A = arith.addi %mul3A_0, %arg0 : i32
    %mul3A_1 = arith.constant 12800 : i32
    %mul3A_2 = arith.muli %add3A, %mul3A_1 : i32
    "tpu.region"() ({
      %run_scoped3A = tpu.sem_alloc : memref<!tpu.dma_semaphore, #tpu.memory_space<semaphore_mem>>
      %dma_start3A_145 = arith.constant 0 : i32
      %dma_start3A_146 = arith.constant 0 : i32
      %dma_start3A_147 = tpu.memref_slice %arg6[%dma_start3A_145, %dma_start3A_146] : memref<200x128xi32, #tpu.memory_space<vmem>> -> memref<100x128xi32, #tpu.memory_space<vmem>>
      %dma_start3A_148 = arith.constant 0 : i32
      %dma_start3A_149 = arith.constant 0 : i32
      %dma_start3A_150 = tpu.memref_slice %arg3[%add3A, %dma_start3A_148, %dma_start3A_149] : memref<32x100x128xi32, #tpu.memory_space<hbm>> -> memref<1x100x128xi32, #tpu.memory_space<hbm>>
      %dma_start3A_151 = tpu.memref_squeeze %dma_start3A_150 : memref<1x100x128xi32, #tpu.memory_space<hbm>> -> memref<100x128xi32, #tpu.memory_space<hbm>>
      %dma_start3A_152 = arith.constant 0 : i32
      %dma_start3A_153 = arith.constant 0 : i32
      %dma_start3A_154 = tpu.memref_slice %arg6[%dma_start3A_152, %dma_start3A_153] : memref<200x128xi32, #tpu.memory_space<vmem>> -> memref<100x128xi32, #tpu.memory_space<vmem>>
      %dma_start3A_155 = arith.constant 0 : i32
      %dma_start3A_156 = arith.constant 0 : i32
      %dma_start3A_157 = tpu.memref_slice %arg3[%add3A, %dma_start3A_155, %dma_start3A_156] : memref<32x100x128xi32, #tpu.memory_space<hbm>> -> memref<1x100x128xi32, #tpu.memory_space<hbm>>
      %dma_start3A_158 = tpu.memref_squeeze %dma_start3A_157 : memref<1x100x128xi32, #tpu.memory_space<hbm>> -> memref<100x128xi32, #tpu.memory_space<hbm>>
      tpu.enqueue_dma source(%dma_start3A_158 : memref<100x128xi32, #tpu.memory_space<hbm>>) target(%dma_start3A_154 : memref<100x128xi32, #tpu.memory_space<vmem>>) target_semaphore(%run_scoped3A : memref<!tpu.dma_semaphore, #tpu.memory_space<semaphore_mem>>)
      %dma_wait3A_159 = arith.constant 0 : i32
      %dma_wait3A_160 = arith.constant 0 : i32
      %dma_wait3A_161 = tpu.memref_slice %arg6[%dma_wait3A_159, %dma_wait3A_160] : memref<200x128xi32, #tpu.memory_space<vmem>> -> memref<100x128xi32, #tpu.memory_space<vmem>>
      %dma_wait3A_162 = arith.constant 0 : i32
      %dma_wait3A_163 = arith.constant 0 : i32
      %dma_wait3A_164 = tpu.memref_slice %arg3[%add3A, %dma_wait3A_162, %dma_wait3A_163] : memref<32x100x128xi32, #tpu.memory_space<hbm>> -> memref<1x100x128xi32, #tpu.memory_space<hbm>>
      %dma_wait3A_165 = tpu.memref_squeeze %dma_wait3A_164 : memref<1x100x128xi32, #tpu.memory_space<hbm>> -> memref<100x128xi32, #tpu.memory_space<hbm>>
      %dma_wait3A_166 = arith.constant 0 : i32
      %dma_wait3A_167 = arith.constant 0 : i32
      %dma_wait3A_168 = tpu.memref_slice %arg6[%dma_wait3A_166, %dma_wait3A_167] : memref<200x128xi32, #tpu.memory_space<vmem>> -> memref<100x128xi32, #tpu.memory_space<vmem>>
      %dma_wait3A_169 = arith.constant 0 : i32
      %dma_wait3A_170 = arith.constant 0 : i32
      %dma_wait3A_171 = tpu.memref_slice %arg3[%add3A, %dma_wait3A_169, %dma_wait3A_170] : memref<32x100x128xi32, #tpu.memory_space<hbm>> -> memref<1x100x128xi32, #tpu.memory_space<hbm>>
      %dma_wait3A_172 = tpu.memref_squeeze %dma_wait3A_171 : memref<1x100x128xi32, #tpu.memory_space<hbm>> -> memref<100x128xi32, #tpu.memory_space<hbm>>
      tpu.wait_dma2 semaphore(%run_scoped3A : memref<!tpu.dma_semaphore, #tpu.memory_space<semaphore_mem>>) src(%dma_wait3A_172 : memref<100x128xi32, #tpu.memory_space<hbm>>) dst(%dma_wait3A_168 : memref<100x128xi32, #tpu.memory_space<vmem>>)
      tpu.yield
    }) : () -> ()
    "tpu.region"() ({
      %run_scoped3A = tpu.sem_alloc : memref<!tpu.dma_semaphore, #tpu.memory_space<semaphore_mem>>
      %dma_start3A_145 = arith.constant 100 : i32
      %dma_start3A_146 = arith.constant 0 : i32
      %dma_start3A_147 = tpu.memref_slice %arg6[%dma_start3A_145, %dma_start3A_146] : memref<200x128xi32, #tpu.memory_space<vmem>> -> memref<100x128xi32, #tpu.memory_space<vmem>>
      %dma_start3A_148 = arith.constant 0 : i32
      %dma_start3A_149 = arith.constant 0 : i32
      %dma_start3A_150 = tpu.memref_slice %arg4[%add3A, %dma_start3A_148, %dma_start3A_149] : memref<32x100x128xi32, #tpu.memory_space<hbm>> -> memref<1x100x128xi32, #tpu.memory_space<hbm>>
      %dma_start3A_151 = tpu.memref_squeeze %dma_start3A_150 : memref<1x100x128xi32, #tpu.memory_space<hbm>> -> memref<100x128xi32, #tpu.memory_space<hbm>>
      %dma_start3A_152 = arith.constant 100 : i32
      %dma_start3A_153 = arith.constant 0 : i32
      %dma_start3A_154 = tpu.memref_slice %arg6[%dma_start3A_152, %dma_start3A_153] : memref<200x128xi32, #tpu.memory_space<vmem>> -> memref<100x128xi32, #tpu.memory_space<vmem>>
      %dma_start3A_155 = arith.constant 0 : i32
      %dma_start3A_156 = arith.constant 0 : i32
      %dma_start3A_157 = tpu.memref_slice %arg4[%add3A, %dma_start3A_155, %dma_start3A_156] : memref<32x100x128xi32, #tpu.memory_space<hbm>> -> memref<1x100x128xi32, #tpu.memory_space<hbm>>
      %dma_start3A_158 = tpu.memref_squeeze %dma_start3A_157 : memref<1x100x128xi32, #tpu.memory_space<hbm>> -> memref<100x128xi32, #tpu.memory_space<hbm>>
      tpu.enqueue_dma source(%dma_start3A_158 : memref<100x128xi32, #tpu.memory_space<hbm>>) target(%dma_start3A_154 : memref<100x128xi32, #tpu.memory_space<vmem>>) target_semaphore(%run_scoped3A : memref<!tpu.dma_semaphore, #tpu.memory_space<semaphore_mem>>)
      %dma_wait3A_159 = arith.constant 100 : i32
      %dma_wait3A_160 = arith.constant 0 : i32
      %dma_wait3A_161 = tpu.memref_slice %arg6[%dma_wait3A_159, %dma_wait3A_160] : memref<200x128xi32, #tpu.memory_space<vmem>> -> memref<100x128xi32, #tpu.memory_space<vmem>>
      %dma_wait3A_162 = arith.constant 0 : i32
      %dma_wait3A_163 = arith.constant 0 : i32
      %dma_wait3A_164 = tpu.memref_slice %arg4[%add3A, %dma_wait3A_162, %dma_wait3A_163] : memref<32x100x128xi32, #tpu.memory_space<hbm>> -> memref<1x100x128xi32, #tpu.memory_space<hbm>>
      %dma_wait3A_165 = tpu.memref_squeeze %dma_wait3A_164 : memref<1x100x128xi32, #tpu.memory_space<hbm>> -> memref<100x128xi32, #tpu.memory_space<hbm>>
      %dma_wait3A_166 = arith.constant 100 : i32
      %dma_wait3A_167 = arith.constant 0 : i32
      %dma_wait3A_168 = tpu.memref_slice %arg6[%dma_wait3A_166, %dma_wait3A_167] : memref<200x128xi32, #tpu.memory_space<vmem>> -> memref<100x128xi32, #tpu.memory_space<vmem>>
      %dma_wait3A_169 = arith.constant 0 : i32
      %dma_wait3A_170 = arith.constant 0 : i32
      %dma_wait3A_171 = tpu.memref_slice %arg4[%add3A, %dma_wait3A_169, %dma_wait3A_170] : memref<32x100x128xi32, #tpu.memory_space<hbm>> -> memref<1x100x128xi32, #tpu.memory_space<hbm>>
      %dma_wait3A_172 = tpu.memref_squeeze %dma_wait3A_171 : memref<1x100x128xi32, #tpu.memory_space<hbm>> -> memref<100x128xi32, #tpu.memory_space<hbm>>
      tpu.wait_dma2 semaphore(%run_scoped3A : memref<!tpu.dma_semaphore, #tpu.memory_space<semaphore_mem>>) src(%dma_wait3A_172 : memref<100x128xi32, #tpu.memory_space<hbm>>) dst(%dma_wait3A_168 : memref<100x128xi32, #tpu.memory_space<vmem>>)
      tpu.yield
    }) : () -> ()
    %dma_start3A = arith.constant 0 : i32
    %dma_start3A_3 = arith.constant 0 : i32
    %dma_start3A_4 = arith.constant 0 : i32
    %dma_start3A_5 = arith.constant 0 : i32
    %dma_start3A_6 = tpu.memref_slice %arg7[%dma_start3A_3, %dma_start3A_4, %dma_start3A_5] : memref<2x512x64xf32, #tpu.memory_space<vmem>> -> memref<1x512x64xf32, #tpu.memory_space<vmem>>
    %dma_start3A_7 = tpu.memref_squeeze %dma_start3A_6 : memref<1x512x64xf32, #tpu.memory_space<vmem>> -> memref<512x64xf32, #tpu.memory_space<vmem>>
    %dma_start3A_8 = arith.constant 0 : i32
    %dma_start3A_9 = arith.constant 0 : i32
    %dma_start3A_10 = tpu.memref_slice %dma_start3A_7[%dma_start3A_8, %dma_start3A_9] : memref<512x64xf32, #tpu.memory_space<vmem>> -> memref<128x64xf32, #tpu.memory_space<vmem>>
    %dma_start3A_11 = arith.constant 0 : i32
    %dma_start3A_12 = tpu.memref_slice %arg6[%dma_start3A, %dma_start3A_11] : memref<200x128xi32, #tpu.memory_space<vmem>> -> memref<1x128xi32, #tpu.memory_space<vmem>>
    %dma_start3A_13 = tpu.memref_squeeze %dma_start3A_12 : memref<1x128xi32, #tpu.memory_space<vmem>> -> memref<128xi32, #tpu.memory_space<vmem>>
    %dma_start3A_14 = arith.constant 0 : i32
    %dma_start3A_15 = arith.constant 0 : i32
    %dma_start3A_16 = tpu.memref_slice %arg2[%dma_start3A_14, %dma_start3A_15] : memref<100000x64xf32, #tpu.memory_space<hbm>> -> memref<100000x64xf32, #tpu.memory_space<hbm>>
    tpu.enqueue_indirect_dma source(%dma_start3A_16 : memref<100000x64xf32, #tpu.memory_space<hbm>>) target(%dma_start3A_10 : memref<128x64xf32, #tpu.memory_space<vmem>>) offsets(%dma_start3A_13 : memref<128xi32, #tpu.memory_space<vmem>>) semaphore(%arg8 : memref<!tpu.dma_semaphore, #tpu.memory_space<semaphore_mem>>)
    %dma_start3A_17 = arith.constant 1 : i32
    %dma_start3A_18 = arith.constant 0 : i32
    %dma_start3A_19 = arith.constant 0 : i32
    %dma_start3A_20 = arith.constant 0 : i32
    %dma_start3A_21 = tpu.memref_slice %arg7[%dma_start3A_18, %dma_start3A_19, %dma_start3A_20] : memref<2x512x64xf32, #tpu.memory_space<vmem>> -> memref<1x512x64xf32, #tpu.memory_space<vmem>>
    %dma_start3A_22 = tpu.memref_squeeze %dma_start3A_21 : memref<1x512x64xf32, #tpu.memory_space<vmem>> -> memref<512x64xf32, #tpu.memory_space<vmem>>
    %dma_start3A_23 = arith.constant 128 : i32
    %dma_start3A_24 = arith.constant 0 : i32
    %dma_start3A_25 = tpu.memref_slice %dma_start3A_22[%dma_start3A_23, %dma_start3A_24] : memref<512x64xf32, #tpu.memory_space<vmem>> -> memref<128x64xf32, #tpu.memory_space<vmem>>
    %dma_start3A_26 = arith.constant 0 : i32
    %dma_start3A_27 = tpu.memref_slice %arg6[%dma_start3A_17, %dma_start3A_26] : memref<200x128xi32, #tpu.memory_space<vmem>> -> memref<1x128xi32, #tpu.memory_space<vmem>>
    %dma_start3A_28 = tpu.memref_squeeze %dma_start3A_27 : memref<1x128xi32, #tpu.memory_space<vmem>> -> memref<128xi32, #tpu.memory_space<vmem>>
    %dma_start3A_29 = arith.constant 0 : i32
    %dma_start3A_30 = arith.constant 0 : i32
    %dma_start3A_31 = tpu.memref_slice %arg2[%dma_start3A_29, %dma_start3A_30] : memref<100000x64xf32, #tpu.memory_space<hbm>> -> memref<100000x64xf32, #tpu.memory_space<hbm>>
    tpu.enqueue_indirect_dma source(%dma_start3A_31 : memref<100000x64xf32, #tpu.memory_space<hbm>>) target(%dma_start3A_25 : memref<128x64xf32, #tpu.memory_space<vmem>>) offsets(%dma_start3A_28 : memref<128xi32, #tpu.memory_space<vmem>>) semaphore(%arg8 : memref<!tpu.dma_semaphore, #tpu.memory_space<semaphore_mem>>)
    %dma_start3A_32 = arith.constant 100 : i32
    %dma_start3A_33 = arith.constant 0 : i32
    %dma_start3A_34 = arith.constant 0 : i32
    %dma_start3A_35 = arith.constant 0 : i32
    %dma_start3A_36 = tpu.memref_slice %arg7[%dma_start3A_33, %dma_start3A_34, %dma_start3A_35] : memref<2x512x64xf32, #tpu.memory_space<vmem>> -> memref<1x512x64xf32, #tpu.memory_space<vmem>>
    %dma_start3A_37 = tpu.memref_squeeze %dma_start3A_36 : memref<1x512x64xf32, #tpu.memory_space<vmem>> -> memref<512x64xf32, #tpu.memory_space<vmem>>
    %dma_start3A_38 = arith.constant 256 : i32
    %dma_start3A_39 = arith.constant 0 : i32
    %dma_start3A_40 = tpu.memref_slice %dma_start3A_37[%dma_start3A_38, %dma_start3A_39] : memref<512x64xf32, #tpu.memory_space<vmem>> -> memref<128x64xf32, #tpu.memory_space<vmem>>
    %dma_start3A_41 = arith.constant 0 : i32
    %dma_start3A_42 = tpu.memref_slice %arg6[%dma_start3A_32, %dma_start3A_41] : memref<200x128xi32, #tpu.memory_space<vmem>> -> memref<1x128xi32, #tpu.memory_space<vmem>>
    %dma_start3A_43 = tpu.memref_squeeze %dma_start3A_42 : memref<1x128xi32, #tpu.memory_space<vmem>> -> memref<128xi32, #tpu.memory_space<vmem>>
    %dma_start3A_44 = arith.constant 0 : i32
    %dma_start3A_45 = arith.constant 0 : i32
    %dma_start3A_46 = tpu.memref_slice %arg2[%dma_start3A_44, %dma_start3A_45] : memref<100000x64xf32, #tpu.memory_space<hbm>> -> memref<100000x64xf32, #tpu.memory_space<hbm>>
    tpu.enqueue_indirect_dma source(%dma_start3A_46 : memref<100000x64xf32, #tpu.memory_space<hbm>>) target(%dma_start3A_40 : memref<128x64xf32, #tpu.memory_space<vmem>>) offsets(%dma_start3A_43 : memref<128xi32, #tpu.memory_space<vmem>>) semaphore(%arg8 : memref<!tpu.dma_semaphore, #tpu.memory_space<semaphore_mem>>)
    %dma_start3A_47 = arith.constant 101 : i32
    %dma_start3A_48 = arith.constant 0 : i32
    %dma_start3A_49 = arith.constant 0 : i32
    %dma_start3A_50 = arith.constant 0 : i32
    %dma_start3A_51 = tpu.memref_slice %arg7[%dma_start3A_48, %dma_start3A_49, %dma_start3A_50] : memref<2x512x64xf32, #tpu.memory_space<vmem>> -> memref<1x512x64xf32, #tpu.memory_space<vmem>>
    %dma_start3A_52 = tpu.memref_squeeze %dma_start3A_51 : memref<1x512x64xf32, #tpu.memory_space<vmem>> -> memref<512x64xf32, #tpu.memory_space<vmem>>
    %dma_start3A_53 = arith.constant 384 : i32
    %dma_start3A_54 = arith.constant 0 : i32
    %dma_start3A_55 = tpu.memref_slice %dma_start3A_52[%dma_start3A_53, %dma_start3A_54] : memref<512x64xf32, #tpu.memory_space<vmem>> -> memref<128x64xf32, #tpu.memory_space<vmem>>
    %dma_start3A_56 = arith.constant 0 : i32
    %dma_start3A_57 = tpu.memref_slice %arg6[%dma_start3A_47, %dma_start3A_56] : memref<200x128xi32, #tpu.memory_space<vmem>> -> memref<1x128xi32, #tpu.memory_space<vmem>>
    %dma_start3A_58 = tpu.memref_squeeze %dma_start3A_57 : memref<1x128xi32, #tpu.memory_space<vmem>> -> memref<128xi32, #tpu.memory_space<vmem>>
    %dma_start3A_59 = arith.constant 0 : i32
    %dma_start3A_60 = arith.constant 0 : i32
    %dma_start3A_61 = tpu.memref_slice %arg2[%dma_start3A_59, %dma_start3A_60] : memref<100000x64xf32, #tpu.memory_space<hbm>> -> memref<100000x64xf32, #tpu.memory_space<hbm>>
    tpu.enqueue_indirect_dma source(%dma_start3A_61 : memref<100000x64xf32, #tpu.memory_space<hbm>>) target(%dma_start3A_55 : memref<128x64xf32, #tpu.memory_space<vmem>>) offsets(%dma_start3A_58 : memref<128xi32, #tpu.memory_space<vmem>>) semaphore(%arg8 : memref<!tpu.dma_semaphore, #tpu.memory_space<semaphore_mem>>)
    %scan3A = arith.constant 0 : i32
    %scan3A_62 = arith.constant 25 : i32
    %scan3A_63 = arith.addi %scan3A, %scan3A_62 : i32
    %scan3A_64 = arith.constant 1 : i32
    scf.for %scan3A_145 = %scan3A to %scan3A_63 step %scan3A_64  : i32 {
      %mul3A_146 = arith.constant 2 : i32
      %mul3A_147 = arith.muli %scan3A_145, %mul3A_146 : i32
      %add3A_148 = arith.constant 0 : i32
      %add3A_149 = arith.addi %add3A_148, %mul3A_147 : i32
      %add3A_150 = arith.constant 0 : i32
      %add3A_151 = arith.addi %add3A_149, %add3A_150 : i32
      %add3A_152 = arith.constant 1 : i32
      %add3A_153 = arith.addi %add3A_151, %add3A_152 : i32
      %lt3A = arith.constant 50 : i32
      %lt3A_154 = arith.cmpi slt, %add3A_153, %lt3A : i32
      %convert_element_type3A = arith.extui %lt3A_154 : i1 to i32
      %cond3A = arith.constant 0 : i32
      %cond3A_155 = arith.cmpi ne, %convert_element_type3A, %cond3A : i32
      scf.if %cond3A_155 {
        %ge3A = arith.constant 1 : i32
        %ge3A_407 = arith.cmpi sge, %add3A_151, %ge3A : i32
        %convert_element_type3A_408 = arith.extui %ge3A_407 : i1 to i32
        %cond3A_409 = arith.constant 0 : i32
        %cond3A_410 = arith.cmpi ne, %convert_element_type3A_408, %cond3A_409 : i32
        scf.if %cond3A_410 {
          %sub3A = arith.constant 1 : i32
          %sub3A_493 = arith.subi %add3A_151, %sub3A : i32
          %mul3A_494 = arith.constant 256 : i32
          %mul3A_495 = arith.muli %sub3A_493, %mul3A_494 : i32
          %add3A_496 = arith.addi %mul3A_2, %mul3A_495 : i32
          %dma_wait3A_497 = arith.constant 1 : i32
          %dma_wait3A_498 = arith.constant 0 : i32
          %dma_wait3A_499 = arith.constant 0 : i32
          %dma_wait3A_500 = tpu.memref_slice %arg7[%dma_wait3A_497, %dma_wait3A_498, %dma_wait3A_499] : memref<2x512x64xf32, #tpu.memory_space<vmem>> -> memref<1x512x64xf32, #tpu.memory_space<vmem>>
          %dma_wait3A_501 = tpu.memref_squeeze %dma_wait3A_500 : memref<1x512x64xf32, #tpu.memory_space<vmem>> -> memref<512x64xf32, #tpu.memory_space<vmem>>
          %dma_wait3A_502 = arith.constant 0 : i32
          %dma_wait3A_503 = arith.constant 0 : i32
          %dma_wait3A_504 = tpu.memref_slice %dma_wait3A_501[%dma_wait3A_502, %dma_wait3A_503] : memref<512x64xf32, #tpu.memory_space<vmem>> -> memref<256x64xf32, #tpu.memory_space<vmem>>
          %dma_wait3A_505 = arith.constant 0 : i32
          %dma_wait3A_506 = tpu.memref_slice %arg5[%add3A_496, %dma_wait3A_505] : memref<409600x128xf32, #tpu.memory_space<hbm>> -> memref<256x64xf32, #tpu.memory_space<hbm>>
          %dma_wait3A_507 = arith.constant 0 : i32
          %dma_wait3A_508 = tpu.memref_slice %arg5[%add3A_496, %dma_wait3A_507] : memref<409600x128xf32, #tpu.memory_space<hbm>> -> memref<256x64xf32, #tpu.memory_space<hbm>>
          %dma_wait3A_509 = arith.constant 0 : i32
          %dma_wait3A_510 = arith.constant 0 : i32
          %dma_wait3A_511 = tpu.memref_slice %arg7[%dma_wait3A_497, %dma_wait3A_509, %dma_wait3A_510] : memref<2x512x64xf32, #tpu.memory_space<vmem>> -> memref<1x512x64xf32, #tpu.memory_space<vmem>>
          %dma_wait3A_512 = tpu.memref_squeeze %dma_wait3A_511 : memref<1x512x64xf32, #tpu.memory_space<vmem>> -> memref<512x64xf32, #tpu.memory_space<vmem>>
          %dma_wait3A_513 = arith.constant 0 : i32
          %dma_wait3A_514 = arith.constant 0 : i32
          %dma_wait3A_515 = tpu.memref_slice %dma_wait3A_512[%dma_wait3A_513, %dma_wait3A_514] : memref<512x64xf32, #tpu.memory_space<vmem>> -> memref<256x64xf32, #tpu.memory_space<vmem>>
          tpu.wait_dma2 semaphore(%arg11 : memref<!tpu.dma_semaphore, #tpu.memory_space<semaphore_mem>>) src(%dma_wait3A_515 : memref<256x64xf32, #tpu.memory_space<vmem>>) dst(%dma_wait3A_508 : memref<256x64xf32, #tpu.memory_space<hbm>>)
          %dma_wait3A_516 = arith.constant 1 : i32
          %dma_wait3A_517 = arith.constant 0 : i32
          %dma_wait3A_518 = arith.constant 0 : i32
          %dma_wait3A_519 = tpu.memref_slice %arg7[%dma_wait3A_516, %dma_wait3A_517, %dma_wait3A_518] : memref<2x512x64xf32, #tpu.memory_space<vmem>> -> memref<1x512x64xf32, #tpu.memory_space<vmem>>
          %dma_wait3A_520 = tpu.memref_squeeze %dma_wait3A_519 : memref<1x512x64xf32, #tpu.memory_space<vmem>> -> memref<512x64xf32, #tpu.memory_space<vmem>>
          %dma_wait3A_521 = arith.constant 256 : i32
          %dma_wait3A_522 = arith.constant 0 : i32
          %dma_wait3A_523 = tpu.memref_slice %dma_wait3A_520[%dma_wait3A_521, %dma_wait3A_522] : memref<512x64xf32, #tpu.memory_space<vmem>> -> memref<256x64xf32, #tpu.memory_space<vmem>>
          %dma_wait3A_524 = arith.constant 64 : i32
          %dma_wait3A_525 = tpu.memref_slice %arg5[%add3A_496, %dma_wait3A_524] : memref<409600x128xf32, #tpu.memory_space<hbm>> -> memref<256x64xf32, #tpu.memory_space<hbm>>
          %dma_wait3A_526 = arith.constant 64 : i32
          %dma_wait3A_527 = tpu.memref_slice %arg5[%add3A_496, %dma_wait3A_526] : memref<409600x128xf32, #tpu.memory_space<hbm>> -> memref<256x64xf32, #tpu.memory_space<hbm>>
          %dma_wait3A_528 = arith.constant 0 : i32
          %dma_wait3A_529 = arith.constant 0 : i32
          %dma_wait3A_530 = tpu.memref_slice %arg7[%dma_wait3A_516, %dma_wait3A_528, %dma_wait3A_529] : memref<2x512x64xf32, #tpu.memory_space<vmem>> -> memref<1x512x64xf32, #tpu.memory_space<vmem>>
          %dma_wait3A_531 = tpu.memref_squeeze %dma_wait3A_530 : memref<1x512x64xf32, #tpu.memory_space<vmem>> -> memref<512x64xf32, #tpu.memory_space<vmem>>
          %dma_wait3A_532 = arith.constant 256 : i32
          %dma_wait3A_533 = arith.constant 0 : i32
          %dma_wait3A_534 = tpu.memref_slice %dma_wait3A_531[%dma_wait3A_532, %dma_wait3A_533] : memref<512x64xf32, #tpu.memory_space<vmem>> -> memref<256x64xf32, #tpu.memory_space<vmem>>
          tpu.wait_dma2 semaphore(%arg11 : memref<!tpu.dma_semaphore, #tpu.memory_space<semaphore_mem>>) src(%dma_wait3A_534 : memref<256x64xf32, #tpu.memory_space<vmem>>) dst(%dma_wait3A_527 : memref<256x64xf32, #tpu.memory_space<hbm>>)
        } else {
        }
        %add3A_411 = arith.constant 1 : i32
        %add3A_412 = arith.addi %add3A_151, %add3A_411 : i32
        %mul3A_413 = arith.constant 2 : i32
        %mul3A_414 = arith.muli %add3A_412, %mul3A_413 : i32
        %add3A_415 = arith.constant 0 : i32
        %add3A_416 = arith.addi %add3A_415, %mul3A_414 : i32
        %add3A_417 = arith.constant 0 : i32
        %add3A_418 = arith.addi %add3A_416, %add3A_417 : i32
        %dma_start3A_419 = arith.constant 1 : i32
        %dma_start3A_420 = arith.constant 0 : i32
        %dma_start3A_421 = arith.constant 0 : i32
        %dma_start3A_422 = tpu.memref_slice %arg7[%dma_start3A_419, %dma_start3A_420, %dma_start3A_421] : memref<2x512x64xf32, #tpu.memory_space<vmem>> -> memref<1x512x64xf32, #tpu.memory_space<vmem>>
        %dma_start3A_423 = tpu.memref_squeeze %dma_start3A_422 : memref<1x512x64xf32, #tpu.memory_space<vmem>> -> memref<512x64xf32, #tpu.memory_space<vmem>>
        %dma_start3A_424 = arith.constant 0 : i32
        %dma_start3A_425 = arith.constant 0 : i32
        %dma_start3A_426 = tpu.memref_slice %dma_start3A_423[%dma_start3A_424, %dma_start3A_425] : memref<512x64xf32, #tpu.memory_space<vmem>> -> memref<128x64xf32, #tpu.memory_space<vmem>>
        %dma_start3A_427 = arith.constant 0 : i32
        %dma_start3A_428 = tpu.memref_slice %arg6[%add3A_418, %dma_start3A_427] : memref<200x128xi32, #tpu.memory_space<vmem>> -> memref<1x128xi32, #tpu.memory_space<vmem>>
        %dma_start3A_429 = tpu.memref_squeeze %dma_start3A_428 : memref<1x128xi32, #tpu.memory_space<vmem>> -> memref<128xi32, #tpu.memory_space<vmem>>
        %dma_start3A_430 = arith.constant 0 : i32
        %dma_start3A_431 = arith.constant 0 : i32
        %dma_start3A_432 = tpu.memref_slice %arg2[%dma_start3A_430, %dma_start3A_431] : memref<100000x64xf32, #tpu.memory_space<hbm>> -> memref<100000x64xf32, #tpu.memory_space<hbm>>
        tpu.enqueue_indirect_dma source(%dma_start3A_432 : memref<100000x64xf32, #tpu.memory_space<hbm>>) target(%dma_start3A_426 : memref<128x64xf32, #tpu.memory_space<vmem>>) offsets(%dma_start3A_429 : memref<128xi32, #tpu.memory_space<vmem>>) semaphore(%arg9 : memref<!tpu.dma_semaphore, #tpu.memory_space<semaphore_mem>>)
        %mul3A_433 = arith.constant 2 : i32
        %mul3A_434 = arith.muli %add3A_412, %mul3A_433 : i32
        %add3A_435 = arith.constant 0 : i32
        %add3A_436 = arith.addi %add3A_435, %mul3A_434 : i32
        %add3A_437 = arith.constant 1 : i32
        %add3A_438 = arith.addi %add3A_436, %add3A_437 : i32
        %dma_start3A_439 = arith.constant 1 : i32
        %dma_start3A_440 = arith.constant 0 : i32
        %dma_start3A_441 = arith.constant 0 : i32
        %dma_start3A_442 = tpu.memref_slice %arg7[%dma_start3A_439, %dma_start3A_440, %dma_start3A_441] : memref<2x512x64xf32, #tpu.memory_space<vmem>> -> memref<1x512x64xf32, #tpu.memory_space<vmem>>
        %dma_start3A_443 = tpu.memref_squeeze %dma_start3A_442 : memref<1x512x64xf32, #tpu.memory_space<vmem>> -> memref<512x64xf32, #tpu.memory_space<vmem>>
        %dma_start3A_444 = arith.constant 128 : i32
        %dma_start3A_445 = arith.constant 0 : i32
        %dma_start3A_446 = tpu.memref_slice %dma_start3A_443[%dma_start3A_444, %dma_start3A_445] : memref<512x64xf32, #tpu.memory_space<vmem>> -> memref<128x64xf32, #tpu.memory_space<vmem>>
        %dma_start3A_447 = arith.constant 0 : i32
        %dma_start3A_448 = tpu.memref_slice %arg6[%add3A_438, %dma_start3A_447] : memref<200x128xi32, #tpu.memory_space<vmem>> -> memref<1x128xi32, #tpu.memory_space<vmem>>
        %dma_start3A_449 = tpu.memref_squeeze %dma_start3A_448 : memref<1x128xi32, #tpu.memory_space<vmem>> -> memref<128xi32, #tpu.memory_space<vmem>>
        %dma_start3A_450 = arith.constant 0 : i32
        %dma_start3A_451 = arith.constant 0 : i32
        %dma_start3A_452 = tpu.memref_slice %arg2[%dma_start3A_450, %dma_start3A_451] : memref<100000x64xf32, #tpu.memory_space<hbm>> -> memref<100000x64xf32, #tpu.memory_space<hbm>>
        tpu.enqueue_indirect_dma source(%dma_start3A_452 : memref<100000x64xf32, #tpu.memory_space<hbm>>) target(%dma_start3A_446 : memref<128x64xf32, #tpu.memory_space<vmem>>) offsets(%dma_start3A_449 : memref<128xi32, #tpu.memory_space<vmem>>) semaphore(%arg9 : memref<!tpu.dma_semaphore, #tpu.memory_space<semaphore_mem>>)
        %mul3A_453 = arith.constant 2 : i32
        %mul3A_454 = arith.muli %add3A_412, %mul3A_453 : i32
        %add3A_455 = arith.constant 100 : i32
        %add3A_456 = arith.addi %add3A_455, %mul3A_454 : i32
        %add3A_457 = arith.constant 0 : i32
        %add3A_458 = arith.addi %add3A_456, %add3A_457 : i32
        %dma_start3A_459 = arith.constant 1 : i32
        %dma_start3A_460 = arith.constant 0 : i32
        %dma_start3A_461 = arith.constant 0 : i32
        %dma_start3A_462 = tpu.memref_slice %arg7[%dma_start3A_459, %dma_start3A_460, %dma_start3A_461] : memref<2x512x64xf32, #tpu.memory_space<vmem>> -> memref<1x512x64xf32, #tpu.memory_space<vmem>>
        %dma_start3A_463 = tpu.memref_squeeze %dma_start3A_462 : memref<1x512x64xf32, #tpu.memory_space<vmem>> -> memref<512x64xf32, #tpu.memory_space<vmem>>
        %dma_start3A_464 = arith.constant 256 : i32
        %dma_start3A_465 = arith.constant 0 : i32
        %dma_start3A_466 = tpu.memref_slice %dma_start3A_463[%dma_start3A_464, %dma_start3A_465] : memref<512x64xf32, #tpu.memory_space<vmem>> -> memref<128x64xf32, #tpu.memory_space<vmem>>
        %dma_start3A_467 = arith.constant 0 : i32
        %dma_start3A_468 = tpu.memref_slice %arg6[%add3A_458, %dma_start3A_467] : memref<200x128xi32, #tpu.memory_space<vmem>> -> memref<1x128xi32, #tpu.memory_space<vmem>>
        %dma_start3A_469 = tpu.memref_squeeze %dma_start3A_468 : memref<1x128xi32, #tpu.memory_space<vmem>> -> memref<128xi32, #tpu.memory_space<vmem>>
        %dma_start3A_470 = arith.constant 0 : i32
        %dma_start3A_471 = arith.constant 0 : i32
        %dma_start3A_472 = tpu.memref_slice %arg2[%dma_start3A_470, %dma_start3A_471] : memref<100000x64xf32, #tpu.memory_space<hbm>> -> memref<100000x64xf32, #tpu.memory_space<hbm>>
        tpu.enqueue_indirect_dma source(%dma_start3A_472 : memref<100000x64xf32, #tpu.memory_space<hbm>>) target(%dma_start3A_466 : memref<128x64xf32, #tpu.memory_space<vmem>>) offsets(%dma_start3A_469 : memref<128xi32, #tpu.memory_space<vmem>>) semaphore(%arg9 : memref<!tpu.dma_semaphore, #tpu.memory_space<semaphore_mem>>)
        %mul3A_473 = arith.constant 2 : i32
        %mul3A_474 = arith.muli %add3A_412, %mul3A_473 : i32
        %add3A_475 = arith.constant 100 : i32
        %add3A_476 = arith.addi %add3A_475, %mul3A_474 : i32
        %add3A_477 = arith.constant 1 : i32
        %add3A_478 = arith.addi %add3A_476, %add3A_477 : i32
        %dma_start3A_479 = arith.constant 1 : i32
        %dma_start3A_480 = arith.constant 0 : i32
        %dma_start3A_481 = arith.constant 0 : i32
        %dma_start3A_482 = tpu.memref_slice %arg7[%dma_start3A_479, %dma_start3A_480, %dma_start3A_481] : memref<2x512x64xf32, #tpu.memory_space<vmem>> -> memref<1x512x64xf32, #tpu.memory_space<vmem>>
        %dma_start3A_483 = tpu.memref_squeeze %dma_start3A_482 : memref<1x512x64xf32, #tpu.memory_space<vmem>> -> memref<512x64xf32, #tpu.memory_space<vmem>>
        %dma_start3A_484 = arith.constant 384 : i32
        %dma_start3A_485 = arith.constant 0 : i32
        %dma_start3A_486 = tpu.memref_slice %dma_start3A_483[%dma_start3A_484, %dma_start3A_485] : memref<512x64xf32, #tpu.memory_space<vmem>> -> memref<128x64xf32, #tpu.memory_space<vmem>>
        %dma_start3A_487 = arith.constant 0 : i32
        %dma_start3A_488 = tpu.memref_slice %arg6[%add3A_478, %dma_start3A_487] : memref<200x128xi32, #tpu.memory_space<vmem>> -> memref<1x128xi32, #tpu.memory_space<vmem>>
        %dma_start3A_489 = tpu.memref_squeeze %dma_start3A_488 : memref<1x128xi32, #tpu.memory_space<vmem>> -> memref<128xi32, #tpu.memory_space<vmem>>
        %dma_start3A_490 = arith.constant 0 : i32
        %dma_start3A_491 = arith.constant 0 : i32
        %dma_start3A_492 = tpu.memref_slice %arg2[%dma_start3A_490, %dma_start3A_491] : memref<100000x64xf32, #tpu.memory_space<hbm>> -> memref<100000x64xf32, #tpu.memory_space<hbm>>
        tpu.enqueue_indirect_dma source(%dma_start3A_492 : memref<100000x64xf32, #tpu.memory_space<hbm>>) target(%dma_start3A_486 : memref<128x64xf32, #tpu.memory_space<vmem>>) offsets(%dma_start3A_489 : memref<128xi32, #tpu.memory_space<vmem>>) semaphore(%arg9 : memref<!tpu.dma_semaphore, #tpu.memory_space<semaphore_mem>>)
      } else {
      }
      %mul3A_156 = arith.constant 2 : i32
      %mul3A_157 = arith.muli %add3A_151, %mul3A_156 : i32
      %add3A_158 = arith.constant 0 : i32
      %add3A_159 = arith.addi %add3A_158, %mul3A_157 : i32
      %add3A_160 = arith.constant 0 : i32
      %add3A_161 = arith.addi %add3A_159, %add3A_160 : i32
      %dma_wait3A_162 = arith.constant 0 : i32
      %dma_wait3A_163 = arith.constant 0 : i32
      %dma_wait3A_164 = arith.constant 0 : i32
      %dma_wait3A_165 = tpu.memref_slice %arg7[%dma_wait3A_162, %dma_wait3A_163, %dma_wait3A_164] : memref<2x512x64xf32, #tpu.memory_space<vmem>> -> memref<1x512x64xf32, #tpu.memory_space<vmem>>
      %dma_wait3A_166 = tpu.memref_squeeze %dma_wait3A_165 : memref<1x512x64xf32, #tpu.memory_space<vmem>> -> memref<512x64xf32, #tpu.memory_space<vmem>>
      %dma_wait3A_167 = arith.constant 0 : i32
      %dma_wait3A_168 = arith.constant 0 : i32
      %dma_wait3A_169 = tpu.memref_slice %dma_wait3A_166[%dma_wait3A_167, %dma_wait3A_168] : memref<512x64xf32, #tpu.memory_space<vmem>> -> memref<128x64xf32, #tpu.memory_space<vmem>>
      %dma_wait3A_170 = arith.constant 0 : i32
      %dma_wait3A_171 = tpu.memref_slice %arg6[%add3A_161, %dma_wait3A_170] : memref<200x128xi32, #tpu.memory_space<vmem>> -> memref<1x128xi32, #tpu.memory_space<vmem>>
      %dma_wait3A_172 = tpu.memref_squeeze %dma_wait3A_171 : memref<1x128xi32, #tpu.memory_space<vmem>> -> memref<128xi32, #tpu.memory_space<vmem>>
      %dma_wait3A_173 = arith.constant 0 : i32
      %dma_wait3A_174 = arith.constant 0 : i32
      %dma_wait3A_175 = tpu.memref_slice %arg2[%dma_wait3A_173, %dma_wait3A_174] : memref<100000x64xf32, #tpu.memory_space<hbm>> -> memref<100000x64xf32, #tpu.memory_space<hbm>>
      tpu.wait_indirect_dma semaphore(%arg8 : memref<!tpu.dma_semaphore, #tpu.memory_space<semaphore_mem>>) src(%dma_wait3A_175 : memref<100000x64xf32, #tpu.memory_space<hbm>>) dst(%dma_wait3A_169 : memref<128x64xf32, #tpu.memory_space<vmem>>)
      %mul3A_176 = arith.constant 2 : i32
      %mul3A_177 = arith.muli %add3A_151, %mul3A_176 : i32
      %add3A_178 = arith.constant 0 : i32
      %add3A_179 = arith.addi %add3A_178, %mul3A_177 : i32
      %add3A_180 = arith.constant 1 : i32
      %add3A_181 = arith.addi %add3A_179, %add3A_180 : i32
      %dma_wait3A_182 = arith.constant 0 : i32
      %dma_wait3A_183 = arith.constant 0 : i32
      %dma_wait3A_184 = arith.constant 0 : i32
      %dma_wait3A_185 = tpu.memref_slice %arg7[%dma_wait3A_182, %dma_wait3A_183, %dma_wait3A_184] : memref<2x512x64xf32, #tpu.memory_space<vmem>> -> memref<1x512x64xf32, #tpu.memory_space<vmem>>
      %dma_wait3A_186 = tpu.memref_squeeze %dma_wait3A_185 : memref<1x512x64xf32, #tpu.memory_space<vmem>> -> memref<512x64xf32, #tpu.memory_space<vmem>>
      %dma_wait3A_187 = arith.constant 128 : i32
      %dma_wait3A_188 = arith.constant 0 : i32
      %dma_wait3A_189 = tpu.memref_slice %dma_wait3A_186[%dma_wait3A_187, %dma_wait3A_188] : memref<512x64xf32, #tpu.memory_space<vmem>> -> memref<128x64xf32, #tpu.memory_space<vmem>>
      %dma_wait3A_190 = arith.constant 0 : i32
      %dma_wait3A_191 = tpu.memref_slice %arg6[%add3A_181, %dma_wait3A_190] : memref<200x128xi32, #tpu.memory_space<vmem>> -> memref<1x128xi32, #tpu.memory_space<vmem>>
      %dma_wait3A_192 = tpu.memref_squeeze %dma_wait3A_191 : memref<1x128xi32, #tpu.memory_space<vmem>> -> memref<128xi32, #tpu.memory_space<vmem>>
      %dma_wait3A_193 = arith.constant 0 : i32
      %dma_wait3A_194 = arith.constant 0 : i32
      %dma_wait3A_195 = tpu.memref_slice %arg2[%dma_wait3A_193, %dma_wait3A_194] : memref<100000x64xf32, #tpu.memory_space<hbm>> -> memref<100000x64xf32, #tpu.memory_space<hbm>>
      tpu.wait_indirect_dma semaphore(%arg8 : memref<!tpu.dma_semaphore, #tpu.memory_space<semaphore_mem>>) src(%dma_wait3A_195 : memref<100000x64xf32, #tpu.memory_space<hbm>>) dst(%dma_wait3A_189 : memref<128x64xf32, #tpu.memory_space<vmem>>)
      %mul3A_196 = arith.constant 2 : i32
      %mul3A_197 = arith.muli %add3A_151, %mul3A_196 : i32
      %add3A_198 = arith.constant 100 : i32
      %add3A_199 = arith.addi %add3A_198, %mul3A_197 : i32
      %add3A_200 = arith.constant 0 : i32
      %add3A_201 = arith.addi %add3A_199, %add3A_200 : i32
      %dma_wait3A_202 = arith.constant 0 : i32
      %dma_wait3A_203 = arith.constant 0 : i32
      %dma_wait3A_204 = arith.constant 0 : i32
      %dma_wait3A_205 = tpu.memref_slice %arg7[%dma_wait3A_202, %dma_wait3A_203, %dma_wait3A_204] : memref<2x512x64xf32, #tpu.memory_space<vmem>> -> memref<1x512x64xf32, #tpu.memory_space<vmem>>
      %dma_wait3A_206 = tpu.memref_squeeze %dma_wait3A_205 : memref<1x512x64xf32, #tpu.memory_space<vmem>> -> memref<512x64xf32, #tpu.memory_space<vmem>>
      %dma_wait3A_207 = arith.constant 256 : i32
      %dma_wait3A_208 = arith.constant 0 : i32
      %dma_wait3A_209 = tpu.memref_slice %dma_wait3A_206[%dma_wait3A_207, %dma_wait3A_208] : memref<512x64xf32, #tpu.memory_space<vmem>> -> memref<128x64xf32, #tpu.memory_space<vmem>>
      %dma_wait3A_210 = arith.constant 0 : i32
      %dma_wait3A_211 = tpu.memref_slice %arg6[%add3A_201, %dma_wait3A_210] : memref<200x128xi32, #tpu.memory_space<vmem>> -> memref<1x128xi32, #tpu.memory_space<vmem>>
      %dma_wait3A_212 = tpu.memref_squeeze %dma_wait3A_211 : memref<1x128xi32, #tpu.memory_space<vmem>> -> memref<128xi32, #tpu.memory_space<vmem>>
      %dma_wait3A_213 = arith.constant 0 : i32
      %dma_wait3A_214 = arith.constant 0 : i32
      %dma_wait3A_215 = tpu.memref_slice %arg2[%dma_wait3A_213, %dma_wait3A_214] : memref<100000x64xf32, #tpu.memory_space<hbm>> -> memref<100000x64xf32, #tpu.memory_space<hbm>>
      tpu.wait_indirect_dma semaphore(%arg8 : memref<!tpu.dma_semaphore, #tpu.memory_space<semaphore_mem>>) src(%dma_wait3A_215 : memref<100000x64xf32, #tpu.memory_space<hbm>>) dst(%dma_wait3A_209 : memref<128x64xf32, #tpu.memory_space<vmem>>)
      %mul3A_216 = arith.constant 2 : i32
      %mul3A_217 = arith.muli %add3A_151, %mul3A_216 : i32
      %add3A_218 = arith.constant 100 : i32
      %add3A_219 = arith.addi %add3A_218, %mul3A_217 : i32
      %add3A_220 = arith.constant 1 : i32
      %add3A_221 = arith.addi %add3A_219, %add3A_220 : i32
      %dma_wait3A_222 = arith.constant 0 : i32
      %dma_wait3A_223 = arith.constant 0 : i32
      %dma_wait3A_224 = arith.constant 0 : i32
      %dma_wait3A_225 = tpu.memref_slice %arg7[%dma_wait3A_222, %dma_wait3A_223, %dma_wait3A_224] : memref<2x512x64xf32, #tpu.memory_space<vmem>> -> memref<1x512x64xf32, #tpu.memory_space<vmem>>
      %dma_wait3A_226 = tpu.memref_squeeze %dma_wait3A_225 : memref<1x512x64xf32, #tpu.memory_space<vmem>> -> memref<512x64xf32, #tpu.memory_space<vmem>>
      %dma_wait3A_227 = arith.constant 384 : i32
      %dma_wait3A_228 = arith.constant 0 : i32
      %dma_wait3A_229 = tpu.memref_slice %dma_wait3A_226[%dma_wait3A_227, %dma_wait3A_228] : memref<512x64xf32, #tpu.memory_space<vmem>> -> memref<128x64xf32, #tpu.memory_space<vmem>>
      %dma_wait3A_230 = arith.constant 0 : i32
      %dma_wait3A_231 = tpu.memref_slice %arg6[%add3A_221, %dma_wait3A_230] : memref<200x128xi32, #tpu.memory_space<vmem>> -> memref<1x128xi32, #tpu.memory_space<vmem>>
      %dma_wait3A_232 = tpu.memref_squeeze %dma_wait3A_231 : memref<1x128xi32, #tpu.memory_space<vmem>> -> memref<128xi32, #tpu.memory_space<vmem>>
      %dma_wait3A_233 = arith.constant 0 : i32
      %dma_wait3A_234 = arith.constant 0 : i32
      %dma_wait3A_235 = tpu.memref_slice %arg2[%dma_wait3A_233, %dma_wait3A_234] : memref<100000x64xf32, #tpu.memory_space<hbm>> -> memref<100000x64xf32, #tpu.memory_space<hbm>>
      tpu.wait_indirect_dma semaphore(%arg8 : memref<!tpu.dma_semaphore, #tpu.memory_space<semaphore_mem>>) src(%dma_wait3A_235 : memref<100000x64xf32, #tpu.memory_space<hbm>>) dst(%dma_wait3A_229 : memref<128x64xf32, #tpu.memory_space<vmem>>)
      %mul3A_236 = arith.constant 256 : i32
      %mul3A_237 = arith.muli %add3A_151, %mul3A_236 : i32
      %add3A_238 = arith.addi %mul3A_2, %mul3A_237 : i32
      %dma_start3A_239 = arith.constant 0 : i32
      %dma_start3A_240 = arith.constant 0 : i32
      %dma_start3A_241 = arith.constant 0 : i32
      %dma_start3A_242 = tpu.memref_slice %arg7[%dma_start3A_239, %dma_start3A_240, %dma_start3A_241] : memref<2x512x64xf32, #tpu.memory_space<vmem>> -> memref<1x512x64xf32, #tpu.memory_space<vmem>>
      %dma_start3A_243 = tpu.memref_squeeze %dma_start3A_242 : memref<1x512x64xf32, #tpu.memory_space<vmem>> -> memref<512x64xf32, #tpu.memory_space<vmem>>
      %dma_start3A_244 = arith.constant 0 : i32
      %dma_start3A_245 = arith.constant 0 : i32
      %dma_start3A_246 = tpu.memref_slice %dma_start3A_243[%dma_start3A_244, %dma_start3A_245] : memref<512x64xf32, #tpu.memory_space<vmem>> -> memref<256x64xf32, #tpu.memory_space<vmem>>
      %dma_start3A_247 = arith.constant 0 : i32
      %dma_start3A_248 = tpu.memref_slice %arg5[%add3A_238, %dma_start3A_247] : memref<409600x128xf32, #tpu.memory_space<hbm>> -> memref<256x64xf32, #tpu.memory_space<hbm>>
      %dma_start3A_249 = arith.constant 0 : i32
      %dma_start3A_250 = tpu.memref_slice %arg5[%add3A_238, %dma_start3A_249] : memref<409600x128xf32, #tpu.memory_space<hbm>> -> memref<256x64xf32, #tpu.memory_space<hbm>>
      %dma_start3A_251 = arith.constant 0 : i32
      %dma_start3A_252 = arith.constant 0 : i32
      %dma_start3A_253 = tpu.memref_slice %arg7[%dma_start3A_239, %dma_start3A_251, %dma_start3A_252] : memref<2x512x64xf32, #tpu.memory_space<vmem>> -> memref<1x512x64xf32, #tpu.memory_space<vmem>>
      %dma_start3A_254 = tpu.memref_squeeze %dma_start3A_253 : memref<1x512x64xf32, #tpu.memory_space<vmem>> -> memref<512x64xf32, #tpu.memory_space<vmem>>
      %dma_start3A_255 = arith.constant 0 : i32
      %dma_start3A_256 = arith.constant 0 : i32
      %dma_start3A_257 = tpu.memref_slice %dma_start3A_254[%dma_start3A_255, %dma_start3A_256] : memref<512x64xf32, #tpu.memory_space<vmem>> -> memref<256x64xf32, #tpu.memory_space<vmem>>
      tpu.enqueue_dma source(%dma_start3A_257 : memref<256x64xf32, #tpu.memory_space<vmem>>) target(%dma_start3A_250 : memref<256x64xf32, #tpu.memory_space<hbm>>) target_semaphore(%arg10 : memref<!tpu.dma_semaphore, #tpu.memory_space<semaphore_mem>>)
      %dma_start3A_258 = arith.constant 0 : i32
      %dma_start3A_259 = arith.constant 0 : i32
      %dma_start3A_260 = arith.constant 0 : i32
      %dma_start3A_261 = tpu.memref_slice %arg7[%dma_start3A_258, %dma_start3A_259, %dma_start3A_260] : memref<2x512x64xf32, #tpu.memory_space<vmem>> -> memref<1x512x64xf32, #tpu.memory_space<vmem>>
      %dma_start3A_262 = tpu.memref_squeeze %dma_start3A_261 : memref<1x512x64xf32, #tpu.memory_space<vmem>> -> memref<512x64xf32, #tpu.memory_space<vmem>>
      %dma_start3A_263 = arith.constant 256 : i32
      %dma_start3A_264 = arith.constant 0 : i32
      %dma_start3A_265 = tpu.memref_slice %dma_start3A_262[%dma_start3A_263, %dma_start3A_264] : memref<512x64xf32, #tpu.memory_space<vmem>> -> memref<256x64xf32, #tpu.memory_space<vmem>>
      %dma_start3A_266 = arith.constant 64 : i32
      %dma_start3A_267 = tpu.memref_slice %arg5[%add3A_238, %dma_start3A_266] : memref<409600x128xf32, #tpu.memory_space<hbm>> -> memref<256x64xf32, #tpu.memory_space<hbm>>
      %dma_start3A_268 = arith.constant 64 : i32
      %dma_start3A_269 = tpu.memref_slice %arg5[%add3A_238, %dma_start3A_268] : memref<409600x128xf32, #tpu.memory_space<hbm>> -> memref<256x64xf32, #tpu.memory_space<hbm>>
      %dma_start3A_270 = arith.constant 0 : i32
      %dma_start3A_271 = arith.constant 0 : i32
      %dma_start3A_272 = tpu.memref_slice %arg7[%dma_start3A_258, %dma_start3A_270, %dma_start3A_271] : memref<2x512x64xf32, #tpu.memory_space<vmem>> -> memref<1x512x64xf32, #tpu.memory_space<vmem>>
      %dma_start3A_273 = tpu.memref_squeeze %dma_start3A_272 : memref<1x512x64xf32, #tpu.memory_space<vmem>> -> memref<512x64xf32, #tpu.memory_space<vmem>>
      %dma_start3A_274 = arith.constant 256 : i32
      %dma_start3A_275 = arith.constant 0 : i32
      %dma_start3A_276 = tpu.memref_slice %dma_start3A_273[%dma_start3A_274, %dma_start3A_275] : memref<512x64xf32, #tpu.memory_space<vmem>> -> memref<256x64xf32, #tpu.memory_space<vmem>>
      tpu.enqueue_dma source(%dma_start3A_276 : memref<256x64xf32, #tpu.memory_space<vmem>>) target(%dma_start3A_269 : memref<256x64xf32, #tpu.memory_space<hbm>>) target_semaphore(%arg10 : memref<!tpu.dma_semaphore, #tpu.memory_space<semaphore_mem>>)
      %add3A_277 = arith.constant 1 : i32
      %add3A_278 = arith.addi %add3A_149, %add3A_277 : i32
      %add3A_279 = arith.constant 1 : i32
      %add3A_280 = arith.addi %add3A_278, %add3A_279 : i32
      %lt3A_281 = arith.constant 50 : i32
      %lt3A_282 = arith.cmpi slt, %add3A_280, %lt3A_281 : i32
      %convert_element_type3A_283 = arith.extui %lt3A_282 : i1 to i32
      %cond3A_284 = arith.constant 0 : i32
      %cond3A_285 = arith.cmpi ne, %convert_element_type3A_283, %cond3A_284 : i32
      scf.if %cond3A_285 {
        %ge3A = arith.constant 1 : i32
        %ge3A_407 = arith.cmpi sge, %add3A_278, %ge3A : i32
        %convert_element_type3A_408 = arith.extui %ge3A_407 : i1 to i32
        %cond3A_409 = arith.constant 0 : i32
        %cond3A_410 = arith.cmpi ne, %convert_element_type3A_408, %cond3A_409 : i32
        scf.if %cond3A_410 {
          %sub3A = arith.constant 1 : i32
          %sub3A_493 = arith.subi %add3A_278, %sub3A : i32
          %mul3A_494 = arith.constant 256 : i32
          %mul3A_495 = arith.muli %sub3A_493, %mul3A_494 : i32
          %add3A_496 = arith.addi %mul3A_2, %mul3A_495 : i32
          %dma_wait3A_497 = arith.constant 0 : i32
          %dma_wait3A_498 = arith.constant 0 : i32
          %dma_wait3A_499 = arith.constant 0 : i32
          %dma_wait3A_500 = tpu.memref_slice %arg7[%dma_wait3A_497, %dma_wait3A_498, %dma_wait3A_499] : memref<2x512x64xf32, #tpu.memory_space<vmem>> -> memref<1x512x64xf32, #tpu.memory_space<vmem>>
          %dma_wait3A_501 = tpu.memref_squeeze %dma_wait3A_500 : memref<1x512x64xf32, #tpu.memory_space<vmem>> -> memref<512x64xf32, #tpu.memory_space<vmem>>
          %dma_wait3A_502 = arith.constant 0 : i32
          %dma_wait3A_503 = arith.constant 0 : i32
          %dma_wait3A_504 = tpu.memref_slice %dma_wait3A_501[%dma_wait3A_502, %dma_wait3A_503] : memref<512x64xf32, #tpu.memory_space<vmem>> -> memref<256x64xf32, #tpu.memory_space<vmem>>
          %dma_wait3A_505 = arith.constant 0 : i32
          %dma_wait3A_506 = tpu.memref_slice %arg5[%add3A_496, %dma_wait3A_505] : memref<409600x128xf32, #tpu.memory_space<hbm>> -> memref<256x64xf32, #tpu.memory_space<hbm>>
          %dma_wait3A_507 = arith.constant 0 : i32
          %dma_wait3A_508 = tpu.memref_slice %arg5[%add3A_496, %dma_wait3A_507] : memref<409600x128xf32, #tpu.memory_space<hbm>> -> memref<256x64xf32, #tpu.memory_space<hbm>>
          %dma_wait3A_509 = arith.constant 0 : i32
          %dma_wait3A_510 = arith.constant 0 : i32
          %dma_wait3A_511 = tpu.memref_slice %arg7[%dma_wait3A_497, %dma_wait3A_509, %dma_wait3A_510] : memref<2x512x64xf32, #tpu.memory_space<vmem>> -> memref<1x512x64xf32, #tpu.memory_space<vmem>>
          %dma_wait3A_512 = tpu.memref_squeeze %dma_wait3A_511 : memref<1x512x64xf32, #tpu.memory_space<vmem>> -> memref<512x64xf32, #tpu.memory_space<vmem>>
          %dma_wait3A_513 = arith.constant 0 : i32
          %dma_wait3A_514 = arith.constant 0 : i32
          %dma_wait3A_515 = tpu.memref_slice %dma_wait3A_512[%dma_wait3A_513, %dma_wait3A_514] : memref<512x64xf32, #tpu.memory_space<vmem>> -> memref<256x64xf32, #tpu.memory_space<vmem>>
          tpu.wait_dma2 semaphore(%arg10 : memref<!tpu.dma_semaphore, #tpu.memory_space<semaphore_mem>>) src(%dma_wait3A_515 : memref<256x64xf32, #tpu.memory_space<vmem>>) dst(%dma_wait3A_508 : memref<256x64xf32, #tpu.memory_space<hbm>>)
          %dma_wait3A_516 = arith.constant 0 : i32
          %dma_wait3A_517 = arith.constant 0 : i32
          %dma_wait3A_518 = arith.constant 0 : i32
          %dma_wait3A_519 = tpu.memref_slice %arg7[%dma_wait3A_516, %dma_wait3A_517, %dma_wait3A_518] : memref<2x512x64xf32, #tpu.memory_space<vmem>> -> memref<1x512x64xf32, #tpu.memory_space<vmem>>
          %dma_wait3A_520 = tpu.memref_squeeze %dma_wait3A_519 : memref<1x512x64xf32, #tpu.memory_space<vmem>> -> memref<512x64xf32, #tpu.memory_space<vmem>>
          %dma_wait3A_521 = arith.constant 256 : i32
          %dma_wait3A_522 = arith.constant 0 : i32
          %dma_wait3A_523 = tpu.memref_slice %dma_wait3A_520[%dma_wait3A_521, %dma_wait3A_522] : memref<512x64xf32, #tpu.memory_space<vmem>> -> memref<256x64xf32, #tpu.memory_space<vmem>>
          %dma_wait3A_524 = arith.constant 64 : i32
          %dma_wait3A_525 = tpu.memref_slice %arg5[%add3A_496, %dma_wait3A_524] : memref<409600x128xf32, #tpu.memory_space<hbm>> -> memref<256x64xf32, #tpu.memory_space<hbm>>
          %dma_wait3A_526 = arith.constant 64 : i32
          %dma_wait3A_527 = tpu.memref_slice %arg5[%add3A_496, %dma_wait3A_526] : memref<409600x128xf32, #tpu.memory_space<hbm>> -> memref<256x64xf32, #tpu.memory_space<hbm>>
          %dma_wait3A_528 = arith.constant 0 : i32
          %dma_wait3A_529 = arith.constant 0 : i32
          %dma_wait3A_530 = tpu.memref_slice %arg7[%dma_wait3A_516, %dma_wait3A_528, %dma_wait3A_529] : memref<2x512x64xf32, #tpu.memory_space<vmem>> -> memref<1x512x64xf32, #tpu.memory_space<vmem>>
          %dma_wait3A_531 = tpu.memref_squeeze %dma_wait3A_530 : memref<1x512x64xf32, #tpu.memory_space<vmem>> -> memref<512x64xf32, #tpu.memory_space<vmem>>
          %dma_wait3A_532 = arith.constant 256 : i32
          %dma_wait3A_533 = arith.constant 0 : i32
          %dma_wait3A_534 = tpu.memref_slice %dma_wait3A_531[%dma_wait3A_532, %dma_wait3A_533] : memref<512x64xf32, #tpu.memory_space<vmem>> -> memref<256x64xf32, #tpu.memory_space<vmem>>
          tpu.wait_dma2 semaphore(%arg10 : memref<!tpu.dma_semaphore, #tpu.memory_space<semaphore_mem>>) src(%dma_wait3A_534 : memref<256x64xf32, #tpu.memory_space<vmem>>) dst(%dma_wait3A_527 : memref<256x64xf32, #tpu.memory_space<hbm>>)
        } else {
        }
        %add3A_411 = arith.constant 1 : i32
        %add3A_412 = arith.addi %add3A_278, %add3A_411 : i32
        %mul3A_413 = arith.constant 2 : i32
        %mul3A_414 = arith.muli %add3A_412, %mul3A_413 : i32
        %add3A_415 = arith.constant 0 : i32
        %add3A_416 = arith.addi %add3A_415, %mul3A_414 : i32
        %add3A_417 = arith.constant 0 : i32
        %add3A_418 = arith.addi %add3A_416, %add3A_417 : i32
        %dma_start3A_419 = arith.constant 0 : i32
        %dma_start3A_420 = arith.constant 0 : i32
        %dma_start3A_421 = arith.constant 0 : i32
        %dma_start3A_422 = tpu.memref_slice %arg7[%dma_start3A_419, %dma_start3A_420, %dma_start3A_421] : memref<2x512x64xf32, #tpu.memory_space<vmem>> -> memref<1x512x64xf32, #tpu.memory_space<vmem>>
        %dma_start3A_423 = tpu.memref_squeeze %dma_start3A_422 : memref<1x512x64xf32, #tpu.memory_space<vmem>> -> memref<512x64xf32, #tpu.memory_space<vmem>>
        %dma_start3A_424 = arith.constant 0 : i32
        %dma_start3A_425 = arith.constant 0 : i32
        %dma_start3A_426 = tpu.memref_slice %dma_start3A_423[%dma_start3A_424, %dma_start3A_425] : memref<512x64xf32, #tpu.memory_space<vmem>> -> memref<128x64xf32, #tpu.memory_space<vmem>>
        %dma_start3A_427 = arith.constant 0 : i32
        %dma_start3A_428 = tpu.memref_slice %arg6[%add3A_418, %dma_start3A_427] : memref<200x128xi32, #tpu.memory_space<vmem>> -> memref<1x128xi32, #tpu.memory_space<vmem>>
        %dma_start3A_429 = tpu.memref_squeeze %dma_start3A_428 : memref<1x128xi32, #tpu.memory_space<vmem>> -> memref<128xi32, #tpu.memory_space<vmem>>
        %dma_start3A_430 = arith.constant 0 : i32
        %dma_start3A_431 = arith.constant 0 : i32
        %dma_start3A_432 = tpu.memref_slice %arg2[%dma_start3A_430, %dma_start3A_431] : memref<100000x64xf32, #tpu.memory_space<hbm>> -> memref<100000x64xf32, #tpu.memory_space<hbm>>
        tpu.enqueue_indirect_dma source(%dma_start3A_432 : memref<100000x64xf32, #tpu.memory_space<hbm>>) target(%dma_start3A_426 : memref<128x64xf32, #tpu.memory_space<vmem>>) offsets(%dma_start3A_429 : memref<128xi32, #tpu.memory_space<vmem>>) semaphore(%arg8 : memref<!tpu.dma_semaphore, #tpu.memory_space<semaphore_mem>>)
        %mul3A_433 = arith.constant 2 : i32
        %mul3A_434 = arith.muli %add3A_412, %mul3A_433 : i32
        %add3A_435 = arith.constant 0 : i32
        %add3A_436 = arith.addi %add3A_435, %mul3A_434 : i32
        %add3A_437 = arith.constant 1 : i32
        %add3A_438 = arith.addi %add3A_436, %add3A_437 : i32
        %dma_start3A_439 = arith.constant 0 : i32
        %dma_start3A_440 = arith.constant 0 : i32
        %dma_start3A_441 = arith.constant 0 : i32
        %dma_start3A_442 = tpu.memref_slice %arg7[%dma_start3A_439, %dma_start3A_440, %dma_start3A_441] : memref<2x512x64xf32, #tpu.memory_space<vmem>> -> memref<1x512x64xf32, #tpu.memory_space<vmem>>
        %dma_start3A_443 = tpu.memref_squeeze %dma_start3A_442 : memref<1x512x64xf32, #tpu.memory_space<vmem>> -> memref<512x64xf32, #tpu.memory_space<vmem>>
        %dma_start3A_444 = arith.constant 128 : i32
        %dma_start3A_445 = arith.constant 0 : i32
        %dma_start3A_446 = tpu.memref_slice %dma_start3A_443[%dma_start3A_444, %dma_start3A_445] : memref<512x64xf32, #tpu.memory_space<vmem>> -> memref<128x64xf32, #tpu.memory_space<vmem>>
        %dma_start3A_447 = arith.constant 0 : i32
        %dma_start3A_448 = tpu.memref_slice %arg6[%add3A_438, %dma_start3A_447] : memref<200x128xi32, #tpu.memory_space<vmem>> -> memref<1x128xi32, #tpu.memory_space<vmem>>
        %dma_start3A_449 = tpu.memref_squeeze %dma_start3A_448 : memref<1x128xi32, #tpu.memory_space<vmem>> -> memref<128xi32, #tpu.memory_space<vmem>>
        %dma_start3A_450 = arith.constant 0 : i32
        %dma_start3A_451 = arith.constant 0 : i32
        %dma_start3A_452 = tpu.memref_slice %arg2[%dma_start3A_450, %dma_start3A_451] : memref<100000x64xf32, #tpu.memory_space<hbm>> -> memref<100000x64xf32, #tpu.memory_space<hbm>>
        tpu.enqueue_indirect_dma source(%dma_start3A_452 : memref<100000x64xf32, #tpu.memory_space<hbm>>) target(%dma_start3A_446 : memref<128x64xf32, #tpu.memory_space<vmem>>) offsets(%dma_start3A_449 : memref<128xi32, #tpu.memory_space<vmem>>) semaphore(%arg8 : memref<!tpu.dma_semaphore, #tpu.memory_space<semaphore_mem>>)
        %mul3A_453 = arith.constant 2 : i32
        %mul3A_454 = arith.muli %add3A_412, %mul3A_453 : i32
        %add3A_455 = arith.constant 100 : i32
        %add3A_456 = arith.addi %add3A_455, %mul3A_454 : i32
        %add3A_457 = arith.constant 0 : i32
        %add3A_458 = arith.addi %add3A_456, %add3A_457 : i32
        %dma_start3A_459 = arith.constant 0 : i32
        %dma_start3A_460 = arith.constant 0 : i32
        %dma_start3A_461 = arith.constant 0 : i32
        %dma_start3A_462 = tpu.memref_slice %arg7[%dma_start3A_459, %dma_start3A_460, %dma_start3A_461] : memref<2x512x64xf32, #tpu.memory_space<vmem>> -> memref<1x512x64xf32, #tpu.memory_space<vmem>>
        %dma_start3A_463 = tpu.memref_squeeze %dma_start3A_462 : memref<1x512x64xf32, #tpu.memory_space<vmem>> -> memref<512x64xf32, #tpu.memory_space<vmem>>
        %dma_start3A_464 = arith.constant 256 : i32
        %dma_start3A_465 = arith.constant 0 : i32
        %dma_start3A_466 = tpu.memref_slice %dma_start3A_463[%dma_start3A_464, %dma_start3A_465] : memref<512x64xf32, #tpu.memory_space<vmem>> -> memref<128x64xf32, #tpu.memory_space<vmem>>
        %dma_start3A_467 = arith.constant 0 : i32
        %dma_start3A_468 = tpu.memref_slice %arg6[%add3A_458, %dma_start3A_467] : memref<200x128xi32, #tpu.memory_space<vmem>> -> memref<1x128xi32, #tpu.memory_space<vmem>>
        %dma_start3A_469 = tpu.memref_squeeze %dma_start3A_468 : memref<1x128xi32, #tpu.memory_space<vmem>> -> memref<128xi32, #tpu.memory_space<vmem>>
        %dma_start3A_470 = arith.constant 0 : i32
        %dma_start3A_471 = arith.constant 0 : i32
        %dma_start3A_472 = tpu.memref_slice %arg2[%dma_start3A_470, %dma_start3A_471] : memref<100000x64xf32, #tpu.memory_space<hbm>> -> memref<100000x64xf32, #tpu.memory_space<hbm>>
        tpu.enqueue_indirect_dma source(%dma_start3A_472 : memref<100000x64xf32, #tpu.memory_space<hbm>>) target(%dma_start3A_466 : memref<128x64xf32, #tpu.memory_space<vmem>>) offsets(%dma_start3A_469 : memref<128xi32, #tpu.memory_space<vmem>>) semaphore(%arg8 : memref<!tpu.dma_semaphore, #tpu.memory_space<semaphore_mem>>)
        %mul3A_473 = arith.constant 2 : i32
        %mul3A_474 = arith.muli %add3A_412, %mul3A_473 : i32
        %add3A_475 = arith.constant 100 : i32
        %add3A_476 = arith.addi %add3A_475, %mul3A_474 : i32
        %add3A_477 = arith.constant 1 : i32
        %add3A_478 = arith.addi %add3A_476, %add3A_477 : i32
        %dma_start3A_479 = arith.constant 0 : i32
        %dma_start3A_480 = arith.constant 0 : i32
        %dma_start3A_481 = arith.constant 0 : i32
        %dma_start3A_482 = tpu.memref_slice %arg7[%dma_start3A_479, %dma_start3A_480, %dma_start3A_481] : memref<2x512x64xf32, #tpu.memory_space<vmem>> -> memref<1x512x64xf32, #tpu.memory_space<vmem>>
        %dma_start3A_483 = tpu.memref_squeeze %dma_start3A_482 : memref<1x512x64xf32, #tpu.memory_space<vmem>> -> memref<512x64xf32, #tpu.memory_space<vmem>>
        %dma_start3A_484 = arith.constant 384 : i32
        %dma_start3A_485 = arith.constant 0 : i32
        %dma_start3A_486 = tpu.memref_slice %dma_start3A_483[%dma_start3A_484, %dma_start3A_485] : memref<512x64xf32, #tpu.memory_space<vmem>> -> memref<128x64xf32, #tpu.memory_space<vmem>>
        %dma_start3A_487 = arith.constant 0 : i32
        %dma_start3A_488 = tpu.memref_slice %arg6[%add3A_478, %dma_start3A_487] : memref<200x128xi32, #tpu.memory_space<vmem>> -> memref<1x128xi32, #tpu.memory_space<vmem>>
        %dma_start3A_489 = tpu.memref_squeeze %dma_start3A_488 : memref<1x128xi32, #tpu.memory_space<vmem>> -> memref<128xi32, #tpu.memory_space<vmem>>
        %dma_start3A_490 = arith.constant 0 : i32
        %dma_start3A_491 = arith.constant 0 : i32
        %dma_start3A_492 = tpu.memref_slice %arg2[%dma_start3A_490, %dma_start3A_491] : memref<100000x64xf32, #tpu.memory_space<hbm>> -> memref<100000x64xf32, #tpu.memory_space<hbm>>
        tpu.enqueue_indirect_dma source(%dma_start3A_492 : memref<100000x64xf32, #tpu.memory_space<hbm>>) target(%dma_start3A_486 : memref<128x64xf32, #tpu.memory_space<vmem>>) offsets(%dma_start3A_489 : memref<128xi32, #tpu.memory_space<vmem>>) semaphore(%arg8 : memref<!tpu.dma_semaphore, #tpu.memory_space<semaphore_mem>>)
      } else {
      }
      %mul3A_286 = arith.constant 2 : i32
      %mul3A_287 = arith.muli %add3A_278, %mul3A_286 : i32
      %add3A_288 = arith.constant 0 : i32
      %add3A_289 = arith.addi %add3A_288, %mul3A_287 : i32
      %add3A_290 = arith.constant 0 : i32
      %add3A_291 = arith.addi %add3A_289, %add3A_290 : i32
      %dma_wait3A_292 = arith.constant 1 : i32
      %dma_wait3A_293 = arith.constant 0 : i32
      %dma_wait3A_294 = arith.constant 0 : i32
      %dma_wait3A_295 = tpu.memref_slice %arg7[%dma_wait3A_292, %dma_wait3A_293, %dma_wait3A_294] : memref<2x512x64xf32, #tpu.memory_space<vmem>> -> memref<1x512x64xf32, #tpu.memory_space<vmem>>
      %dma_wait3A_296 = tpu.memref_squeeze %dma_wait3A_295 : memref<1x512x64xf32, #tpu.memory_space<vmem>> -> memref<512x64xf32, #tpu.memory_space<vmem>>
      %dma_wait3A_297 = arith.constant 0 : i32
      %dma_wait3A_298 = arith.constant 0 : i32
      %dma_wait3A_299 = tpu.memref_slice %dma_wait3A_296[%dma_wait3A_297, %dma_wait3A_298] : memref<512x64xf32, #tpu.memory_space<vmem>> -> memref<128x64xf32, #tpu.memory_space<vmem>>
      %dma_wait3A_300 = arith.constant 0 : i32
      %dma_wait3A_301 = tpu.memref_slice %arg6[%add3A_291, %dma_wait3A_300] : memref<200x128xi32, #tpu.memory_space<vmem>> -> memref<1x128xi32, #tpu.memory_space<vmem>>
      %dma_wait3A_302 = tpu.memref_squeeze %dma_wait3A_301 : memref<1x128xi32, #tpu.memory_space<vmem>> -> memref<128xi32, #tpu.memory_space<vmem>>
      %dma_wait3A_303 = arith.constant 0 : i32
      %dma_wait3A_304 = arith.constant 0 : i32
      %dma_wait3A_305 = tpu.memref_slice %arg2[%dma_wait3A_303, %dma_wait3A_304] : memref<100000x64xf32, #tpu.memory_space<hbm>> -> memref<100000x64xf32, #tpu.memory_space<hbm>>
      tpu.wait_indirect_dma semaphore(%arg9 : memref<!tpu.dma_semaphore, #tpu.memory_space<semaphore_mem>>) src(%dma_wait3A_305 : memref<100000x64xf32, #tpu.memory_space<hbm>>) dst(%dma_wait3A_299 : memref<128x64xf32, #tpu.memory_space<vmem>>)
      %mul3A_306 = arith.constant 2 : i32
      %mul3A_307 = arith.muli %add3A_278, %mul3A_306 : i32
      %add3A_308 = arith.constant 0 : i32
      %add3A_309 = arith.addi %add3A_308, %mul3A_307 : i32
      %add3A_310 = arith.constant 1 : i32
      %add3A_311 = arith.addi %add3A_309, %add3A_310 : i32
      %dma_wait3A_312 = arith.constant 1 : i32
      %dma_wait3A_313 = arith.constant 0 : i32
      %dma_wait3A_314 = arith.constant 0 : i32
      %dma_wait3A_315 = tpu.memref_slice %arg7[%dma_wait3A_312, %dma_wait3A_313, %dma_wait3A_314] : memref<2x512x64xf32, #tpu.memory_space<vmem>> -> memref<1x512x64xf32, #tpu.memory_space<vmem>>
      %dma_wait3A_316 = tpu.memref_squeeze %dma_wait3A_315 : memref<1x512x64xf32, #tpu.memory_space<vmem>> -> memref<512x64xf32, #tpu.memory_space<vmem>>
      %dma_wait3A_317 = arith.constant 128 : i32
      %dma_wait3A_318 = arith.constant 0 : i32
      %dma_wait3A_319 = tpu.memref_slice %dma_wait3A_316[%dma_wait3A_317, %dma_wait3A_318] : memref<512x64xf32, #tpu.memory_space<vmem>> -> memref<128x64xf32, #tpu.memory_space<vmem>>
      %dma_wait3A_320 = arith.constant 0 : i32
      %dma_wait3A_321 = tpu.memref_slice %arg6[%add3A_311, %dma_wait3A_320] : memref<200x128xi32, #tpu.memory_space<vmem>> -> memref<1x128xi32, #tpu.memory_space<vmem>>
      %dma_wait3A_322 = tpu.memref_squeeze %dma_wait3A_321 : memref<1x128xi32, #tpu.memory_space<vmem>> -> memref<128xi32, #tpu.memory_space<vmem>>
      %dma_wait3A_323 = arith.constant 0 : i32
      %dma_wait3A_324 = arith.constant 0 : i32
      %dma_wait3A_325 = tpu.memref_slice %arg2[%dma_wait3A_323, %dma_wait3A_324] : memref<100000x64xf32, #tpu.memory_space<hbm>> -> memref<100000x64xf32, #tpu.memory_space<hbm>>
      tpu.wait_indirect_dma semaphore(%arg9 : memref<!tpu.dma_semaphore, #tpu.memory_space<semaphore_mem>>) src(%dma_wait3A_325 : memref<100000x64xf32, #tpu.memory_space<hbm>>) dst(%dma_wait3A_319 : memref<128x64xf32, #tpu.memory_space<vmem>>)
      %mul3A_326 = arith.constant 2 : i32
      %mul3A_327 = arith.muli %add3A_278, %mul3A_326 : i32
      %add3A_328 = arith.constant 100 : i32
      %add3A_329 = arith.addi %add3A_328, %mul3A_327 : i32
      %add3A_330 = arith.constant 0 : i32
      %add3A_331 = arith.addi %add3A_329, %add3A_330 : i32
      %dma_wait3A_332 = arith.constant 1 : i32
      %dma_wait3A_333 = arith.constant 0 : i32
      %dma_wait3A_334 = arith.constant 0 : i32
      %dma_wait3A_335 = tpu.memref_slice %arg7[%dma_wait3A_332, %dma_wait3A_333, %dma_wait3A_334] : memref<2x512x64xf32, #tpu.memory_space<vmem>> -> memref<1x512x64xf32, #tpu.memory_space<vmem>>
      %dma_wait3A_336 = tpu.memref_squeeze %dma_wait3A_335 : memref<1x512x64xf32, #tpu.memory_space<vmem>> -> memref<512x64xf32, #tpu.memory_space<vmem>>
      %dma_wait3A_337 = arith.constant 256 : i32
      %dma_wait3A_338 = arith.constant 0 : i32
      %dma_wait3A_339 = tpu.memref_slice %dma_wait3A_336[%dma_wait3A_337, %dma_wait3A_338] : memref<512x64xf32, #tpu.memory_space<vmem>> -> memref<128x64xf32, #tpu.memory_space<vmem>>
      %dma_wait3A_340 = arith.constant 0 : i32
      %dma_wait3A_341 = tpu.memref_slice %arg6[%add3A_331, %dma_wait3A_340] : memref<200x128xi32, #tpu.memory_space<vmem>> -> memref<1x128xi32, #tpu.memory_space<vmem>>
      %dma_wait3A_342 = tpu.memref_squeeze %dma_wait3A_341 : memref<1x128xi32, #tpu.memory_space<vmem>> -> memref<128xi32, #tpu.memory_space<vmem>>
      %dma_wait3A_343 = arith.constant 0 : i32
      %dma_wait3A_344 = arith.constant 0 : i32
      %dma_wait3A_345 = tpu.memref_slice %arg2[%dma_wait3A_343, %dma_wait3A_344] : memref<100000x64xf32, #tpu.memory_space<hbm>> -> memref<100000x64xf32, #tpu.memory_space<hbm>>
      tpu.wait_indirect_dma semaphore(%arg9 : memref<!tpu.dma_semaphore, #tpu.memory_space<semaphore_mem>>) src(%dma_wait3A_345 : memref<100000x64xf32, #tpu.memory_space<hbm>>) dst(%dma_wait3A_339 : memref<128x64xf32, #tpu.memory_space<vmem>>)
      %mul3A_346 = arith.constant 2 : i32
      %mul3A_347 = arith.muli %add3A_278, %mul3A_346 : i32
      %add3A_348 = arith.constant 100 : i32
      %add3A_349 = arith.addi %add3A_348, %mul3A_347 : i32
      %add3A_350 = arith.constant 1 : i32
      %add3A_351 = arith.addi %add3A_349, %add3A_350 : i32
      %dma_wait3A_352 = arith.constant 1 : i32
      %dma_wait3A_353 = arith.constant 0 : i32
      %dma_wait3A_354 = arith.constant 0 : i32
      %dma_wait3A_355 = tpu.memref_slice %arg7[%dma_wait3A_352, %dma_wait3A_353, %dma_wait3A_354] : memref<2x512x64xf32, #tpu.memory_space<vmem>> -> memref<1x512x64xf32, #tpu.memory_space<vmem>>
      %dma_wait3A_356 = tpu.memref_squeeze %dma_wait3A_355 : memref<1x512x64xf32, #tpu.memory_space<vmem>> -> memref<512x64xf32, #tpu.memory_space<vmem>>
      %dma_wait3A_357 = arith.constant 384 : i32
      %dma_wait3A_358 = arith.constant 0 : i32
      %dma_wait3A_359 = tpu.memref_slice %dma_wait3A_356[%dma_wait3A_357, %dma_wait3A_358] : memref<512x64xf32, #tpu.memory_space<vmem>> -> memref<128x64xf32, #tpu.memory_space<vmem>>
      %dma_wait3A_360 = arith.constant 0 : i32
      %dma_wait3A_361 = tpu.memref_slice %arg6[%add3A_351, %dma_wait3A_360] : memref<200x128xi32, #tpu.memory_space<vmem>> -> memref<1x128xi32, #tpu.memory_space<vmem>>
      %dma_wait3A_362 = tpu.memref_squeeze %dma_wait3A_361 : memref<1x128xi32, #tpu.memory_space<vmem>> -> memref<128xi32, #tpu.memory_space<vmem>>
      %dma_wait3A_363 = arith.constant 0 : i32
      %dma_wait3A_364 = arith.constant 0 : i32
      %dma_wait3A_365 = tpu.memref_slice %arg2[%dma_wait3A_363, %dma_wait3A_364] : memref<100000x64xf32, #tpu.memory_space<hbm>> -> memref<100000x64xf32, #tpu.memory_space<hbm>>
      tpu.wait_indirect_dma semaphore(%arg9 : memref<!tpu.dma_semaphore, #tpu.memory_space<semaphore_mem>>) src(%dma_wait3A_365 : memref<100000x64xf32, #tpu.memory_space<hbm>>) dst(%dma_wait3A_359 : memref<128x64xf32, #tpu.memory_space<vmem>>)
      %mul3A_366 = arith.constant 256 : i32
      %mul3A_367 = arith.muli %add3A_278, %mul3A_366 : i32
      %add3A_368 = arith.addi %mul3A_2, %mul3A_367 : i32
      %dma_start3A_369 = arith.constant 1 : i32
      %dma_start3A_370 = arith.constant 0 : i32
      %dma_start3A_371 = arith.constant 0 : i32
      %dma_start3A_372 = tpu.memref_slice %arg7[%dma_start3A_369, %dma_start3A_370, %dma_start3A_371] : memref<2x512x64xf32, #tpu.memory_space<vmem>> -> memref<1x512x64xf32, #tpu.memory_space<vmem>>
      %dma_start3A_373 = tpu.memref_squeeze %dma_start3A_372 : memref<1x512x64xf32, #tpu.memory_space<vmem>> -> memref<512x64xf32, #tpu.memory_space<vmem>>
      %dma_start3A_374 = arith.constant 0 : i32
      %dma_start3A_375 = arith.constant 0 : i32
      %dma_start3A_376 = tpu.memref_slice %dma_start3A_373[%dma_start3A_374, %dma_start3A_375] : memref<512x64xf32, #tpu.memory_space<vmem>> -> memref<256x64xf32, #tpu.memory_space<vmem>>
      %dma_start3A_377 = arith.constant 0 : i32
      %dma_start3A_378 = tpu.memref_slice %arg5[%add3A_368, %dma_start3A_377] : memref<409600x128xf32, #tpu.memory_space<hbm>> -> memref<256x64xf32, #tpu.memory_space<hbm>>
      %dma_start3A_379 = arith.constant 0 : i32
      %dma_start3A_380 = tpu.memref_slice %arg5[%add3A_368, %dma_start3A_379] : memref<409600x128xf32, #tpu.memory_space<hbm>> -> memref<256x64xf32, #tpu.memory_space<hbm>>
      %dma_start3A_381 = arith.constant 0 : i32
      %dma_start3A_382 = arith.constant 0 : i32
      %dma_start3A_383 = tpu.memref_slice %arg7[%dma_start3A_369, %dma_start3A_381, %dma_start3A_382] : memref<2x512x64xf32, #tpu.memory_space<vmem>> -> memref<1x512x64xf32, #tpu.memory_space<vmem>>
      %dma_start3A_384 = tpu.memref_squeeze %dma_start3A_383 : memref<1x512x64xf32, #tpu.memory_space<vmem>> -> memref<512x64xf32, #tpu.memory_space<vmem>>
      %dma_start3A_385 = arith.constant 0 : i32
      %dma_start3A_386 = arith.constant 0 : i32
      %dma_start3A_387 = tpu.memref_slice %dma_start3A_384[%dma_start3A_385, %dma_start3A_386] : memref<512x64xf32, #tpu.memory_space<vmem>> -> memref<256x64xf32, #tpu.memory_space<vmem>>
      tpu.enqueue_dma source(%dma_start3A_387 : memref<256x64xf32, #tpu.memory_space<vmem>>) target(%dma_start3A_380 : memref<256x64xf32, #tpu.memory_space<hbm>>) target_semaphore(%arg11 : memref<!tpu.dma_semaphore, #tpu.memory_space<semaphore_mem>>)
      %dma_start3A_388 = arith.constant 1 : i32
      %dma_start3A_389 = arith.constant 0 : i32
      %dma_start3A_390 = arith.constant 0 : i32
      %dma_start3A_391 = tpu.memref_slice %arg7[%dma_start3A_388, %dma_start3A_389, %dma_start3A_390] : memref<2x512x64xf32, #tpu.memory_space<vmem>> -> memref<1x512x64xf32, #tpu.memory_space<vmem>>
      %dma_start3A_392 = tpu.memref_squeeze %dma_start3A_391 : memref<1x512x64xf32, #tpu.memory_space<vmem>> -> memref<512x64xf32, #tpu.memory_space<vmem>>
      %dma_start3A_393 = arith.constant 256 : i32
      %dma_start3A_394 = arith.constant 0 : i32
      %dma_start3A_395 = tpu.memref_slice %dma_start3A_392[%dma_start3A_393, %dma_start3A_394] : memref<512x64xf32, #tpu.memory_space<vmem>> -> memref<256x64xf32, #tpu.memory_space<vmem>>
      %dma_start3A_396 = arith.constant 64 : i32
      %dma_start3A_397 = tpu.memref_slice %arg5[%add3A_368, %dma_start3A_396] : memref<409600x128xf32, #tpu.memory_space<hbm>> -> memref<256x64xf32, #tpu.memory_space<hbm>>
      %dma_start3A_398 = arith.constant 64 : i32
      %dma_start3A_399 = tpu.memref_slice %arg5[%add3A_368, %dma_start3A_398] : memref<409600x128xf32, #tpu.memory_space<hbm>> -> memref<256x64xf32, #tpu.memory_space<hbm>>
      %dma_start3A_400 = arith.constant 0 : i32
      %dma_start3A_401 = arith.constant 0 : i32
      %dma_start3A_402 = tpu.memref_slice %arg7[%dma_start3A_388, %dma_start3A_400, %dma_start3A_401] : memref<2x512x64xf32, #tpu.memory_space<vmem>> -> memref<1x512x64xf32, #tpu.memory_space<vmem>>
      %dma_start3A_403 = tpu.memref_squeeze %dma_start3A_402 : memref<1x512x64xf32, #tpu.memory_space<vmem>> -> memref<512x64xf32, #tpu.memory_space<vmem>>
      %dma_start3A_404 = arith.constant 256 : i32
      %dma_start3A_405 = arith.constant 0 : i32
      %dma_start3A_406 = tpu.memref_slice %dma_start3A_403[%dma_start3A_404, %dma_start3A_405] : memref<512x64xf32, #tpu.memory_space<vmem>> -> memref<256x64xf32, #tpu.memory_space<vmem>>
      tpu.enqueue_dma source(%dma_start3A_406 : memref<256x64xf32, #tpu.memory_space<vmem>>) target(%dma_start3A_399 : memref<256x64xf32, #tpu.memory_space<hbm>>) target_semaphore(%arg11 : memref<!tpu.dma_semaphore, #tpu.memory_space<semaphore_mem>>)
    }
    %scan3A_65 = arith.constant 25 : i32
    %add3A_66 = arith.constant 12288 : i32
    %add3A_67 = arith.addi %mul3A_2, %add3A_66 : i32
    %dma_wait3A = arith.constant 0 : i32
    %dma_wait3A_68 = arith.constant 0 : i32
    %dma_wait3A_69 = arith.constant 0 : i32
    %dma_wait3A_70 = tpu.memref_slice %arg7[%dma_wait3A, %dma_wait3A_68, %dma_wait3A_69] : memref<2x512x64xf32, #tpu.memory_space<vmem>> -> memref<1x512x64xf32, #tpu.memory_space<vmem>>
    %dma_wait3A_71 = tpu.memref_squeeze %dma_wait3A_70 : memref<1x512x64xf32, #tpu.memory_space<vmem>> -> memref<512x64xf32, #tpu.memory_space<vmem>>
    %dma_wait3A_72 = arith.constant 0 : i32
    %dma_wait3A_73 = arith.constant 0 : i32
    %dma_wait3A_74 = tpu.memref_slice %dma_wait3A_71[%dma_wait3A_72, %dma_wait3A_73] : memref<512x64xf32, #tpu.memory_space<vmem>> -> memref<256x64xf32, #tpu.memory_space<vmem>>
    %dma_wait3A_75 = arith.constant 0 : i32
    %dma_wait3A_76 = tpu.memref_slice %arg5[%add3A_67, %dma_wait3A_75] : memref<409600x128xf32, #tpu.memory_space<hbm>> -> memref<256x64xf32, #tpu.memory_space<hbm>>
    %dma_wait3A_77 = arith.constant 0 : i32
    %dma_wait3A_78 = tpu.memref_slice %arg5[%add3A_67, %dma_wait3A_77] : memref<409600x128xf32, #tpu.memory_space<hbm>> -> memref<256x64xf32, #tpu.memory_space<hbm>>
    %dma_wait3A_79 = arith.constant 0 : i32
    %dma_wait3A_80 = arith.constant 0 : i32
    %dma_wait3A_81 = tpu.memref_slice %arg7[%dma_wait3A, %dma_wait3A_79, %dma_wait3A_80] : memref<2x512x64xf32, #tpu.memory_space<vmem>> -> memref<1x512x64xf32, #tpu.memory_space<vmem>>
    %dma_wait3A_82 = tpu.memref_squeeze %dma_wait3A_81 : memref<1x512x64xf32, #tpu.memory_space<vmem>> -> memref<512x64xf32, #tpu.memory_space<vmem>>
    %dma_wait3A_83 = arith.constant 0 : i32
    %dma_wait3A_84 = arith.constant 0 : i32
    %dma_wait3A_85 = tpu.memref_slice %dma_wait3A_82[%dma_wait3A_83, %dma_wait3A_84] : memref<512x64xf32, #tpu.memory_space<vmem>> -> memref<256x64xf32, #tpu.memory_space<vmem>>
    tpu.wait_dma2 semaphore(%arg10 : memref<!tpu.dma_semaphore, #tpu.memory_space<semaphore_mem>>) src(%dma_wait3A_85 : memref<256x64xf32, #tpu.memory_space<vmem>>) dst(%dma_wait3A_78 : memref<256x64xf32, #tpu.memory_space<hbm>>)
    %dma_wait3A_86 = arith.constant 0 : i32
    %dma_wait3A_87 = arith.constant 0 : i32
    %dma_wait3A_88 = arith.constant 0 : i32
    %dma_wait3A_89 = tpu.memref_slice %arg7[%dma_wait3A_86, %dma_wait3A_87, %dma_wait3A_88] : memref<2x512x64xf32, #tpu.memory_space<vmem>> -> memref<1x512x64xf32, #tpu.memory_space<vmem>>
    %dma_wait3A_90 = tpu.memref_squeeze %dma_wait3A_89 : memref<1x512x64xf32, #tpu.memory_space<vmem>> -> memref<512x64xf32, #tpu.memory_space<vmem>>
    %dma_wait3A_91 = arith.constant 256 : i32
    %dma_wait3A_92 = arith.constant 0 : i32
    %dma_wait3A_93 = tpu.memref_slice %dma_wait3A_90[%dma_wait3A_91, %dma_wait3A_92] : memref<512x64xf32, #tpu.memory_space<vmem>> -> memref<256x64xf32, #tpu.memory_space<vmem>>
    %dma_wait3A_94 = arith.constant 64 : i32
    %dma_wait3A_95 = tpu.memref_slice %arg5[%add3A_67, %dma_wait3A_94] : memref<409600x128xf32, #tpu.memory_space<hbm>> -> memref<256x64xf32, #tpu.memory_space<hbm>>
    %dma_wait3A_96 = arith.constant 64 : i32
    %dma_wait3A_97 = tpu.memref_slice %arg5[%add3A_67, %dma_wait3A_96] : memref<409600x128xf32, #tpu.memory_space<hbm>> -> memref<256x64xf32, #tpu.memory_space<hbm>>
    %dma_wait3A_98 = arith.constant 0 : i32
    %dma_wait3A_99 = arith.constant 0 : i32
    %dma_wait3A_100 = tpu.memref_slice %arg7[%dma_wait3A_86, %dma_wait3A_98, %dma_wait3A_99] : memref<2x512x64xf32, #tpu.memory_space<vmem>> -> memref<1x512x64xf32, #tpu.memory_space<vmem>>
    %dma_wait3A_101 = tpu.memref_squeeze %dma_wait3A_100 : memref<1x512x64xf32, #tpu.memory_space<vmem>> -> memref<512x64xf32, #tpu.memory_space<vmem>>
    %dma_wait3A_102 = arith.constant 256 : i32
    %dma_wait3A_103 = arith.constant 0 : i32
    %dma_wait3A_104 = tpu.memref_slice %dma_wait3A_101[%dma_wait3A_102, %dma_wait3A_103] : memref<512x64xf32, #tpu.memory_space<vmem>> -> memref<256x64xf32, #tpu.memory_space<vmem>>
    tpu.wait_dma2 semaphore(%arg10 : memref<!tpu.dma_semaphore, #tpu.memory_space<semaphore_mem>>) src(%dma_wait3A_104 : memref<256x64xf32, #tpu.memory_space<vmem>>) dst(%dma_wait3A_97 : memref<256x64xf32, #tpu.memory_space<hbm>>)
    %add3A_105 = arith.constant 12544 : i32
    %add3A_106 = arith.addi %mul3A_2, %add3A_105 : i32
    %dma_wait3A_107 = arith.constant 1 : i32
    %dma_wait3A_108 = arith.constant 0 : i32
    %dma_wait3A_109 = arith.constant 0 : i32
    %dma_wait3A_110 = tpu.memref_slice %arg7[%dma_wait3A_107, %dma_wait3A_108, %dma_wait3A_109] : memref<2x512x64xf32, #tpu.memory_space<vmem>> -> memref<1x512x64xf32, #tpu.memory_space<vmem>>
    %dma_wait3A_111 = tpu.memref_squeeze %dma_wait3A_110 : memref<1x512x64xf32, #tpu.memory_space<vmem>> -> memref<512x64xf32, #tpu.memory_space<vmem>>
    %dma_wait3A_112 = arith.constant 0 : i32
    %dma_wait3A_113 = arith.constant 0 : i32
    %dma_wait3A_114 = tpu.memref_slice %dma_wait3A_111[%dma_wait3A_112, %dma_wait3A_113] : memref<512x64xf32, #tpu.memory_space<vmem>> -> memref<256x64xf32, #tpu.memory_space<vmem>>
    %dma_wait3A_115 = arith.constant 0 : i32
    %dma_wait3A_116 = tpu.memref_slice %arg5[%add3A_106, %dma_wait3A_115] : memref<409600x128xf32, #tpu.memory_space<hbm>> -> memref<256x64xf32, #tpu.memory_space<hbm>>
    %dma_wait3A_117 = arith.constant 0 : i32
    %dma_wait3A_118 = tpu.memref_slice %arg5[%add3A_106, %dma_wait3A_117] : memref<409600x128xf32, #tpu.memory_space<hbm>> -> memref<256x64xf32, #tpu.memory_space<hbm>>
    %dma_wait3A_119 = arith.constant 0 : i32
    %dma_wait3A_120 = arith.constant 0 : i32
    %dma_wait3A_121 = tpu.memref_slice %arg7[%dma_wait3A_107, %dma_wait3A_119, %dma_wait3A_120] : memref<2x512x64xf32, #tpu.memory_space<vmem>> -> memref<1x512x64xf32, #tpu.memory_space<vmem>>
    %dma_wait3A_122 = tpu.memref_squeeze %dma_wait3A_121 : memref<1x512x64xf32, #tpu.memory_space<vmem>> -> memref<512x64xf32, #tpu.memory_space<vmem>>
    %dma_wait3A_123 = arith.constant 0 : i32
    %dma_wait3A_124 = arith.constant 0 : i32
    %dma_wait3A_125 = tpu.memref_slice %dma_wait3A_122[%dma_wait3A_123, %dma_wait3A_124] : memref<512x64xf32, #tpu.memory_space<vmem>> -> memref<256x64xf32, #tpu.memory_space<vmem>>
    tpu.wait_dma2 semaphore(%arg11 : memref<!tpu.dma_semaphore, #tpu.memory_space<semaphore_mem>>) src(%dma_wait3A_125 : memref<256x64xf32, #tpu.memory_space<vmem>>) dst(%dma_wait3A_118 : memref<256x64xf32, #tpu.memory_space<hbm>>)
    %dma_wait3A_126 = arith.constant 1 : i32
    %dma_wait3A_127 = arith.constant 0 : i32
    %dma_wait3A_128 = arith.constant 0 : i32
    %dma_wait3A_129 = tpu.memref_slice %arg7[%dma_wait3A_126, %dma_wait3A_127, %dma_wait3A_128] : memref<2x512x64xf32, #tpu.memory_space<vmem>> -> memref<1x512x64xf32, #tpu.memory_space<vmem>>
    %dma_wait3A_130 = tpu.memref_squeeze %dma_wait3A_129 : memref<1x512x64xf32, #tpu.memory_space<vmem>> -> memref<512x64xf32, #tpu.memory_space<vmem>>
    %dma_wait3A_131 = arith.constant 256 : i32
    %dma_wait3A_132 = arith.constant 0 : i32
    %dma_wait3A_133 = tpu.memref_slice %dma_wait3A_130[%dma_wait3A_131, %dma_wait3A_132] : memref<512x64xf32, #tpu.memory_space<vmem>> -> memref<256x64xf32, #tpu.memory_space<vmem>>
    %dma_wait3A_134 = arith.constant 64 : i32
    %dma_wait3A_135 = tpu.memref_slice %arg5[%add3A_106, %dma_wait3A_134] : memref<409600x128xf32, #tpu.memory_space<hbm>> -> memref<256x64xf32, #tpu.memory_space<hbm>>
    %dma_wait3A_136 = arith.constant 64 : i32
    %dma_wait3A_137 = tpu.memref_slice %arg5[%add3A_106, %dma_wait3A_136] : memref<409600x128xf32, #tpu.memory_space<hbm>> -> memref<256x64xf32, #tpu.memory_space<hbm>>
    %dma_wait3A_138 = arith.constant 0 : i32
    %dma_wait3A_139 = arith.constant 0 : i32
    %dma_wait3A_140 = tpu.memref_slice %arg7[%dma_wait3A_126, %dma_wait3A_138, %dma_wait3A_139] : memref<2x512x64xf32, #tpu.memory_space<vmem>> -> memref<1x512x64xf32, #tpu.memory_space<vmem>>
    %dma_wait3A_141 = tpu.memref_squeeze %dma_wait3A_140 : memref<1x512x64xf32, #tpu.memory_space<vmem>> -> memref<512x64xf32, #tpu.memory_space<vmem>>
    %dma_wait3A_142 = arith.constant 256 : i32
    %dma_wait3A_143 = arith.constant 0 : i32
    %dma_wait3A_144 = tpu.memref_slice %dma_wait3A_141[%dma_wait3A_142, %dma_wait3A_143] : memref<512x64xf32, #tpu.memory_space<vmem>> -> memref<256x64xf32, #tpu.memory_space<vmem>>
    tpu.wait_dma2 semaphore(%arg11 : memref<!tpu.dma_semaphore, #tpu.memory_space<semaphore_mem>>) src(%dma_wait3A_144 : memref<256x64xf32, #tpu.memory_space<vmem>>) dst(%dma_wait3A_137 : memref<256x64xf32, #tpu.memory_space<hbm>>)
    return
  }
}

#map = affine_map<(d0, d1) -> (0, 0)>
#map1 = affine_map<(d0, d1) -> (0, 0, 0)>
module attributes {stable_mosaic.version = 14 : i64} {
  func.func @k(%arg0: i32, %arg1: i32, %arg2: memref<100000x64xf32, #tpu.memory_space<hbm>>, %arg3: memref<32x52x128xi32, #tpu.memory_space<hbm>>, %arg4: memref<32x52x128xi32, #tpu.memory_space<hbm>>, %arg5: memref<212992x128xf32, #tpu.memory_space<hbm>>, %arg6: memref<104x128xi32, #tpu.memory_space<vmem>>, %arg7: memref<2x512x64xf32, #tpu.memory_space<vmem>>, %arg8: memref<!tpu.dma_semaphore, #tpu.memory_space<semaphore_mem>>, %arg9: memref<!tpu.dma_semaphore, #tpu.memory_space<semaphore_mem>>, %arg10: memref<!tpu.dma_semaphore, #tpu.memory_space<semaphore_mem>>, %arg11: memref<!tpu.dma_semaphore, #tpu.memory_space<semaphore_mem>>) attributes {dimension_semantics = [#tpu.dimension_semantics<core_parallel>, #tpu.dimension_semantics<subcore_parallel>], iteration_bounds = array<i64: 2, 16>, scalar_prefetch = 0 : i64, scratch_operands = 6 : i64, tpu.core_type = #tpu.core_type<sc_vector_subcore>, window_params = [{transform_indices = #map}, {transform_indices = #map1}, {transform_indices = #map1}, {transform_indices = #map}]} {
    %mul3A = arith.constant 2 : i32
    %mul3A_0 = arith.muli %arg1, %mul3A : i32
    %add3A = arith.addi %mul3A_0, %arg0 : i32
    %mul3A_1 = arith.constant 6656 : i32
    %mul3A_2 = arith.muli %add3A, %mul3A_1 : i32
    "tpu.region"() ({
      %run_scoped3A = tpu.sem_alloc : memref<!tpu.dma_semaphore, #tpu.memory_space<semaphore_mem>>
      %dma_start3A_145 = arith.constant 0 : i32
      %dma_start3A_146 = arith.constant 0 : i32
      %dma_start3A_147 = tpu.memref_slice %arg6[%dma_start3A_145, %dma_start3A_146] : memref<104x128xi32, #tpu.memory_space<vmem>> -> memref<52x128xi32, #tpu.memory_space<vmem>>
      %dma_start3A_148 = arith.constant 0 : i32
      %dma_start3A_149 = arith.constant 0 : i32
      %dma_start3A_150 = tpu.memref_slice %arg3[%add3A, %dma_start3A_148, %dma_start3A_149] : memref<32x52x128xi32, #tpu.memory_space<hbm>> -> memref<1x52x128xi32, #tpu.memory_space<hbm>>
      %dma_start3A_151 = tpu.memref_squeeze %dma_start3A_150 : memref<1x52x128xi32, #tpu.memory_space<hbm>> -> memref<52x128xi32, #tpu.memory_space<hbm>>
      %dma_start3A_152 = arith.constant 0 : i32
      %dma_start3A_153 = arith.constant 0 : i32
      %dma_start3A_154 = tpu.memref_slice %arg6[%dma_start3A_152, %dma_start3A_153] : memref<104x128xi32, #tpu.memory_space<vmem>> -> memref<52x128xi32, #tpu.memory_space<vmem>>
      %dma_start3A_155 = arith.constant 0 : i32
      %dma_start3A_156 = arith.constant 0 : i32
      %dma_start3A_157 = tpu.memref_slice %arg3[%add3A, %dma_start3A_155, %dma_start3A_156] : memref<32x52x128xi32, #tpu.memory_space<hbm>> -> memref<1x52x128xi32, #tpu.memory_space<hbm>>
      %dma_start3A_158 = tpu.memref_squeeze %dma_start3A_157 : memref<1x52x128xi32, #tpu.memory_space<hbm>> -> memref<52x128xi32, #tpu.memory_space<hbm>>
      tpu.enqueue_dma source(%dma_start3A_158 : memref<52x128xi32, #tpu.memory_space<hbm>>) target(%dma_start3A_154 : memref<52x128xi32, #tpu.memory_space<vmem>>) target_semaphore(%run_scoped3A : memref<!tpu.dma_semaphore, #tpu.memory_space<semaphore_mem>>)
      %dma_wait3A_159 = arith.constant 0 : i32
      %dma_wait3A_160 = arith.constant 0 : i32
      %dma_wait3A_161 = tpu.memref_slice %arg6[%dma_wait3A_159, %dma_wait3A_160] : memref<104x128xi32, #tpu.memory_space<vmem>> -> memref<52x128xi32, #tpu.memory_space<vmem>>
      %dma_wait3A_162 = arith.constant 0 : i32
      %dma_wait3A_163 = arith.constant 0 : i32
      %dma_wait3A_164 = tpu.memref_slice %arg3[%add3A, %dma_wait3A_162, %dma_wait3A_163] : memref<32x52x128xi32, #tpu.memory_space<hbm>> -> memref<1x52x128xi32, #tpu.memory_space<hbm>>
      %dma_wait3A_165 = tpu.memref_squeeze %dma_wait3A_164 : memref<1x52x128xi32, #tpu.memory_space<hbm>> -> memref<52x128xi32, #tpu.memory_space<hbm>>
      %dma_wait3A_166 = arith.constant 0 : i32
      %dma_wait3A_167 = arith.constant 0 : i32
      %dma_wait3A_168 = tpu.memref_slice %arg6[%dma_wait3A_166, %dma_wait3A_167] : memref<104x128xi32, #tpu.memory_space<vmem>> -> memref<52x128xi32, #tpu.memory_space<vmem>>
      %dma_wait3A_169 = arith.constant 0 : i32
      %dma_wait3A_170 = arith.constant 0 : i32
      %dma_wait3A_171 = tpu.memref_slice %arg3[%add3A, %dma_wait3A_169, %dma_wait3A_170] : memref<32x52x128xi32, #tpu.memory_space<hbm>> -> memref<1x52x128xi32, #tpu.memory_space<hbm>>
      %dma_wait3A_172 = tpu.memref_squeeze %dma_wait3A_171 : memref<1x52x128xi32, #tpu.memory_space<hbm>> -> memref<52x128xi32, #tpu.memory_space<hbm>>
      tpu.wait_dma2 semaphore(%run_scoped3A : memref<!tpu.dma_semaphore, #tpu.memory_space<semaphore_mem>>) src(%dma_wait3A_172 : memref<52x128xi32, #tpu.memory_space<hbm>>) dst(%dma_wait3A_168 : memref<52x128xi32, #tpu.memory_space<vmem>>)
      tpu.yield
    }) : () -> ()
    "tpu.region"() ({
      %run_scoped3A = tpu.sem_alloc : memref<!tpu.dma_semaphore, #tpu.memory_space<semaphore_mem>>
      %dma_start3A_145 = arith.constant 52 : i32
      %dma_start3A_146 = arith.constant 0 : i32
      %dma_start3A_147 = tpu.memref_slice %arg6[%dma_start3A_145, %dma_start3A_146] : memref<104x128xi32, #tpu.memory_space<vmem>> -> memref<52x128xi32, #tpu.memory_space<vmem>>
      %dma_start3A_148 = arith.constant 0 : i32
      %dma_start3A_149 = arith.constant 0 : i32
      %dma_start3A_150 = tpu.memref_slice %arg4[%add3A, %dma_start3A_148, %dma_start3A_149] : memref<32x52x128xi32, #tpu.memory_space<hbm>> -> memref<1x52x128xi32, #tpu.memory_space<hbm>>
      %dma_start3A_151 = tpu.memref_squeeze %dma_start3A_150 : memref<1x52x128xi32, #tpu.memory_space<hbm>> -> memref<52x128xi32, #tpu.memory_space<hbm>>
      %dma_start3A_152 = arith.constant 52 : i32
      %dma_start3A_153 = arith.constant 0 : i32
      %dma_start3A_154 = tpu.memref_slice %arg6[%dma_start3A_152, %dma_start3A_153] : memref<104x128xi32, #tpu.memory_space<vmem>> -> memref<52x128xi32, #tpu.memory_space<vmem>>
      %dma_start3A_155 = arith.constant 0 : i32
      %dma_start3A_156 = arith.constant 0 : i32
      %dma_start3A_157 = tpu.memref_slice %arg4[%add3A, %dma_start3A_155, %dma_start3A_156] : memref<32x52x128xi32, #tpu.memory_space<hbm>> -> memref<1x52x128xi32, #tpu.memory_space<hbm>>
      %dma_start3A_158 = tpu.memref_squeeze %dma_start3A_157 : memref<1x52x128xi32, #tpu.memory_space<hbm>> -> memref<52x128xi32, #tpu.memory_space<hbm>>
      tpu.enqueue_dma source(%dma_start3A_158 : memref<52x128xi32, #tpu.memory_space<hbm>>) target(%dma_start3A_154 : memref<52x128xi32, #tpu.memory_space<vmem>>) target_semaphore(%run_scoped3A : memref<!tpu.dma_semaphore, #tpu.memory_space<semaphore_mem>>)
      %dma_wait3A_159 = arith.constant 52 : i32
      %dma_wait3A_160 = arith.constant 0 : i32
      %dma_wait3A_161 = tpu.memref_slice %arg6[%dma_wait3A_159, %dma_wait3A_160] : memref<104x128xi32, #tpu.memory_space<vmem>> -> memref<52x128xi32, #tpu.memory_space<vmem>>
      %dma_wait3A_162 = arith.constant 0 : i32
      %dma_wait3A_163 = arith.constant 0 : i32
      %dma_wait3A_164 = tpu.memref_slice %arg4[%add3A, %dma_wait3A_162, %dma_wait3A_163] : memref<32x52x128xi32, #tpu.memory_space<hbm>> -> memref<1x52x128xi32, #tpu.memory_space<hbm>>
      %dma_wait3A_165 = tpu.memref_squeeze %dma_wait3A_164 : memref<1x52x128xi32, #tpu.memory_space<hbm>> -> memref<52x128xi32, #tpu.memory_space<hbm>>
      %dma_wait3A_166 = arith.constant 52 : i32
      %dma_wait3A_167 = arith.constant 0 : i32
      %dma_wait3A_168 = tpu.memref_slice %arg6[%dma_wait3A_166, %dma_wait3A_167] : memref<104x128xi32, #tpu.memory_space<vmem>> -> memref<52x128xi32, #tpu.memory_space<vmem>>
      %dma_wait3A_169 = arith.constant 0 : i32
      %dma_wait3A_170 = arith.constant 0 : i32
      %dma_wait3A_171 = tpu.memref_slice %arg4[%add3A, %dma_wait3A_169, %dma_wait3A_170] : memref<32x52x128xi32, #tpu.memory_space<hbm>> -> memref<1x52x128xi32, #tpu.memory_space<hbm>>
      %dma_wait3A_172 = tpu.memref_squeeze %dma_wait3A_171 : memref<1x52x128xi32, #tpu.memory_space<hbm>> -> memref<52x128xi32, #tpu.memory_space<hbm>>
      tpu.wait_dma2 semaphore(%run_scoped3A : memref<!tpu.dma_semaphore, #tpu.memory_space<semaphore_mem>>) src(%dma_wait3A_172 : memref<52x128xi32, #tpu.memory_space<hbm>>) dst(%dma_wait3A_168 : memref<52x128xi32, #tpu.memory_space<vmem>>)
      tpu.yield
    }) : () -> ()
    %dma_start3A = arith.constant 0 : i32
    %dma_start3A_3 = arith.constant 0 : i32
    %dma_start3A_4 = arith.constant 0 : i32
    %dma_start3A_5 = arith.constant 0 : i32
    %dma_start3A_6 = tpu.memref_slice %arg7[%dma_start3A_3, %dma_start3A_4, %dma_start3A_5] : memref<2x512x64xf32, #tpu.memory_space<vmem>> -> memref<1x512x64xf32, #tpu.memory_space<vmem>>
    %dma_start3A_7 = tpu.memref_squeeze %dma_start3A_6 : memref<1x512x64xf32, #tpu.memory_space<vmem>> -> memref<512x64xf32, #tpu.memory_space<vmem>>
    %dma_start3A_8 = arith.constant 0 : i32
    %dma_start3A_9 = arith.constant 0 : i32
    %dma_start3A_10 = tpu.memref_slice %dma_start3A_7[%dma_start3A_8, %dma_start3A_9] : memref<512x64xf32, #tpu.memory_space<vmem>> -> memref<128x64xf32, #tpu.memory_space<vmem>>
    %dma_start3A_11 = arith.constant 0 : i32
    %dma_start3A_12 = tpu.memref_slice %arg6[%dma_start3A, %dma_start3A_11] : memref<104x128xi32, #tpu.memory_space<vmem>> -> memref<1x128xi32, #tpu.memory_space<vmem>>
    %dma_start3A_13 = tpu.memref_squeeze %dma_start3A_12 : memref<1x128xi32, #tpu.memory_space<vmem>> -> memref<128xi32, #tpu.memory_space<vmem>>
    %dma_start3A_14 = arith.constant 0 : i32
    %dma_start3A_15 = arith.constant 0 : i32
    %dma_start3A_16 = tpu.memref_slice %arg2[%dma_start3A_14, %dma_start3A_15] : memref<100000x64xf32, #tpu.memory_space<hbm>> -> memref<100000x64xf32, #tpu.memory_space<hbm>>
    tpu.enqueue_indirect_dma source(%dma_start3A_16 : memref<100000x64xf32, #tpu.memory_space<hbm>>) target(%dma_start3A_10 : memref<128x64xf32, #tpu.memory_space<vmem>>) offsets(%dma_start3A_13 : memref<128xi32, #tpu.memory_space<vmem>>) semaphore(%arg8 : memref<!tpu.dma_semaphore, #tpu.memory_space<semaphore_mem>>)
    %dma_start3A_17 = arith.constant 1 : i32
    %dma_start3A_18 = arith.constant 0 : i32
    %dma_start3A_19 = arith.constant 0 : i32
    %dma_start3A_20 = arith.constant 0 : i32
    %dma_start3A_21 = tpu.memref_slice %arg7[%dma_start3A_18, %dma_start3A_19, %dma_start3A_20] : memref<2x512x64xf32, #tpu.memory_space<vmem>> -> memref<1x512x64xf32, #tpu.memory_space<vmem>>
    %dma_start3A_22 = tpu.memref_squeeze %dma_start3A_21 : memref<1x512x64xf32, #tpu.memory_space<vmem>> -> memref<512x64xf32, #tpu.memory_space<vmem>>
    %dma_start3A_23 = arith.constant 128 : i32
    %dma_start3A_24 = arith.constant 0 : i32
    %dma_start3A_25 = tpu.memref_slice %dma_start3A_22[%dma_start3A_23, %dma_start3A_24] : memref<512x64xf32, #tpu.memory_space<vmem>> -> memref<128x64xf32, #tpu.memory_space<vmem>>
    %dma_start3A_26 = arith.constant 0 : i32
    %dma_start3A_27 = tpu.memref_slice %arg6[%dma_start3A_17, %dma_start3A_26] : memref<104x128xi32, #tpu.memory_space<vmem>> -> memref<1x128xi32, #tpu.memory_space<vmem>>
    %dma_start3A_28 = tpu.memref_squeeze %dma_start3A_27 : memref<1x128xi32, #tpu.memory_space<vmem>> -> memref<128xi32, #tpu.memory_space<vmem>>
    %dma_start3A_29 = arith.constant 0 : i32
    %dma_start3A_30 = arith.constant 0 : i32
    %dma_start3A_31 = tpu.memref_slice %arg2[%dma_start3A_29, %dma_start3A_30] : memref<100000x64xf32, #tpu.memory_space<hbm>> -> memref<100000x64xf32, #tpu.memory_space<hbm>>
    tpu.enqueue_indirect_dma source(%dma_start3A_31 : memref<100000x64xf32, #tpu.memory_space<hbm>>) target(%dma_start3A_25 : memref<128x64xf32, #tpu.memory_space<vmem>>) offsets(%dma_start3A_28 : memref<128xi32, #tpu.memory_space<vmem>>) semaphore(%arg8 : memref<!tpu.dma_semaphore, #tpu.memory_space<semaphore_mem>>)
    %dma_start3A_32 = arith.constant 52 : i32
    %dma_start3A_33 = arith.constant 0 : i32
    %dma_start3A_34 = arith.constant 0 : i32
    %dma_start3A_35 = arith.constant 0 : i32
    %dma_start3A_36 = tpu.memref_slice %arg7[%dma_start3A_33, %dma_start3A_34, %dma_start3A_35] : memref<2x512x64xf32, #tpu.memory_space<vmem>> -> memref<1x512x64xf32, #tpu.memory_space<vmem>>
    %dma_start3A_37 = tpu.memref_squeeze %dma_start3A_36 : memref<1x512x64xf32, #tpu.memory_space<vmem>> -> memref<512x64xf32, #tpu.memory_space<vmem>>
    %dma_start3A_38 = arith.constant 256 : i32
    %dma_start3A_39 = arith.constant 0 : i32
    %dma_start3A_40 = tpu.memref_slice %dma_start3A_37[%dma_start3A_38, %dma_start3A_39] : memref<512x64xf32, #tpu.memory_space<vmem>> -> memref<128x64xf32, #tpu.memory_space<vmem>>
    %dma_start3A_41 = arith.constant 0 : i32
    %dma_start3A_42 = tpu.memref_slice %arg6[%dma_start3A_32, %dma_start3A_41] : memref<104x128xi32, #tpu.memory_space<vmem>> -> memref<1x128xi32, #tpu.memory_space<vmem>>
    %dma_start3A_43 = tpu.memref_squeeze %dma_start3A_42 : memref<1x128xi32, #tpu.memory_space<vmem>> -> memref<128xi32, #tpu.memory_space<vmem>>
    %dma_start3A_44 = arith.constant 0 : i32
    %dma_start3A_45 = arith.constant 0 : i32
    %dma_start3A_46 = tpu.memref_slice %arg2[%dma_start3A_44, %dma_start3A_45] : memref<100000x64xf32, #tpu.memory_space<hbm>> -> memref<100000x64xf32, #tpu.memory_space<hbm>>
    tpu.enqueue_indirect_dma source(%dma_start3A_46 : memref<100000x64xf32, #tpu.memory_space<hbm>>) target(%dma_start3A_40 : memref<128x64xf32, #tpu.memory_space<vmem>>) offsets(%dma_start3A_43 : memref<128xi32, #tpu.memory_space<vmem>>) semaphore(%arg8 : memref<!tpu.dma_semaphore, #tpu.memory_space<semaphore_mem>>)
    %dma_start3A_47 = arith.constant 53 : i32
    %dma_start3A_48 = arith.constant 0 : i32
    %dma_start3A_49 = arith.constant 0 : i32
    %dma_start3A_50 = arith.constant 0 : i32
    %dma_start3A_51 = tpu.memref_slice %arg7[%dma_start3A_48, %dma_start3A_49, %dma_start3A_50] : memref<2x512x64xf32, #tpu.memory_space<vmem>> -> memref<1x512x64xf32, #tpu.memory_space<vmem>>
    %dma_start3A_52 = tpu.memref_squeeze %dma_start3A_51 : memref<1x512x64xf32, #tpu.memory_space<vmem>> -> memref<512x64xf32, #tpu.memory_space<vmem>>
    %dma_start3A_53 = arith.constant 384 : i32
    %dma_start3A_54 = arith.constant 0 : i32
    %dma_start3A_55 = tpu.memref_slice %dma_start3A_52[%dma_start3A_53, %dma_start3A_54] : memref<512x64xf32, #tpu.memory_space<vmem>> -> memref<128x64xf32, #tpu.memory_space<vmem>>
    %dma_start3A_56 = arith.constant 0 : i32
    %dma_start3A_57 = tpu.memref_slice %arg6[%dma_start3A_47, %dma_start3A_56] : memref<104x128xi32, #tpu.memory_space<vmem>> -> memref<1x128xi32, #tpu.memory_space<vmem>>
    %dma_start3A_58 = tpu.memref_squeeze %dma_start3A_57 : memref<1x128xi32, #tpu.memory_space<vmem>> -> memref<128xi32, #tpu.memory_space<vmem>>
    %dma_start3A_59 = arith.constant 0 : i32
    %dma_start3A_60 = arith.constant 0 : i32
    %dma_start3A_61 = tpu.memref_slice %arg2[%dma_start3A_59, %dma_start3A_60] : memref<100000x64xf32, #tpu.memory_space<hbm>> -> memref<100000x64xf32, #tpu.memory_space<hbm>>
    tpu.enqueue_indirect_dma source(%dma_start3A_61 : memref<100000x64xf32, #tpu.memory_space<hbm>>) target(%dma_start3A_55 : memref<128x64xf32, #tpu.memory_space<vmem>>) offsets(%dma_start3A_58 : memref<128xi32, #tpu.memory_space<vmem>>) semaphore(%arg8 : memref<!tpu.dma_semaphore, #tpu.memory_space<semaphore_mem>>)
    %scan3A = arith.constant 0 : i32
    %scan3A_62 = arith.constant 13 : i32
    %scan3A_63 = arith.addi %scan3A, %scan3A_62 : i32
    %scan3A_64 = arith.constant 1 : i32
    scf.for %scan3A_145 = %scan3A to %scan3A_63 step %scan3A_64  : i32 {
      %mul3A_146 = arith.constant 2 : i32
      %mul3A_147 = arith.muli %scan3A_145, %mul3A_146 : i32
      %add3A_148 = arith.constant 0 : i32
      %add3A_149 = arith.addi %add3A_148, %mul3A_147 : i32
      %add3A_150 = arith.constant 0 : i32
      %add3A_151 = arith.addi %add3A_149, %add3A_150 : i32
      %add3A_152 = arith.constant 1 : i32
      %add3A_153 = arith.addi %add3A_151, %add3A_152 : i32
      %lt3A = arith.constant 26 : i32
      %lt3A_154 = arith.cmpi slt, %add3A_153, %lt3A : i32
      %convert_element_type3A = arith.extui %lt3A_154 : i1 to i32
      %cond3A = arith.constant 0 : i32
      %cond3A_155 = arith.cmpi ne, %convert_element_type3A, %cond3A : i32
      scf.if %cond3A_155 {
        %ge3A = arith.constant 1 : i32
        %ge3A_407 = arith.cmpi sge, %add3A_151, %ge3A : i32
        %convert_element_type3A_408 = arith.extui %ge3A_407 : i1 to i32
        %cond3A_409 = arith.constant 0 : i32
        %cond3A_410 = arith.cmpi ne, %convert_element_type3A_408, %cond3A_409 : i32
        scf.if %cond3A_410 {
          %sub3A = arith.constant 1 : i32
          %sub3A_493 = arith.subi %add3A_151, %sub3A : i32
          %mul3A_494 = arith.constant 256 : i32
          %mul3A_495 = arith.muli %sub3A_493, %mul3A_494 : i32
          %add3A_496 = arith.addi %mul3A_2, %mul3A_495 : i32
          %dma_wait3A_497 = arith.constant 1 : i32
          %dma_wait3A_498 = arith.constant 0 : i32
          %dma_wait3A_499 = arith.constant 0 : i32
          %dma_wait3A_500 = tpu.memref_slice %arg7[%dma_wait3A_497, %dma_wait3A_498, %dma_wait3A_499] : memref<2x512x64xf32, #tpu.memory_space<vmem>> -> memref<1x512x64xf32, #tpu.memory_space<vmem>>
          %dma_wait3A_501 = tpu.memref_squeeze %dma_wait3A_500 : memref<1x512x64xf32, #tpu.memory_space<vmem>> -> memref<512x64xf32, #tpu.memory_space<vmem>>
          %dma_wait3A_502 = arith.constant 0 : i32
          %dma_wait3A_503 = arith.constant 0 : i32
          %dma_wait3A_504 = tpu.memref_slice %dma_wait3A_501[%dma_wait3A_502, %dma_wait3A_503] : memref<512x64xf32, #tpu.memory_space<vmem>> -> memref<256x64xf32, #tpu.memory_space<vmem>>
          %dma_wait3A_505 = arith.constant 0 : i32
          %dma_wait3A_506 = tpu.memref_slice %arg5[%add3A_496, %dma_wait3A_505] : memref<212992x128xf32, #tpu.memory_space<hbm>> -> memref<256x64xf32, #tpu.memory_space<hbm>>
          %dma_wait3A_507 = arith.constant 0 : i32
          %dma_wait3A_508 = tpu.memref_slice %arg5[%add3A_496, %dma_wait3A_507] : memref<212992x128xf32, #tpu.memory_space<hbm>> -> memref<256x64xf32, #tpu.memory_space<hbm>>
          %dma_wait3A_509 = arith.constant 0 : i32
          %dma_wait3A_510 = arith.constant 0 : i32
          %dma_wait3A_511 = tpu.memref_slice %arg7[%dma_wait3A_497, %dma_wait3A_509, %dma_wait3A_510] : memref<2x512x64xf32, #tpu.memory_space<vmem>> -> memref<1x512x64xf32, #tpu.memory_space<vmem>>
          %dma_wait3A_512 = tpu.memref_squeeze %dma_wait3A_511 : memref<1x512x64xf32, #tpu.memory_space<vmem>> -> memref<512x64xf32, #tpu.memory_space<vmem>>
          %dma_wait3A_513 = arith.constant 0 : i32
          %dma_wait3A_514 = arith.constant 0 : i32
          %dma_wait3A_515 = tpu.memref_slice %dma_wait3A_512[%dma_wait3A_513, %dma_wait3A_514] : memref<512x64xf32, #tpu.memory_space<vmem>> -> memref<256x64xf32, #tpu.memory_space<vmem>>
          tpu.wait_dma2 semaphore(%arg11 : memref<!tpu.dma_semaphore, #tpu.memory_space<semaphore_mem>>) src(%dma_wait3A_515 : memref<256x64xf32, #tpu.memory_space<vmem>>) dst(%dma_wait3A_508 : memref<256x64xf32, #tpu.memory_space<hbm>>)
          %dma_wait3A_516 = arith.constant 1 : i32
          %dma_wait3A_517 = arith.constant 0 : i32
          %dma_wait3A_518 = arith.constant 0 : i32
          %dma_wait3A_519 = tpu.memref_slice %arg7[%dma_wait3A_516, %dma_wait3A_517, %dma_wait3A_518] : memref<2x512x64xf32, #tpu.memory_space<vmem>> -> memref<1x512x64xf32, #tpu.memory_space<vmem>>
          %dma_wait3A_520 = tpu.memref_squeeze %dma_wait3A_519 : memref<1x512x64xf32, #tpu.memory_space<vmem>> -> memref<512x64xf32, #tpu.memory_space<vmem>>
          %dma_wait3A_521 = arith.constant 256 : i32
          %dma_wait3A_522 = arith.constant 0 : i32
          %dma_wait3A_523 = tpu.memref_slice %dma_wait3A_520[%dma_wait3A_521, %dma_wait3A_522] : memref<512x64xf32, #tpu.memory_space<vmem>> -> memref<256x64xf32, #tpu.memory_space<vmem>>
          %dma_wait3A_524 = arith.constant 64 : i32
          %dma_wait3A_525 = tpu.memref_slice %arg5[%add3A_496, %dma_wait3A_524] : memref<212992x128xf32, #tpu.memory_space<hbm>> -> memref<256x64xf32, #tpu.memory_space<hbm>>
          %dma_wait3A_526 = arith.constant 64 : i32
          %dma_wait3A_527 = tpu.memref_slice %arg5[%add3A_496, %dma_wait3A_526] : memref<212992x128xf32, #tpu.memory_space<hbm>> -> memref<256x64xf32, #tpu.memory_space<hbm>>
          %dma_wait3A_528 = arith.constant 0 : i32
          %dma_wait3A_529 = arith.constant 0 : i32
          %dma_wait3A_530 = tpu.memref_slice %arg7[%dma_wait3A_516, %dma_wait3A_528, %dma_wait3A_529] : memref<2x512x64xf32, #tpu.memory_space<vmem>> -> memref<1x512x64xf32, #tpu.memory_space<vmem>>
          %dma_wait3A_531 = tpu.memref_squeeze %dma_wait3A_530 : memref<1x512x64xf32, #tpu.memory_space<vmem>> -> memref<512x64xf32, #tpu.memory_space<vmem>>
          %dma_wait3A_532 = arith.constant 256 : i32
          %dma_wait3A_533 = arith.constant 0 : i32
          %dma_wait3A_534 = tpu.memref_slice %dma_wait3A_531[%dma_wait3A_532, %dma_wait3A_533] : memref<512x64xf32, #tpu.memory_space<vmem>> -> memref<256x64xf32, #tpu.memory_space<vmem>>
          tpu.wait_dma2 semaphore(%arg11 : memref<!tpu.dma_semaphore, #tpu.memory_space<semaphore_mem>>) src(%dma_wait3A_534 : memref<256x64xf32, #tpu.memory_space<vmem>>) dst(%dma_wait3A_527 : memref<256x64xf32, #tpu.memory_space<hbm>>)
        } else {
        }
        %add3A_411 = arith.constant 1 : i32
        %add3A_412 = arith.addi %add3A_151, %add3A_411 : i32
        %mul3A_413 = arith.constant 2 : i32
        %mul3A_414 = arith.muli %add3A_412, %mul3A_413 : i32
        %add3A_415 = arith.constant 0 : i32
        %add3A_416 = arith.addi %add3A_415, %mul3A_414 : i32
        %add3A_417 = arith.constant 0 : i32
        %add3A_418 = arith.addi %add3A_416, %add3A_417 : i32
        %dma_start3A_419 = arith.constant 1 : i32
        %dma_start3A_420 = arith.constant 0 : i32
        %dma_start3A_421 = arith.constant 0 : i32
        %dma_start3A_422 = tpu.memref_slice %arg7[%dma_start3A_419, %dma_start3A_420, %dma_start3A_421] : memref<2x512x64xf32, #tpu.memory_space<vmem>> -> memref<1x512x64xf32, #tpu.memory_space<vmem>>
        %dma_start3A_423 = tpu.memref_squeeze %dma_start3A_422 : memref<1x512x64xf32, #tpu.memory_space<vmem>> -> memref<512x64xf32, #tpu.memory_space<vmem>>
        %dma_start3A_424 = arith.constant 0 : i32
        %dma_start3A_425 = arith.constant 0 : i32
        %dma_start3A_426 = tpu.memref_slice %dma_start3A_423[%dma_start3A_424, %dma_start3A_425] : memref<512x64xf32, #tpu.memory_space<vmem>> -> memref<128x64xf32, #tpu.memory_space<vmem>>
        %dma_start3A_427 = arith.constant 0 : i32
        %dma_start3A_428 = tpu.memref_slice %arg6[%add3A_418, %dma_start3A_427] : memref<104x128xi32, #tpu.memory_space<vmem>> -> memref<1x128xi32, #tpu.memory_space<vmem>>
        %dma_start3A_429 = tpu.memref_squeeze %dma_start3A_428 : memref<1x128xi32, #tpu.memory_space<vmem>> -> memref<128xi32, #tpu.memory_space<vmem>>
        %dma_start3A_430 = arith.constant 0 : i32
        %dma_start3A_431 = arith.constant 0 : i32
        %dma_start3A_432 = tpu.memref_slice %arg2[%dma_start3A_430, %dma_start3A_431] : memref<100000x64xf32, #tpu.memory_space<hbm>> -> memref<100000x64xf32, #tpu.memory_space<hbm>>
        tpu.enqueue_indirect_dma source(%dma_start3A_432 : memref<100000x64xf32, #tpu.memory_space<hbm>>) target(%dma_start3A_426 : memref<128x64xf32, #tpu.memory_space<vmem>>) offsets(%dma_start3A_429 : memref<128xi32, #tpu.memory_space<vmem>>) semaphore(%arg9 : memref<!tpu.dma_semaphore, #tpu.memory_space<semaphore_mem>>)
        %mul3A_433 = arith.constant 2 : i32
        %mul3A_434 = arith.muli %add3A_412, %mul3A_433 : i32
        %add3A_435 = arith.constant 0 : i32
        %add3A_436 = arith.addi %add3A_435, %mul3A_434 : i32
        %add3A_437 = arith.constant 1 : i32
        %add3A_438 = arith.addi %add3A_436, %add3A_437 : i32
        %dma_start3A_439 = arith.constant 1 : i32
        %dma_start3A_440 = arith.constant 0 : i32
        %dma_start3A_441 = arith.constant 0 : i32
        %dma_start3A_442 = tpu.memref_slice %arg7[%dma_start3A_439, %dma_start3A_440, %dma_start3A_441] : memref<2x512x64xf32, #tpu.memory_space<vmem>> -> memref<1x512x64xf32, #tpu.memory_space<vmem>>
        %dma_start3A_443 = tpu.memref_squeeze %dma_start3A_442 : memref<1x512x64xf32, #tpu.memory_space<vmem>> -> memref<512x64xf32, #tpu.memory_space<vmem>>
        %dma_start3A_444 = arith.constant 128 : i32
        %dma_start3A_445 = arith.constant 0 : i32
        %dma_start3A_446 = tpu.memref_slice %dma_start3A_443[%dma_start3A_444, %dma_start3A_445] : memref<512x64xf32, #tpu.memory_space<vmem>> -> memref<128x64xf32, #tpu.memory_space<vmem>>
        %dma_start3A_447 = arith.constant 0 : i32
        %dma_start3A_448 = tpu.memref_slice %arg6[%add3A_438, %dma_start3A_447] : memref<104x128xi32, #tpu.memory_space<vmem>> -> memref<1x128xi32, #tpu.memory_space<vmem>>
        %dma_start3A_449 = tpu.memref_squeeze %dma_start3A_448 : memref<1x128xi32, #tpu.memory_space<vmem>> -> memref<128xi32, #tpu.memory_space<vmem>>
        %dma_start3A_450 = arith.constant 0 : i32
        %dma_start3A_451 = arith.constant 0 : i32
        %dma_start3A_452 = tpu.memref_slice %arg2[%dma_start3A_450, %dma_start3A_451] : memref<100000x64xf32, #tpu.memory_space<hbm>> -> memref<100000x64xf32, #tpu.memory_space<hbm>>
        tpu.enqueue_indirect_dma source(%dma_start3A_452 : memref<100000x64xf32, #tpu.memory_space<hbm>>) target(%dma_start3A_446 : memref<128x64xf32, #tpu.memory_space<vmem>>) offsets(%dma_start3A_449 : memref<128xi32, #tpu.memory_space<vmem>>) semaphore(%arg9 : memref<!tpu.dma_semaphore, #tpu.memory_space<semaphore_mem>>)
        %mul3A_453 = arith.constant 2 : i32
        %mul3A_454 = arith.muli %add3A_412, %mul3A_453 : i32
        %add3A_455 = arith.constant 52 : i32
        %add3A_456 = arith.addi %add3A_455, %mul3A_454 : i32
        %add3A_457 = arith.constant 0 : i32
        %add3A_458 = arith.addi %add3A_456, %add3A_457 : i32
        %dma_start3A_459 = arith.constant 1 : i32
        %dma_start3A_460 = arith.constant 0 : i32
        %dma_start3A_461 = arith.constant 0 : i32
        %dma_start3A_462 = tpu.memref_slice %arg7[%dma_start3A_459, %dma_start3A_460, %dma_start3A_461] : memref<2x512x64xf32, #tpu.memory_space<vmem>> -> memref<1x512x64xf32, #tpu.memory_space<vmem>>
        %dma_start3A_463 = tpu.memref_squeeze %dma_start3A_462 : memref<1x512x64xf32, #tpu.memory_space<vmem>> -> memref<512x64xf32, #tpu.memory_space<vmem>>
        %dma_start3A_464 = arith.constant 256 : i32
        %dma_start3A_465 = arith.constant 0 : i32
        %dma_start3A_466 = tpu.memref_slice %dma_start3A_463[%dma_start3A_464, %dma_start3A_465] : memref<512x64xf32, #tpu.memory_space<vmem>> -> memref<128x64xf32, #tpu.memory_space<vmem>>
        %dma_start3A_467 = arith.constant 0 : i32
        %dma_start3A_468 = tpu.memref_slice %arg6[%add3A_458, %dma_start3A_467] : memref<104x128xi32, #tpu.memory_space<vmem>> -> memref<1x128xi32, #tpu.memory_space<vmem>>
        %dma_start3A_469 = tpu.memref_squeeze %dma_start3A_468 : memref<1x128xi32, #tpu.memory_space<vmem>> -> memref<128xi32, #tpu.memory_space<vmem>>
        %dma_start3A_470 = arith.constant 0 : i32
        %dma_start3A_471 = arith.constant 0 : i32
        %dma_start3A_472 = tpu.memref_slice %arg2[%dma_start3A_470, %dma_start3A_471] : memref<100000x64xf32, #tpu.memory_space<hbm>> -> memref<100000x64xf32, #tpu.memory_space<hbm>>
        tpu.enqueue_indirect_dma source(%dma_start3A_472 : memref<100000x64xf32, #tpu.memory_space<hbm>>) target(%dma_start3A_466 : memref<128x64xf32, #tpu.memory_space<vmem>>) offsets(%dma_start3A_469 : memref<128xi32, #tpu.memory_space<vmem>>) semaphore(%arg9 : memref<!tpu.dma_semaphore, #tpu.memory_space<semaphore_mem>>)
        %mul3A_473 = arith.constant 2 : i32
        %mul3A_474 = arith.muli %add3A_412, %mul3A_473 : i32
        %add3A_475 = arith.constant 52 : i32
        %add3A_476 = arith.addi %add3A_475, %mul3A_474 : i32
        %add3A_477 = arith.constant 1 : i32
        %add3A_478 = arith.addi %add3A_476, %add3A_477 : i32
        %dma_start3A_479 = arith.constant 1 : i32
        %dma_start3A_480 = arith.constant 0 : i32
        %dma_start3A_481 = arith.constant 0 : i32
        %dma_start3A_482 = tpu.memref_slice %arg7[%dma_start3A_479, %dma_start3A_480, %dma_start3A_481] : memref<2x512x64xf32, #tpu.memory_space<vmem>> -> memref<1x512x64xf32, #tpu.memory_space<vmem>>
        %dma_start3A_483 = tpu.memref_squeeze %dma_start3A_482 : memref<1x512x64xf32, #tpu.memory_space<vmem>> -> memref<512x64xf32, #tpu.memory_space<vmem>>
        %dma_start3A_484 = arith.constant 384 : i32
        %dma_start3A_485 = arith.constant 0 : i32
        %dma_start3A_486 = tpu.memref_slice %dma_start3A_483[%dma_start3A_484, %dma_start3A_485] : memref<512x64xf32, #tpu.memory_space<vmem>> -> memref<128x64xf32, #tpu.memory_space<vmem>>
        %dma_start3A_487 = arith.constant 0 : i32
        %dma_start3A_488 = tpu.memref_slice %arg6[%add3A_478, %dma_start3A_487] : memref<104x128xi32, #tpu.memory_space<vmem>> -> memref<1x128xi32, #tpu.memory_space<vmem>>
        %dma_start3A_489 = tpu.memref_squeeze %dma_start3A_488 : memref<1x128xi32, #tpu.memory_space<vmem>> -> memref<128xi32, #tpu.memory_space<vmem>>
        %dma_start3A_490 = arith.constant 0 : i32
        %dma_start3A_491 = arith.constant 0 : i32
        %dma_start3A_492 = tpu.memref_slice %arg2[%dma_start3A_490, %dma_start3A_491] : memref<100000x64xf32, #tpu.memory_space<hbm>> -> memref<100000x64xf32, #tpu.memory_space<hbm>>
        tpu.enqueue_indirect_dma source(%dma_start3A_492 : memref<100000x64xf32, #tpu.memory_space<hbm>>) target(%dma_start3A_486 : memref<128x64xf32, #tpu.memory_space<vmem>>) offsets(%dma_start3A_489 : memref<128xi32, #tpu.memory_space<vmem>>) semaphore(%arg9 : memref<!tpu.dma_semaphore, #tpu.memory_space<semaphore_mem>>)
      } else {
      }
      %mul3A_156 = arith.constant 2 : i32
      %mul3A_157 = arith.muli %add3A_151, %mul3A_156 : i32
      %add3A_158 = arith.constant 0 : i32
      %add3A_159 = arith.addi %add3A_158, %mul3A_157 : i32
      %add3A_160 = arith.constant 0 : i32
      %add3A_161 = arith.addi %add3A_159, %add3A_160 : i32
      %dma_wait3A_162 = arith.constant 0 : i32
      %dma_wait3A_163 = arith.constant 0 : i32
      %dma_wait3A_164 = arith.constant 0 : i32
      %dma_wait3A_165 = tpu.memref_slice %arg7[%dma_wait3A_162, %dma_wait3A_163, %dma_wait3A_164] : memref<2x512x64xf32, #tpu.memory_space<vmem>> -> memref<1x512x64xf32, #tpu.memory_space<vmem>>
      %dma_wait3A_166 = tpu.memref_squeeze %dma_wait3A_165 : memref<1x512x64xf32, #tpu.memory_space<vmem>> -> memref<512x64xf32, #tpu.memory_space<vmem>>
      %dma_wait3A_167 = arith.constant 0 : i32
      %dma_wait3A_168 = arith.constant 0 : i32
      %dma_wait3A_169 = tpu.memref_slice %dma_wait3A_166[%dma_wait3A_167, %dma_wait3A_168] : memref<512x64xf32, #tpu.memory_space<vmem>> -> memref<128x64xf32, #tpu.memory_space<vmem>>
      %dma_wait3A_170 = arith.constant 0 : i32
      %dma_wait3A_171 = tpu.memref_slice %arg6[%add3A_161, %dma_wait3A_170] : memref<104x128xi32, #tpu.memory_space<vmem>> -> memref<1x128xi32, #tpu.memory_space<vmem>>
      %dma_wait3A_172 = tpu.memref_squeeze %dma_wait3A_171 : memref<1x128xi32, #tpu.memory_space<vmem>> -> memref<128xi32, #tpu.memory_space<vmem>>
      %dma_wait3A_173 = arith.constant 0 : i32
      %dma_wait3A_174 = arith.constant 0 : i32
      %dma_wait3A_175 = tpu.memref_slice %arg2[%dma_wait3A_173, %dma_wait3A_174] : memref<100000x64xf32, #tpu.memory_space<hbm>> -> memref<100000x64xf32, #tpu.memory_space<hbm>>
      tpu.wait_indirect_dma semaphore(%arg8 : memref<!tpu.dma_semaphore, #tpu.memory_space<semaphore_mem>>) src(%dma_wait3A_175 : memref<100000x64xf32, #tpu.memory_space<hbm>>) dst(%dma_wait3A_169 : memref<128x64xf32, #tpu.memory_space<vmem>>)
      %mul3A_176 = arith.constant 2 : i32
      %mul3A_177 = arith.muli %add3A_151, %mul3A_176 : i32
      %add3A_178 = arith.constant 0 : i32
      %add3A_179 = arith.addi %add3A_178, %mul3A_177 : i32
      %add3A_180 = arith.constant 1 : i32
      %add3A_181 = arith.addi %add3A_179, %add3A_180 : i32
      %dma_wait3A_182 = arith.constant 0 : i32
      %dma_wait3A_183 = arith.constant 0 : i32
      %dma_wait3A_184 = arith.constant 0 : i32
      %dma_wait3A_185 = tpu.memref_slice %arg7[%dma_wait3A_182, %dma_wait3A_183, %dma_wait3A_184] : memref<2x512x64xf32, #tpu.memory_space<vmem>> -> memref<1x512x64xf32, #tpu.memory_space<vmem>>
      %dma_wait3A_186 = tpu.memref_squeeze %dma_wait3A_185 : memref<1x512x64xf32, #tpu.memory_space<vmem>> -> memref<512x64xf32, #tpu.memory_space<vmem>>
      %dma_wait3A_187 = arith.constant 128 : i32
      %dma_wait3A_188 = arith.constant 0 : i32
      %dma_wait3A_189 = tpu.memref_slice %dma_wait3A_186[%dma_wait3A_187, %dma_wait3A_188] : memref<512x64xf32, #tpu.memory_space<vmem>> -> memref<128x64xf32, #tpu.memory_space<vmem>>
      %dma_wait3A_190 = arith.constant 0 : i32
      %dma_wait3A_191 = tpu.memref_slice %arg6[%add3A_181, %dma_wait3A_190] : memref<104x128xi32, #tpu.memory_space<vmem>> -> memref<1x128xi32, #tpu.memory_space<vmem>>
      %dma_wait3A_192 = tpu.memref_squeeze %dma_wait3A_191 : memref<1x128xi32, #tpu.memory_space<vmem>> -> memref<128xi32, #tpu.memory_space<vmem>>
      %dma_wait3A_193 = arith.constant 0 : i32
      %dma_wait3A_194 = arith.constant 0 : i32
      %dma_wait3A_195 = tpu.memref_slice %arg2[%dma_wait3A_193, %dma_wait3A_194] : memref<100000x64xf32, #tpu.memory_space<hbm>> -> memref<100000x64xf32, #tpu.memory_space<hbm>>
      tpu.wait_indirect_dma semaphore(%arg8 : memref<!tpu.dma_semaphore, #tpu.memory_space<semaphore_mem>>) src(%dma_wait3A_195 : memref<100000x64xf32, #tpu.memory_space<hbm>>) dst(%dma_wait3A_189 : memref<128x64xf32, #tpu.memory_space<vmem>>)
      %mul3A_196 = arith.constant 2 : i32
      %mul3A_197 = arith.muli %add3A_151, %mul3A_196 : i32
      %add3A_198 = arith.constant 52 : i32
      %add3A_199 = arith.addi %add3A_198, %mul3A_197 : i32
      %add3A_200 = arith.constant 0 : i32
      %add3A_201 = arith.addi %add3A_199, %add3A_200 : i32
      %dma_wait3A_202 = arith.constant 0 : i32
      %dma_wait3A_203 = arith.constant 0 : i32
      %dma_wait3A_204 = arith.constant 0 : i32
      %dma_wait3A_205 = tpu.memref_slice %arg7[%dma_wait3A_202, %dma_wait3A_203, %dma_wait3A_204] : memref<2x512x64xf32, #tpu.memory_space<vmem>> -> memref<1x512x64xf32, #tpu.memory_space<vmem>>
      %dma_wait3A_206 = tpu.memref_squeeze %dma_wait3A_205 : memref<1x512x64xf32, #tpu.memory_space<vmem>> -> memref<512x64xf32, #tpu.memory_space<vmem>>
      %dma_wait3A_207 = arith.constant 256 : i32
      %dma_wait3A_208 = arith.constant 0 : i32
      %dma_wait3A_209 = tpu.memref_slice %dma_wait3A_206[%dma_wait3A_207, %dma_wait3A_208] : memref<512x64xf32, #tpu.memory_space<vmem>> -> memref<128x64xf32, #tpu.memory_space<vmem>>
      %dma_wait3A_210 = arith.constant 0 : i32
      %dma_wait3A_211 = tpu.memref_slice %arg6[%add3A_201, %dma_wait3A_210] : memref<104x128xi32, #tpu.memory_space<vmem>> -> memref<1x128xi32, #tpu.memory_space<vmem>>
      %dma_wait3A_212 = tpu.memref_squeeze %dma_wait3A_211 : memref<1x128xi32, #tpu.memory_space<vmem>> -> memref<128xi32, #tpu.memory_space<vmem>>
      %dma_wait3A_213 = arith.constant 0 : i32
      %dma_wait3A_214 = arith.constant 0 : i32
      %dma_wait3A_215 = tpu.memref_slice %arg2[%dma_wait3A_213, %dma_wait3A_214] : memref<100000x64xf32, #tpu.memory_space<hbm>> -> memref<100000x64xf32, #tpu.memory_space<hbm>>
      tpu.wait_indirect_dma semaphore(%arg8 : memref<!tpu.dma_semaphore, #tpu.memory_space<semaphore_mem>>) src(%dma_wait3A_215 : memref<100000x64xf32, #tpu.memory_space<hbm>>) dst(%dma_wait3A_209 : memref<128x64xf32, #tpu.memory_space<vmem>>)
      %mul3A_216 = arith.constant 2 : i32
      %mul3A_217 = arith.muli %add3A_151, %mul3A_216 : i32
      %add3A_218 = arith.constant 52 : i32
      %add3A_219 = arith.addi %add3A_218, %mul3A_217 : i32
      %add3A_220 = arith.constant 1 : i32
      %add3A_221 = arith.addi %add3A_219, %add3A_220 : i32
      %dma_wait3A_222 = arith.constant 0 : i32
      %dma_wait3A_223 = arith.constant 0 : i32
      %dma_wait3A_224 = arith.constant 0 : i32
      %dma_wait3A_225 = tpu.memref_slice %arg7[%dma_wait3A_222, %dma_wait3A_223, %dma_wait3A_224] : memref<2x512x64xf32, #tpu.memory_space<vmem>> -> memref<1x512x64xf32, #tpu.memory_space<vmem>>
      %dma_wait3A_226 = tpu.memref_squeeze %dma_wait3A_225 : memref<1x512x64xf32, #tpu.memory_space<vmem>> -> memref<512x64xf32, #tpu.memory_space<vmem>>
      %dma_wait3A_227 = arith.constant 384 : i32
      %dma_wait3A_228 = arith.constant 0 : i32
      %dma_wait3A_229 = tpu.memref_slice %dma_wait3A_226[%dma_wait3A_227, %dma_wait3A_228] : memref<512x64xf32, #tpu.memory_space<vmem>> -> memref<128x64xf32, #tpu.memory_space<vmem>>
      %dma_wait3A_230 = arith.constant 0 : i32
      %dma_wait3A_231 = tpu.memref_slice %arg6[%add3A_221, %dma_wait3A_230] : memref<104x128xi32, #tpu.memory_space<vmem>> -> memref<1x128xi32, #tpu.memory_space<vmem>>
      %dma_wait3A_232 = tpu.memref_squeeze %dma_wait3A_231 : memref<1x128xi32, #tpu.memory_space<vmem>> -> memref<128xi32, #tpu.memory_space<vmem>>
      %dma_wait3A_233 = arith.constant 0 : i32
      %dma_wait3A_234 = arith.constant 0 : i32
      %dma_wait3A_235 = tpu.memref_slice %arg2[%dma_wait3A_233, %dma_wait3A_234] : memref<100000x64xf32, #tpu.memory_space<hbm>> -> memref<100000x64xf32, #tpu.memory_space<hbm>>
      tpu.wait_indirect_dma semaphore(%arg8 : memref<!tpu.dma_semaphore, #tpu.memory_space<semaphore_mem>>) src(%dma_wait3A_235 : memref<100000x64xf32, #tpu.memory_space<hbm>>) dst(%dma_wait3A_229 : memref<128x64xf32, #tpu.memory_space<vmem>>)
      %mul3A_236 = arith.constant 256 : i32
      %mul3A_237 = arith.muli %add3A_151, %mul3A_236 : i32
      %add3A_238 = arith.addi %mul3A_2, %mul3A_237 : i32
      %dma_start3A_239 = arith.constant 0 : i32
      %dma_start3A_240 = arith.constant 0 : i32
      %dma_start3A_241 = arith.constant 0 : i32
      %dma_start3A_242 = tpu.memref_slice %arg7[%dma_start3A_239, %dma_start3A_240, %dma_start3A_241] : memref<2x512x64xf32, #tpu.memory_space<vmem>> -> memref<1x512x64xf32, #tpu.memory_space<vmem>>
      %dma_start3A_243 = tpu.memref_squeeze %dma_start3A_242 : memref<1x512x64xf32, #tpu.memory_space<vmem>> -> memref<512x64xf32, #tpu.memory_space<vmem>>
      %dma_start3A_244 = arith.constant 0 : i32
      %dma_start3A_245 = arith.constant 0 : i32
      %dma_start3A_246 = tpu.memref_slice %dma_start3A_243[%dma_start3A_244, %dma_start3A_245] : memref<512x64xf32, #tpu.memory_space<vmem>> -> memref<256x64xf32, #tpu.memory_space<vmem>>
      %dma_start3A_247 = arith.constant 0 : i32
      %dma_start3A_248 = tpu.memref_slice %arg5[%add3A_238, %dma_start3A_247] : memref<212992x128xf32, #tpu.memory_space<hbm>> -> memref<256x64xf32, #tpu.memory_space<hbm>>
      %dma_start3A_249 = arith.constant 0 : i32
      %dma_start3A_250 = tpu.memref_slice %arg5[%add3A_238, %dma_start3A_249] : memref<212992x128xf32, #tpu.memory_space<hbm>> -> memref<256x64xf32, #tpu.memory_space<hbm>>
      %dma_start3A_251 = arith.constant 0 : i32
      %dma_start3A_252 = arith.constant 0 : i32
      %dma_start3A_253 = tpu.memref_slice %arg7[%dma_start3A_239, %dma_start3A_251, %dma_start3A_252] : memref<2x512x64xf32, #tpu.memory_space<vmem>> -> memref<1x512x64xf32, #tpu.memory_space<vmem>>
      %dma_start3A_254 = tpu.memref_squeeze %dma_start3A_253 : memref<1x512x64xf32, #tpu.memory_space<vmem>> -> memref<512x64xf32, #tpu.memory_space<vmem>>
      %dma_start3A_255 = arith.constant 0 : i32
      %dma_start3A_256 = arith.constant 0 : i32
      %dma_start3A_257 = tpu.memref_slice %dma_start3A_254[%dma_start3A_255, %dma_start3A_256] : memref<512x64xf32, #tpu.memory_space<vmem>> -> memref<256x64xf32, #tpu.memory_space<vmem>>
      tpu.enqueue_dma source(%dma_start3A_257 : memref<256x64xf32, #tpu.memory_space<vmem>>) target(%dma_start3A_250 : memref<256x64xf32, #tpu.memory_space<hbm>>) target_semaphore(%arg10 : memref<!tpu.dma_semaphore, #tpu.memory_space<semaphore_mem>>)
      %dma_start3A_258 = arith.constant 0 : i32
      %dma_start3A_259 = arith.constant 0 : i32
      %dma_start3A_260 = arith.constant 0 : i32
      %dma_start3A_261 = tpu.memref_slice %arg7[%dma_start3A_258, %dma_start3A_259, %dma_start3A_260] : memref<2x512x64xf32, #tpu.memory_space<vmem>> -> memref<1x512x64xf32, #tpu.memory_space<vmem>>
      %dma_start3A_262 = tpu.memref_squeeze %dma_start3A_261 : memref<1x512x64xf32, #tpu.memory_space<vmem>> -> memref<512x64xf32, #tpu.memory_space<vmem>>
      %dma_start3A_263 = arith.constant 256 : i32
      %dma_start3A_264 = arith.constant 0 : i32
      %dma_start3A_265 = tpu.memref_slice %dma_start3A_262[%dma_start3A_263, %dma_start3A_264] : memref<512x64xf32, #tpu.memory_space<vmem>> -> memref<256x64xf32, #tpu.memory_space<vmem>>
      %dma_start3A_266 = arith.constant 64 : i32
      %dma_start3A_267 = tpu.memref_slice %arg5[%add3A_238, %dma_start3A_266] : memref<212992x128xf32, #tpu.memory_space<hbm>> -> memref<256x64xf32, #tpu.memory_space<hbm>>
      %dma_start3A_268 = arith.constant 64 : i32
      %dma_start3A_269 = tpu.memref_slice %arg5[%add3A_238, %dma_start3A_268] : memref<212992x128xf32, #tpu.memory_space<hbm>> -> memref<256x64xf32, #tpu.memory_space<hbm>>
      %dma_start3A_270 = arith.constant 0 : i32
      %dma_start3A_271 = arith.constant 0 : i32
      %dma_start3A_272 = tpu.memref_slice %arg7[%dma_start3A_258, %dma_start3A_270, %dma_start3A_271] : memref<2x512x64xf32, #tpu.memory_space<vmem>> -> memref<1x512x64xf32, #tpu.memory_space<vmem>>
      %dma_start3A_273 = tpu.memref_squeeze %dma_start3A_272 : memref<1x512x64xf32, #tpu.memory_space<vmem>> -> memref<512x64xf32, #tpu.memory_space<vmem>>
      %dma_start3A_274 = arith.constant 256 : i32
      %dma_start3A_275 = arith.constant 0 : i32
      %dma_start3A_276 = tpu.memref_slice %dma_start3A_273[%dma_start3A_274, %dma_start3A_275] : memref<512x64xf32, #tpu.memory_space<vmem>> -> memref<256x64xf32, #tpu.memory_space<vmem>>
      tpu.enqueue_dma source(%dma_start3A_276 : memref<256x64xf32, #tpu.memory_space<vmem>>) target(%dma_start3A_269 : memref<256x64xf32, #tpu.memory_space<hbm>>) target_semaphore(%arg10 : memref<!tpu.dma_semaphore, #tpu.memory_space<semaphore_mem>>)
      %add3A_277 = arith.constant 1 : i32
      %add3A_278 = arith.addi %add3A_149, %add3A_277 : i32
      %add3A_279 = arith.constant 1 : i32
      %add3A_280 = arith.addi %add3A_278, %add3A_279 : i32
      %lt3A_281 = arith.constant 26 : i32
      %lt3A_282 = arith.cmpi slt, %add3A_280, %lt3A_281 : i32
      %convert_element_type3A_283 = arith.extui %lt3A_282 : i1 to i32
      %cond3A_284 = arith.constant 0 : i32
      %cond3A_285 = arith.cmpi ne, %convert_element_type3A_283, %cond3A_284 : i32
      scf.if %cond3A_285 {
        %ge3A = arith.constant 1 : i32
        %ge3A_407 = arith.cmpi sge, %add3A_278, %ge3A : i32
        %convert_element_type3A_408 = arith.extui %ge3A_407 : i1 to i32
        %cond3A_409 = arith.constant 0 : i32
        %cond3A_410 = arith.cmpi ne, %convert_element_type3A_408, %cond3A_409 : i32
        scf.if %cond3A_410 {
          %sub3A = arith.constant 1 : i32
          %sub3A_493 = arith.subi %add3A_278, %sub3A : i32
          %mul3A_494 = arith.constant 256 : i32
          %mul3A_495 = arith.muli %sub3A_493, %mul3A_494 : i32
          %add3A_496 = arith.addi %mul3A_2, %mul3A_495 : i32
          %dma_wait3A_497 = arith.constant 0 : i32
          %dma_wait3A_498 = arith.constant 0 : i32
          %dma_wait3A_499 = arith.constant 0 : i32
          %dma_wait3A_500 = tpu.memref_slice %arg7[%dma_wait3A_497, %dma_wait3A_498, %dma_wait3A_499] : memref<2x512x64xf32, #tpu.memory_space<vmem>> -> memref<1x512x64xf32, #tpu.memory_space<vmem>>
          %dma_wait3A_501 = tpu.memref_squeeze %dma_wait3A_500 : memref<1x512x64xf32, #tpu.memory_space<vmem>> -> memref<512x64xf32, #tpu.memory_space<vmem>>
          %dma_wait3A_502 = arith.constant 0 : i32
          %dma_wait3A_503 = arith.constant 0 : i32
          %dma_wait3A_504 = tpu.memref_slice %dma_wait3A_501[%dma_wait3A_502, %dma_wait3A_503] : memref<512x64xf32, #tpu.memory_space<vmem>> -> memref<256x64xf32, #tpu.memory_space<vmem>>
          %dma_wait3A_505 = arith.constant 0 : i32
          %dma_wait3A_506 = tpu.memref_slice %arg5[%add3A_496, %dma_wait3A_505] : memref<212992x128xf32, #tpu.memory_space<hbm>> -> memref<256x64xf32, #tpu.memory_space<hbm>>
          %dma_wait3A_507 = arith.constant 0 : i32
          %dma_wait3A_508 = tpu.memref_slice %arg5[%add3A_496, %dma_wait3A_507] : memref<212992x128xf32, #tpu.memory_space<hbm>> -> memref<256x64xf32, #tpu.memory_space<hbm>>
          %dma_wait3A_509 = arith.constant 0 : i32
          %dma_wait3A_510 = arith.constant 0 : i32
          %dma_wait3A_511 = tpu.memref_slice %arg7[%dma_wait3A_497, %dma_wait3A_509, %dma_wait3A_510] : memref<2x512x64xf32, #tpu.memory_space<vmem>> -> memref<1x512x64xf32, #tpu.memory_space<vmem>>
          %dma_wait3A_512 = tpu.memref_squeeze %dma_wait3A_511 : memref<1x512x64xf32, #tpu.memory_space<vmem>> -> memref<512x64xf32, #tpu.memory_space<vmem>>
          %dma_wait3A_513 = arith.constant 0 : i32
          %dma_wait3A_514 = arith.constant 0 : i32
          %dma_wait3A_515 = tpu.memref_slice %dma_wait3A_512[%dma_wait3A_513, %dma_wait3A_514] : memref<512x64xf32, #tpu.memory_space<vmem>> -> memref<256x64xf32, #tpu.memory_space<vmem>>
          tpu.wait_dma2 semaphore(%arg10 : memref<!tpu.dma_semaphore, #tpu.memory_space<semaphore_mem>>) src(%dma_wait3A_515 : memref<256x64xf32, #tpu.memory_space<vmem>>) dst(%dma_wait3A_508 : memref<256x64xf32, #tpu.memory_space<hbm>>)
          %dma_wait3A_516 = arith.constant 0 : i32
          %dma_wait3A_517 = arith.constant 0 : i32
          %dma_wait3A_518 = arith.constant 0 : i32
          %dma_wait3A_519 = tpu.memref_slice %arg7[%dma_wait3A_516, %dma_wait3A_517, %dma_wait3A_518] : memref<2x512x64xf32, #tpu.memory_space<vmem>> -> memref<1x512x64xf32, #tpu.memory_space<vmem>>
          %dma_wait3A_520 = tpu.memref_squeeze %dma_wait3A_519 : memref<1x512x64xf32, #tpu.memory_space<vmem>> -> memref<512x64xf32, #tpu.memory_space<vmem>>
          %dma_wait3A_521 = arith.constant 256 : i32
          %dma_wait3A_522 = arith.constant 0 : i32
          %dma_wait3A_523 = tpu.memref_slice %dma_wait3A_520[%dma_wait3A_521, %dma_wait3A_522] : memref<512x64xf32, #tpu.memory_space<vmem>> -> memref<256x64xf32, #tpu.memory_space<vmem>>
          %dma_wait3A_524 = arith.constant 64 : i32
          %dma_wait3A_525 = tpu.memref_slice %arg5[%add3A_496, %dma_wait3A_524] : memref<212992x128xf32, #tpu.memory_space<hbm>> -> memref<256x64xf32, #tpu.memory_space<hbm>>
          %dma_wait3A_526 = arith.constant 64 : i32
          %dma_wait3A_527 = tpu.memref_slice %arg5[%add3A_496, %dma_wait3A_526] : memref<212992x128xf32, #tpu.memory_space<hbm>> -> memref<256x64xf32, #tpu.memory_space<hbm>>
          %dma_wait3A_528 = arith.constant 0 : i32
          %dma_wait3A_529 = arith.constant 0 : i32
          %dma_wait3A_530 = tpu.memref_slice %arg7[%dma_wait3A_516, %dma_wait3A_528, %dma_wait3A_529] : memref<2x512x64xf32, #tpu.memory_space<vmem>> -> memref<1x512x64xf32, #tpu.memory_space<vmem>>
          %dma_wait3A_531 = tpu.memref_squeeze %dma_wait3A_530 : memref<1x512x64xf32, #tpu.memory_space<vmem>> -> memref<512x64xf32, #tpu.memory_space<vmem>>
          %dma_wait3A_532 = arith.constant 256 : i32
          %dma_wait3A_533 = arith.constant 0 : i32
          %dma_wait3A_534 = tpu.memref_slice %dma_wait3A_531[%dma_wait3A_532, %dma_wait3A_533] : memref<512x64xf32, #tpu.memory_space<vmem>> -> memref<256x64xf32, #tpu.memory_space<vmem>>
          tpu.wait_dma2 semaphore(%arg10 : memref<!tpu.dma_semaphore, #tpu.memory_space<semaphore_mem>>) src(%dma_wait3A_534 : memref<256x64xf32, #tpu.memory_space<vmem>>) dst(%dma_wait3A_527 : memref<256x64xf32, #tpu.memory_space<hbm>>)
        } else {
        }
        %add3A_411 = arith.constant 1 : i32
        %add3A_412 = arith.addi %add3A_278, %add3A_411 : i32
        %mul3A_413 = arith.constant 2 : i32
        %mul3A_414 = arith.muli %add3A_412, %mul3A_413 : i32
        %add3A_415 = arith.constant 0 : i32
        %add3A_416 = arith.addi %add3A_415, %mul3A_414 : i32
        %add3A_417 = arith.constant 0 : i32
        %add3A_418 = arith.addi %add3A_416, %add3A_417 : i32
        %dma_start3A_419 = arith.constant 0 : i32
        %dma_start3A_420 = arith.constant 0 : i32
        %dma_start3A_421 = arith.constant 0 : i32
        %dma_start3A_422 = tpu.memref_slice %arg7[%dma_start3A_419, %dma_start3A_420, %dma_start3A_421] : memref<2x512x64xf32, #tpu.memory_space<vmem>> -> memref<1x512x64xf32, #tpu.memory_space<vmem>>
        %dma_start3A_423 = tpu.memref_squeeze %dma_start3A_422 : memref<1x512x64xf32, #tpu.memory_space<vmem>> -> memref<512x64xf32, #tpu.memory_space<vmem>>
        %dma_start3A_424 = arith.constant 0 : i32
        %dma_start3A_425 = arith.constant 0 : i32
        %dma_start3A_426 = tpu.memref_slice %dma_start3A_423[%dma_start3A_424, %dma_start3A_425] : memref<512x64xf32, #tpu.memory_space<vmem>> -> memref<128x64xf32, #tpu.memory_space<vmem>>
        %dma_start3A_427 = arith.constant 0 : i32
        %dma_start3A_428 = tpu.memref_slice %arg6[%add3A_418, %dma_start3A_427] : memref<104x128xi32, #tpu.memory_space<vmem>> -> memref<1x128xi32, #tpu.memory_space<vmem>>
        %dma_start3A_429 = tpu.memref_squeeze %dma_start3A_428 : memref<1x128xi32, #tpu.memory_space<vmem>> -> memref<128xi32, #tpu.memory_space<vmem>>
        %dma_start3A_430 = arith.constant 0 : i32
        %dma_start3A_431 = arith.constant 0 : i32
        %dma_start3A_432 = tpu.memref_slice %arg2[%dma_start3A_430, %dma_start3A_431] : memref<100000x64xf32, #tpu.memory_space<hbm>> -> memref<100000x64xf32, #tpu.memory_space<hbm>>
        tpu.enqueue_indirect_dma source(%dma_start3A_432 : memref<100000x64xf32, #tpu.memory_space<hbm>>) target(%dma_start3A_426 : memref<128x64xf32, #tpu.memory_space<vmem>>) offsets(%dma_start3A_429 : memref<128xi32, #tpu.memory_space<vmem>>) semaphore(%arg8 : memref<!tpu.dma_semaphore, #tpu.memory_space<semaphore_mem>>)
        %mul3A_433 = arith.constant 2 : i32
        %mul3A_434 = arith.muli %add3A_412, %mul3A_433 : i32
        %add3A_435 = arith.constant 0 : i32
        %add3A_436 = arith.addi %add3A_435, %mul3A_434 : i32
        %add3A_437 = arith.constant 1 : i32
        %add3A_438 = arith.addi %add3A_436, %add3A_437 : i32
        %dma_start3A_439 = arith.constant 0 : i32
        %dma_start3A_440 = arith.constant 0 : i32
        %dma_start3A_441 = arith.constant 0 : i32
        %dma_start3A_442 = tpu.memref_slice %arg7[%dma_start3A_439, %dma_start3A_440, %dma_start3A_441] : memref<2x512x64xf32, #tpu.memory_space<vmem>> -> memref<1x512x64xf32, #tpu.memory_space<vmem>>
        %dma_start3A_443 = tpu.memref_squeeze %dma_start3A_442 : memref<1x512x64xf32, #tpu.memory_space<vmem>> -> memref<512x64xf32, #tpu.memory_space<vmem>>
        %dma_start3A_444 = arith.constant 128 : i32
        %dma_start3A_445 = arith.constant 0 : i32
        %dma_start3A_446 = tpu.memref_slice %dma_start3A_443[%dma_start3A_444, %dma_start3A_445] : memref<512x64xf32, #tpu.memory_space<vmem>> -> memref<128x64xf32, #tpu.memory_space<vmem>>
        %dma_start3A_447 = arith.constant 0 : i32
        %dma_start3A_448 = tpu.memref_slice %arg6[%add3A_438, %dma_start3A_447] : memref<104x128xi32, #tpu.memory_space<vmem>> -> memref<1x128xi32, #tpu.memory_space<vmem>>
        %dma_start3A_449 = tpu.memref_squeeze %dma_start3A_448 : memref<1x128xi32, #tpu.memory_space<vmem>> -> memref<128xi32, #tpu.memory_space<vmem>>
        %dma_start3A_450 = arith.constant 0 : i32
        %dma_start3A_451 = arith.constant 0 : i32
        %dma_start3A_452 = tpu.memref_slice %arg2[%dma_start3A_450, %dma_start3A_451] : memref<100000x64xf32, #tpu.memory_space<hbm>> -> memref<100000x64xf32, #tpu.memory_space<hbm>>
        tpu.enqueue_indirect_dma source(%dma_start3A_452 : memref<100000x64xf32, #tpu.memory_space<hbm>>) target(%dma_start3A_446 : memref<128x64xf32, #tpu.memory_space<vmem>>) offsets(%dma_start3A_449 : memref<128xi32, #tpu.memory_space<vmem>>) semaphore(%arg8 : memref<!tpu.dma_semaphore, #tpu.memory_space<semaphore_mem>>)
        %mul3A_453 = arith.constant 2 : i32
        %mul3A_454 = arith.muli %add3A_412, %mul3A_453 : i32
        %add3A_455 = arith.constant 52 : i32
        %add3A_456 = arith.addi %add3A_455, %mul3A_454 : i32
        %add3A_457 = arith.constant 0 : i32
        %add3A_458 = arith.addi %add3A_456, %add3A_457 : i32
        %dma_start3A_459 = arith.constant 0 : i32
        %dma_start3A_460 = arith.constant 0 : i32
        %dma_start3A_461 = arith.constant 0 : i32
        %dma_start3A_462 = tpu.memref_slice %arg7[%dma_start3A_459, %dma_start3A_460, %dma_start3A_461] : memref<2x512x64xf32, #tpu.memory_space<vmem>> -> memref<1x512x64xf32, #tpu.memory_space<vmem>>
        %dma_start3A_463 = tpu.memref_squeeze %dma_start3A_462 : memref<1x512x64xf32, #tpu.memory_space<vmem>> -> memref<512x64xf32, #tpu.memory_space<vmem>>
        %dma_start3A_464 = arith.constant 256 : i32
        %dma_start3A_465 = arith.constant 0 : i32
        %dma_start3A_466 = tpu.memref_slice %dma_start3A_463[%dma_start3A_464, %dma_start3A_465] : memref<512x64xf32, #tpu.memory_space<vmem>> -> memref<128x64xf32, #tpu.memory_space<vmem>>
        %dma_start3A_467 = arith.constant 0 : i32
        %dma_start3A_468 = tpu.memref_slice %arg6[%add3A_458, %dma_start3A_467] : memref<104x128xi32, #tpu.memory_space<vmem>> -> memref<1x128xi32, #tpu.memory_space<vmem>>
        %dma_start3A_469 = tpu.memref_squeeze %dma_start3A_468 : memref<1x128xi32, #tpu.memory_space<vmem>> -> memref<128xi32, #tpu.memory_space<vmem>>
        %dma_start3A_470 = arith.constant 0 : i32
        %dma_start3A_471 = arith.constant 0 : i32
        %dma_start3A_472 = tpu.memref_slice %arg2[%dma_start3A_470, %dma_start3A_471] : memref<100000x64xf32, #tpu.memory_space<hbm>> -> memref<100000x64xf32, #tpu.memory_space<hbm>>
        tpu.enqueue_indirect_dma source(%dma_start3A_472 : memref<100000x64xf32, #tpu.memory_space<hbm>>) target(%dma_start3A_466 : memref<128x64xf32, #tpu.memory_space<vmem>>) offsets(%dma_start3A_469 : memref<128xi32, #tpu.memory_space<vmem>>) semaphore(%arg8 : memref<!tpu.dma_semaphore, #tpu.memory_space<semaphore_mem>>)
        %mul3A_473 = arith.constant 2 : i32
        %mul3A_474 = arith.muli %add3A_412, %mul3A_473 : i32
        %add3A_475 = arith.constant 52 : i32
        %add3A_476 = arith.addi %add3A_475, %mul3A_474 : i32
        %add3A_477 = arith.constant 1 : i32
        %add3A_478 = arith.addi %add3A_476, %add3A_477 : i32
        %dma_start3A_479 = arith.constant 0 : i32
        %dma_start3A_480 = arith.constant 0 : i32
        %dma_start3A_481 = arith.constant 0 : i32
        %dma_start3A_482 = tpu.memref_slice %arg7[%dma_start3A_479, %dma_start3A_480, %dma_start3A_481] : memref<2x512x64xf32, #tpu.memory_space<vmem>> -> memref<1x512x64xf32, #tpu.memory_space<vmem>>
        %dma_start3A_483 = tpu.memref_squeeze %dma_start3A_482 : memref<1x512x64xf32, #tpu.memory_space<vmem>> -> memref<512x64xf32, #tpu.memory_space<vmem>>
        %dma_start3A_484 = arith.constant 384 : i32
        %dma_start3A_485 = arith.constant 0 : i32
        %dma_start3A_486 = tpu.memref_slice %dma_start3A_483[%dma_start3A_484, %dma_start3A_485] : memref<512x64xf32, #tpu.memory_space<vmem>> -> memref<128x64xf32, #tpu.memory_space<vmem>>
        %dma_start3A_487 = arith.constant 0 : i32
        %dma_start3A_488 = tpu.memref_slice %arg6[%add3A_478, %dma_start3A_487] : memref<104x128xi32, #tpu.memory_space<vmem>> -> memref<1x128xi32, #tpu.memory_space<vmem>>
        %dma_start3A_489 = tpu.memref_squeeze %dma_start3A_488 : memref<1x128xi32, #tpu.memory_space<vmem>> -> memref<128xi32, #tpu.memory_space<vmem>>
        %dma_start3A_490 = arith.constant 0 : i32
        %dma_start3A_491 = arith.constant 0 : i32
        %dma_start3A_492 = tpu.memref_slice %arg2[%dma_start3A_490, %dma_start3A_491] : memref<100000x64xf32, #tpu.memory_space<hbm>> -> memref<100000x64xf32, #tpu.memory_space<hbm>>
        tpu.enqueue_indirect_dma source(%dma_start3A_492 : memref<100000x64xf32, #tpu.memory_space<hbm>>) target(%dma_start3A_486 : memref<128x64xf32, #tpu.memory_space<vmem>>) offsets(%dma_start3A_489 : memref<128xi32, #tpu.memory_space<vmem>>) semaphore(%arg8 : memref<!tpu.dma_semaphore, #tpu.memory_space<semaphore_mem>>)
      } else {
      }
      %mul3A_286 = arith.constant 2 : i32
      %mul3A_287 = arith.muli %add3A_278, %mul3A_286 : i32
      %add3A_288 = arith.constant 0 : i32
      %add3A_289 = arith.addi %add3A_288, %mul3A_287 : i32
      %add3A_290 = arith.constant 0 : i32
      %add3A_291 = arith.addi %add3A_289, %add3A_290 : i32
      %dma_wait3A_292 = arith.constant 1 : i32
      %dma_wait3A_293 = arith.constant 0 : i32
      %dma_wait3A_294 = arith.constant 0 : i32
      %dma_wait3A_295 = tpu.memref_slice %arg7[%dma_wait3A_292, %dma_wait3A_293, %dma_wait3A_294] : memref<2x512x64xf32, #tpu.memory_space<vmem>> -> memref<1x512x64xf32, #tpu.memory_space<vmem>>
      %dma_wait3A_296 = tpu.memref_squeeze %dma_wait3A_295 : memref<1x512x64xf32, #tpu.memory_space<vmem>> -> memref<512x64xf32, #tpu.memory_space<vmem>>
      %dma_wait3A_297 = arith.constant 0 : i32
      %dma_wait3A_298 = arith.constant 0 : i32
      %dma_wait3A_299 = tpu.memref_slice %dma_wait3A_296[%dma_wait3A_297, %dma_wait3A_298] : memref<512x64xf32, #tpu.memory_space<vmem>> -> memref<128x64xf32, #tpu.memory_space<vmem>>
      %dma_wait3A_300 = arith.constant 0 : i32
      %dma_wait3A_301 = tpu.memref_slice %arg6[%add3A_291, %dma_wait3A_300] : memref<104x128xi32, #tpu.memory_space<vmem>> -> memref<1x128xi32, #tpu.memory_space<vmem>>
      %dma_wait3A_302 = tpu.memref_squeeze %dma_wait3A_301 : memref<1x128xi32, #tpu.memory_space<vmem>> -> memref<128xi32, #tpu.memory_space<vmem>>
      %dma_wait3A_303 = arith.constant 0 : i32
      %dma_wait3A_304 = arith.constant 0 : i32
      %dma_wait3A_305 = tpu.memref_slice %arg2[%dma_wait3A_303, %dma_wait3A_304] : memref<100000x64xf32, #tpu.memory_space<hbm>> -> memref<100000x64xf32, #tpu.memory_space<hbm>>
      tpu.wait_indirect_dma semaphore(%arg9 : memref<!tpu.dma_semaphore, #tpu.memory_space<semaphore_mem>>) src(%dma_wait3A_305 : memref<100000x64xf32, #tpu.memory_space<hbm>>) dst(%dma_wait3A_299 : memref<128x64xf32, #tpu.memory_space<vmem>>)
      %mul3A_306 = arith.constant 2 : i32
      %mul3A_307 = arith.muli %add3A_278, %mul3A_306 : i32
      %add3A_308 = arith.constant 0 : i32
      %add3A_309 = arith.addi %add3A_308, %mul3A_307 : i32
      %add3A_310 = arith.constant 1 : i32
      %add3A_311 = arith.addi %add3A_309, %add3A_310 : i32
      %dma_wait3A_312 = arith.constant 1 : i32
      %dma_wait3A_313 = arith.constant 0 : i32
      %dma_wait3A_314 = arith.constant 0 : i32
      %dma_wait3A_315 = tpu.memref_slice %arg7[%dma_wait3A_312, %dma_wait3A_313, %dma_wait3A_314] : memref<2x512x64xf32, #tpu.memory_space<vmem>> -> memref<1x512x64xf32, #tpu.memory_space<vmem>>
      %dma_wait3A_316 = tpu.memref_squeeze %dma_wait3A_315 : memref<1x512x64xf32, #tpu.memory_space<vmem>> -> memref<512x64xf32, #tpu.memory_space<vmem>>
      %dma_wait3A_317 = arith.constant 128 : i32
      %dma_wait3A_318 = arith.constant 0 : i32
      %dma_wait3A_319 = tpu.memref_slice %dma_wait3A_316[%dma_wait3A_317, %dma_wait3A_318] : memref<512x64xf32, #tpu.memory_space<vmem>> -> memref<128x64xf32, #tpu.memory_space<vmem>>
      %dma_wait3A_320 = arith.constant 0 : i32
      %dma_wait3A_321 = tpu.memref_slice %arg6[%add3A_311, %dma_wait3A_320] : memref<104x128xi32, #tpu.memory_space<vmem>> -> memref<1x128xi32, #tpu.memory_space<vmem>>
      %dma_wait3A_322 = tpu.memref_squeeze %dma_wait3A_321 : memref<1x128xi32, #tpu.memory_space<vmem>> -> memref<128xi32, #tpu.memory_space<vmem>>
      %dma_wait3A_323 = arith.constant 0 : i32
      %dma_wait3A_324 = arith.constant 0 : i32
      %dma_wait3A_325 = tpu.memref_slice %arg2[%dma_wait3A_323, %dma_wait3A_324] : memref<100000x64xf32, #tpu.memory_space<hbm>> -> memref<100000x64xf32, #tpu.memory_space<hbm>>
      tpu.wait_indirect_dma semaphore(%arg9 : memref<!tpu.dma_semaphore, #tpu.memory_space<semaphore_mem>>) src(%dma_wait3A_325 : memref<100000x64xf32, #tpu.memory_space<hbm>>) dst(%dma_wait3A_319 : memref<128x64xf32, #tpu.memory_space<vmem>>)
      %mul3A_326 = arith.constant 2 : i32
      %mul3A_327 = arith.muli %add3A_278, %mul3A_326 : i32
      %add3A_328 = arith.constant 52 : i32
      %add3A_329 = arith.addi %add3A_328, %mul3A_327 : i32
      %add3A_330 = arith.constant 0 : i32
      %add3A_331 = arith.addi %add3A_329, %add3A_330 : i32
      %dma_wait3A_332 = arith.constant 1 : i32
      %dma_wait3A_333 = arith.constant 0 : i32
      %dma_wait3A_334 = arith.constant 0 : i32
      %dma_wait3A_335 = tpu.memref_slice %arg7[%dma_wait3A_332, %dma_wait3A_333, %dma_wait3A_334] : memref<2x512x64xf32, #tpu.memory_space<vmem>> -> memref<1x512x64xf32, #tpu.memory_space<vmem>>
      %dma_wait3A_336 = tpu.memref_squeeze %dma_wait3A_335 : memref<1x512x64xf32, #tpu.memory_space<vmem>> -> memref<512x64xf32, #tpu.memory_space<vmem>>
      %dma_wait3A_337 = arith.constant 256 : i32
      %dma_wait3A_338 = arith.constant 0 : i32
      %dma_wait3A_339 = tpu.memref_slice %dma_wait3A_336[%dma_wait3A_337, %dma_wait3A_338] : memref<512x64xf32, #tpu.memory_space<vmem>> -> memref<128x64xf32, #tpu.memory_space<vmem>>
      %dma_wait3A_340 = arith.constant 0 : i32
      %dma_wait3A_341 = tpu.memref_slice %arg6[%add3A_331, %dma_wait3A_340] : memref<104x128xi32, #tpu.memory_space<vmem>> -> memref<1x128xi32, #tpu.memory_space<vmem>>
      %dma_wait3A_342 = tpu.memref_squeeze %dma_wait3A_341 : memref<1x128xi32, #tpu.memory_space<vmem>> -> memref<128xi32, #tpu.memory_space<vmem>>
      %dma_wait3A_343 = arith.constant 0 : i32
      %dma_wait3A_344 = arith.constant 0 : i32
      %dma_wait3A_345 = tpu.memref_slice %arg2[%dma_wait3A_343, %dma_wait3A_344] : memref<100000x64xf32, #tpu.memory_space<hbm>> -> memref<100000x64xf32, #tpu.memory_space<hbm>>
      tpu.wait_indirect_dma semaphore(%arg9 : memref<!tpu.dma_semaphore, #tpu.memory_space<semaphore_mem>>) src(%dma_wait3A_345 : memref<100000x64xf32, #tpu.memory_space<hbm>>) dst(%dma_wait3A_339 : memref<128x64xf32, #tpu.memory_space<vmem>>)
      %mul3A_346 = arith.constant 2 : i32
      %mul3A_347 = arith.muli %add3A_278, %mul3A_346 : i32
      %add3A_348 = arith.constant 52 : i32
      %add3A_349 = arith.addi %add3A_348, %mul3A_347 : i32
      %add3A_350 = arith.constant 1 : i32
      %add3A_351 = arith.addi %add3A_349, %add3A_350 : i32
      %dma_wait3A_352 = arith.constant 1 : i32
      %dma_wait3A_353 = arith.constant 0 : i32
      %dma_wait3A_354 = arith.constant 0 : i32
      %dma_wait3A_355 = tpu.memref_slice %arg7[%dma_wait3A_352, %dma_wait3A_353, %dma_wait3A_354] : memref<2x512x64xf32, #tpu.memory_space<vmem>> -> memref<1x512x64xf32, #tpu.memory_space<vmem>>
      %dma_wait3A_356 = tpu.memref_squeeze %dma_wait3A_355 : memref<1x512x64xf32, #tpu.memory_space<vmem>> -> memref<512x64xf32, #tpu.memory_space<vmem>>
      %dma_wait3A_357 = arith.constant 384 : i32
      %dma_wait3A_358 = arith.constant 0 : i32
      %dma_wait3A_359 = tpu.memref_slice %dma_wait3A_356[%dma_wait3A_357, %dma_wait3A_358] : memref<512x64xf32, #tpu.memory_space<vmem>> -> memref<128x64xf32, #tpu.memory_space<vmem>>
      %dma_wait3A_360 = arith.constant 0 : i32
      %dma_wait3A_361 = tpu.memref_slice %arg6[%add3A_351, %dma_wait3A_360] : memref<104x128xi32, #tpu.memory_space<vmem>> -> memref<1x128xi32, #tpu.memory_space<vmem>>
      %dma_wait3A_362 = tpu.memref_squeeze %dma_wait3A_361 : memref<1x128xi32, #tpu.memory_space<vmem>> -> memref<128xi32, #tpu.memory_space<vmem>>
      %dma_wait3A_363 = arith.constant 0 : i32
      %dma_wait3A_364 = arith.constant 0 : i32
      %dma_wait3A_365 = tpu.memref_slice %arg2[%dma_wait3A_363, %dma_wait3A_364] : memref<100000x64xf32, #tpu.memory_space<hbm>> -> memref<100000x64xf32, #tpu.memory_space<hbm>>
      tpu.wait_indirect_dma semaphore(%arg9 : memref<!tpu.dma_semaphore, #tpu.memory_space<semaphore_mem>>) src(%dma_wait3A_365 : memref<100000x64xf32, #tpu.memory_space<hbm>>) dst(%dma_wait3A_359 : memref<128x64xf32, #tpu.memory_space<vmem>>)
      %mul3A_366 = arith.constant 256 : i32
      %mul3A_367 = arith.muli %add3A_278, %mul3A_366 : i32
      %add3A_368 = arith.addi %mul3A_2, %mul3A_367 : i32
      %dma_start3A_369 = arith.constant 1 : i32
      %dma_start3A_370 = arith.constant 0 : i32
      %dma_start3A_371 = arith.constant 0 : i32
      %dma_start3A_372 = tpu.memref_slice %arg7[%dma_start3A_369, %dma_start3A_370, %dma_start3A_371] : memref<2x512x64xf32, #tpu.memory_space<vmem>> -> memref<1x512x64xf32, #tpu.memory_space<vmem>>
      %dma_start3A_373 = tpu.memref_squeeze %dma_start3A_372 : memref<1x512x64xf32, #tpu.memory_space<vmem>> -> memref<512x64xf32, #tpu.memory_space<vmem>>
      %dma_start3A_374 = arith.constant 0 : i32
      %dma_start3A_375 = arith.constant 0 : i32
      %dma_start3A_376 = tpu.memref_slice %dma_start3A_373[%dma_start3A_374, %dma_start3A_375] : memref<512x64xf32, #tpu.memory_space<vmem>> -> memref<256x64xf32, #tpu.memory_space<vmem>>
      %dma_start3A_377 = arith.constant 0 : i32
      %dma_start3A_378 = tpu.memref_slice %arg5[%add3A_368, %dma_start3A_377] : memref<212992x128xf32, #tpu.memory_space<hbm>> -> memref<256x64xf32, #tpu.memory_space<hbm>>
      %dma_start3A_379 = arith.constant 0 : i32
      %dma_start3A_380 = tpu.memref_slice %arg5[%add3A_368, %dma_start3A_379] : memref<212992x128xf32, #tpu.memory_space<hbm>> -> memref<256x64xf32, #tpu.memory_space<hbm>>
      %dma_start3A_381 = arith.constant 0 : i32
      %dma_start3A_382 = arith.constant 0 : i32
      %dma_start3A_383 = tpu.memref_slice %arg7[%dma_start3A_369, %dma_start3A_381, %dma_start3A_382] : memref<2x512x64xf32, #tpu.memory_space<vmem>> -> memref<1x512x64xf32, #tpu.memory_space<vmem>>
      %dma_start3A_384 = tpu.memref_squeeze %dma_start3A_383 : memref<1x512x64xf32, #tpu.memory_space<vmem>> -> memref<512x64xf32, #tpu.memory_space<vmem>>
      %dma_start3A_385 = arith.constant 0 : i32
      %dma_start3A_386 = arith.constant 0 : i32
      %dma_start3A_387 = tpu.memref_slice %dma_start3A_384[%dma_start3A_385, %dma_start3A_386] : memref<512x64xf32, #tpu.memory_space<vmem>> -> memref<256x64xf32, #tpu.memory_space<vmem>>
      tpu.enqueue_dma source(%dma_start3A_387 : memref<256x64xf32, #tpu.memory_space<vmem>>) target(%dma_start3A_380 : memref<256x64xf32, #tpu.memory_space<hbm>>) target_semaphore(%arg11 : memref<!tpu.dma_semaphore, #tpu.memory_space<semaphore_mem>>)
      %dma_start3A_388 = arith.constant 1 : i32
      %dma_start3A_389 = arith.constant 0 : i32
      %dma_start3A_390 = arith.constant 0 : i32
      %dma_start3A_391 = tpu.memref_slice %arg7[%dma_start3A_388, %dma_start3A_389, %dma_start3A_390] : memref<2x512x64xf32, #tpu.memory_space<vmem>> -> memref<1x512x64xf32, #tpu.memory_space<vmem>>
      %dma_start3A_392 = tpu.memref_squeeze %dma_start3A_391 : memref<1x512x64xf32, #tpu.memory_space<vmem>> -> memref<512x64xf32, #tpu.memory_space<vmem>>
      %dma_start3A_393 = arith.constant 256 : i32
      %dma_start3A_394 = arith.constant 0 : i32
      %dma_start3A_395 = tpu.memref_slice %dma_start3A_392[%dma_start3A_393, %dma_start3A_394] : memref<512x64xf32, #tpu.memory_space<vmem>> -> memref<256x64xf32, #tpu.memory_space<vmem>>
      %dma_start3A_396 = arith.constant 64 : i32
      %dma_start3A_397 = tpu.memref_slice %arg5[%add3A_368, %dma_start3A_396] : memref<212992x128xf32, #tpu.memory_space<hbm>> -> memref<256x64xf32, #tpu.memory_space<hbm>>
      %dma_start3A_398 = arith.constant 64 : i32
      %dma_start3A_399 = tpu.memref_slice %arg5[%add3A_368, %dma_start3A_398] : memref<212992x128xf32, #tpu.memory_space<hbm>> -> memref<256x64xf32, #tpu.memory_space<hbm>>
      %dma_start3A_400 = arith.constant 0 : i32
      %dma_start3A_401 = arith.constant 0 : i32
      %dma_start3A_402 = tpu.memref_slice %arg7[%dma_start3A_388, %dma_start3A_400, %dma_start3A_401] : memref<2x512x64xf32, #tpu.memory_space<vmem>> -> memref<1x512x64xf32, #tpu.memory_space<vmem>>
      %dma_start3A_403 = tpu.memref_squeeze %dma_start3A_402 : memref<1x512x64xf32, #tpu.memory_space<vmem>> -> memref<512x64xf32, #tpu.memory_space<vmem>>
      %dma_start3A_404 = arith.constant 256 : i32
      %dma_start3A_405 = arith.constant 0 : i32
      %dma_start3A_406 = tpu.memref_slice %dma_start3A_403[%dma_start3A_404, %dma_start3A_405] : memref<512x64xf32, #tpu.memory_space<vmem>> -> memref<256x64xf32, #tpu.memory_space<vmem>>
      tpu.enqueue_dma source(%dma_start3A_406 : memref<256x64xf32, #tpu.memory_space<vmem>>) target(%dma_start3A_399 : memref<256x64xf32, #tpu.memory_space<hbm>>) target_semaphore(%arg11 : memref<!tpu.dma_semaphore, #tpu.memory_space<semaphore_mem>>)
    }
    %scan3A_65 = arith.constant 13 : i32
    %add3A_66 = arith.constant 6144 : i32
    %add3A_67 = arith.addi %mul3A_2, %add3A_66 : i32
    %dma_wait3A = arith.constant 0 : i32
    %dma_wait3A_68 = arith.constant 0 : i32
    %dma_wait3A_69 = arith.constant 0 : i32
    %dma_wait3A_70 = tpu.memref_slice %arg7[%dma_wait3A, %dma_wait3A_68, %dma_wait3A_69] : memref<2x512x64xf32, #tpu.memory_space<vmem>> -> memref<1x512x64xf32, #tpu.memory_space<vmem>>
    %dma_wait3A_71 = tpu.memref_squeeze %dma_wait3A_70 : memref<1x512x64xf32, #tpu.memory_space<vmem>> -> memref<512x64xf32, #tpu.memory_space<vmem>>
    %dma_wait3A_72 = arith.constant 0 : i32
    %dma_wait3A_73 = arith.constant 0 : i32
    %dma_wait3A_74 = tpu.memref_slice %dma_wait3A_71[%dma_wait3A_72, %dma_wait3A_73] : memref<512x64xf32, #tpu.memory_space<vmem>> -> memref<256x64xf32, #tpu.memory_space<vmem>>
    %dma_wait3A_75 = arith.constant 0 : i32
    %dma_wait3A_76 = tpu.memref_slice %arg5[%add3A_67, %dma_wait3A_75] : memref<212992x128xf32, #tpu.memory_space<hbm>> -> memref<256x64xf32, #tpu.memory_space<hbm>>
    %dma_wait3A_77 = arith.constant 0 : i32
    %dma_wait3A_78 = tpu.memref_slice %arg5[%add3A_67, %dma_wait3A_77] : memref<212992x128xf32, #tpu.memory_space<hbm>> -> memref<256x64xf32, #tpu.memory_space<hbm>>
    %dma_wait3A_79 = arith.constant 0 : i32
    %dma_wait3A_80 = arith.constant 0 : i32
    %dma_wait3A_81 = tpu.memref_slice %arg7[%dma_wait3A, %dma_wait3A_79, %dma_wait3A_80] : memref<2x512x64xf32, #tpu.memory_space<vmem>> -> memref<1x512x64xf32, #tpu.memory_space<vmem>>
    %dma_wait3A_82 = tpu.memref_squeeze %dma_wait3A_81 : memref<1x512x64xf32, #tpu.memory_space<vmem>> -> memref<512x64xf32, #tpu.memory_space<vmem>>
    %dma_wait3A_83 = arith.constant 0 : i32
    %dma_wait3A_84 = arith.constant 0 : i32
    %dma_wait3A_85 = tpu.memref_slice %dma_wait3A_82[%dma_wait3A_83, %dma_wait3A_84] : memref<512x64xf32, #tpu.memory_space<vmem>> -> memref<256x64xf32, #tpu.memory_space<vmem>>
    tpu.wait_dma2 semaphore(%arg10 : memref<!tpu.dma_semaphore, #tpu.memory_space<semaphore_mem>>) src(%dma_wait3A_85 : memref<256x64xf32, #tpu.memory_space<vmem>>) dst(%dma_wait3A_78 : memref<256x64xf32, #tpu.memory_space<hbm>>)
    %dma_wait3A_86 = arith.constant 0 : i32
    %dma_wait3A_87 = arith.constant 0 : i32
    %dma_wait3A_88 = arith.constant 0 : i32
    %dma_wait3A_89 = tpu.memref_slice %arg7[%dma_wait3A_86, %dma_wait3A_87, %dma_wait3A_88] : memref<2x512x64xf32, #tpu.memory_space<vmem>> -> memref<1x512x64xf32, #tpu.memory_space<vmem>>
    %dma_wait3A_90 = tpu.memref_squeeze %dma_wait3A_89 : memref<1x512x64xf32, #tpu.memory_space<vmem>> -> memref<512x64xf32, #tpu.memory_space<vmem>>
    %dma_wait3A_91 = arith.constant 256 : i32
    %dma_wait3A_92 = arith.constant 0 : i32
    %dma_wait3A_93 = tpu.memref_slice %dma_wait3A_90[%dma_wait3A_91, %dma_wait3A_92] : memref<512x64xf32, #tpu.memory_space<vmem>> -> memref<256x64xf32, #tpu.memory_space<vmem>>
    %dma_wait3A_94 = arith.constant 64 : i32
    %dma_wait3A_95 = tpu.memref_slice %arg5[%add3A_67, %dma_wait3A_94] : memref<212992x128xf32, #tpu.memory_space<hbm>> -> memref<256x64xf32, #tpu.memory_space<hbm>>
    %dma_wait3A_96 = arith.constant 64 : i32
    %dma_wait3A_97 = tpu.memref_slice %arg5[%add3A_67, %dma_wait3A_96] : memref<212992x128xf32, #tpu.memory_space<hbm>> -> memref<256x64xf32, #tpu.memory_space<hbm>>
    %dma_wait3A_98 = arith.constant 0 : i32
    %dma_wait3A_99 = arith.constant 0 : i32
    %dma_wait3A_100 = tpu.memref_slice %arg7[%dma_wait3A_86, %dma_wait3A_98, %dma_wait3A_99] : memref<2x512x64xf32, #tpu.memory_space<vmem>> -> memref<1x512x64xf32, #tpu.memory_space<vmem>>
    %dma_wait3A_101 = tpu.memref_squeeze %dma_wait3A_100 : memref<1x512x64xf32, #tpu.memory_space<vmem>> -> memref<512x64xf32, #tpu.memory_space<vmem>>
    %dma_wait3A_102 = arith.constant 256 : i32
    %dma_wait3A_103 = arith.constant 0 : i32
    %dma_wait3A_104 = tpu.memref_slice %dma_wait3A_101[%dma_wait3A_102, %dma_wait3A_103] : memref<512x64xf32, #tpu.memory_space<vmem>> -> memref<256x64xf32, #tpu.memory_space<vmem>>
    tpu.wait_dma2 semaphore(%arg10 : memref<!tpu.dma_semaphore, #tpu.memory_space<semaphore_mem>>) src(%dma_wait3A_104 : memref<256x64xf32, #tpu.memory_space<vmem>>) dst(%dma_wait3A_97 : memref<256x64xf32, #tpu.memory_space<hbm>>)
    %add3A_105 = arith.constant 6400 : i32
    %add3A_106 = arith.addi %mul3A_2, %add3A_105 : i32
    %dma_wait3A_107 = arith.constant 1 : i32
    %dma_wait3A_108 = arith.constant 0 : i32
    %dma_wait3A_109 = arith.constant 0 : i32
    %dma_wait3A_110 = tpu.memref_slice %arg7[%dma_wait3A_107, %dma_wait3A_108, %dma_wait3A_109] : memref<2x512x64xf32, #tpu.memory_space<vmem>> -> memref<1x512x64xf32, #tpu.memory_space<vmem>>
    %dma_wait3A_111 = tpu.memref_squeeze %dma_wait3A_110 : memref<1x512x64xf32, #tpu.memory_space<vmem>> -> memref<512x64xf32, #tpu.memory_space<vmem>>
    %dma_wait3A_112 = arith.constant 0 : i32
    %dma_wait3A_113 = arith.constant 0 : i32
    %dma_wait3A_114 = tpu.memref_slice %dma_wait3A_111[%dma_wait3A_112, %dma_wait3A_113] : memref<512x64xf32, #tpu.memory_space<vmem>> -> memref<256x64xf32, #tpu.memory_space<vmem>>
    %dma_wait3A_115 = arith.constant 0 : i32
    %dma_wait3A_116 = tpu.memref_slice %arg5[%add3A_106, %dma_wait3A_115] : memref<212992x128xf32, #tpu.memory_space<hbm>> -> memref<256x64xf32, #tpu.memory_space<hbm>>
    %dma_wait3A_117 = arith.constant 0 : i32
    %dma_wait3A_118 = tpu.memref_slice %arg5[%add3A_106, %dma_wait3A_117] : memref<212992x128xf32, #tpu.memory_space<hbm>> -> memref<256x64xf32, #tpu.memory_space<hbm>>
    %dma_wait3A_119 = arith.constant 0 : i32
    %dma_wait3A_120 = arith.constant 0 : i32
    %dma_wait3A_121 = tpu.memref_slice %arg7[%dma_wait3A_107, %dma_wait3A_119, %dma_wait3A_120] : memref<2x512x64xf32, #tpu.memory_space<vmem>> -> memref<1x512x64xf32, #tpu.memory_space<vmem>>
    %dma_wait3A_122 = tpu.memref_squeeze %dma_wait3A_121 : memref<1x512x64xf32, #tpu.memory_space<vmem>> -> memref<512x64xf32, #tpu.memory_space<vmem>>
    %dma_wait3A_123 = arith.constant 0 : i32
    %dma_wait3A_124 = arith.constant 0 : i32
    %dma_wait3A_125 = tpu.memref_slice %dma_wait3A_122[%dma_wait3A_123, %dma_wait3A_124] : memref<512x64xf32, #tpu.memory_space<vmem>> -> memref<256x64xf32, #tpu.memory_space<vmem>>
    tpu.wait_dma2 semaphore(%arg11 : memref<!tpu.dma_semaphore, #tpu.memory_space<semaphore_mem>>) src(%dma_wait3A_125 : memref<256x64xf32, #tpu.memory_space<vmem>>) dst(%dma_wait3A_118 : memref<256x64xf32, #tpu.memory_space<hbm>>)
    %dma_wait3A_126 = arith.constant 1 : i32
    %dma_wait3A_127 = arith.constant 0 : i32
    %dma_wait3A_128 = arith.constant 0 : i32
    %dma_wait3A_129 = tpu.memref_slice %arg7[%dma_wait3A_126, %dma_wait3A_127, %dma_wait3A_128] : memref<2x512x64xf32, #tpu.memory_space<vmem>> -> memref<1x512x64xf32, #tpu.memory_space<vmem>>
    %dma_wait3A_130 = tpu.memref_squeeze %dma_wait3A_129 : memref<1x512x64xf32, #tpu.memory_space<vmem>> -> memref<512x64xf32, #tpu.memory_space<vmem>>
    %dma_wait3A_131 = arith.constant 256 : i32
    %dma_wait3A_132 = arith.constant 0 : i32
    %dma_wait3A_133 = tpu.memref_slice %dma_wait3A_130[%dma_wait3A_131, %dma_wait3A_132] : memref<512x64xf32, #tpu.memory_space<vmem>> -> memref<256x64xf32, #tpu.memory_space<vmem>>
    %dma_wait3A_134 = arith.constant 64 : i32
    %dma_wait3A_135 = tpu.memref_slice %arg5[%add3A_106, %dma_wait3A_134] : memref<212992x128xf32, #tpu.memory_space<hbm>> -> memref<256x64xf32, #tpu.memory_space<hbm>>
    %dma_wait3A_136 = arith.constant 64 : i32
    %dma_wait3A_137 = tpu.memref_slice %arg5[%add3A_106, %dma_wait3A_136] : memref<212992x128xf32, #tpu.memory_space<hbm>> -> memref<256x64xf32, #tpu.memory_space<hbm>>
    %dma_wait3A_138 = arith.constant 0 : i32
    %dma_wait3A_139 = arith.constant 0 : i32
    %dma_wait3A_140 = tpu.memref_slice %arg7[%dma_wait3A_126, %dma_wait3A_138, %dma_wait3A_139] : memref<2x512x64xf32, #tpu.memory_space<vmem>> -> memref<1x512x64xf32, #tpu.memory_space<vmem>>
    %dma_wait3A_141 = tpu.memref_squeeze %dma_wait3A_140 : memref<1x512x64xf32, #tpu.memory_space<vmem>> -> memref<512x64xf32, #tpu.memory_space<vmem>>
    %dma_wait3A_142 = arith.constant 256 : i32
    %dma_wait3A_143 = arith.constant 0 : i32
    %dma_wait3A_144 = tpu.memref_slice %dma_wait3A_141[%dma_wait3A_142, %dma_wait3A_143] : memref<512x64xf32, #tpu.memory_space<vmem>> -> memref<256x64xf32, #tpu.memory_space<vmem>>
    tpu.wait_dma2 semaphore(%arg11 : memref<!tpu.dma_semaphore, #tpu.memory_space<semaphore_mem>>) src(%dma_wait3A_144 : memref<256x64xf32, #tpu.memory_space<vmem>>) dst(%dma_wait3A_137 : memref<256x64xf32, #tpu.memory_space<hbm>>)
    return
  }
}

#map = affine_map<(d0, d1) -> (0, 0)>
#map1 = affine_map<(d0, d1) -> (0, 0, 0)>
module attributes {stable_mosaic.version = 14 : i64} {
  func.func @k(%arg0: i32, %arg1: i32, %arg2: memref<100000x64xf32, #tpu.memory_space<hbm>>, %arg3: memref<32x48x128xi32, #tpu.memory_space<hbm>>, %arg4: memref<32x48x128xi32, #tpu.memory_space<hbm>>, %arg5: memref<196608x128xf32, #tpu.memory_space<hbm>>, %arg6: memref<96x128xi32, #tpu.memory_space<vmem>>, %arg7: memref<2x512x64xf32, #tpu.memory_space<vmem>>, %arg8: memref<!tpu.dma_semaphore, #tpu.memory_space<semaphore_mem>>, %arg9: memref<!tpu.dma_semaphore, #tpu.memory_space<semaphore_mem>>, %arg10: memref<!tpu.dma_semaphore, #tpu.memory_space<semaphore_mem>>, %arg11: memref<!tpu.dma_semaphore, #tpu.memory_space<semaphore_mem>>) attributes {dimension_semantics = [#tpu.dimension_semantics<core_parallel>, #tpu.dimension_semantics<subcore_parallel>], iteration_bounds = array<i64: 2, 16>, scalar_prefetch = 0 : i64, scratch_operands = 6 : i64, tpu.core_type = #tpu.core_type<sc_vector_subcore>, window_params = [{transform_indices = #map}, {transform_indices = #map1}, {transform_indices = #map1}, {transform_indices = #map}]} {
    %mul3A = arith.constant 2 : i32
    %mul3A_0 = arith.muli %arg1, %mul3A : i32
    %add3A = arith.addi %mul3A_0, %arg0 : i32
    %mul3A_1 = arith.constant 6144 : i32
    %mul3A_2 = arith.muli %add3A, %mul3A_1 : i32
    "tpu.region"() ({
      %run_scoped3A = tpu.sem_alloc : memref<!tpu.dma_semaphore, #tpu.memory_space<semaphore_mem>>
      %dma_start3A_145 = arith.constant 0 : i32
      %dma_start3A_146 = arith.constant 0 : i32
      %dma_start3A_147 = tpu.memref_slice %arg6[%dma_start3A_145, %dma_start3A_146] : memref<96x128xi32, #tpu.memory_space<vmem>> -> memref<48x128xi32, #tpu.memory_space<vmem>>
      %dma_start3A_148 = arith.constant 0 : i32
      %dma_start3A_149 = arith.constant 0 : i32
      %dma_start3A_150 = tpu.memref_slice %arg3[%add3A, %dma_start3A_148, %dma_start3A_149] : memref<32x48x128xi32, #tpu.memory_space<hbm>> -> memref<1x48x128xi32, #tpu.memory_space<hbm>>
      %dma_start3A_151 = tpu.memref_squeeze %dma_start3A_150 : memref<1x48x128xi32, #tpu.memory_space<hbm>> -> memref<48x128xi32, #tpu.memory_space<hbm>>
      %dma_start3A_152 = arith.constant 0 : i32
      %dma_start3A_153 = arith.constant 0 : i32
      %dma_start3A_154 = tpu.memref_slice %arg6[%dma_start3A_152, %dma_start3A_153] : memref<96x128xi32, #tpu.memory_space<vmem>> -> memref<48x128xi32, #tpu.memory_space<vmem>>
      %dma_start3A_155 = arith.constant 0 : i32
      %dma_start3A_156 = arith.constant 0 : i32
      %dma_start3A_157 = tpu.memref_slice %arg3[%add3A, %dma_start3A_155, %dma_start3A_156] : memref<32x48x128xi32, #tpu.memory_space<hbm>> -> memref<1x48x128xi32, #tpu.memory_space<hbm>>
      %dma_start3A_158 = tpu.memref_squeeze %dma_start3A_157 : memref<1x48x128xi32, #tpu.memory_space<hbm>> -> memref<48x128xi32, #tpu.memory_space<hbm>>
      tpu.enqueue_dma source(%dma_start3A_158 : memref<48x128xi32, #tpu.memory_space<hbm>>) target(%dma_start3A_154 : memref<48x128xi32, #tpu.memory_space<vmem>>) target_semaphore(%run_scoped3A : memref<!tpu.dma_semaphore, #tpu.memory_space<semaphore_mem>>)
      %dma_wait3A_159 = arith.constant 0 : i32
      %dma_wait3A_160 = arith.constant 0 : i32
      %dma_wait3A_161 = tpu.memref_slice %arg6[%dma_wait3A_159, %dma_wait3A_160] : memref<96x128xi32, #tpu.memory_space<vmem>> -> memref<48x128xi32, #tpu.memory_space<vmem>>
      %dma_wait3A_162 = arith.constant 0 : i32
      %dma_wait3A_163 = arith.constant 0 : i32
      %dma_wait3A_164 = tpu.memref_slice %arg3[%add3A, %dma_wait3A_162, %dma_wait3A_163] : memref<32x48x128xi32, #tpu.memory_space<hbm>> -> memref<1x48x128xi32, #tpu.memory_space<hbm>>
      %dma_wait3A_165 = tpu.memref_squeeze %dma_wait3A_164 : memref<1x48x128xi32, #tpu.memory_space<hbm>> -> memref<48x128xi32, #tpu.memory_space<hbm>>
      %dma_wait3A_166 = arith.constant 0 : i32
      %dma_wait3A_167 = arith.constant 0 : i32
      %dma_wait3A_168 = tpu.memref_slice %arg6[%dma_wait3A_166, %dma_wait3A_167] : memref<96x128xi32, #tpu.memory_space<vmem>> -> memref<48x128xi32, #tpu.memory_space<vmem>>
      %dma_wait3A_169 = arith.constant 0 : i32
      %dma_wait3A_170 = arith.constant 0 : i32
      %dma_wait3A_171 = tpu.memref_slice %arg3[%add3A, %dma_wait3A_169, %dma_wait3A_170] : memref<32x48x128xi32, #tpu.memory_space<hbm>> -> memref<1x48x128xi32, #tpu.memory_space<hbm>>
      %dma_wait3A_172 = tpu.memref_squeeze %dma_wait3A_171 : memref<1x48x128xi32, #tpu.memory_space<hbm>> -> memref<48x128xi32, #tpu.memory_space<hbm>>
      tpu.wait_dma2 semaphore(%run_scoped3A : memref<!tpu.dma_semaphore, #tpu.memory_space<semaphore_mem>>) src(%dma_wait3A_172 : memref<48x128xi32, #tpu.memory_space<hbm>>) dst(%dma_wait3A_168 : memref<48x128xi32, #tpu.memory_space<vmem>>)
      tpu.yield
    }) : () -> ()
    "tpu.region"() ({
      %run_scoped3A = tpu.sem_alloc : memref<!tpu.dma_semaphore, #tpu.memory_space<semaphore_mem>>
      %dma_start3A_145 = arith.constant 48 : i32
      %dma_start3A_146 = arith.constant 0 : i32
      %dma_start3A_147 = tpu.memref_slice %arg6[%dma_start3A_145, %dma_start3A_146] : memref<96x128xi32, #tpu.memory_space<vmem>> -> memref<48x128xi32, #tpu.memory_space<vmem>>
      %dma_start3A_148 = arith.constant 0 : i32
      %dma_start3A_149 = arith.constant 0 : i32
      %dma_start3A_150 = tpu.memref_slice %arg4[%add3A, %dma_start3A_148, %dma_start3A_149] : memref<32x48x128xi32, #tpu.memory_space<hbm>> -> memref<1x48x128xi32, #tpu.memory_space<hbm>>
      %dma_start3A_151 = tpu.memref_squeeze %dma_start3A_150 : memref<1x48x128xi32, #tpu.memory_space<hbm>> -> memref<48x128xi32, #tpu.memory_space<hbm>>
      %dma_start3A_152 = arith.constant 48 : i32
      %dma_start3A_153 = arith.constant 0 : i32
      %dma_start3A_154 = tpu.memref_slice %arg6[%dma_start3A_152, %dma_start3A_153] : memref<96x128xi32, #tpu.memory_space<vmem>> -> memref<48x128xi32, #tpu.memory_space<vmem>>
      %dma_start3A_155 = arith.constant 0 : i32
      %dma_start3A_156 = arith.constant 0 : i32
      %dma_start3A_157 = tpu.memref_slice %arg4[%add3A, %dma_start3A_155, %dma_start3A_156] : memref<32x48x128xi32, #tpu.memory_space<hbm>> -> memref<1x48x128xi32, #tpu.memory_space<hbm>>
      %dma_start3A_158 = tpu.memref_squeeze %dma_start3A_157 : memref<1x48x128xi32, #tpu.memory_space<hbm>> -> memref<48x128xi32, #tpu.memory_space<hbm>>
      tpu.enqueue_dma source(%dma_start3A_158 : memref<48x128xi32, #tpu.memory_space<hbm>>) target(%dma_start3A_154 : memref<48x128xi32, #tpu.memory_space<vmem>>) target_semaphore(%run_scoped3A : memref<!tpu.dma_semaphore, #tpu.memory_space<semaphore_mem>>)
      %dma_wait3A_159 = arith.constant 48 : i32
      %dma_wait3A_160 = arith.constant 0 : i32
      %dma_wait3A_161 = tpu.memref_slice %arg6[%dma_wait3A_159, %dma_wait3A_160] : memref<96x128xi32, #tpu.memory_space<vmem>> -> memref<48x128xi32, #tpu.memory_space<vmem>>
      %dma_wait3A_162 = arith.constant 0 : i32
      %dma_wait3A_163 = arith.constant 0 : i32
      %dma_wait3A_164 = tpu.memref_slice %arg4[%add3A, %dma_wait3A_162, %dma_wait3A_163] : memref<32x48x128xi32, #tpu.memory_space<hbm>> -> memref<1x48x128xi32, #tpu.memory_space<hbm>>
      %dma_wait3A_165 = tpu.memref_squeeze %dma_wait3A_164 : memref<1x48x128xi32, #tpu.memory_space<hbm>> -> memref<48x128xi32, #tpu.memory_space<hbm>>
      %dma_wait3A_166 = arith.constant 48 : i32
      %dma_wait3A_167 = arith.constant 0 : i32
      %dma_wait3A_168 = tpu.memref_slice %arg6[%dma_wait3A_166, %dma_wait3A_167] : memref<96x128xi32, #tpu.memory_space<vmem>> -> memref<48x128xi32, #tpu.memory_space<vmem>>
      %dma_wait3A_169 = arith.constant 0 : i32
      %dma_wait3A_170 = arith.constant 0 : i32
      %dma_wait3A_171 = tpu.memref_slice %arg4[%add3A, %dma_wait3A_169, %dma_wait3A_170] : memref<32x48x128xi32, #tpu.memory_space<hbm>> -> memref<1x48x128xi32, #tpu.memory_space<hbm>>
      %dma_wait3A_172 = tpu.memref_squeeze %dma_wait3A_171 : memref<1x48x128xi32, #tpu.memory_space<hbm>> -> memref<48x128xi32, #tpu.memory_space<hbm>>
      tpu.wait_dma2 semaphore(%run_scoped3A : memref<!tpu.dma_semaphore, #tpu.memory_space<semaphore_mem>>) src(%dma_wait3A_172 : memref<48x128xi32, #tpu.memory_space<hbm>>) dst(%dma_wait3A_168 : memref<48x128xi32, #tpu.memory_space<vmem>>)
      tpu.yield
    }) : () -> ()
    %dma_start3A = arith.constant 0 : i32
    %dma_start3A_3 = arith.constant 0 : i32
    %dma_start3A_4 = arith.constant 0 : i32
    %dma_start3A_5 = arith.constant 0 : i32
    %dma_start3A_6 = tpu.memref_slice %arg7[%dma_start3A_3, %dma_start3A_4, %dma_start3A_5] : memref<2x512x64xf32, #tpu.memory_space<vmem>> -> memref<1x512x64xf32, #tpu.memory_space<vmem>>
    %dma_start3A_7 = tpu.memref_squeeze %dma_start3A_6 : memref<1x512x64xf32, #tpu.memory_space<vmem>> -> memref<512x64xf32, #tpu.memory_space<vmem>>
    %dma_start3A_8 = arith.constant 0 : i32
    %dma_start3A_9 = arith.constant 0 : i32
    %dma_start3A_10 = tpu.memref_slice %dma_start3A_7[%dma_start3A_8, %dma_start3A_9] : memref<512x64xf32, #tpu.memory_space<vmem>> -> memref<128x64xf32, #tpu.memory_space<vmem>>
    %dma_start3A_11 = arith.constant 0 : i32
    %dma_start3A_12 = tpu.memref_slice %arg6[%dma_start3A, %dma_start3A_11] : memref<96x128xi32, #tpu.memory_space<vmem>> -> memref<1x128xi32, #tpu.memory_space<vmem>>
    %dma_start3A_13 = tpu.memref_squeeze %dma_start3A_12 : memref<1x128xi32, #tpu.memory_space<vmem>> -> memref<128xi32, #tpu.memory_space<vmem>>
    %dma_start3A_14 = arith.constant 0 : i32
    %dma_start3A_15 = arith.constant 0 : i32
    %dma_start3A_16 = tpu.memref_slice %arg2[%dma_start3A_14, %dma_start3A_15] : memref<100000x64xf32, #tpu.memory_space<hbm>> -> memref<100000x64xf32, #tpu.memory_space<hbm>>
    tpu.enqueue_indirect_dma source(%dma_start3A_16 : memref<100000x64xf32, #tpu.memory_space<hbm>>) target(%dma_start3A_10 : memref<128x64xf32, #tpu.memory_space<vmem>>) offsets(%dma_start3A_13 : memref<128xi32, #tpu.memory_space<vmem>>) semaphore(%arg8 : memref<!tpu.dma_semaphore, #tpu.memory_space<semaphore_mem>>)
    %dma_start3A_17 = arith.constant 1 : i32
    %dma_start3A_18 = arith.constant 0 : i32
    %dma_start3A_19 = arith.constant 0 : i32
    %dma_start3A_20 = arith.constant 0 : i32
    %dma_start3A_21 = tpu.memref_slice %arg7[%dma_start3A_18, %dma_start3A_19, %dma_start3A_20] : memref<2x512x64xf32, #tpu.memory_space<vmem>> -> memref<1x512x64xf32, #tpu.memory_space<vmem>>
    %dma_start3A_22 = tpu.memref_squeeze %dma_start3A_21 : memref<1x512x64xf32, #tpu.memory_space<vmem>> -> memref<512x64xf32, #tpu.memory_space<vmem>>
    %dma_start3A_23 = arith.constant 128 : i32
    %dma_start3A_24 = arith.constant 0 : i32
    %dma_start3A_25 = tpu.memref_slice %dma_start3A_22[%dma_start3A_23, %dma_start3A_24] : memref<512x64xf32, #tpu.memory_space<vmem>> -> memref<128x64xf32, #tpu.memory_space<vmem>>
    %dma_start3A_26 = arith.constant 0 : i32
    %dma_start3A_27 = tpu.memref_slice %arg6[%dma_start3A_17, %dma_start3A_26] : memref<96x128xi32, #tpu.memory_space<vmem>> -> memref<1x128xi32, #tpu.memory_space<vmem>>
    %dma_start3A_28 = tpu.memref_squeeze %dma_start3A_27 : memref<1x128xi32, #tpu.memory_space<vmem>> -> memref<128xi32, #tpu.memory_space<vmem>>
    %dma_start3A_29 = arith.constant 0 : i32
    %dma_start3A_30 = arith.constant 0 : i32
    %dma_start3A_31 = tpu.memref_slice %arg2[%dma_start3A_29, %dma_start3A_30] : memref<100000x64xf32, #tpu.memory_space<hbm>> -> memref<100000x64xf32, #tpu.memory_space<hbm>>
    tpu.enqueue_indirect_dma source(%dma_start3A_31 : memref<100000x64xf32, #tpu.memory_space<hbm>>) target(%dma_start3A_25 : memref<128x64xf32, #tpu.memory_space<vmem>>) offsets(%dma_start3A_28 : memref<128xi32, #tpu.memory_space<vmem>>) semaphore(%arg8 : memref<!tpu.dma_semaphore, #tpu.memory_space<semaphore_mem>>)
    %dma_start3A_32 = arith.constant 48 : i32
    %dma_start3A_33 = arith.constant 0 : i32
    %dma_start3A_34 = arith.constant 0 : i32
    %dma_start3A_35 = arith.constant 0 : i32
    %dma_start3A_36 = tpu.memref_slice %arg7[%dma_start3A_33, %dma_start3A_34, %dma_start3A_35] : memref<2x512x64xf32, #tpu.memory_space<vmem>> -> memref<1x512x64xf32, #tpu.memory_space<vmem>>
    %dma_start3A_37 = tpu.memref_squeeze %dma_start3A_36 : memref<1x512x64xf32, #tpu.memory_space<vmem>> -> memref<512x64xf32, #tpu.memory_space<vmem>>
    %dma_start3A_38 = arith.constant 256 : i32
    %dma_start3A_39 = arith.constant 0 : i32
    %dma_start3A_40 = tpu.memref_slice %dma_start3A_37[%dma_start3A_38, %dma_start3A_39] : memref<512x64xf32, #tpu.memory_space<vmem>> -> memref<128x64xf32, #tpu.memory_space<vmem>>
    %dma_start3A_41 = arith.constant 0 : i32
    %dma_start3A_42 = tpu.memref_slice %arg6[%dma_start3A_32, %dma_start3A_41] : memref<96x128xi32, #tpu.memory_space<vmem>> -> memref<1x128xi32, #tpu.memory_space<vmem>>
    %dma_start3A_43 = tpu.memref_squeeze %dma_start3A_42 : memref<1x128xi32, #tpu.memory_space<vmem>> -> memref<128xi32, #tpu.memory_space<vmem>>
    %dma_start3A_44 = arith.constant 0 : i32
    %dma_start3A_45 = arith.constant 0 : i32
    %dma_start3A_46 = tpu.memref_slice %arg2[%dma_start3A_44, %dma_start3A_45] : memref<100000x64xf32, #tpu.memory_space<hbm>> -> memref<100000x64xf32, #tpu.memory_space<hbm>>
    tpu.enqueue_indirect_dma source(%dma_start3A_46 : memref<100000x64xf32, #tpu.memory_space<hbm>>) target(%dma_start3A_40 : memref<128x64xf32, #tpu.memory_space<vmem>>) offsets(%dma_start3A_43 : memref<128xi32, #tpu.memory_space<vmem>>) semaphore(%arg8 : memref<!tpu.dma_semaphore, #tpu.memory_space<semaphore_mem>>)
    %dma_start3A_47 = arith.constant 49 : i32
    %dma_start3A_48 = arith.constant 0 : i32
    %dma_start3A_49 = arith.constant 0 : i32
    %dma_start3A_50 = arith.constant 0 : i32
    %dma_start3A_51 = tpu.memref_slice %arg7[%dma_start3A_48, %dma_start3A_49, %dma_start3A_50] : memref<2x512x64xf32, #tpu.memory_space<vmem>> -> memref<1x512x64xf32, #tpu.memory_space<vmem>>
    %dma_start3A_52 = tpu.memref_squeeze %dma_start3A_51 : memref<1x512x64xf32, #tpu.memory_space<vmem>> -> memref<512x64xf32, #tpu.memory_space<vmem>>
    %dma_start3A_53 = arith.constant 384 : i32
    %dma_start3A_54 = arith.constant 0 : i32
    %dma_start3A_55 = tpu.memref_slice %dma_start3A_52[%dma_start3A_53, %dma_start3A_54] : memref<512x64xf32, #tpu.memory_space<vmem>> -> memref<128x64xf32, #tpu.memory_space<vmem>>
    %dma_start3A_56 = arith.constant 0 : i32
    %dma_start3A_57 = tpu.memref_slice %arg6[%dma_start3A_47, %dma_start3A_56] : memref<96x128xi32, #tpu.memory_space<vmem>> -> memref<1x128xi32, #tpu.memory_space<vmem>>
    %dma_start3A_58 = tpu.memref_squeeze %dma_start3A_57 : memref<1x128xi32, #tpu.memory_space<vmem>> -> memref<128xi32, #tpu.memory_space<vmem>>
    %dma_start3A_59 = arith.constant 0 : i32
    %dma_start3A_60 = arith.constant 0 : i32
    %dma_start3A_61 = tpu.memref_slice %arg2[%dma_start3A_59, %dma_start3A_60] : memref<100000x64xf32, #tpu.memory_space<hbm>> -> memref<100000x64xf32, #tpu.memory_space<hbm>>
    tpu.enqueue_indirect_dma source(%dma_start3A_61 : memref<100000x64xf32, #tpu.memory_space<hbm>>) target(%dma_start3A_55 : memref<128x64xf32, #tpu.memory_space<vmem>>) offsets(%dma_start3A_58 : memref<128xi32, #tpu.memory_space<vmem>>) semaphore(%arg8 : memref<!tpu.dma_semaphore, #tpu.memory_space<semaphore_mem>>)
    %scan3A = arith.constant 0 : i32
    %scan3A_62 = arith.constant 12 : i32
    %scan3A_63 = arith.addi %scan3A, %scan3A_62 : i32
    %scan3A_64 = arith.constant 1 : i32
    scf.for %scan3A_145 = %scan3A to %scan3A_63 step %scan3A_64  : i32 {
      %mul3A_146 = arith.constant 2 : i32
      %mul3A_147 = arith.muli %scan3A_145, %mul3A_146 : i32
      %add3A_148 = arith.constant 0 : i32
      %add3A_149 = arith.addi %add3A_148, %mul3A_147 : i32
      %add3A_150 = arith.constant 0 : i32
      %add3A_151 = arith.addi %add3A_149, %add3A_150 : i32
      %add3A_152 = arith.constant 1 : i32
      %add3A_153 = arith.addi %add3A_151, %add3A_152 : i32
      %lt3A = arith.constant 24 : i32
      %lt3A_154 = arith.cmpi slt, %add3A_153, %lt3A : i32
      %convert_element_type3A = arith.extui %lt3A_154 : i1 to i32
      %cond3A = arith.constant 0 : i32
      %cond3A_155 = arith.cmpi ne, %convert_element_type3A, %cond3A : i32
      scf.if %cond3A_155 {
        %ge3A = arith.constant 1 : i32
        %ge3A_407 = arith.cmpi sge, %add3A_151, %ge3A : i32
        %convert_element_type3A_408 = arith.extui %ge3A_407 : i1 to i32
        %cond3A_409 = arith.constant 0 : i32
        %cond3A_410 = arith.cmpi ne, %convert_element_type3A_408, %cond3A_409 : i32
        scf.if %cond3A_410 {
          %sub3A = arith.constant 1 : i32
          %sub3A_493 = arith.subi %add3A_151, %sub3A : i32
          %mul3A_494 = arith.constant 256 : i32
          %mul3A_495 = arith.muli %sub3A_493, %mul3A_494 : i32
          %add3A_496 = arith.addi %mul3A_2, %mul3A_495 : i32
          %dma_wait3A_497 = arith.constant 1 : i32
          %dma_wait3A_498 = arith.constant 0 : i32
          %dma_wait3A_499 = arith.constant 0 : i32
          %dma_wait3A_500 = tpu.memref_slice %arg7[%dma_wait3A_497, %dma_wait3A_498, %dma_wait3A_499] : memref<2x512x64xf32, #tpu.memory_space<vmem>> -> memref<1x512x64xf32, #tpu.memory_space<vmem>>
          %dma_wait3A_501 = tpu.memref_squeeze %dma_wait3A_500 : memref<1x512x64xf32, #tpu.memory_space<vmem>> -> memref<512x64xf32, #tpu.memory_space<vmem>>
          %dma_wait3A_502 = arith.constant 0 : i32
          %dma_wait3A_503 = arith.constant 0 : i32
          %dma_wait3A_504 = tpu.memref_slice %dma_wait3A_501[%dma_wait3A_502, %dma_wait3A_503] : memref<512x64xf32, #tpu.memory_space<vmem>> -> memref<256x64xf32, #tpu.memory_space<vmem>>
          %dma_wait3A_505 = arith.constant 0 : i32
          %dma_wait3A_506 = tpu.memref_slice %arg5[%add3A_496, %dma_wait3A_505] : memref<196608x128xf32, #tpu.memory_space<hbm>> -> memref<256x64xf32, #tpu.memory_space<hbm>>
          %dma_wait3A_507 = arith.constant 0 : i32
          %dma_wait3A_508 = tpu.memref_slice %arg5[%add3A_496, %dma_wait3A_507] : memref<196608x128xf32, #tpu.memory_space<hbm>> -> memref<256x64xf32, #tpu.memory_space<hbm>>
          %dma_wait3A_509 = arith.constant 0 : i32
          %dma_wait3A_510 = arith.constant 0 : i32
          %dma_wait3A_511 = tpu.memref_slice %arg7[%dma_wait3A_497, %dma_wait3A_509, %dma_wait3A_510] : memref<2x512x64xf32, #tpu.memory_space<vmem>> -> memref<1x512x64xf32, #tpu.memory_space<vmem>>
          %dma_wait3A_512 = tpu.memref_squeeze %dma_wait3A_511 : memref<1x512x64xf32, #tpu.memory_space<vmem>> -> memref<512x64xf32, #tpu.memory_space<vmem>>
          %dma_wait3A_513 = arith.constant 0 : i32
          %dma_wait3A_514 = arith.constant 0 : i32
          %dma_wait3A_515 = tpu.memref_slice %dma_wait3A_512[%dma_wait3A_513, %dma_wait3A_514] : memref<512x64xf32, #tpu.memory_space<vmem>> -> memref<256x64xf32, #tpu.memory_space<vmem>>
          tpu.wait_dma2 semaphore(%arg11 : memref<!tpu.dma_semaphore, #tpu.memory_space<semaphore_mem>>) src(%dma_wait3A_515 : memref<256x64xf32, #tpu.memory_space<vmem>>) dst(%dma_wait3A_508 : memref<256x64xf32, #tpu.memory_space<hbm>>)
          %dma_wait3A_516 = arith.constant 1 : i32
          %dma_wait3A_517 = arith.constant 0 : i32
          %dma_wait3A_518 = arith.constant 0 : i32
          %dma_wait3A_519 = tpu.memref_slice %arg7[%dma_wait3A_516, %dma_wait3A_517, %dma_wait3A_518] : memref<2x512x64xf32, #tpu.memory_space<vmem>> -> memref<1x512x64xf32, #tpu.memory_space<vmem>>
          %dma_wait3A_520 = tpu.memref_squeeze %dma_wait3A_519 : memref<1x512x64xf32, #tpu.memory_space<vmem>> -> memref<512x64xf32, #tpu.memory_space<vmem>>
          %dma_wait3A_521 = arith.constant 256 : i32
          %dma_wait3A_522 = arith.constant 0 : i32
          %dma_wait3A_523 = tpu.memref_slice %dma_wait3A_520[%dma_wait3A_521, %dma_wait3A_522] : memref<512x64xf32, #tpu.memory_space<vmem>> -> memref<256x64xf32, #tpu.memory_space<vmem>>
          %dma_wait3A_524 = arith.constant 64 : i32
          %dma_wait3A_525 = tpu.memref_slice %arg5[%add3A_496, %dma_wait3A_524] : memref<196608x128xf32, #tpu.memory_space<hbm>> -> memref<256x64xf32, #tpu.memory_space<hbm>>
          %dma_wait3A_526 = arith.constant 64 : i32
          %dma_wait3A_527 = tpu.memref_slice %arg5[%add3A_496, %dma_wait3A_526] : memref<196608x128xf32, #tpu.memory_space<hbm>> -> memref<256x64xf32, #tpu.memory_space<hbm>>
          %dma_wait3A_528 = arith.constant 0 : i32
          %dma_wait3A_529 = arith.constant 0 : i32
          %dma_wait3A_530 = tpu.memref_slice %arg7[%dma_wait3A_516, %dma_wait3A_528, %dma_wait3A_529] : memref<2x512x64xf32, #tpu.memory_space<vmem>> -> memref<1x512x64xf32, #tpu.memory_space<vmem>>
          %dma_wait3A_531 = tpu.memref_squeeze %dma_wait3A_530 : memref<1x512x64xf32, #tpu.memory_space<vmem>> -> memref<512x64xf32, #tpu.memory_space<vmem>>
          %dma_wait3A_532 = arith.constant 256 : i32
          %dma_wait3A_533 = arith.constant 0 : i32
          %dma_wait3A_534 = tpu.memref_slice %dma_wait3A_531[%dma_wait3A_532, %dma_wait3A_533] : memref<512x64xf32, #tpu.memory_space<vmem>> -> memref<256x64xf32, #tpu.memory_space<vmem>>
          tpu.wait_dma2 semaphore(%arg11 : memref<!tpu.dma_semaphore, #tpu.memory_space<semaphore_mem>>) src(%dma_wait3A_534 : memref<256x64xf32, #tpu.memory_space<vmem>>) dst(%dma_wait3A_527 : memref<256x64xf32, #tpu.memory_space<hbm>>)
        } else {
        }
        %add3A_411 = arith.constant 1 : i32
        %add3A_412 = arith.addi %add3A_151, %add3A_411 : i32
        %mul3A_413 = arith.constant 2 : i32
        %mul3A_414 = arith.muli %add3A_412, %mul3A_413 : i32
        %add3A_415 = arith.constant 0 : i32
        %add3A_416 = arith.addi %add3A_415, %mul3A_414 : i32
        %add3A_417 = arith.constant 0 : i32
        %add3A_418 = arith.addi %add3A_416, %add3A_417 : i32
        %dma_start3A_419 = arith.constant 1 : i32
        %dma_start3A_420 = arith.constant 0 : i32
        %dma_start3A_421 = arith.constant 0 : i32
        %dma_start3A_422 = tpu.memref_slice %arg7[%dma_start3A_419, %dma_start3A_420, %dma_start3A_421] : memref<2x512x64xf32, #tpu.memory_space<vmem>> -> memref<1x512x64xf32, #tpu.memory_space<vmem>>
        %dma_start3A_423 = tpu.memref_squeeze %dma_start3A_422 : memref<1x512x64xf32, #tpu.memory_space<vmem>> -> memref<512x64xf32, #tpu.memory_space<vmem>>
        %dma_start3A_424 = arith.constant 0 : i32
        %dma_start3A_425 = arith.constant 0 : i32
        %dma_start3A_426 = tpu.memref_slice %dma_start3A_423[%dma_start3A_424, %dma_start3A_425] : memref<512x64xf32, #tpu.memory_space<vmem>> -> memref<128x64xf32, #tpu.memory_space<vmem>>
        %dma_start3A_427 = arith.constant 0 : i32
        %dma_start3A_428 = tpu.memref_slice %arg6[%add3A_418, %dma_start3A_427] : memref<96x128xi32, #tpu.memory_space<vmem>> -> memref<1x128xi32, #tpu.memory_space<vmem>>
        %dma_start3A_429 = tpu.memref_squeeze %dma_start3A_428 : memref<1x128xi32, #tpu.memory_space<vmem>> -> memref<128xi32, #tpu.memory_space<vmem>>
        %dma_start3A_430 = arith.constant 0 : i32
        %dma_start3A_431 = arith.constant 0 : i32
        %dma_start3A_432 = tpu.memref_slice %arg2[%dma_start3A_430, %dma_start3A_431] : memref<100000x64xf32, #tpu.memory_space<hbm>> -> memref<100000x64xf32, #tpu.memory_space<hbm>>
        tpu.enqueue_indirect_dma source(%dma_start3A_432 : memref<100000x64xf32, #tpu.memory_space<hbm>>) target(%dma_start3A_426 : memref<128x64xf32, #tpu.memory_space<vmem>>) offsets(%dma_start3A_429 : memref<128xi32, #tpu.memory_space<vmem>>) semaphore(%arg9 : memref<!tpu.dma_semaphore, #tpu.memory_space<semaphore_mem>>)
        %mul3A_433 = arith.constant 2 : i32
        %mul3A_434 = arith.muli %add3A_412, %mul3A_433 : i32
        %add3A_435 = arith.constant 0 : i32
        %add3A_436 = arith.addi %add3A_435, %mul3A_434 : i32
        %add3A_437 = arith.constant 1 : i32
        %add3A_438 = arith.addi %add3A_436, %add3A_437 : i32
        %dma_start3A_439 = arith.constant 1 : i32
        %dma_start3A_440 = arith.constant 0 : i32
        %dma_start3A_441 = arith.constant 0 : i32
        %dma_start3A_442 = tpu.memref_slice %arg7[%dma_start3A_439, %dma_start3A_440, %dma_start3A_441] : memref<2x512x64xf32, #tpu.memory_space<vmem>> -> memref<1x512x64xf32, #tpu.memory_space<vmem>>
        %dma_start3A_443 = tpu.memref_squeeze %dma_start3A_442 : memref<1x512x64xf32, #tpu.memory_space<vmem>> -> memref<512x64xf32, #tpu.memory_space<vmem>>
        %dma_start3A_444 = arith.constant 128 : i32
        %dma_start3A_445 = arith.constant 0 : i32
        %dma_start3A_446 = tpu.memref_slice %dma_start3A_443[%dma_start3A_444, %dma_start3A_445] : memref<512x64xf32, #tpu.memory_space<vmem>> -> memref<128x64xf32, #tpu.memory_space<vmem>>
        %dma_start3A_447 = arith.constant 0 : i32
        %dma_start3A_448 = tpu.memref_slice %arg6[%add3A_438, %dma_start3A_447] : memref<96x128xi32, #tpu.memory_space<vmem>> -> memref<1x128xi32, #tpu.memory_space<vmem>>
        %dma_start3A_449 = tpu.memref_squeeze %dma_start3A_448 : memref<1x128xi32, #tpu.memory_space<vmem>> -> memref<128xi32, #tpu.memory_space<vmem>>
        %dma_start3A_450 = arith.constant 0 : i32
        %dma_start3A_451 = arith.constant 0 : i32
        %dma_start3A_452 = tpu.memref_slice %arg2[%dma_start3A_450, %dma_start3A_451] : memref<100000x64xf32, #tpu.memory_space<hbm>> -> memref<100000x64xf32, #tpu.memory_space<hbm>>
        tpu.enqueue_indirect_dma source(%dma_start3A_452 : memref<100000x64xf32, #tpu.memory_space<hbm>>) target(%dma_start3A_446 : memref<128x64xf32, #tpu.memory_space<vmem>>) offsets(%dma_start3A_449 : memref<128xi32, #tpu.memory_space<vmem>>) semaphore(%arg9 : memref<!tpu.dma_semaphore, #tpu.memory_space<semaphore_mem>>)
        %mul3A_453 = arith.constant 2 : i32
        %mul3A_454 = arith.muli %add3A_412, %mul3A_453 : i32
        %add3A_455 = arith.constant 48 : i32
        %add3A_456 = arith.addi %add3A_455, %mul3A_454 : i32
        %add3A_457 = arith.constant 0 : i32
        %add3A_458 = arith.addi %add3A_456, %add3A_457 : i32
        %dma_start3A_459 = arith.constant 1 : i32
        %dma_start3A_460 = arith.constant 0 : i32
        %dma_start3A_461 = arith.constant 0 : i32
        %dma_start3A_462 = tpu.memref_slice %arg7[%dma_start3A_459, %dma_start3A_460, %dma_start3A_461] : memref<2x512x64xf32, #tpu.memory_space<vmem>> -> memref<1x512x64xf32, #tpu.memory_space<vmem>>
        %dma_start3A_463 = tpu.memref_squeeze %dma_start3A_462 : memref<1x512x64xf32, #tpu.memory_space<vmem>> -> memref<512x64xf32, #tpu.memory_space<vmem>>
        %dma_start3A_464 = arith.constant 256 : i32
        %dma_start3A_465 = arith.constant 0 : i32
        %dma_start3A_466 = tpu.memref_slice %dma_start3A_463[%dma_start3A_464, %dma_start3A_465] : memref<512x64xf32, #tpu.memory_space<vmem>> -> memref<128x64xf32, #tpu.memory_space<vmem>>
        %dma_start3A_467 = arith.constant 0 : i32
        %dma_start3A_468 = tpu.memref_slice %arg6[%add3A_458, %dma_start3A_467] : memref<96x128xi32, #tpu.memory_space<vmem>> -> memref<1x128xi32, #tpu.memory_space<vmem>>
        %dma_start3A_469 = tpu.memref_squeeze %dma_start3A_468 : memref<1x128xi32, #tpu.memory_space<vmem>> -> memref<128xi32, #tpu.memory_space<vmem>>
        %dma_start3A_470 = arith.constant 0 : i32
        %dma_start3A_471 = arith.constant 0 : i32
        %dma_start3A_472 = tpu.memref_slice %arg2[%dma_start3A_470, %dma_start3A_471] : memref<100000x64xf32, #tpu.memory_space<hbm>> -> memref<100000x64xf32, #tpu.memory_space<hbm>>
        tpu.enqueue_indirect_dma source(%dma_start3A_472 : memref<100000x64xf32, #tpu.memory_space<hbm>>) target(%dma_start3A_466 : memref<128x64xf32, #tpu.memory_space<vmem>>) offsets(%dma_start3A_469 : memref<128xi32, #tpu.memory_space<vmem>>) semaphore(%arg9 : memref<!tpu.dma_semaphore, #tpu.memory_space<semaphore_mem>>)
        %mul3A_473 = arith.constant 2 : i32
        %mul3A_474 = arith.muli %add3A_412, %mul3A_473 : i32
        %add3A_475 = arith.constant 48 : i32
        %add3A_476 = arith.addi %add3A_475, %mul3A_474 : i32
        %add3A_477 = arith.constant 1 : i32
        %add3A_478 = arith.addi %add3A_476, %add3A_477 : i32
        %dma_start3A_479 = arith.constant 1 : i32
        %dma_start3A_480 = arith.constant 0 : i32
        %dma_start3A_481 = arith.constant 0 : i32
        %dma_start3A_482 = tpu.memref_slice %arg7[%dma_start3A_479, %dma_start3A_480, %dma_start3A_481] : memref<2x512x64xf32, #tpu.memory_space<vmem>> -> memref<1x512x64xf32, #tpu.memory_space<vmem>>
        %dma_start3A_483 = tpu.memref_squeeze %dma_start3A_482 : memref<1x512x64xf32, #tpu.memory_space<vmem>> -> memref<512x64xf32, #tpu.memory_space<vmem>>
        %dma_start3A_484 = arith.constant 384 : i32
        %dma_start3A_485 = arith.constant 0 : i32
        %dma_start3A_486 = tpu.memref_slice %dma_start3A_483[%dma_start3A_484, %dma_start3A_485] : memref<512x64xf32, #tpu.memory_space<vmem>> -> memref<128x64xf32, #tpu.memory_space<vmem>>
        %dma_start3A_487 = arith.constant 0 : i32
        %dma_start3A_488 = tpu.memref_slice %arg6[%add3A_478, %dma_start3A_487] : memref<96x128xi32, #tpu.memory_space<vmem>> -> memref<1x128xi32, #tpu.memory_space<vmem>>
        %dma_start3A_489 = tpu.memref_squeeze %dma_start3A_488 : memref<1x128xi32, #tpu.memory_space<vmem>> -> memref<128xi32, #tpu.memory_space<vmem>>
        %dma_start3A_490 = arith.constant 0 : i32
        %dma_start3A_491 = arith.constant 0 : i32
        %dma_start3A_492 = tpu.memref_slice %arg2[%dma_start3A_490, %dma_start3A_491] : memref<100000x64xf32, #tpu.memory_space<hbm>> -> memref<100000x64xf32, #tpu.memory_space<hbm>>
        tpu.enqueue_indirect_dma source(%dma_start3A_492 : memref<100000x64xf32, #tpu.memory_space<hbm>>) target(%dma_start3A_486 : memref<128x64xf32, #tpu.memory_space<vmem>>) offsets(%dma_start3A_489 : memref<128xi32, #tpu.memory_space<vmem>>) semaphore(%arg9 : memref<!tpu.dma_semaphore, #tpu.memory_space<semaphore_mem>>)
      } else {
      }
      %mul3A_156 = arith.constant 2 : i32
      %mul3A_157 = arith.muli %add3A_151, %mul3A_156 : i32
      %add3A_158 = arith.constant 0 : i32
      %add3A_159 = arith.addi %add3A_158, %mul3A_157 : i32
      %add3A_160 = arith.constant 0 : i32
      %add3A_161 = arith.addi %add3A_159, %add3A_160 : i32
      %dma_wait3A_162 = arith.constant 0 : i32
      %dma_wait3A_163 = arith.constant 0 : i32
      %dma_wait3A_164 = arith.constant 0 : i32
      %dma_wait3A_165 = tpu.memref_slice %arg7[%dma_wait3A_162, %dma_wait3A_163, %dma_wait3A_164] : memref<2x512x64xf32, #tpu.memory_space<vmem>> -> memref<1x512x64xf32, #tpu.memory_space<vmem>>
      %dma_wait3A_166 = tpu.memref_squeeze %dma_wait3A_165 : memref<1x512x64xf32, #tpu.memory_space<vmem>> -> memref<512x64xf32, #tpu.memory_space<vmem>>
      %dma_wait3A_167 = arith.constant 0 : i32
      %dma_wait3A_168 = arith.constant 0 : i32
      %dma_wait3A_169 = tpu.memref_slice %dma_wait3A_166[%dma_wait3A_167, %dma_wait3A_168] : memref<512x64xf32, #tpu.memory_space<vmem>> -> memref<128x64xf32, #tpu.memory_space<vmem>>
      %dma_wait3A_170 = arith.constant 0 : i32
      %dma_wait3A_171 = tpu.memref_slice %arg6[%add3A_161, %dma_wait3A_170] : memref<96x128xi32, #tpu.memory_space<vmem>> -> memref<1x128xi32, #tpu.memory_space<vmem>>
      %dma_wait3A_172 = tpu.memref_squeeze %dma_wait3A_171 : memref<1x128xi32, #tpu.memory_space<vmem>> -> memref<128xi32, #tpu.memory_space<vmem>>
      %dma_wait3A_173 = arith.constant 0 : i32
      %dma_wait3A_174 = arith.constant 0 : i32
      %dma_wait3A_175 = tpu.memref_slice %arg2[%dma_wait3A_173, %dma_wait3A_174] : memref<100000x64xf32, #tpu.memory_space<hbm>> -> memref<100000x64xf32, #tpu.memory_space<hbm>>
      tpu.wait_indirect_dma semaphore(%arg8 : memref<!tpu.dma_semaphore, #tpu.memory_space<semaphore_mem>>) src(%dma_wait3A_175 : memref<100000x64xf32, #tpu.memory_space<hbm>>) dst(%dma_wait3A_169 : memref<128x64xf32, #tpu.memory_space<vmem>>)
      %mul3A_176 = arith.constant 2 : i32
      %mul3A_177 = arith.muli %add3A_151, %mul3A_176 : i32
      %add3A_178 = arith.constant 0 : i32
      %add3A_179 = arith.addi %add3A_178, %mul3A_177 : i32
      %add3A_180 = arith.constant 1 : i32
      %add3A_181 = arith.addi %add3A_179, %add3A_180 : i32
      %dma_wait3A_182 = arith.constant 0 : i32
      %dma_wait3A_183 = arith.constant 0 : i32
      %dma_wait3A_184 = arith.constant 0 : i32
      %dma_wait3A_185 = tpu.memref_slice %arg7[%dma_wait3A_182, %dma_wait3A_183, %dma_wait3A_184] : memref<2x512x64xf32, #tpu.memory_space<vmem>> -> memref<1x512x64xf32, #tpu.memory_space<vmem>>
      %dma_wait3A_186 = tpu.memref_squeeze %dma_wait3A_185 : memref<1x512x64xf32, #tpu.memory_space<vmem>> -> memref<512x64xf32, #tpu.memory_space<vmem>>
      %dma_wait3A_187 = arith.constant 128 : i32
      %dma_wait3A_188 = arith.constant 0 : i32
      %dma_wait3A_189 = tpu.memref_slice %dma_wait3A_186[%dma_wait3A_187, %dma_wait3A_188] : memref<512x64xf32, #tpu.memory_space<vmem>> -> memref<128x64xf32, #tpu.memory_space<vmem>>
      %dma_wait3A_190 = arith.constant 0 : i32
      %dma_wait3A_191 = tpu.memref_slice %arg6[%add3A_181, %dma_wait3A_190] : memref<96x128xi32, #tpu.memory_space<vmem>> -> memref<1x128xi32, #tpu.memory_space<vmem>>
      %dma_wait3A_192 = tpu.memref_squeeze %dma_wait3A_191 : memref<1x128xi32, #tpu.memory_space<vmem>> -> memref<128xi32, #tpu.memory_space<vmem>>
      %dma_wait3A_193 = arith.constant 0 : i32
      %dma_wait3A_194 = arith.constant 0 : i32
      %dma_wait3A_195 = tpu.memref_slice %arg2[%dma_wait3A_193, %dma_wait3A_194] : memref<100000x64xf32, #tpu.memory_space<hbm>> -> memref<100000x64xf32, #tpu.memory_space<hbm>>
      tpu.wait_indirect_dma semaphore(%arg8 : memref<!tpu.dma_semaphore, #tpu.memory_space<semaphore_mem>>) src(%dma_wait3A_195 : memref<100000x64xf32, #tpu.memory_space<hbm>>) dst(%dma_wait3A_189 : memref<128x64xf32, #tpu.memory_space<vmem>>)
      %mul3A_196 = arith.constant 2 : i32
      %mul3A_197 = arith.muli %add3A_151, %mul3A_196 : i32
      %add3A_198 = arith.constant 48 : i32
      %add3A_199 = arith.addi %add3A_198, %mul3A_197 : i32
      %add3A_200 = arith.constant 0 : i32
      %add3A_201 = arith.addi %add3A_199, %add3A_200 : i32
      %dma_wait3A_202 = arith.constant 0 : i32
      %dma_wait3A_203 = arith.constant 0 : i32
      %dma_wait3A_204 = arith.constant 0 : i32
      %dma_wait3A_205 = tpu.memref_slice %arg7[%dma_wait3A_202, %dma_wait3A_203, %dma_wait3A_204] : memref<2x512x64xf32, #tpu.memory_space<vmem>> -> memref<1x512x64xf32, #tpu.memory_space<vmem>>
      %dma_wait3A_206 = tpu.memref_squeeze %dma_wait3A_205 : memref<1x512x64xf32, #tpu.memory_space<vmem>> -> memref<512x64xf32, #tpu.memory_space<vmem>>
      %dma_wait3A_207 = arith.constant 256 : i32
      %dma_wait3A_208 = arith.constant 0 : i32
      %dma_wait3A_209 = tpu.memref_slice %dma_wait3A_206[%dma_wait3A_207, %dma_wait3A_208] : memref<512x64xf32, #tpu.memory_space<vmem>> -> memref<128x64xf32, #tpu.memory_space<vmem>>
      %dma_wait3A_210 = arith.constant 0 : i32
      %dma_wait3A_211 = tpu.memref_slice %arg6[%add3A_201, %dma_wait3A_210] : memref<96x128xi32, #tpu.memory_space<vmem>> -> memref<1x128xi32, #tpu.memory_space<vmem>>
      %dma_wait3A_212 = tpu.memref_squeeze %dma_wait3A_211 : memref<1x128xi32, #tpu.memory_space<vmem>> -> memref<128xi32, #tpu.memory_space<vmem>>
      %dma_wait3A_213 = arith.constant 0 : i32
      %dma_wait3A_214 = arith.constant 0 : i32
      %dma_wait3A_215 = tpu.memref_slice %arg2[%dma_wait3A_213, %dma_wait3A_214] : memref<100000x64xf32, #tpu.memory_space<hbm>> -> memref<100000x64xf32, #tpu.memory_space<hbm>>
      tpu.wait_indirect_dma semaphore(%arg8 : memref<!tpu.dma_semaphore, #tpu.memory_space<semaphore_mem>>) src(%dma_wait3A_215 : memref<100000x64xf32, #tpu.memory_space<hbm>>) dst(%dma_wait3A_209 : memref<128x64xf32, #tpu.memory_space<vmem>>)
      %mul3A_216 = arith.constant 2 : i32
      %mul3A_217 = arith.muli %add3A_151, %mul3A_216 : i32
      %add3A_218 = arith.constant 48 : i32
      %add3A_219 = arith.addi %add3A_218, %mul3A_217 : i32
      %add3A_220 = arith.constant 1 : i32
      %add3A_221 = arith.addi %add3A_219, %add3A_220 : i32
      %dma_wait3A_222 = arith.constant 0 : i32
      %dma_wait3A_223 = arith.constant 0 : i32
      %dma_wait3A_224 = arith.constant 0 : i32
      %dma_wait3A_225 = tpu.memref_slice %arg7[%dma_wait3A_222, %dma_wait3A_223, %dma_wait3A_224] : memref<2x512x64xf32, #tpu.memory_space<vmem>> -> memref<1x512x64xf32, #tpu.memory_space<vmem>>
      %dma_wait3A_226 = tpu.memref_squeeze %dma_wait3A_225 : memref<1x512x64xf32, #tpu.memory_space<vmem>> -> memref<512x64xf32, #tpu.memory_space<vmem>>
      %dma_wait3A_227 = arith.constant 384 : i32
      %dma_wait3A_228 = arith.constant 0 : i32
      %dma_wait3A_229 = tpu.memref_slice %dma_wait3A_226[%dma_wait3A_227, %dma_wait3A_228] : memref<512x64xf32, #tpu.memory_space<vmem>> -> memref<128x64xf32, #tpu.memory_space<vmem>>
      %dma_wait3A_230 = arith.constant 0 : i32
      %dma_wait3A_231 = tpu.memref_slice %arg6[%add3A_221, %dma_wait3A_230] : memref<96x128xi32, #tpu.memory_space<vmem>> -> memref<1x128xi32, #tpu.memory_space<vmem>>
      %dma_wait3A_232 = tpu.memref_squeeze %dma_wait3A_231 : memref<1x128xi32, #tpu.memory_space<vmem>> -> memref<128xi32, #tpu.memory_space<vmem>>
      %dma_wait3A_233 = arith.constant 0 : i32
      %dma_wait3A_234 = arith.constant 0 : i32
      %dma_wait3A_235 = tpu.memref_slice %arg2[%dma_wait3A_233, %dma_wait3A_234] : memref<100000x64xf32, #tpu.memory_space<hbm>> -> memref<100000x64xf32, #tpu.memory_space<hbm>>
      tpu.wait_indirect_dma semaphore(%arg8 : memref<!tpu.dma_semaphore, #tpu.memory_space<semaphore_mem>>) src(%dma_wait3A_235 : memref<100000x64xf32, #tpu.memory_space<hbm>>) dst(%dma_wait3A_229 : memref<128x64xf32, #tpu.memory_space<vmem>>)
      %mul3A_236 = arith.constant 256 : i32
      %mul3A_237 = arith.muli %add3A_151, %mul3A_236 : i32
      %add3A_238 = arith.addi %mul3A_2, %mul3A_237 : i32
      %dma_start3A_239 = arith.constant 0 : i32
      %dma_start3A_240 = arith.constant 0 : i32
      %dma_start3A_241 = arith.constant 0 : i32
      %dma_start3A_242 = tpu.memref_slice %arg7[%dma_start3A_239, %dma_start3A_240, %dma_start3A_241] : memref<2x512x64xf32, #tpu.memory_space<vmem>> -> memref<1x512x64xf32, #tpu.memory_space<vmem>>
      %dma_start3A_243 = tpu.memref_squeeze %dma_start3A_242 : memref<1x512x64xf32, #tpu.memory_space<vmem>> -> memref<512x64xf32, #tpu.memory_space<vmem>>
      %dma_start3A_244 = arith.constant 0 : i32
      %dma_start3A_245 = arith.constant 0 : i32
      %dma_start3A_246 = tpu.memref_slice %dma_start3A_243[%dma_start3A_244, %dma_start3A_245] : memref<512x64xf32, #tpu.memory_space<vmem>> -> memref<256x64xf32, #tpu.memory_space<vmem>>
      %dma_start3A_247 = arith.constant 0 : i32
      %dma_start3A_248 = tpu.memref_slice %arg5[%add3A_238, %dma_start3A_247] : memref<196608x128xf32, #tpu.memory_space<hbm>> -> memref<256x64xf32, #tpu.memory_space<hbm>>
      %dma_start3A_249 = arith.constant 0 : i32
      %dma_start3A_250 = tpu.memref_slice %arg5[%add3A_238, %dma_start3A_249] : memref<196608x128xf32, #tpu.memory_space<hbm>> -> memref<256x64xf32, #tpu.memory_space<hbm>>
      %dma_start3A_251 = arith.constant 0 : i32
      %dma_start3A_252 = arith.constant 0 : i32
      %dma_start3A_253 = tpu.memref_slice %arg7[%dma_start3A_239, %dma_start3A_251, %dma_start3A_252] : memref<2x512x64xf32, #tpu.memory_space<vmem>> -> memref<1x512x64xf32, #tpu.memory_space<vmem>>
      %dma_start3A_254 = tpu.memref_squeeze %dma_start3A_253 : memref<1x512x64xf32, #tpu.memory_space<vmem>> -> memref<512x64xf32, #tpu.memory_space<vmem>>
      %dma_start3A_255 = arith.constant 0 : i32
      %dma_start3A_256 = arith.constant 0 : i32
      %dma_start3A_257 = tpu.memref_slice %dma_start3A_254[%dma_start3A_255, %dma_start3A_256] : memref<512x64xf32, #tpu.memory_space<vmem>> -> memref<256x64xf32, #tpu.memory_space<vmem>>
      tpu.enqueue_dma source(%dma_start3A_257 : memref<256x64xf32, #tpu.memory_space<vmem>>) target(%dma_start3A_250 : memref<256x64xf32, #tpu.memory_space<hbm>>) target_semaphore(%arg10 : memref<!tpu.dma_semaphore, #tpu.memory_space<semaphore_mem>>)
      %dma_start3A_258 = arith.constant 0 : i32
      %dma_start3A_259 = arith.constant 0 : i32
      %dma_start3A_260 = arith.constant 0 : i32
      %dma_start3A_261 = tpu.memref_slice %arg7[%dma_start3A_258, %dma_start3A_259, %dma_start3A_260] : memref<2x512x64xf32, #tpu.memory_space<vmem>> -> memref<1x512x64xf32, #tpu.memory_space<vmem>>
      %dma_start3A_262 = tpu.memref_squeeze %dma_start3A_261 : memref<1x512x64xf32, #tpu.memory_space<vmem>> -> memref<512x64xf32, #tpu.memory_space<vmem>>
      %dma_start3A_263 = arith.constant 256 : i32
      %dma_start3A_264 = arith.constant 0 : i32
      %dma_start3A_265 = tpu.memref_slice %dma_start3A_262[%dma_start3A_263, %dma_start3A_264] : memref<512x64xf32, #tpu.memory_space<vmem>> -> memref<256x64xf32, #tpu.memory_space<vmem>>
      %dma_start3A_266 = arith.constant 64 : i32
      %dma_start3A_267 = tpu.memref_slice %arg5[%add3A_238, %dma_start3A_266] : memref<196608x128xf32, #tpu.memory_space<hbm>> -> memref<256x64xf32, #tpu.memory_space<hbm>>
      %dma_start3A_268 = arith.constant 64 : i32
      %dma_start3A_269 = tpu.memref_slice %arg5[%add3A_238, %dma_start3A_268] : memref<196608x128xf32, #tpu.memory_space<hbm>> -> memref<256x64xf32, #tpu.memory_space<hbm>>
      %dma_start3A_270 = arith.constant 0 : i32
      %dma_start3A_271 = arith.constant 0 : i32
      %dma_start3A_272 = tpu.memref_slice %arg7[%dma_start3A_258, %dma_start3A_270, %dma_start3A_271] : memref<2x512x64xf32, #tpu.memory_space<vmem>> -> memref<1x512x64xf32, #tpu.memory_space<vmem>>
      %dma_start3A_273 = tpu.memref_squeeze %dma_start3A_272 : memref<1x512x64xf32, #tpu.memory_space<vmem>> -> memref<512x64xf32, #tpu.memory_space<vmem>>
      %dma_start3A_274 = arith.constant 256 : i32
      %dma_start3A_275 = arith.constant 0 : i32
      %dma_start3A_276 = tpu.memref_slice %dma_start3A_273[%dma_start3A_274, %dma_start3A_275] : memref<512x64xf32, #tpu.memory_space<vmem>> -> memref<256x64xf32, #tpu.memory_space<vmem>>
      tpu.enqueue_dma source(%dma_start3A_276 : memref<256x64xf32, #tpu.memory_space<vmem>>) target(%dma_start3A_269 : memref<256x64xf32, #tpu.memory_space<hbm>>) target_semaphore(%arg10 : memref<!tpu.dma_semaphore, #tpu.memory_space<semaphore_mem>>)
      %add3A_277 = arith.constant 1 : i32
      %add3A_278 = arith.addi %add3A_149, %add3A_277 : i32
      %add3A_279 = arith.constant 1 : i32
      %add3A_280 = arith.addi %add3A_278, %add3A_279 : i32
      %lt3A_281 = arith.constant 24 : i32
      %lt3A_282 = arith.cmpi slt, %add3A_280, %lt3A_281 : i32
      %convert_element_type3A_283 = arith.extui %lt3A_282 : i1 to i32
      %cond3A_284 = arith.constant 0 : i32
      %cond3A_285 = arith.cmpi ne, %convert_element_type3A_283, %cond3A_284 : i32
      scf.if %cond3A_285 {
        %ge3A = arith.constant 1 : i32
        %ge3A_407 = arith.cmpi sge, %add3A_278, %ge3A : i32
        %convert_element_type3A_408 = arith.extui %ge3A_407 : i1 to i32
        %cond3A_409 = arith.constant 0 : i32
        %cond3A_410 = arith.cmpi ne, %convert_element_type3A_408, %cond3A_409 : i32
        scf.if %cond3A_410 {
          %sub3A = arith.constant 1 : i32
          %sub3A_493 = arith.subi %add3A_278, %sub3A : i32
          %mul3A_494 = arith.constant 256 : i32
          %mul3A_495 = arith.muli %sub3A_493, %mul3A_494 : i32
          %add3A_496 = arith.addi %mul3A_2, %mul3A_495 : i32
          %dma_wait3A_497 = arith.constant 0 : i32
          %dma_wait3A_498 = arith.constant 0 : i32
          %dma_wait3A_499 = arith.constant 0 : i32
          %dma_wait3A_500 = tpu.memref_slice %arg7[%dma_wait3A_497, %dma_wait3A_498, %dma_wait3A_499] : memref<2x512x64xf32, #tpu.memory_space<vmem>> -> memref<1x512x64xf32, #tpu.memory_space<vmem>>
          %dma_wait3A_501 = tpu.memref_squeeze %dma_wait3A_500 : memref<1x512x64xf32, #tpu.memory_space<vmem>> -> memref<512x64xf32, #tpu.memory_space<vmem>>
          %dma_wait3A_502 = arith.constant 0 : i32
          %dma_wait3A_503 = arith.constant 0 : i32
          %dma_wait3A_504 = tpu.memref_slice %dma_wait3A_501[%dma_wait3A_502, %dma_wait3A_503] : memref<512x64xf32, #tpu.memory_space<vmem>> -> memref<256x64xf32, #tpu.memory_space<vmem>>
          %dma_wait3A_505 = arith.constant 0 : i32
          %dma_wait3A_506 = tpu.memref_slice %arg5[%add3A_496, %dma_wait3A_505] : memref<196608x128xf32, #tpu.memory_space<hbm>> -> memref<256x64xf32, #tpu.memory_space<hbm>>
          %dma_wait3A_507 = arith.constant 0 : i32
          %dma_wait3A_508 = tpu.memref_slice %arg5[%add3A_496, %dma_wait3A_507] : memref<196608x128xf32, #tpu.memory_space<hbm>> -> memref<256x64xf32, #tpu.memory_space<hbm>>
          %dma_wait3A_509 = arith.constant 0 : i32
          %dma_wait3A_510 = arith.constant 0 : i32
          %dma_wait3A_511 = tpu.memref_slice %arg7[%dma_wait3A_497, %dma_wait3A_509, %dma_wait3A_510] : memref<2x512x64xf32, #tpu.memory_space<vmem>> -> memref<1x512x64xf32, #tpu.memory_space<vmem>>
          %dma_wait3A_512 = tpu.memref_squeeze %dma_wait3A_511 : memref<1x512x64xf32, #tpu.memory_space<vmem>> -> memref<512x64xf32, #tpu.memory_space<vmem>>
          %dma_wait3A_513 = arith.constant 0 : i32
          %dma_wait3A_514 = arith.constant 0 : i32
          %dma_wait3A_515 = tpu.memref_slice %dma_wait3A_512[%dma_wait3A_513, %dma_wait3A_514] : memref<512x64xf32, #tpu.memory_space<vmem>> -> memref<256x64xf32, #tpu.memory_space<vmem>>
          tpu.wait_dma2 semaphore(%arg10 : memref<!tpu.dma_semaphore, #tpu.memory_space<semaphore_mem>>) src(%dma_wait3A_515 : memref<256x64xf32, #tpu.memory_space<vmem>>) dst(%dma_wait3A_508 : memref<256x64xf32, #tpu.memory_space<hbm>>)
          %dma_wait3A_516 = arith.constant 0 : i32
          %dma_wait3A_517 = arith.constant 0 : i32
          %dma_wait3A_518 = arith.constant 0 : i32
          %dma_wait3A_519 = tpu.memref_slice %arg7[%dma_wait3A_516, %dma_wait3A_517, %dma_wait3A_518] : memref<2x512x64xf32, #tpu.memory_space<vmem>> -> memref<1x512x64xf32, #tpu.memory_space<vmem>>
          %dma_wait3A_520 = tpu.memref_squeeze %dma_wait3A_519 : memref<1x512x64xf32, #tpu.memory_space<vmem>> -> memref<512x64xf32, #tpu.memory_space<vmem>>
          %dma_wait3A_521 = arith.constant 256 : i32
          %dma_wait3A_522 = arith.constant 0 : i32
          %dma_wait3A_523 = tpu.memref_slice %dma_wait3A_520[%dma_wait3A_521, %dma_wait3A_522] : memref<512x64xf32, #tpu.memory_space<vmem>> -> memref<256x64xf32, #tpu.memory_space<vmem>>
          %dma_wait3A_524 = arith.constant 64 : i32
          %dma_wait3A_525 = tpu.memref_slice %arg5[%add3A_496, %dma_wait3A_524] : memref<196608x128xf32, #tpu.memory_space<hbm>> -> memref<256x64xf32, #tpu.memory_space<hbm>>
          %dma_wait3A_526 = arith.constant 64 : i32
          %dma_wait3A_527 = tpu.memref_slice %arg5[%add3A_496, %dma_wait3A_526] : memref<196608x128xf32, #tpu.memory_space<hbm>> -> memref<256x64xf32, #tpu.memory_space<hbm>>
          %dma_wait3A_528 = arith.constant 0 : i32
          %dma_wait3A_529 = arith.constant 0 : i32
          %dma_wait3A_530 = tpu.memref_slice %arg7[%dma_wait3A_516, %dma_wait3A_528, %dma_wait3A_529] : memref<2x512x64xf32, #tpu.memory_space<vmem>> -> memref<1x512x64xf32, #tpu.memory_space<vmem>>
          %dma_wait3A_531 = tpu.memref_squeeze %dma_wait3A_530 : memref<1x512x64xf32, #tpu.memory_space<vmem>> -> memref<512x64xf32, #tpu.memory_space<vmem>>
          %dma_wait3A_532 = arith.constant 256 : i32
          %dma_wait3A_533 = arith.constant 0 : i32
          %dma_wait3A_534 = tpu.memref_slice %dma_wait3A_531[%dma_wait3A_532, %dma_wait3A_533] : memref<512x64xf32, #tpu.memory_space<vmem>> -> memref<256x64xf32, #tpu.memory_space<vmem>>
          tpu.wait_dma2 semaphore(%arg10 : memref<!tpu.dma_semaphore, #tpu.memory_space<semaphore_mem>>) src(%dma_wait3A_534 : memref<256x64xf32, #tpu.memory_space<vmem>>) dst(%dma_wait3A_527 : memref<256x64xf32, #tpu.memory_space<hbm>>)
        } else {
        }
        %add3A_411 = arith.constant 1 : i32
        %add3A_412 = arith.addi %add3A_278, %add3A_411 : i32
        %mul3A_413 = arith.constant 2 : i32
        %mul3A_414 = arith.muli %add3A_412, %mul3A_413 : i32
        %add3A_415 = arith.constant 0 : i32
        %add3A_416 = arith.addi %add3A_415, %mul3A_414 : i32
        %add3A_417 = arith.constant 0 : i32
        %add3A_418 = arith.addi %add3A_416, %add3A_417 : i32
        %dma_start3A_419 = arith.constant 0 : i32
        %dma_start3A_420 = arith.constant 0 : i32
        %dma_start3A_421 = arith.constant 0 : i32
        %dma_start3A_422 = tpu.memref_slice %arg7[%dma_start3A_419, %dma_start3A_420, %dma_start3A_421] : memref<2x512x64xf32, #tpu.memory_space<vmem>> -> memref<1x512x64xf32, #tpu.memory_space<vmem>>
        %dma_start3A_423 = tpu.memref_squeeze %dma_start3A_422 : memref<1x512x64xf32, #tpu.memory_space<vmem>> -> memref<512x64xf32, #tpu.memory_space<vmem>>
        %dma_start3A_424 = arith.constant 0 : i32
        %dma_start3A_425 = arith.constant 0 : i32
        %dma_start3A_426 = tpu.memref_slice %dma_start3A_423[%dma_start3A_424, %dma_start3A_425] : memref<512x64xf32, #tpu.memory_space<vmem>> -> memref<128x64xf32, #tpu.memory_space<vmem>>
        %dma_start3A_427 = arith.constant 0 : i32
        %dma_start3A_428 = tpu.memref_slice %arg6[%add3A_418, %dma_start3A_427] : memref<96x128xi32, #tpu.memory_space<vmem>> -> memref<1x128xi32, #tpu.memory_space<vmem>>
        %dma_start3A_429 = tpu.memref_squeeze %dma_start3A_428 : memref<1x128xi32, #tpu.memory_space<vmem>> -> memref<128xi32, #tpu.memory_space<vmem>>
        %dma_start3A_430 = arith.constant 0 : i32
        %dma_start3A_431 = arith.constant 0 : i32
        %dma_start3A_432 = tpu.memref_slice %arg2[%dma_start3A_430, %dma_start3A_431] : memref<100000x64xf32, #tpu.memory_space<hbm>> -> memref<100000x64xf32, #tpu.memory_space<hbm>>
        tpu.enqueue_indirect_dma source(%dma_start3A_432 : memref<100000x64xf32, #tpu.memory_space<hbm>>) target(%dma_start3A_426 : memref<128x64xf32, #tpu.memory_space<vmem>>) offsets(%dma_start3A_429 : memref<128xi32, #tpu.memory_space<vmem>>) semaphore(%arg8 : memref<!tpu.dma_semaphore, #tpu.memory_space<semaphore_mem>>)
        %mul3A_433 = arith.constant 2 : i32
        %mul3A_434 = arith.muli %add3A_412, %mul3A_433 : i32
        %add3A_435 = arith.constant 0 : i32
        %add3A_436 = arith.addi %add3A_435, %mul3A_434 : i32
        %add3A_437 = arith.constant 1 : i32
        %add3A_438 = arith.addi %add3A_436, %add3A_437 : i32
        %dma_start3A_439 = arith.constant 0 : i32
        %dma_start3A_440 = arith.constant 0 : i32
        %dma_start3A_441 = arith.constant 0 : i32
        %dma_start3A_442 = tpu.memref_slice %arg7[%dma_start3A_439, %dma_start3A_440, %dma_start3A_441] : memref<2x512x64xf32, #tpu.memory_space<vmem>> -> memref<1x512x64xf32, #tpu.memory_space<vmem>>
        %dma_start3A_443 = tpu.memref_squeeze %dma_start3A_442 : memref<1x512x64xf32, #tpu.memory_space<vmem>> -> memref<512x64xf32, #tpu.memory_space<vmem>>
        %dma_start3A_444 = arith.constant 128 : i32
        %dma_start3A_445 = arith.constant 0 : i32
        %dma_start3A_446 = tpu.memref_slice %dma_start3A_443[%dma_start3A_444, %dma_start3A_445] : memref<512x64xf32, #tpu.memory_space<vmem>> -> memref<128x64xf32, #tpu.memory_space<vmem>>
        %dma_start3A_447 = arith.constant 0 : i32
        %dma_start3A_448 = tpu.memref_slice %arg6[%add3A_438, %dma_start3A_447] : memref<96x128xi32, #tpu.memory_space<vmem>> -> memref<1x128xi32, #tpu.memory_space<vmem>>
        %dma_start3A_449 = tpu.memref_squeeze %dma_start3A_448 : memref<1x128xi32, #tpu.memory_space<vmem>> -> memref<128xi32, #tpu.memory_space<vmem>>
        %dma_start3A_450 = arith.constant 0 : i32
        %dma_start3A_451 = arith.constant 0 : i32
        %dma_start3A_452 = tpu.memref_slice %arg2[%dma_start3A_450, %dma_start3A_451] : memref<100000x64xf32, #tpu.memory_space<hbm>> -> memref<100000x64xf32, #tpu.memory_space<hbm>>
        tpu.enqueue_indirect_dma source(%dma_start3A_452 : memref<100000x64xf32, #tpu.memory_space<hbm>>) target(%dma_start3A_446 : memref<128x64xf32, #tpu.memory_space<vmem>>) offsets(%dma_start3A_449 : memref<128xi32, #tpu.memory_space<vmem>>) semaphore(%arg8 : memref<!tpu.dma_semaphore, #tpu.memory_space<semaphore_mem>>)
        %mul3A_453 = arith.constant 2 : i32
        %mul3A_454 = arith.muli %add3A_412, %mul3A_453 : i32
        %add3A_455 = arith.constant 48 : i32
        %add3A_456 = arith.addi %add3A_455, %mul3A_454 : i32
        %add3A_457 = arith.constant 0 : i32
        %add3A_458 = arith.addi %add3A_456, %add3A_457 : i32
        %dma_start3A_459 = arith.constant 0 : i32
        %dma_start3A_460 = arith.constant 0 : i32
        %dma_start3A_461 = arith.constant 0 : i32
        %dma_start3A_462 = tpu.memref_slice %arg7[%dma_start3A_459, %dma_start3A_460, %dma_start3A_461] : memref<2x512x64xf32, #tpu.memory_space<vmem>> -> memref<1x512x64xf32, #tpu.memory_space<vmem>>
        %dma_start3A_463 = tpu.memref_squeeze %dma_start3A_462 : memref<1x512x64xf32, #tpu.memory_space<vmem>> -> memref<512x64xf32, #tpu.memory_space<vmem>>
        %dma_start3A_464 = arith.constant 256 : i32
        %dma_start3A_465 = arith.constant 0 : i32
        %dma_start3A_466 = tpu.memref_slice %dma_start3A_463[%dma_start3A_464, %dma_start3A_465] : memref<512x64xf32, #tpu.memory_space<vmem>> -> memref<128x64xf32, #tpu.memory_space<vmem>>
        %dma_start3A_467 = arith.constant 0 : i32
        %dma_start3A_468 = tpu.memref_slice %arg6[%add3A_458, %dma_start3A_467] : memref<96x128xi32, #tpu.memory_space<vmem>> -> memref<1x128xi32, #tpu.memory_space<vmem>>
        %dma_start3A_469 = tpu.memref_squeeze %dma_start3A_468 : memref<1x128xi32, #tpu.memory_space<vmem>> -> memref<128xi32, #tpu.memory_space<vmem>>
        %dma_start3A_470 = arith.constant 0 : i32
        %dma_start3A_471 = arith.constant 0 : i32
        %dma_start3A_472 = tpu.memref_slice %arg2[%dma_start3A_470, %dma_start3A_471] : memref<100000x64xf32, #tpu.memory_space<hbm>> -> memref<100000x64xf32, #tpu.memory_space<hbm>>
        tpu.enqueue_indirect_dma source(%dma_start3A_472 : memref<100000x64xf32, #tpu.memory_space<hbm>>) target(%dma_start3A_466 : memref<128x64xf32, #tpu.memory_space<vmem>>) offsets(%dma_start3A_469 : memref<128xi32, #tpu.memory_space<vmem>>) semaphore(%arg8 : memref<!tpu.dma_semaphore, #tpu.memory_space<semaphore_mem>>)
        %mul3A_473 = arith.constant 2 : i32
        %mul3A_474 = arith.muli %add3A_412, %mul3A_473 : i32
        %add3A_475 = arith.constant 48 : i32
        %add3A_476 = arith.addi %add3A_475, %mul3A_474 : i32
        %add3A_477 = arith.constant 1 : i32
        %add3A_478 = arith.addi %add3A_476, %add3A_477 : i32
        %dma_start3A_479 = arith.constant 0 : i32
        %dma_start3A_480 = arith.constant 0 : i32
        %dma_start3A_481 = arith.constant 0 : i32
        %dma_start3A_482 = tpu.memref_slice %arg7[%dma_start3A_479, %dma_start3A_480, %dma_start3A_481] : memref<2x512x64xf32, #tpu.memory_space<vmem>> -> memref<1x512x64xf32, #tpu.memory_space<vmem>>
        %dma_start3A_483 = tpu.memref_squeeze %dma_start3A_482 : memref<1x512x64xf32, #tpu.memory_space<vmem>> -> memref<512x64xf32, #tpu.memory_space<vmem>>
        %dma_start3A_484 = arith.constant 384 : i32
        %dma_start3A_485 = arith.constant 0 : i32
        %dma_start3A_486 = tpu.memref_slice %dma_start3A_483[%dma_start3A_484, %dma_start3A_485] : memref<512x64xf32, #tpu.memory_space<vmem>> -> memref<128x64xf32, #tpu.memory_space<vmem>>
        %dma_start3A_487 = arith.constant 0 : i32
        %dma_start3A_488 = tpu.memref_slice %arg6[%add3A_478, %dma_start3A_487] : memref<96x128xi32, #tpu.memory_space<vmem>> -> memref<1x128xi32, #tpu.memory_space<vmem>>
        %dma_start3A_489 = tpu.memref_squeeze %dma_start3A_488 : memref<1x128xi32, #tpu.memory_space<vmem>> -> memref<128xi32, #tpu.memory_space<vmem>>
        %dma_start3A_490 = arith.constant 0 : i32
        %dma_start3A_491 = arith.constant 0 : i32
        %dma_start3A_492 = tpu.memref_slice %arg2[%dma_start3A_490, %dma_start3A_491] : memref<100000x64xf32, #tpu.memory_space<hbm>> -> memref<100000x64xf32, #tpu.memory_space<hbm>>
        tpu.enqueue_indirect_dma source(%dma_start3A_492 : memref<100000x64xf32, #tpu.memory_space<hbm>>) target(%dma_start3A_486 : memref<128x64xf32, #tpu.memory_space<vmem>>) offsets(%dma_start3A_489 : memref<128xi32, #tpu.memory_space<vmem>>) semaphore(%arg8 : memref<!tpu.dma_semaphore, #tpu.memory_space<semaphore_mem>>)
      } else {
      }
      %mul3A_286 = arith.constant 2 : i32
      %mul3A_287 = arith.muli %add3A_278, %mul3A_286 : i32
      %add3A_288 = arith.constant 0 : i32
      %add3A_289 = arith.addi %add3A_288, %mul3A_287 : i32
      %add3A_290 = arith.constant 0 : i32
      %add3A_291 = arith.addi %add3A_289, %add3A_290 : i32
      %dma_wait3A_292 = arith.constant 1 : i32
      %dma_wait3A_293 = arith.constant 0 : i32
      %dma_wait3A_294 = arith.constant 0 : i32
      %dma_wait3A_295 = tpu.memref_slice %arg7[%dma_wait3A_292, %dma_wait3A_293, %dma_wait3A_294] : memref<2x512x64xf32, #tpu.memory_space<vmem>> -> memref<1x512x64xf32, #tpu.memory_space<vmem>>
      %dma_wait3A_296 = tpu.memref_squeeze %dma_wait3A_295 : memref<1x512x64xf32, #tpu.memory_space<vmem>> -> memref<512x64xf32, #tpu.memory_space<vmem>>
      %dma_wait3A_297 = arith.constant 0 : i32
      %dma_wait3A_298 = arith.constant 0 : i32
      %dma_wait3A_299 = tpu.memref_slice %dma_wait3A_296[%dma_wait3A_297, %dma_wait3A_298] : memref<512x64xf32, #tpu.memory_space<vmem>> -> memref<128x64xf32, #tpu.memory_space<vmem>>
      %dma_wait3A_300 = arith.constant 0 : i32
      %dma_wait3A_301 = tpu.memref_slice %arg6[%add3A_291, %dma_wait3A_300] : memref<96x128xi32, #tpu.memory_space<vmem>> -> memref<1x128xi32, #tpu.memory_space<vmem>>
      %dma_wait3A_302 = tpu.memref_squeeze %dma_wait3A_301 : memref<1x128xi32, #tpu.memory_space<vmem>> -> memref<128xi32, #tpu.memory_space<vmem>>
      %dma_wait3A_303 = arith.constant 0 : i32
      %dma_wait3A_304 = arith.constant 0 : i32
      %dma_wait3A_305 = tpu.memref_slice %arg2[%dma_wait3A_303, %dma_wait3A_304] : memref<100000x64xf32, #tpu.memory_space<hbm>> -> memref<100000x64xf32, #tpu.memory_space<hbm>>
      tpu.wait_indirect_dma semaphore(%arg9 : memref<!tpu.dma_semaphore, #tpu.memory_space<semaphore_mem>>) src(%dma_wait3A_305 : memref<100000x64xf32, #tpu.memory_space<hbm>>) dst(%dma_wait3A_299 : memref<128x64xf32, #tpu.memory_space<vmem>>)
      %mul3A_306 = arith.constant 2 : i32
      %mul3A_307 = arith.muli %add3A_278, %mul3A_306 : i32
      %add3A_308 = arith.constant 0 : i32
      %add3A_309 = arith.addi %add3A_308, %mul3A_307 : i32
      %add3A_310 = arith.constant 1 : i32
      %add3A_311 = arith.addi %add3A_309, %add3A_310 : i32
      %dma_wait3A_312 = arith.constant 1 : i32
      %dma_wait3A_313 = arith.constant 0 : i32
      %dma_wait3A_314 = arith.constant 0 : i32
      %dma_wait3A_315 = tpu.memref_slice %arg7[%dma_wait3A_312, %dma_wait3A_313, %dma_wait3A_314] : memref<2x512x64xf32, #tpu.memory_space<vmem>> -> memref<1x512x64xf32, #tpu.memory_space<vmem>>
      %dma_wait3A_316 = tpu.memref_squeeze %dma_wait3A_315 : memref<1x512x64xf32, #tpu.memory_space<vmem>> -> memref<512x64xf32, #tpu.memory_space<vmem>>
      %dma_wait3A_317 = arith.constant 128 : i32
      %dma_wait3A_318 = arith.constant 0 : i32
      %dma_wait3A_319 = tpu.memref_slice %dma_wait3A_316[%dma_wait3A_317, %dma_wait3A_318] : memref<512x64xf32, #tpu.memory_space<vmem>> -> memref<128x64xf32, #tpu.memory_space<vmem>>
      %dma_wait3A_320 = arith.constant 0 : i32
      %dma_wait3A_321 = tpu.memref_slice %arg6[%add3A_311, %dma_wait3A_320] : memref<96x128xi32, #tpu.memory_space<vmem>> -> memref<1x128xi32, #tpu.memory_space<vmem>>
      %dma_wait3A_322 = tpu.memref_squeeze %dma_wait3A_321 : memref<1x128xi32, #tpu.memory_space<vmem>> -> memref<128xi32, #tpu.memory_space<vmem>>
      %dma_wait3A_323 = arith.constant 0 : i32
      %dma_wait3A_324 = arith.constant 0 : i32
      %dma_wait3A_325 = tpu.memref_slice %arg2[%dma_wait3A_323, %dma_wait3A_324] : memref<100000x64xf32, #tpu.memory_space<hbm>> -> memref<100000x64xf32, #tpu.memory_space<hbm>>
      tpu.wait_indirect_dma semaphore(%arg9 : memref<!tpu.dma_semaphore, #tpu.memory_space<semaphore_mem>>) src(%dma_wait3A_325 : memref<100000x64xf32, #tpu.memory_space<hbm>>) dst(%dma_wait3A_319 : memref<128x64xf32, #tpu.memory_space<vmem>>)
      %mul3A_326 = arith.constant 2 : i32
      %mul3A_327 = arith.muli %add3A_278, %mul3A_326 : i32
      %add3A_328 = arith.constant 48 : i32
      %add3A_329 = arith.addi %add3A_328, %mul3A_327 : i32
      %add3A_330 = arith.constant 0 : i32
      %add3A_331 = arith.addi %add3A_329, %add3A_330 : i32
      %dma_wait3A_332 = arith.constant 1 : i32
      %dma_wait3A_333 = arith.constant 0 : i32
      %dma_wait3A_334 = arith.constant 0 : i32
      %dma_wait3A_335 = tpu.memref_slice %arg7[%dma_wait3A_332, %dma_wait3A_333, %dma_wait3A_334] : memref<2x512x64xf32, #tpu.memory_space<vmem>> -> memref<1x512x64xf32, #tpu.memory_space<vmem>>
      %dma_wait3A_336 = tpu.memref_squeeze %dma_wait3A_335 : memref<1x512x64xf32, #tpu.memory_space<vmem>> -> memref<512x64xf32, #tpu.memory_space<vmem>>
      %dma_wait3A_337 = arith.constant 256 : i32
      %dma_wait3A_338 = arith.constant 0 : i32
      %dma_wait3A_339 = tpu.memref_slice %dma_wait3A_336[%dma_wait3A_337, %dma_wait3A_338] : memref<512x64xf32, #tpu.memory_space<vmem>> -> memref<128x64xf32, #tpu.memory_space<vmem>>
      %dma_wait3A_340 = arith.constant 0 : i32
      %dma_wait3A_341 = tpu.memref_slice %arg6[%add3A_331, %dma_wait3A_340] : memref<96x128xi32, #tpu.memory_space<vmem>> -> memref<1x128xi32, #tpu.memory_space<vmem>>
      %dma_wait3A_342 = tpu.memref_squeeze %dma_wait3A_341 : memref<1x128xi32, #tpu.memory_space<vmem>> -> memref<128xi32, #tpu.memory_space<vmem>>
      %dma_wait3A_343 = arith.constant 0 : i32
      %dma_wait3A_344 = arith.constant 0 : i32
      %dma_wait3A_345 = tpu.memref_slice %arg2[%dma_wait3A_343, %dma_wait3A_344] : memref<100000x64xf32, #tpu.memory_space<hbm>> -> memref<100000x64xf32, #tpu.memory_space<hbm>>
      tpu.wait_indirect_dma semaphore(%arg9 : memref<!tpu.dma_semaphore, #tpu.memory_space<semaphore_mem>>) src(%dma_wait3A_345 : memref<100000x64xf32, #tpu.memory_space<hbm>>) dst(%dma_wait3A_339 : memref<128x64xf32, #tpu.memory_space<vmem>>)
      %mul3A_346 = arith.constant 2 : i32
      %mul3A_347 = arith.muli %add3A_278, %mul3A_346 : i32
      %add3A_348 = arith.constant 48 : i32
      %add3A_349 = arith.addi %add3A_348, %mul3A_347 : i32
      %add3A_350 = arith.constant 1 : i32
      %add3A_351 = arith.addi %add3A_349, %add3A_350 : i32
      %dma_wait3A_352 = arith.constant 1 : i32
      %dma_wait3A_353 = arith.constant 0 : i32
      %dma_wait3A_354 = arith.constant 0 : i32
      %dma_wait3A_355 = tpu.memref_slice %arg7[%dma_wait3A_352, %dma_wait3A_353, %dma_wait3A_354] : memref<2x512x64xf32, #tpu.memory_space<vmem>> -> memref<1x512x64xf32, #tpu.memory_space<vmem>>
      %dma_wait3A_356 = tpu.memref_squeeze %dma_wait3A_355 : memref<1x512x64xf32, #tpu.memory_space<vmem>> -> memref<512x64xf32, #tpu.memory_space<vmem>>
      %dma_wait3A_357 = arith.constant 384 : i32
      %dma_wait3A_358 = arith.constant 0 : i32
      %dma_wait3A_359 = tpu.memref_slice %dma_wait3A_356[%dma_wait3A_357, %dma_wait3A_358] : memref<512x64xf32, #tpu.memory_space<vmem>> -> memref<128x64xf32, #tpu.memory_space<vmem>>
      %dma_wait3A_360 = arith.constant 0 : i32
      %dma_wait3A_361 = tpu.memref_slice %arg6[%add3A_351, %dma_wait3A_360] : memref<96x128xi32, #tpu.memory_space<vmem>> -> memref<1x128xi32, #tpu.memory_space<vmem>>
      %dma_wait3A_362 = tpu.memref_squeeze %dma_wait3A_361 : memref<1x128xi32, #tpu.memory_space<vmem>> -> memref<128xi32, #tpu.memory_space<vmem>>
      %dma_wait3A_363 = arith.constant 0 : i32
      %dma_wait3A_364 = arith.constant 0 : i32
      %dma_wait3A_365 = tpu.memref_slice %arg2[%dma_wait3A_363, %dma_wait3A_364] : memref<100000x64xf32, #tpu.memory_space<hbm>> -> memref<100000x64xf32, #tpu.memory_space<hbm>>
      tpu.wait_indirect_dma semaphore(%arg9 : memref<!tpu.dma_semaphore, #tpu.memory_space<semaphore_mem>>) src(%dma_wait3A_365 : memref<100000x64xf32, #tpu.memory_space<hbm>>) dst(%dma_wait3A_359 : memref<128x64xf32, #tpu.memory_space<vmem>>)
      %mul3A_366 = arith.constant 256 : i32
      %mul3A_367 = arith.muli %add3A_278, %mul3A_366 : i32
      %add3A_368 = arith.addi %mul3A_2, %mul3A_367 : i32
      %dma_start3A_369 = arith.constant 1 : i32
      %dma_start3A_370 = arith.constant 0 : i32
      %dma_start3A_371 = arith.constant 0 : i32
      %dma_start3A_372 = tpu.memref_slice %arg7[%dma_start3A_369, %dma_start3A_370, %dma_start3A_371] : memref<2x512x64xf32, #tpu.memory_space<vmem>> -> memref<1x512x64xf32, #tpu.memory_space<vmem>>
      %dma_start3A_373 = tpu.memref_squeeze %dma_start3A_372 : memref<1x512x64xf32, #tpu.memory_space<vmem>> -> memref<512x64xf32, #tpu.memory_space<vmem>>
      %dma_start3A_374 = arith.constant 0 : i32
      %dma_start3A_375 = arith.constant 0 : i32
      %dma_start3A_376 = tpu.memref_slice %dma_start3A_373[%dma_start3A_374, %dma_start3A_375] : memref<512x64xf32, #tpu.memory_space<vmem>> -> memref<256x64xf32, #tpu.memory_space<vmem>>
      %dma_start3A_377 = arith.constant 0 : i32
      %dma_start3A_378 = tpu.memref_slice %arg5[%add3A_368, %dma_start3A_377] : memref<196608x128xf32, #tpu.memory_space<hbm>> -> memref<256x64xf32, #tpu.memory_space<hbm>>
      %dma_start3A_379 = arith.constant 0 : i32
      %dma_start3A_380 = tpu.memref_slice %arg5[%add3A_368, %dma_start3A_379] : memref<196608x128xf32, #tpu.memory_space<hbm>> -> memref<256x64xf32, #tpu.memory_space<hbm>>
      %dma_start3A_381 = arith.constant 0 : i32
      %dma_start3A_382 = arith.constant 0 : i32
      %dma_start3A_383 = tpu.memref_slice %arg7[%dma_start3A_369, %dma_start3A_381, %dma_start3A_382] : memref<2x512x64xf32, #tpu.memory_space<vmem>> -> memref<1x512x64xf32, #tpu.memory_space<vmem>>
      %dma_start3A_384 = tpu.memref_squeeze %dma_start3A_383 : memref<1x512x64xf32, #tpu.memory_space<vmem>> -> memref<512x64xf32, #tpu.memory_space<vmem>>
      %dma_start3A_385 = arith.constant 0 : i32
      %dma_start3A_386 = arith.constant 0 : i32
      %dma_start3A_387 = tpu.memref_slice %dma_start3A_384[%dma_start3A_385, %dma_start3A_386] : memref<512x64xf32, #tpu.memory_space<vmem>> -> memref<256x64xf32, #tpu.memory_space<vmem>>
      tpu.enqueue_dma source(%dma_start3A_387 : memref<256x64xf32, #tpu.memory_space<vmem>>) target(%dma_start3A_380 : memref<256x64xf32, #tpu.memory_space<hbm>>) target_semaphore(%arg11 : memref<!tpu.dma_semaphore, #tpu.memory_space<semaphore_mem>>)
      %dma_start3A_388 = arith.constant 1 : i32
      %dma_start3A_389 = arith.constant 0 : i32
      %dma_start3A_390 = arith.constant 0 : i32
      %dma_start3A_391 = tpu.memref_slice %arg7[%dma_start3A_388, %dma_start3A_389, %dma_start3A_390] : memref<2x512x64xf32, #tpu.memory_space<vmem>> -> memref<1x512x64xf32, #tpu.memory_space<vmem>>
      %dma_start3A_392 = tpu.memref_squeeze %dma_start3A_391 : memref<1x512x64xf32, #tpu.memory_space<vmem>> -> memref<512x64xf32, #tpu.memory_space<vmem>>
      %dma_start3A_393 = arith.constant 256 : i32
      %dma_start3A_394 = arith.constant 0 : i32
      %dma_start3A_395 = tpu.memref_slice %dma_start3A_392[%dma_start3A_393, %dma_start3A_394] : memref<512x64xf32, #tpu.memory_space<vmem>> -> memref<256x64xf32, #tpu.memory_space<vmem>>
      %dma_start3A_396 = arith.constant 64 : i32
      %dma_start3A_397 = tpu.memref_slice %arg5[%add3A_368, %dma_start3A_396] : memref<196608x128xf32, #tpu.memory_space<hbm>> -> memref<256x64xf32, #tpu.memory_space<hbm>>
      %dma_start3A_398 = arith.constant 64 : i32
      %dma_start3A_399 = tpu.memref_slice %arg5[%add3A_368, %dma_start3A_398] : memref<196608x128xf32, #tpu.memory_space<hbm>> -> memref<256x64xf32, #tpu.memory_space<hbm>>
      %dma_start3A_400 = arith.constant 0 : i32
      %dma_start3A_401 = arith.constant 0 : i32
      %dma_start3A_402 = tpu.memref_slice %arg7[%dma_start3A_388, %dma_start3A_400, %dma_start3A_401] : memref<2x512x64xf32, #tpu.memory_space<vmem>> -> memref<1x512x64xf32, #tpu.memory_space<vmem>>
      %dma_start3A_403 = tpu.memref_squeeze %dma_start3A_402 : memref<1x512x64xf32, #tpu.memory_space<vmem>> -> memref<512x64xf32, #tpu.memory_space<vmem>>
      %dma_start3A_404 = arith.constant 256 : i32
      %dma_start3A_405 = arith.constant 0 : i32
      %dma_start3A_406 = tpu.memref_slice %dma_start3A_403[%dma_start3A_404, %dma_start3A_405] : memref<512x64xf32, #tpu.memory_space<vmem>> -> memref<256x64xf32, #tpu.memory_space<vmem>>
      tpu.enqueue_dma source(%dma_start3A_406 : memref<256x64xf32, #tpu.memory_space<vmem>>) target(%dma_start3A_399 : memref<256x64xf32, #tpu.memory_space<hbm>>) target_semaphore(%arg11 : memref<!tpu.dma_semaphore, #tpu.memory_space<semaphore_mem>>)
    }
    %scan3A_65 = arith.constant 12 : i32
    %add3A_66 = arith.constant 5632 : i32
    %add3A_67 = arith.addi %mul3A_2, %add3A_66 : i32
    %dma_wait3A = arith.constant 0 : i32
    %dma_wait3A_68 = arith.constant 0 : i32
    %dma_wait3A_69 = arith.constant 0 : i32
    %dma_wait3A_70 = tpu.memref_slice %arg7[%dma_wait3A, %dma_wait3A_68, %dma_wait3A_69] : memref<2x512x64xf32, #tpu.memory_space<vmem>> -> memref<1x512x64xf32, #tpu.memory_space<vmem>>
    %dma_wait3A_71 = tpu.memref_squeeze %dma_wait3A_70 : memref<1x512x64xf32, #tpu.memory_space<vmem>> -> memref<512x64xf32, #tpu.memory_space<vmem>>
    %dma_wait3A_72 = arith.constant 0 : i32
    %dma_wait3A_73 = arith.constant 0 : i32
    %dma_wait3A_74 = tpu.memref_slice %dma_wait3A_71[%dma_wait3A_72, %dma_wait3A_73] : memref<512x64xf32, #tpu.memory_space<vmem>> -> memref<256x64xf32, #tpu.memory_space<vmem>>
    %dma_wait3A_75 = arith.constant 0 : i32
    %dma_wait3A_76 = tpu.memref_slice %arg5[%add3A_67, %dma_wait3A_75] : memref<196608x128xf32, #tpu.memory_space<hbm>> -> memref<256x64xf32, #tpu.memory_space<hbm>>
    %dma_wait3A_77 = arith.constant 0 : i32
    %dma_wait3A_78 = tpu.memref_slice %arg5[%add3A_67, %dma_wait3A_77] : memref<196608x128xf32, #tpu.memory_space<hbm>> -> memref<256x64xf32, #tpu.memory_space<hbm>>
    %dma_wait3A_79 = arith.constant 0 : i32
    %dma_wait3A_80 = arith.constant 0 : i32
    %dma_wait3A_81 = tpu.memref_slice %arg7[%dma_wait3A, %dma_wait3A_79, %dma_wait3A_80] : memref<2x512x64xf32, #tpu.memory_space<vmem>> -> memref<1x512x64xf32, #tpu.memory_space<vmem>>
    %dma_wait3A_82 = tpu.memref_squeeze %dma_wait3A_81 : memref<1x512x64xf32, #tpu.memory_space<vmem>> -> memref<512x64xf32, #tpu.memory_space<vmem>>
    %dma_wait3A_83 = arith.constant 0 : i32
    %dma_wait3A_84 = arith.constant 0 : i32
    %dma_wait3A_85 = tpu.memref_slice %dma_wait3A_82[%dma_wait3A_83, %dma_wait3A_84] : memref<512x64xf32, #tpu.memory_space<vmem>> -> memref<256x64xf32, #tpu.memory_space<vmem>>
    tpu.wait_dma2 semaphore(%arg10 : memref<!tpu.dma_semaphore, #tpu.memory_space<semaphore_mem>>) src(%dma_wait3A_85 : memref<256x64xf32, #tpu.memory_space<vmem>>) dst(%dma_wait3A_78 : memref<256x64xf32, #tpu.memory_space<hbm>>)
    %dma_wait3A_86 = arith.constant 0 : i32
    %dma_wait3A_87 = arith.constant 0 : i32
    %dma_wait3A_88 = arith.constant 0 : i32
    %dma_wait3A_89 = tpu.memref_slice %arg7[%dma_wait3A_86, %dma_wait3A_87, %dma_wait3A_88] : memref<2x512x64xf32, #tpu.memory_space<vmem>> -> memref<1x512x64xf32, #tpu.memory_space<vmem>>
    %dma_wait3A_90 = tpu.memref_squeeze %dma_wait3A_89 : memref<1x512x64xf32, #tpu.memory_space<vmem>> -> memref<512x64xf32, #tpu.memory_space<vmem>>
    %dma_wait3A_91 = arith.constant 256 : i32
    %dma_wait3A_92 = arith.constant 0 : i32
    %dma_wait3A_93 = tpu.memref_slice %dma_wait3A_90[%dma_wait3A_91, %dma_wait3A_92] : memref<512x64xf32, #tpu.memory_space<vmem>> -> memref<256x64xf32, #tpu.memory_space<vmem>>
    %dma_wait3A_94 = arith.constant 64 : i32
    %dma_wait3A_95 = tpu.memref_slice %arg5[%add3A_67, %dma_wait3A_94] : memref<196608x128xf32, #tpu.memory_space<hbm>> -> memref<256x64xf32, #tpu.memory_space<hbm>>
    %dma_wait3A_96 = arith.constant 64 : i32
    %dma_wait3A_97 = tpu.memref_slice %arg5[%add3A_67, %dma_wait3A_96] : memref<196608x128xf32, #tpu.memory_space<hbm>> -> memref<256x64xf32, #tpu.memory_space<hbm>>
    %dma_wait3A_98 = arith.constant 0 : i32
    %dma_wait3A_99 = arith.constant 0 : i32
    %dma_wait3A_100 = tpu.memref_slice %arg7[%dma_wait3A_86, %dma_wait3A_98, %dma_wait3A_99] : memref<2x512x64xf32, #tpu.memory_space<vmem>> -> memref<1x512x64xf32, #tpu.memory_space<vmem>>
    %dma_wait3A_101 = tpu.memref_squeeze %dma_wait3A_100 : memref<1x512x64xf32, #tpu.memory_space<vmem>> -> memref<512x64xf32, #tpu.memory_space<vmem>>
    %dma_wait3A_102 = arith.constant 256 : i32
    %dma_wait3A_103 = arith.constant 0 : i32
    %dma_wait3A_104 = tpu.memref_slice %dma_wait3A_101[%dma_wait3A_102, %dma_wait3A_103] : memref<512x64xf32, #tpu.memory_space<vmem>> -> memref<256x64xf32, #tpu.memory_space<vmem>>
    tpu.wait_dma2 semaphore(%arg10 : memref<!tpu.dma_semaphore, #tpu.memory_space<semaphore_mem>>) src(%dma_wait3A_104 : memref<256x64xf32, #tpu.memory_space<vmem>>) dst(%dma_wait3A_97 : memref<256x64xf32, #tpu.memory_space<hbm>>)
    %add3A_105 = arith.constant 5888 : i32
    %add3A_106 = arith.addi %mul3A_2, %add3A_105 : i32
    %dma_wait3A_107 = arith.constant 1 : i32
    %dma_wait3A_108 = arith.constant 0 : i32
    %dma_wait3A_109 = arith.constant 0 : i32
    %dma_wait3A_110 = tpu.memref_slice %arg7[%dma_wait3A_107, %dma_wait3A_108, %dma_wait3A_109] : memref<2x512x64xf32, #tpu.memory_space<vmem>> -> memref<1x512x64xf32, #tpu.memory_space<vmem>>
    %dma_wait3A_111 = tpu.memref_squeeze %dma_wait3A_110 : memref<1x512x64xf32, #tpu.memory_space<vmem>> -> memref<512x64xf32, #tpu.memory_space<vmem>>
    %dma_wait3A_112 = arith.constant 0 : i32
    %dma_wait3A_113 = arith.constant 0 : i32
    %dma_wait3A_114 = tpu.memref_slice %dma_wait3A_111[%dma_wait3A_112, %dma_wait3A_113] : memref<512x64xf32, #tpu.memory_space<vmem>> -> memref<256x64xf32, #tpu.memory_space<vmem>>
    %dma_wait3A_115 = arith.constant 0 : i32
    %dma_wait3A_116 = tpu.memref_slice %arg5[%add3A_106, %dma_wait3A_115] : memref<196608x128xf32, #tpu.memory_space<hbm>> -> memref<256x64xf32, #tpu.memory_space<hbm>>
    %dma_wait3A_117 = arith.constant 0 : i32
    %dma_wait3A_118 = tpu.memref_slice %arg5[%add3A_106, %dma_wait3A_117] : memref<196608x128xf32, #tpu.memory_space<hbm>> -> memref<256x64xf32, #tpu.memory_space<hbm>>
    %dma_wait3A_119 = arith.constant 0 : i32
    %dma_wait3A_120 = arith.constant 0 : i32
    %dma_wait3A_121 = tpu.memref_slice %arg7[%dma_wait3A_107, %dma_wait3A_119, %dma_wait3A_120] : memref<2x512x64xf32, #tpu.memory_space<vmem>> -> memref<1x512x64xf32, #tpu.memory_space<vmem>>
    %dma_wait3A_122 = tpu.memref_squeeze %dma_wait3A_121 : memref<1x512x64xf32, #tpu.memory_space<vmem>> -> memref<512x64xf32, #tpu.memory_space<vmem>>
    %dma_wait3A_123 = arith.constant 0 : i32
    %dma_wait3A_124 = arith.constant 0 : i32
    %dma_wait3A_125 = tpu.memref_slice %dma_wait3A_122[%dma_wait3A_123, %dma_wait3A_124] : memref<512x64xf32, #tpu.memory_space<vmem>> -> memref<256x64xf32, #tpu.memory_space<vmem>>
    tpu.wait_dma2 semaphore(%arg11 : memref<!tpu.dma_semaphore, #tpu.memory_space<semaphore_mem>>) src(%dma_wait3A_125 : memref<256x64xf32, #tpu.memory_space<vmem>>) dst(%dma_wait3A_118 : memref<256x64xf32, #tpu.memory_space<hbm>>)
    %dma_wait3A_126 = arith.constant 1 : i32
    %dma_wait3A_127 = arith.constant 0 : i32
    %dma_wait3A_128 = arith.constant 0 : i32
    %dma_wait3A_129 = tpu.memref_slice %arg7[%dma_wait3A_126, %dma_wait3A_127, %dma_wait3A_128] : memref<2x512x64xf32, #tpu.memory_space<vmem>> -> memref<1x512x64xf32, #tpu.memory_space<vmem>>
    %dma_wait3A_130 = tpu.memref_squeeze %dma_wait3A_129 : memref<1x512x64xf32, #tpu.memory_space<vmem>> -> memref<512x64xf32, #tpu.memory_space<vmem>>
    %dma_wait3A_131 = arith.constant 256 : i32
    %dma_wait3A_132 = arith.constant 0 : i32
    %dma_wait3A_133 = tpu.memref_slice %dma_wait3A_130[%dma_wait3A_131, %dma_wait3A_132] : memref<512x64xf32, #tpu.memory_space<vmem>> -> memref<256x64xf32, #tpu.memory_space<vmem>>
    %dma_wait3A_134 = arith.constant 64 : i32
    %dma_wait3A_135 = tpu.memref_slice %arg5[%add3A_106, %dma_wait3A_134] : memref<196608x128xf32, #tpu.memory_space<hbm>> -> memref<256x64xf32, #tpu.memory_space<hbm>>
    %dma_wait3A_136 = arith.constant 64 : i32
    %dma_wait3A_137 = tpu.memref_slice %arg5[%add3A_106, %dma_wait3A_136] : memref<196608x128xf32, #tpu.memory_space<hbm>> -> memref<256x64xf32, #tpu.memory_space<hbm>>
    %dma_wait3A_138 = arith.constant 0 : i32
    %dma_wait3A_139 = arith.constant 0 : i32
    %dma_wait3A_140 = tpu.memref_slice %arg7[%dma_wait3A_126, %dma_wait3A_138, %dma_wait3A_139] : memref<2x512x64xf32, #tpu.memory_space<vmem>> -> memref<1x512x64xf32, #tpu.memory_space<vmem>>
    %dma_wait3A_141 = tpu.memref_squeeze %dma_wait3A_140 : memref<1x512x64xf32, #tpu.memory_space<vmem>> -> memref<512x64xf32, #tpu.memory_space<vmem>>
    %dma_wait3A_142 = arith.constant 256 : i32
    %dma_wait3A_143 = arith.constant 0 : i32
    %dma_wait3A_144 = tpu.memref_slice %dma_wait3A_141[%dma_wait3A_142, %dma_wait3A_143] : memref<512x64xf32, #tpu.memory_space<vmem>> -> memref<256x64xf32, #tpu.memory_space<vmem>>
    tpu.wait_dma2 semaphore(%arg11 : memref<!tpu.dma_semaphore, #tpu.memory_space<semaphore_mem>>) src(%dma_wait3A_144 : memref<256x64xf32, #tpu.memory_space<vmem>>) dst(%dma_wait3A_137 : memref<256x64xf32, #tpu.memory_space<hbm>>)
    return
  }
}

module attributes {stable_mosaic.version = 14 : i64} {
  func.func @_scale_t_body(%arg0: i32, %arg1: memref<4096x128xf32, #tpu.memory_space<vmem>>, %arg2: memref<2x1x64x4096xf32, #tpu.memory_space<vmem>>) attributes {dimension_semantics = [#tpu.dimension_semantics<arbitrary>], iteration_bounds = array<i64: 100>, scalar_prefetch = 0 : i64, scratch_operands = 0 : i64, tpu.core_type = #tpu.core_type<tc>, window_params = [{transform_indices = @transform_0, window_bounds = array<i64: 4096, 128>}, {transform_indices = @transform_1, window_bounds = array<i64: 2, 1, 64, 4096>}]} {
    %scan3A = arith.constant 0 : i32
    %scan3A_0 = arith.constant 8 : i32
    %scan3A_1 = arith.addi %scan3A, %scan3A_0 : i32
    %scan3A_2 = arith.constant 1 : i32
    scf.for %scan3A_4 = %scan3A to %scan3A_1 step %scan3A_2  : i32 {
      %mul3A = arith.constant 1 : i32
      %mul3A_5 = arith.muli %scan3A_4, %mul3A : i32
      %add3A = arith.constant 0 : i32
      %add3A_6 = arith.addi %add3A, %mul3A_5 : i32
      %mul3A_7 = arith.constant 512 : i32
      %mul3A_8 = arith.muli %add3A_6, %mul3A_7 : i32
      %get3A = arith.index_cast %mul3A_8 : i32 to index
      %get3A_9 = arith.constant 0 : index
      %get3A_10 = vector.load %arg1[%get3A, %get3A_9] : memref<4096x128xf32, #tpu.memory_space<vmem>>, vector<512x128xf32>
      %transpose3A = tpu.transpose %get3A_10, [1, 0] : vector<512x128xf32> -> vector<128x512xf32>
      %mul3A_11 = arith.constant 8.000000e+00 : f32
      %mul3A_12 = vector.broadcast %mul3A_11 : f32 to vector<128x512xf32>
      %mul3A_13 = arith.mulf %transpose3A, %mul3A_12 : vector<128x512xf32>
      %reshape3A = vector.shape_cast %mul3A_13 : vector<128x512xf32> to vector<2x64x512xf32>
      %mul3A_14 = arith.constant 512 : i32
      %mul3A_15 = arith.muli %add3A_6, %mul3A_14 : i32
      %swap3A = arith.constant 0 : index
      %swap3A_16 = arith.constant 0 : index
      %swap3A_17 = arith.constant 0 : index
      %swap3A_18 = arith.index_cast %mul3A_15 : i32 to index
      %swap3A_19 = vector.load %arg2[%swap3A, %swap3A_16, %swap3A_17, %swap3A_18] : memref<2x1x64x4096xf32, #tpu.memory_space<vmem>>, vector<2x1x64x512xf32>
      %swap3A_20 = vector.shape_cast %swap3A_19 : vector<2x1x64x512xf32> to vector<2x64x512xf32>
      %swap3A_21 = vector.shape_cast %reshape3A : vector<2x64x512xf32> to vector<2x1x64x512xf32>
      tpu.vector_store %arg2[%swap3A, %swap3A_16, %swap3A_17, %swap3A_18], %swap3A_21 {strides = array<i32>} : memref<2x1x64x4096xf32, #tpu.memory_space<vmem>>, vector<2x1x64x512xf32>,
    }
    %scan3A_3 = arith.constant 8 : i32
    return
  }
  func.func @transform_0(%arg0: i32) -> (i32, i32) {
    %c0_i32 = arith.constant 0 : i32
    %c0_i32_0 = arith.constant 0 : i32
    return %arg0, %c0_i32 : i32, i32
  }
  func.func @transform_1(%arg0: i32) -> (i32, i32, i32, i32) {
    %c0_i32 = arith.constant 0 : i32
    %c0_i32_0 = arith.constant 0 : i32
    %c0_i32_1 = arith.constant 0 : i32
    %c0_i32_2 = arith.constant 0 : i32
    return %c0_i32, %arg0, %c0_i32_0, %c0_i32_1 : i32, i32, i32, i32
  }
}

module attributes {stable_mosaic.version = 14 : i64} {
  func.func @_gate_x_body(%arg0: i32, %arg1: memref<4096x128xf32, #tpu.memory_space<vmem>>, %arg2: memref<1x1x128xf32, #tpu.memory_space<vmem>>, %arg3: memref<64x64xf32, #tpu.memory_space<vmem>>, %arg4: memref<64x1xf32, #tpu.memory_space<vmem>>, %arg5: memref<2x1x64x4096xf32, #tpu.memory_space<vmem>>, %arg6: memref<2x1x64x4096xf32, #tpu.memory_space<vmem>>) attributes {dimension_semantics = [#tpu.dimension_semantics<arbitrary>], iteration_bounds = array<i64: 48>, scalar_prefetch = 0 : i64, scratch_operands = 0 : i64, tpu.core_type = #tpu.core_type<tc>, window_params = [{transform_indices = @transform_0, window_bounds = array<i64: 4096, 128>}, {transform_indices = @transform_1, window_bounds = array<i64: 1, 1, 128>}, {pipeline_mode = #tpu.pipeline_mode<synchronous>, transform_indices = @transform_2, window_bounds = array<i64: 64, 64>}, {pipeline_mode = #tpu.pipeline_mode<synchronous>, transform_indices = @transform_3, window_bounds = array<i64: 64, 1>}, {transform_indices = @transform_4, window_bounds = array<i64: 2, 1, 64, 4096>}, {transform_indices = @transform_5, window_bounds = array<i64: 2, 1, 64, 4096>}]} {
    %get3A = arith.constant 0 : index
    %get3A_0 = arith.constant 0 : index
    %get3A_1 = vector.load %arg3[%get3A, %get3A_0] : memref<64x64xf32, #tpu.memory_space<vmem>>, vector<64x64xf32>
    %transpose3A = tpu.transpose %get3A_1, [1, 0] : vector<64x64xf32> -> vector<64x64xf32>
    %get3A_2 = arith.constant 0 : index
    %get3A_3 = arith.constant 0 : index
    %get3A_4 = arith.constant 0 : index
    %get3A_5 = vector.load %arg2[%get3A_2, %get3A_3, %get3A_4] : memref<1x1x128xf32, #tpu.memory_space<vmem>>, vector<1x1x128xf32>
    %get3A_6 = vector.shape_cast %get3A_5 : vector<1x1x128xf32> to vector<1x128xf32>
    %transpose3A_7 = tpu.transpose %get3A_6, [1, 0] : vector<1x128xf32> -> vector<128x1xf32>
    %get3A_8 = arith.constant 0 : index
    %get3A_9 = arith.constant 0 : index
    %get3A_10 = vector.load %arg4[%get3A_8, %get3A_9] : memref<64x1xf32, #tpu.memory_space<vmem>>, vector<64x1xf32>
    %get3A_11 = arith.constant 0 : index
    %get3A_12 = arith.constant 0 : index
    %get3A_13 = vector.load %arg4[%get3A_11, %get3A_12] : memref<64x1xf32, #tpu.memory_space<vmem>>, vector<64x1xf32>
    %concatenate3A = tpu.concatenate %get3A_10, %get3A_13 in 0 : vector<64x1xf32>, vector<64x1xf32> -> vector<128x1xf32>
    %scan3A = arith.constant 0 : i32
    %scan3A_14 = arith.constant 8 : i32
    %scan3A_15 = arith.addi %scan3A, %scan3A_14 : i32
    %scan3A_16 = arith.constant 1 : i32
    scf.for %scan3A_18 = %scan3A to %scan3A_15 step %scan3A_16  : i32 {
      %mul3A = arith.constant 1 : i32
      %mul3A_19 = arith.muli %scan3A_18, %mul3A : i32
      %add3A = arith.constant 0 : i32
      %add3A_20 = arith.addi %add3A, %mul3A_19 : i32
      %mul3A_21 = arith.constant 512 : i32
      %mul3A_22 = arith.muli %add3A_20, %mul3A_21 : i32
      %get3A_23 = arith.index_cast %mul3A_22 : i32 to index
      %get3A_24 = arith.constant 0 : index
      %get3A_25 = vector.load %arg1[%get3A_23, %get3A_24] : memref<4096x128xf32, #tpu.memory_space<vmem>>, vector<512x128xf32>
      %transpose3A_26 = tpu.transpose %get3A_25, [1, 0] : vector<512x128xf32> -> vector<128x512xf32>
      %mul3A_27 = arith.constant 8.000000e+00 : f32
      %mul3A_28 = vector.broadcast %mul3A_27 : f32 to vector<128x512xf32>
      %mul3A_29 = arith.mulf %transpose3A_26, %mul3A_28 : vector<128x512xf32>
      %reshape3A = vector.shape_cast %mul3A_29 : vector<128x512xf32> to vector<2x64x512xf32>
      %mul3A_30 = arith.constant 512 : i32
      %mul3A_31 = arith.muli %add3A_20, %mul3A_30 : i32
      %swap3A = arith.constant 0 : index
      %swap3A_32 = arith.constant 0 : index
      %swap3A_33 = arith.constant 0 : index
      %swap3A_34 = arith.index_cast %mul3A_31 : i32 to index
      %swap3A_35 = vector.load %arg6[%swap3A, %swap3A_32, %swap3A_33, %swap3A_34] : memref<2x1x64x4096xf32, #tpu.memory_space<vmem>>, vector<2x1x64x512xf32>
      %swap3A_36 = vector.shape_cast %swap3A_35 : vector<2x1x64x512xf32> to vector<2x64x512xf32>
      %swap3A_37 = vector.shape_cast %reshape3A : vector<2x64x512xf32> to vector<2x1x64x512xf32>
      tpu.vector_store %arg6[%swap3A, %swap3A_32, %swap3A_33, %swap3A_34], %swap3A_37 {strides = array<i32>} : memref<2x1x64x4096xf32, #tpu.memory_space<vmem>>, vector<2x1x64x512xf32>,
      %add3A_38 = vector.broadcast %transpose3A_7 : vector<128x1xf32> to vector<128x512xf32>
      %add3A_39 = arith.addf %mul3A_29, %add3A_38 : vector<128x512xf32>
      %slice3A = vector.extract_strided_slice %add3A_39 {offsets = [0, 0], sizes = [64, 512], strides = [1, 1]} : vector<128x512xf32> to vector<64x512xf32>
      %dot_general3A = arith.constant dense<0.000000e+00> : vector<64x512xf32>
      %dot_general3A_40 = tpu.matmul %transpose3A, %slice3A, %dot_general3A {dimension_numbers = #tpu.dot_dimension_numbers<[1], [0], [0], [1], [0, 0, 1, 1], [], []>, transpose_lhs_hint = false} : vector<64x64xf32>, vector<64x512xf32>, vector<64x512xf32> -> vector<64x512xf32>
      %slice3A_41 = vector.extract_strided_slice %add3A_39 {offsets = [64, 0], sizes = [64, 512], strides = [1, 1]} : vector<128x512xf32> to vector<64x512xf32>
      %dot_general3A_42 = arith.constant dense<0.000000e+00> : vector<64x512xf32>
      %dot_general3A_43 = tpu.matmul %transpose3A, %slice3A_41, %dot_general3A_42 {dimension_numbers = #tpu.dot_dimension_numbers<[1], [0], [0], [1], [0, 0, 1, 1], [], []>, transpose_lhs_hint = false} : vector<64x64xf32>, vector<64x512xf32>, vector<64x512xf32> -> vector<64x512xf32>
      %concatenate3A_44 = tpu.concatenate %dot_general3A_40, %dot_general3A_43 in 0 : vector<64x512xf32>, vector<64x512xf32> -> vector<128x512xf32>
      %add3A_45 = vector.broadcast %concatenate3A : vector<128x1xf32> to vector<128x512xf32>
      %add3A_46 = arith.addf %concatenate3A_44, %add3A_45 : vector<128x512xf32>
      %add3A_47 = arith.constant 1.000000e+00 : f32
      %add3A_48 = vector.broadcast %add3A_47 : f32 to vector<128x512xf32>
      %add3A_49 = arith.addf %add3A_46, %add3A_48 : vector<128x512xf32>
      %mul3A_50 = arith.mulf %add3A_39, %add3A_49 : vector<128x512xf32>
      %reshape3A_51 = vector.shape_cast %mul3A_50 : vector<128x512xf32> to vector<2x64x512xf32>
      %mul3A_52 = arith.constant 512 : i32
      %mul3A_53 = arith.muli %add3A_20, %mul3A_52 : i32
      %swap3A_54 = arith.constant 0 : index
      %swap3A_55 = arith.constant 0 : index
      %swap3A_56 = arith.constant 0 : index
      %swap3A_57 = arith.index_cast %mul3A_53 : i32 to index
      %swap3A_58 = vector.load %arg5[%swap3A_54, %swap3A_55, %swap3A_56, %swap3A_57] : memref<2x1x64x4096xf32, #tpu.memory_space<vmem>>, vector<2x1x64x512xf32>
      %swap3A_59 = vector.shape_cast %swap3A_58 : vector<2x1x64x512xf32> to vector<2x64x512xf32>
      %swap3A_60 = vector.shape_cast %reshape3A_51 : vector<2x64x512xf32> to vector<2x1x64x512xf32>
      tpu.vector_store %arg5[%swap3A_54, %swap3A_55, %swap3A_56, %swap3A_57], %swap3A_60 {strides = array<i32>} : memref<2x1x64x4096xf32, #tpu.memory_space<vmem>>, vector<2x1x64x512xf32>,
    }
    %scan3A_17 = arith.constant 8 : i32
    return
  }
  func.func @transform_0(%arg0: i32) -> (i32, i32) {
    %c0_i32 = arith.constant 0 : i32
    %c0_i32_0 = arith.constant 0 : i32
    return %arg0, %c0_i32 : i32, i32
  }
  func.func @transform_1(%arg0: i32) -> (i32, i32, i32) {
    %add3A = arith.constant 0 : i32
    %add3A_0 = arith.addi %add3A, %arg0 : i32
    %c0_i32 = arith.constant 0 : i32
    %c0_i32_1 = arith.constant 0 : i32
    %c0_i32_2 = arith.constant 0 : i32
    return %add3A_0, %c0_i32, %c0_i32_1 : i32, i32, i32
  }
  func.func @transform_2(%arg0: i32) -> (i32, i32) {
    %c0_i32 = arith.constant 0 : i32
    %c0_i32_0 = arith.constant 0 : i32
    %c0_i32_1 = arith.constant 0 : i32
    return %c0_i32, %c0_i32_0 : i32, i32
  }
  func.func @transform_3(%arg0: i32) -> (i32, i32) {
    %c0_i32 = arith.constant 0 : i32
    %c0_i32_0 = arith.constant 0 : i32
    %c0_i32_1 = arith.constant 0 : i32
    return %c0_i32, %c0_i32_0 : i32, i32
  }
  func.func @transform_4(%arg0: i32) -> (i32, i32, i32, i32) {
    %add3A = arith.constant 0 : i32
    %add3A_0 = arith.addi %add3A, %arg0 : i32
    %c0_i32 = arith.constant 0 : i32
    %c0_i32_1 = arith.constant 0 : i32
    %c0_i32_2 = arith.constant 0 : i32
    %c0_i32_3 = arith.constant 0 : i32
    return %c0_i32, %add3A_0, %c0_i32_1, %c0_i32_2 : i32, i32, i32, i32
  }
  func.func @transform_5(%arg0: i32) -> (i32, i32, i32, i32) {
    %add3A = arith.constant 0 : i32
    %add3A_0 = arith.addi %add3A, %arg0 : i32
    %c0_i32 = arith.constant 0 : i32
    %c0_i32_1 = arith.constant 0 : i32
    %c0_i32_2 = arith.constant 0 : i32
    %c0_i32_3 = arith.constant 0 : i32
    return %c0_i32, %add3A_0, %c0_i32_1, %c0_i32_2 : i32, i32, i32, i32
  }
}

module attributes {stable_mosaic.version = 14 : i64} {
  func.func @_gate_x_body(%arg0: i32, %arg1: memref<4096x128xf32, #tpu.memory_space<vmem>>, %arg2: memref<1x1x128xf32, #tpu.memory_space<vmem>>, %arg3: memref<64x64xf32, #tpu.memory_space<vmem>>, %arg4: memref<64x1xf32, #tpu.memory_space<vmem>>, %arg5: memref<2x100x64x4096xf32, #tpu.memory_space<hbm>>, %arg6: memref<2x100x64x4096xf32, #tpu.memory_space<hbm>>, %arg7: memref<2x1x64x4096xf32, #tpu.memory_space<vmem>>, %arg8: memref<2x1x64x4096xf32, #tpu.memory_space<vmem>>) attributes {dimension_semantics = [#tpu.dimension_semantics<arbitrary>], iteration_bounds = array<i64: 52>, scalar_prefetch = 0 : i64, scratch_operands = 0 : i64, tpu.core_type = #tpu.core_type<tc>, window_params = [{transform_indices = @transform_0, window_bounds = array<i64: 4096, 128>}, {transform_indices = @transform_1, window_bounds = array<i64: 1, 1, 128>}, {pipeline_mode = #tpu.pipeline_mode<synchronous>, transform_indices = @transform_2, window_bounds = array<i64: 64, 64>}, {pipeline_mode = #tpu.pipeline_mode<synchronous>, transform_indices = @transform_3, window_bounds = array<i64: 64, 1>}, {}, {}, {transform_indices = @transform_6, window_bounds = array<i64: 2, 1, 64, 4096>}, {transform_indices = @transform_7, window_bounds = array<i64: 2, 1, 64, 4096>}]} {
    %get3A = arith.constant 0 : index
    %get3A_0 = arith.constant 0 : index
    %get3A_1 = vector.load %arg3[%get3A, %get3A_0] : memref<64x64xf32, #tpu.memory_space<vmem>>, vector<64x64xf32>
    %transpose3A = tpu.transpose %get3A_1, [1, 0] : vector<64x64xf32> -> vector<64x64xf32>
    %get3A_2 = arith.constant 0 : index
    %get3A_3 = arith.constant 0 : index
    %get3A_4 = arith.constant 0 : index
    %get3A_5 = vector.load %arg2[%get3A_2, %get3A_3, %get3A_4] : memref<1x1x128xf32, #tpu.memory_space<vmem>>, vector<1x1x128xf32>
    %get3A_6 = vector.shape_cast %get3A_5 : vector<1x1x128xf32> to vector<1x128xf32>
    %transpose3A_7 = tpu.transpose %get3A_6, [1, 0] : vector<1x128xf32> -> vector<128x1xf32>
    %get3A_8 = arith.constant 0 : index
    %get3A_9 = arith.constant 0 : index
    %get3A_10 = vector.load %arg4[%get3A_8, %get3A_9] : memref<64x1xf32, #tpu.memory_space<vmem>>, vector<64x1xf32>
    %get3A_11 = arith.constant 0 : index
    %get3A_12 = arith.constant 0 : index
    %get3A_13 = vector.load %arg4[%get3A_11, %get3A_12] : memref<64x1xf32, #tpu.memory_space<vmem>>, vector<64x1xf32>
    %concatenate3A = tpu.concatenate %get3A_10, %get3A_13 in 0 : vector<64x1xf32>, vector<64x1xf32> -> vector<128x1xf32>
    %scan3A = arith.constant 0 : i32
    %scan3A_14 = arith.constant 8 : i32
    %scan3A_15 = arith.addi %scan3A, %scan3A_14 : i32
    %scan3A_16 = arith.constant 1 : i32
    scf.for %scan3A_18 = %scan3A to %scan3A_15 step %scan3A_16  : i32 {
      %mul3A = arith.constant 1 : i32
      %mul3A_19 = arith.muli %scan3A_18, %mul3A : i32
      %add3A = arith.constant 0 : i32
      %add3A_20 = arith.addi %add3A, %mul3A_19 : i32
      %mul3A_21 = arith.constant 512 : i32
      %mul3A_22 = arith.muli %add3A_20, %mul3A_21 : i32
      %get3A_23 = arith.index_cast %mul3A_22 : i32 to index
      %get3A_24 = arith.constant 0 : index
      %get3A_25 = vector.load %arg1[%get3A_23, %get3A_24] : memref<4096x128xf32, #tpu.memory_space<vmem>>, vector<512x128xf32>
      %transpose3A_26 = tpu.transpose %get3A_25, [1, 0] : vector<512x128xf32> -> vector<128x512xf32>
      %mul3A_27 = arith.constant 8.000000e+00 : f32
      %mul3A_28 = vector.broadcast %mul3A_27 : f32 to vector<128x512xf32>
      %mul3A_29 = arith.mulf %transpose3A_26, %mul3A_28 : vector<128x512xf32>
      %reshape3A = vector.shape_cast %mul3A_29 : vector<128x512xf32> to vector<2x64x512xf32>
      %mul3A_30 = arith.constant 512 : i32
      %mul3A_31 = arith.muli %add3A_20, %mul3A_30 : i32
      %swap3A = arith.constant 0 : index
      %swap3A_32 = arith.constant 0 : index
      %swap3A_33 = arith.constant 0 : index
      %swap3A_34 = arith.index_cast %mul3A_31 : i32 to index
      %swap3A_35 = vector.load %arg8[%swap3A, %swap3A_32, %swap3A_33, %swap3A_34] : memref<2x1x64x4096xf32, #tpu.memory_space<vmem>>, vector<2x1x64x512xf32>
      %swap3A_36 = vector.shape_cast %swap3A_35 : vector<2x1x64x512xf32> to vector<2x64x512xf32>
      %swap3A_37 = vector.shape_cast %reshape3A : vector<2x64x512xf32> to vector<2x1x64x512xf32>
      tpu.vector_store %arg8[%swap3A, %swap3A_32, %swap3A_33, %swap3A_34], %swap3A_37 {strides = array<i32>} : memref<2x1x64x4096xf32, #tpu.memory_space<vmem>>, vector<2x1x64x512xf32>,
      %add3A_38 = vector.broadcast %transpose3A_7 : vector<128x1xf32> to vector<128x512xf32>
      %add3A_39 = arith.addf %mul3A_29, %add3A_38 : vector<128x512xf32>
      %slice3A = vector.extract_strided_slice %add3A_39 {offsets = [0, 0], sizes = [64, 512], strides = [1, 1]} : vector<128x512xf32> to vector<64x512xf32>
      %dot_general3A = arith.constant dense<0.000000e+00> : vector<64x512xf32>
      %dot_general3A_40 = tpu.matmul %transpose3A, %slice3A, %dot_general3A {dimension_numbers = #tpu.dot_dimension_numbers<[1], [0], [0], [1], [0, 0, 1, 1], [], []>, transpose_lhs_hint = false} : vector<64x64xf32>, vector<64x512xf32>, vector<64x512xf32> -> vector<64x512xf32>
      %slice3A_41 = vector.extract_strided_slice %add3A_39 {offsets = [64, 0], sizes = [64, 512], strides = [1, 1]} : vector<128x512xf32> to vector<64x512xf32>
      %dot_general3A_42 = arith.constant dense<0.000000e+00> : vector<64x512xf32>
      %dot_general3A_43 = tpu.matmul %transpose3A, %slice3A_41, %dot_general3A_42 {dimension_numbers = #tpu.dot_dimension_numbers<[1], [0], [0], [1], [0, 0, 1, 1], [], []>, transpose_lhs_hint = false} : vector<64x64xf32>, vector<64x512xf32>, vector<64x512xf32> -> vector<64x512xf32>
      %concatenate3A_44 = tpu.concatenate %dot_general3A_40, %dot_general3A_43 in 0 : vector<64x512xf32>, vector<64x512xf32> -> vector<128x512xf32>
      %add3A_45 = vector.broadcast %concatenate3A : vector<128x1xf32> to vector<128x512xf32>
      %add3A_46 = arith.addf %concatenate3A_44, %add3A_45 : vector<128x512xf32>
      %add3A_47 = arith.constant 1.000000e+00 : f32
      %add3A_48 = vector.broadcast %add3A_47 : f32 to vector<128x512xf32>
      %add3A_49 = arith.addf %add3A_46, %add3A_48 : vector<128x512xf32>
      %mul3A_50 = arith.mulf %add3A_39, %add3A_49 : vector<128x512xf32>
      %reshape3A_51 = vector.shape_cast %mul3A_50 : vector<128x512xf32> to vector<2x64x512xf32>
      %mul3A_52 = arith.constant 512 : i32
      %mul3A_53 = arith.muli %add3A_20, %mul3A_52 : i32
      %swap3A_54 = arith.constant 0 : index
      %swap3A_55 = arith.constant 0 : index
      %swap3A_56 = arith.constant 0 : index
      %swap3A_57 = arith.index_cast %mul3A_53 : i32 to index
      %swap3A_58 = vector.load %arg7[%swap3A_54, %swap3A_55, %swap3A_56, %swap3A_57] : memref<2x1x64x4096xf32, #tpu.memory_space<vmem>>, vector<2x1x64x512xf32>
      %swap3A_59 = vector.shape_cast %swap3A_58 : vector<2x1x64x512xf32> to vector<2x64x512xf32>
      %swap3A_60 = vector.shape_cast %reshape3A_51 : vector<2x64x512xf32> to vector<2x1x64x512xf32>
      tpu.vector_store %arg7[%swap3A_54, %swap3A_55, %swap3A_56, %swap3A_57], %swap3A_60 {strides = array<i32>} : memref<2x1x64x4096xf32, #tpu.memory_space<vmem>>, vector<2x1x64x512xf32>,
    }
    %scan3A_17 = arith.constant 8 : i32
    return
  }
  func.func @transform_0(%arg0: i32) -> (i32, i32) {
    %c0_i32 = arith.constant 0 : i32
    %c0_i32_0 = arith.constant 0 : i32
    return %arg0, %c0_i32 : i32, i32
  }
  func.func @transform_1(%arg0: i32) -> (i32, i32, i32) {
    %add3A = arith.constant 48 : i32
    %add3A_0 = arith.addi %add3A, %arg0 : i32
    %c0_i32 = arith.constant 0 : i32
    %c0_i32_1 = arith.constant 0 : i32
    %c0_i32_2 = arith.constant 0 : i32
    return %add3A_0, %c0_i32, %c0_i32_1 : i32, i32, i32
  }
  func.func @transform_2(%arg0: i32) -> (i32, i32) {
    %c0_i32 = arith.constant 0 : i32
    %c0_i32_0 = arith.constant 0 : i32
    %c0_i32_1 = arith.constant 0 : i32
    return %c0_i32, %c0_i32_0 : i32, i32
  }
  func.func @transform_3(%arg0: i32) -> (i32, i32) {
    %c0_i32 = arith.constant 0 : i32
    %c0_i32_0 = arith.constant 0 : i32
    %c0_i32_1 = arith.constant 0 : i32
    return %c0_i32, %c0_i32_0 : i32, i32
  }
  func.func @transform_6(%arg0: i32) -> (i32, i32, i32, i32) {
    %add3A = arith.constant 48 : i32
    %add3A_0 = arith.addi %add3A, %arg0 : i32
    %c0_i32 = arith.constant 0 : i32
    %c0_i32_1 = arith.constant 0 : i32
    %c0_i32_2 = arith.constant 0 : i32
    %c0_i32_3 = arith.constant 0 : i32
    return %c0_i32, %add3A_0, %c0_i32_1, %c0_i32_2 : i32, i32, i32, i32
  }
  func.func @transform_7(%arg0: i32) -> (i32, i32, i32, i32) {
    %add3A = arith.constant 48 : i32
    %add3A_0 = arith.addi %add3A, %arg0 : i32
    %c0_i32 = arith.constant 0 : i32
    %c0_i32_1 = arith.constant 0 : i32
    %c0_i32_2 = arith.constant 0 : i32
    %c0_i32_3 = arith.constant 0 : i32
    return %c0_i32, %add3A_0, %c0_i32_1, %c0_i32_2 : i32, i32, i32, i32
  }
}

</mosaic_0001>

<sc_bundles>
// kernel: kernel.11.cloned.1.call-start
scs
__scs_entry_jumppad:
0x0: {  	(pc) =	sbr.rel $0x88, $3  }
0x1: {  	(tag) =	ssettag $0x0;
	lr =	simm.s32 $0x1  }
0x2: {  	[smem:$0x3F9A] =	sst lr;
	_ =	strace $0xD0000000  }
0x3: {  	_ = 	snop  }
0x4: {  	_ = 	snop  }
0x5: {  	_ = 	snop  }
0x6: {  	_ = 	snop  }
0x7: {  	_ = 	snop  }
__scs_overlays_trampoline_lowered:
0x8: {  	[smem:$0x3FA9] =	sst s0  }
0x9: {  	[smem:$0x3FAA] =	sst s1  }
0xa: {  	[smem:$0x3FAB] =	sst s2  }
0xb: {  	[smem:$0x3FAC] =	sst s3  }
0xc: {  	[smem:$0x3FAD] =	sst s4  }
0xd: {  	[smem:$0x3FAE] =	sst s5  }
0xe: {  	[smem:$0x3FAF] =	sst s6  }
0xf: {  	[smem:$0x3FB0] =	sst s7  }
0x10: {  	[smem:$0x3FB1] =	sst s8  }
0x11: {  	[smem:$0x3FB2] =	sst s9;
	s0 =	simm.s32 @!p0 $0x0  }
0x12: {  	s1 =	sld [smem:$0x3F98];
	s0 =	simm.s32 @p0 $0x1  }
0x13: {  	[smem:$0x3FB3] =	sst s0;
	s0 =	simm.s32 @!p1 $0x0  }
0x14: {  	s2 =	sld [smem:$0x3F97];
	s0 =	simm.s32 @p1 $0x1  }
0x15: {  	[smem:$0x3FB4] =	sst s0;
	s0 =	simm.s32 @!p2 $0x0  }
0x16: {  	s3 =	sld [smem:$0x3FDB];
	s0 =	simm.s32 @p2 $0x1  }
0x17: {  	s4 =	simm.s32 $0x1BF5;
	[smem:$0x3FB6] =	sst s0  }
0x18: {  	s0 =	sld [smem:$0x3F99];
	_ =	swait.ge [sflag:s4], $0x0  }
0x19: {  	s7 =	sld [smem:$0x3F9A]  }
0x1a: {  	s8 =	sadd.s32 $0xFFFFE003, lr  }
0x1b: {  	s9 =	sadd.s32 $0xFFFFFEF7, lr;
	s5 =	simm.s32 $0xFFFFFFFF;
	p2 =	slt.u32 s8, $0xFFFFF086  }
0x1c: {  	p1 =	slt.u32 s9, $0xF7A;
	s5 =	simm.s32 @!p2 $0x0  }
0x1d: {  	s5 =	simm.s32 @p1 $0x1;
	p0 =	seq.s32 s7, s2  }
0x1e: {  	s7 =	smul.u32 @!p0 $0xF7A, s2;
	p2 =	seq.s32 @!p0 s5, $0x0  }
0x1f: {  	s9 =	smul.u32 $0xF7A, s1;
	s8 =	simm.s32 @!p0 $0x1BF5;
	p2 =	por !p2, p0  }
0x20: {  	[sflag:s8] =	ssyncset.s32 @!p0 $0xFFFFF086;
	s6 =	sadd.s32 @!p0 s3, s7;
	s7 =	simm.s32 @!p0 $0x108  }
0x21: {  	s3 =	sadd.s32 s3, s9;
	s6 =	sadd.s32 @!p0 $0x88, s6;
	s7 =	simm.s32 @p2 $0x1082  }
0x22: {  	[simem:s7], [sflag:s8] =	dma.local @!p0 [hbm:s6], $0xF7A  }
0x23: {  	s9 =	sor.u32 $0xD0000000, s2;
	s6 =	simm.s32 $0x108;
	_ =	swait.ge @!p0 [sflag:s8], $0x0  }
0x24: {  	s3 =	sadd.s32 $0x88, s3;
	s6 =	simm.s32 @!p1 $0x1082;
	[sflag:s4] =	ssyncset.s32 $0xFFFFF086  }
0x25: {  	[simem:s6], [sflag:s4] =	dma.local [hbm:s3], $0xF7A  }
0x26: {  	[smem:$0x3F9A] =	sst s1;
	(tag) =	ssettag s2;
	_ =	strace s9  }
0x27: {  	s1 =	sld [smem:$0x3FAA]  }
0x28: {  	s2 =	sld [smem:$0x3FAB]  }
0x29: {  	s4 =	sld [smem:$0x3FAD]  }
0x2a: {  	p0 =	seq.s32 s5, $0x0;
	s5 =	sld [smem:$0x3FAE]  }
0x2b: {  	s6 =	sld [smem:$0x3FAF]  }
0x2c: {  	s7 =	sld [smem:$0x3FB0]  }
0x2d: {  	s3 =	simm.s32 $0x108;
	s8 =	sld [smem:$0x3FB1]  }
0x2e: {  	s3 =	simm.s32 @!p0 $0x1082;
	s9 =	sld [smem:$0x3FB2]  }
0x2f: {  	lr =	sadd.s32 s0, s3;
	s0 =	sld [smem:$0x3FA9]  }
0x30: {  	s3 =	sld [smem:$0x3FAC]  }
0x31: {  	[smem:$0x3FB5] =	sst s10  }
0x32: {  	s10 =	sld [smem:$0x3FB3];
	_ =	sdelay $0x3  }
0x33: {  	p0 =	seq.s32 s10, $0x1;
	s10 =	sld [smem:$0x3FB5];
	_ =	sdelay $0x3  }
0x34: {  	[smem:$0x3FB5] =	sst s10  }
0x35: {  	s10 =	sld [smem:$0x3FB4];
	_ =	sdelay $0x3  }
0x36: {  	p1 =	seq.s32 s10, $0x1;
	s10 =	sld [smem:$0x3FB5];
	_ =	sdelay $0x3  }
0x37: {  	[smem:$0x3FB5] =	sst s10  }
0x38: {  	s10 =	sld [smem:$0x3FB6]  }
0x39: {  	_ = 	snop;
	(pc) =	sbr.ind lr, $3  }
0x3a: {  	_ = 	snop  }
0x3b: {  	_ = 	snop  }
0x3c: {  	p2 =	seq.s32 s10, $0x1;
	s10 =	sld [smem:$0x3FB5]  }
0x3d: {  	_ =	shalt  }
0x3e: {  	_ =	shalt  }
0x3f: {  	_ =	shalt  }
0x40: {  	_ =	shalt  }
0x41: {  	_ =	shalt  }
0x42: {  	_ =	shalt  }
0x43: {  	_ =	shalt  }
0x44: {  	_ =	shalt  }
0x45: {  	_ =	shalt  }
0x46: {  	_ =	shalt  }
0x47: {  	_ =	shalt  }
0x48: {  	_ =	shalt  }
0x49: {  	_ =	shalt  }
0x4a: {  	_ =	shalt  }
0x4b: {  	_ =	shalt  }
0x4c: {  	_ =	shalt  }
0x4d: {  	_ =	shalt  }
0x4e: {  	_ =	shalt  }
0x4f: {  	_ =	shalt  }
0x50: {  	_ =	shalt  }
0x51: {  	_ =	shalt  }
0x52: {  	_ =	shalt  }
0x53: {  	_ =	shalt  }
0x54: {  	_ =	shalt  }
0x55: {  	_ =	shalt  }
0x56: {  	_ =	shalt  }
0x57: {  	_ =	shalt  }
0x58: {  	_ =	shalt  }
0x59: {  	_ =	shalt  }
0x5a: {  	_ =	shalt  }
0x5b: {  	_ =	shalt  }
0x5c: {  	_ =	shalt  }
0x5d: {  	_ =	shalt  }
0x5e: {  	_ =	shalt  }
0x5f: {  	_ =	shalt  }
0x60: {  	_ =	shalt  }
0x61: {  	_ =	shalt  }
0x62: {  	_ =	shalt  }
0x63: {  	_ =	shalt  }
0x64: {  	_ =	shalt  }
0x65: {  	_ =	shalt  }
0x66: {  	_ =	shalt  }
0x67: {  	_ =	shalt  }
0x68: {  	_ =	shalt  }
0x69: {  	_ =	shalt  }
0x6a: {  	_ =	shalt  }
0x6b: {  	_ =	shalt  }
0x6c: {  	_ =	shalt  }
0x6d: {  	_ =	shalt  }
0x6e: {  	_ =	shalt  }
0x6f: {  	_ =	shalt  }
0x70: {  	_ =	shalt  }
0x71: {  	_ =	shalt  }
0x72: {  	_ =	shalt  }
0x73: {  	_ =	shalt  }
0x74: {  	_ =	shalt  }
0x75: {  	_ =	shalt  }
0x76: {  	_ =	shalt  }
0x77: {  	_ =	shalt  }
0x78: {  	_ =	shalt  }
0x79: {  	_ =	shalt  }
0x7a: {  	_ =	shalt  }
0x7b: {  	_ =	shalt  }
0x7c: {  	_ =	shalt  }
0x7d: {  	_ =	shalt  }
0x7e: {  	_ =	shalt  }
0x7f: {  	_ =	shalt  }
0x80: {  	_ =	shalt  }
0x81: {  	_ =	shalt  }
0x82: {  	_ =	shalt  }
0x83: {  	_ =	shalt  }
0x84: {  	_ =	shalt  }
0x85: {  	_ =	shalt  }
0x86: {  	_ =	shalt  }
0x87: {  	_ =	shalt  }
.Lfunc_end0:
.L_simem_size_0:
called_computation.1_lowered:
.L_overlay_start_0:
0x88: {  	s2 =	sld [smem:$0x3FD9]  }
0x89: {  	s3 =	sld [smem:$0x3FFE];
	_ =	sdelay $0x1  }
0x8a: {  	s1 =	srdreg.scid  }
0x8b: {  	s0 =	sand.u32 $0x1, s1  }
0x8c: {  	s17 =	sshll.u32 s0, $0xA;
	s2 =	sadd.s32 s3, s2  }
0x8d: {  	s2 =	sadd.s32 s2, s17  }
0x8e: {  	[smem:$0x3FC1] =	sst s2  }
0x8f: {  	_ = 	snop  }
0x90: {  	(tm) =	ssettm $0x1  }
0x91: {  	s18 =	sld [smem:$0x3FFB];
	_ =	sdelay $0x3  }
0x92: {  	_ =	strace s18  }
0x93: {  	s2 =	sld [smem:$0x3FFC];
	_ =	sdelay $0x3  }
0x94: {  	_ =	strace s2  }
0x95: {  	s2 =	sld [smem:$0x3FFD];
	_ =	sdelay $0x3  }
0x96: {  	_ =	strace s2  }
0x97: {  	_ =	strace $0x8FFFFFFF  }
0x98: {  	s19 =	sld [smem:$0x3FDB];
	_ =	sdelay $0x1  }
0x99: {  	s20 =	simm.s32 $_scs_section_size  }
0x9a: {  	s4 =	simm.s32 $_size__tile_overlayer_lowered;
	s5 =	simm.s32 $_tile_overlayer_lowered  }
0x9b: {  	s6 =	simm.s32 $0x1BFF;
	s21 =	sshll.u32 s5, $0x1;
	s3 =	sadd.s32 s20, s19  }
0x9c: {  	s22 =	simm.s32 $0x0;
	s4 =	sshll.u32 s4, $0x1;
	s5 =	sadd.s32 s21, s3  }
0x9d: {  	[timem:s22], [sflag:s6] =	dma.local [hbm:s5], s4  }
0x9e: {  	_ =	swait.ge [sflag:s6], s4  }
0x9f: {  	s4 =	ssub.s32 $0x0, s4;
	[sflag:s6] =	ssyncset.done $0x0  }
0xa0: {  	[sflag:s6] =	ssyncadd.s32 s4;
	_ =	sdelay $0x1  }
0xa1: {  	s23 =	simm.s32 $0x1B8B  }
0xa2: {  	_ =	swait.ge [sflag:s23], $0x1  }
0xa3: {  	[sflag:s23] =	ssyncset.done $0x0  }
0xa4: {  	[sflag:s23] =	ssyncadd.s32 $0xFFFFFFFF  }
0xa5: {  	s4 =	sld [smem:$0x0]  }
0xa6: {  	s5 =	sand.u32 $0xFFFFFFFE, s1  }
0xa7: {  	p0 =	sne.s32 s1, s5  }
0xa8: {  	s5 =	sshll.u32 @p0 s5, $0xE  }
0xa9: {  	s5 =	sadd.s32 @p0 $0x11B8D, s5;
	s6 =	sshll.u32 @p0 s4, $0x11  }
0xaa: {  	s5 =	sor.u32 @p0 s6, s5  }
0xab: {  	[sflag:s5] =	ssyncadd.remote.s32 @p0 $0x1;
	_ =	sdelay $0x1  }
0xac: {  	s5 =	simm.s32 @p0 $0x1B8D  }
0xad: {  	_ =	swait.eq @p0 [sflag:s5], $0x1  }
0xae: {  	[sflag:s5] =	ssyncadd.s32 @p0 $0xFFFFFFFF  }
0xaf: {  	s6 =	sshll.u32 @!p0 s1, $0xE  }
0xb0: {  	s6 =	sor.u32 @!p0 $0x4000, s6;
	s5 =	simm.s32 @!p0 $0x1B8D  }
0xb1: {  	s4 =	sshll.u32 @!p0 s4, $0x11;
	s6 =	sadd.s32 @!p0 $0x11B8D, s6;
	_ =	swait.eq @!p0 [sflag:s5], $0x1  }
0xb2: {  	s4 =	sor.u32 @!p0 s4, s6;
	[sflag:s5] =	ssyncadd.s32 @!p0 $0xFFFFFFFF  }
0xb3: {  	s25 =	simm.s32 $0x1B8E;
	s24 =	sld [smem:$0x3FFE];
	[sflag:s4] =	ssyncadd.remote.s32 @!p0 $0x1  }
0xb4: {  	s26 =	simm.s32 $execute0_lowered;
	[smem:$0x3FD2] =	sst s25  }
0xb5: {  	s5 =	sshll.u32 s26, $0x1;
	_ =	strace $0x8000004C;
	[dreg:$0x1] =	wrdreg $0xFFFFFFFF  }
0xb6: {  	s28 =	simm.s32 $_size_execute0_lowered;
	s3 =	sadd.s32 s3, s5;
	[dreg:$0x0] =	wrdreg $0x0  }
0xb7: {  	s5 =	sshll.u32 s28, $0x1;
	[dreg:$0x2] =	wrdreg s3  }
0xb8: {  	[dreg:$0x3] =	wrdreg s5  }
0xb9: {  	[dreg:$0x4] =	wrdreg $0xC0  }
0xba: {  	_ =	task [dreg:s22], $0x5FFFF  }
0xbb: {  	[dreg:$0x1] =	wrdreg $0xFFFFFFFF  }
0xbc: {  	[dreg:$0x0] =	wrdreg $0x60  }
0xbd: {  	[dreg:$0x2] =	wrdreg s24  }
0xbe: {  	[dreg:$0x3] =	wrdreg $0x9  }
0xbf: {  	_ =	task.clear_ibuf [dreg:s22], $0x4FFFF;
	_ =	strace $0x9000004C  }
0xc0: {  	s29 =	simm.s32 $0x9;
	_ =	strace $0x8000004E  }
0xc1: {  	_ =	swait.ge [sflag:s29], $0x1  }
0xc2: {  	[sflag:s29] =	ssyncadd.s32 $0xFFFFFFFF  }
0xc3: {  	_ =	strace $0x9000004E  }
0xc4: {  	_ =	sfence  }
0xc5: {  	s30 =	sld [smem:$0x0];
	_ =	sdelay $0x2  }
0xc6: {  	s31 =	sshll.u32 s1, $0xD;
	s1 =	sshrl.u32 s1, $0x2  }
0xc7: {  	s4 =	sand.u32 $0x4000, s31;
	s1 =	sadd.s32 s1, s30  }
0xc8: {  	s0 =	sor.u32 s4, s0;
	s1 =	sshll.u32 s1, $0x11  }
0xc9: {  	s0 =	sor.u32 s1, s0  }
0xca: {  	s0 =	sadd.s32 $0x8F2B, s0  }
0xcb: {  	[sflag:s0] =	ssyncadd.remote.s32 $0x1  }
0xcc: {  	_ =	sfence.sel $0xFFFF  }
0xcd: {  	[dreg:$0x0] =	wrdreg $0xFFFFFFFF;
	(pc) =	sbr.abs _section_cstart, $3  }
0xce: {  	[dreg:$0x1] =	wrdreg $0xFFFFFFFF  }
0xcf: {  	_ =	task.clear_ibuf [dreg:s22], $0x2FFFF;
	_ =	strace $0x9FFFFFFF  }
0xd0: {  	(tm) =	ssettm $0x7FFFFFFF  }
0xd1: {  	_ =	shalt  }
tec
execute0_lowered:
.L_overlay_start_1:
0x0: {  	(tag) =	ssettag $0x1  }
0x1: {  	s1 =	srdreg.scid;
	s0 =	stileid.u32  }
0x2: {  	s4 =	rddreg [dreg:$0x0];
	s10 =	simm.s32 $0x1A00;
	s11 =	simm.s32 $0x80  }
0x3: {  	s12 =	simm.s32 $0x3400;
	s14 =	simm.s32 $0x7400;
	s17 =	simm.s32 $0xB400  }
0x4: {  	s31 =	simm.s32 $0xD400;
	s18 =	simm.s32 $0xF400;
	s19 =	simm.s32 $0x11400  }
0x5: {  	s20 =	simm.s32 $0x1;
	s21 =	simm.s32 $0x40;
	s22 =	simm.s32 $0x2  }
0x6: {  	s23 =	simm.s32 $0x3;
	s24 =	simm.s32 $0x4;
	s25 =	simm.s32 $0x0  }
0x7: {  	s1 =	sand.u32 $0x1, s1;
	s2 =	sshll.u32 s0, $0x1;
	s6 =	smul.u32 $0x1A0000, s0  }
0x8: {  	s8 =	sadd.s32 $0x7F4C00, s4;
	s3 =	sor.u32 s1, s2;
	s7 =	smul.u32 $0xD0000, s1  }
0x9: {  	s2 =	simm.s32 $0x0;
	s1 =	ssub.s32 $0x2, s1;
	s5 =	smul.u32 $0x340, s3  }
0xa: {  	[smem:$0x7FF] =	sst s2;
	s3 =	sadd.s32 $0x8000, s4;
	s26 =	sshrl.u32 s1, $0x1  }
0xb: {  	_ =	strace $0x8000004D;
	s6 =	sadd.s32 s7, s6;
	s1 =	ssub.s32 s1, s26  }
0xc: {  	[dreg:$0x2] =	wrdreg s31;
	s5 =	sadd.s32 s5, s4;
	s7 =	sor.u32 $0x8000, s6  }
0xd: {  	s9 =	sshrl.u32 s6, $0x3;
	s6 =	smax.u32 s1, $0x1;
	s28 =	sadd.s32 $0x7EE400, s5  }
0xe: {  	s29 =	sadd.s32 $0x7E7C00, s5;
	s7 =	sshrl.u32 s7, $0x3;
	s30 =	sadd.s32 s9, s8  }
0xf: {  	s9 =	simm.s32 $0x5;
	[dreg:$0x3] =	wrdreg s28;
	s8 =	sadd.s32 s7, s8  }
0x10: {  	[dreg:$0x4] =	wrdreg s29;
	s7 =	sadd.s32 $0x8, s30;
	s8 =	sadd.s32 $0x8, s8  }
.LBB2_1:
0x11: {  	s0 =	rddreg [dreg:$0x3]  }
0x12: {  	[tilespmem:s2], [sflag:$0x5] =	stream.linear.gather [hbm4b:s0+s2], $0x1A00, $0x38;
	[tilespmem:$0x13400] =	vst v63  }
0x13: {  	_ =	swait.ge [sflag:s9], $0x1A00  }
0x14: {  	[sflag:s9] =	ssyncset.done $0x0  }
0x15: {  	s15 =	rddreg [dreg:$0x4];
	[sflag:s9] =	ssyncadd.s32 $0xFFFFE600  }
0x16: {  	[tilespmem:s10], [sflag:$0x5] =	stream.linear.gather [hbm4b:s15+s2], $0x1A00, $0x38;
	[tilespmem:$0x13400] =	vst v63  }
0x17: {  	_ =	swait.ge [sflag:s9], $0x1A00  }
0x18: {  	[sflag:s9] =	ssyncset.done $0x0  }
0x19: {  	[sflag:s9] =	ssyncadd.s32 $0xFFFFE600  }
0x1a: {  	[tilespmem:s12], [sflag:$0x1] =	stream.indirect.gather [hbm4b:s3+s11], $0x40, s2, s11, $0xb8;
	[tilespmem:$0x13400] =	vst v63  }
0x1b: {  	s16 =	simm.s32 $0x5400  }
0x1c: {  	[tilespmem:s16], [sflag:$0x1] =	stream.indirect.gather [hbm4b:s3+s11], $0x40, s11, s11, $0xb8;
	[tilespmem:$0x13400] =	vst v63  }
0x1d: {  	p0 =	por $0x1, $0x1  }
0x1e: {  	[tilespmem:s14], [sflag:$0x1] =	stream.indirect.gather [hbm4b:s3+s11], $0x40, s10, s11, $0xb8;
	[tilespmem:$0x13400] =	vst v63  }
0x1f: {  	s26 =	simm.s32 $0x1A80;
	s1 =	simm.s32 $0x9400;
	p0 =	por p0, p0  }
0x20: {  	[tilespmem:s1], [sflag:$0x1] =	stream.indirect.gather [hbm4b:s3+s11], $0x40, s26, s11, $0xb8;
	[tilespmem:$0x13400] =	vst v63  }
0x21: {  	s1 =	simm.s32 @!p0 $0x4  }
0x22: {  	_ =	swait.ge @!p0 [sflag:s1], $0x4000  }
0x23: {  	[sflag:s1] =	ssyncset.done @!p0 $0x0  }
0x24: {  	[sflag:s1] =	ssyncadd.s32 @!p0 $0xFFFFC000  }
0x25: {  	_ =	swait.ge @!p0 [sflag:s1], $0x4000  }
0x26: {  	[sflag:s1] =	ssyncset.done @!p0 $0x0  }
0x27: {  	s4 =	simm.s32 $0x100;
	[sflag:s1] =	ssyncadd.s32 @!p0 $0xFFFFC000  }
0x28: {  	[tilespmem:s17], [sflag:$0x2] =	stream.indirect.gather [hbm4b:s3+s11], $0x40, s4, s11, $0xb8;
	[tilespmem:$0x13400] =	vst v63  }
0x29: {  	s5 =	simm.s32 $0x180;
	s26 =	rddreg [dreg:$0x2]  }
0x2a: {  	[tilespmem:s26], [sflag:$0x2] =	stream.indirect.gather [hbm4b:s3+s11], $0x40, s5, s11, $0xb8;
	[tilespmem:$0x13400] =	vst v63  }
0x2b: {  	s13 =	simm.s32 $0x1B00  }
0x2c: {  	[tilespmem:s18], [sflag:$0x2] =	stream.indirect.gather [hbm4b:s3+s11], $0x40, s13, s11, $0xb8;
	[tilespmem:$0x13400] =	vst v63  }
0x2d: {  	s15 =	simm.s32 $0x1B80  }
0x2e: {  	[tilespmem:s19], [sflag:$0x2] =	stream.indirect.gather [hbm4b:s3+s11], $0x40, s15, s11, $0xb8;
	[tilespmem:$0x13400] =	vst v63  }
0x2f: {  	_ =	swait.ge [sflag:s20], $0x2000  }
0x30: {  	[sflag:s20] =	ssyncset.done $0x0  }
0x31: {  	[sflag:s20] =	ssyncadd.s32 $0xFFFFE000  }
0x32: {  	_ =	swait.ge [sflag:s20], $0x2000  }
0x33: {  	[sflag:s20] =	ssyncset.done $0x0  }
0x34: {  	[sflag:s20] =	ssyncadd.s32 $0xFFFFE000  }
0x35: {  	_ =	swait.ge [sflag:s20], $0x2000  }
0x36: {  	[sflag:s20] =	ssyncset.done $0x0  }
0x37: {  	[sflag:s20] =	ssyncadd.s32 $0xFFFFE000  }
0x38: {  	_ =	swait.ge [sflag:s20], $0x2000  }
0x39: {  	[sflag:s20] =	ssyncset.done $0x0  }
0x3a: {  	s16 =	sadd.s32 $0xFFFFFFF8, s7;
	p0 =	por $0x0, $0x0;
	[sflag:s20] =	ssyncadd.s32 $0xFFFFE000  }
0x3b: {  	[hbm4b:s16+s21] =	stream.strided.scatter [tilespmem:s12], [sflag:$0x3], $0x4000, s11, s21, $0x38;
	[tilespmem:$0x13400] =	vst v63  }
0x3c: {  	s1 =	simm.s32 @!p0 $0x3  }
0x3d: {  	[hbm4b:s7+s21] =	stream.strided.scatter [tilespmem:s14], [sflag:$0x3], $0x4000, s11, s21, $0x38;
	[tilespmem:$0x13400] =	vst v63  }
0x3e: {  	_ =	swait.ge @!p0 [sflag:s1], $0x4000  }
0x3f: {  	[sflag:s1] =	ssyncset.done @!p0 $0x0  }
0x40: {  	[sflag:s1] =	ssyncadd.s32 @!p0 $0xFFFFC000  }
0x41: {  	_ =	swait.ge @!p0 [sflag:s1], $0x4000  }
0x42: {  	s28 =	simm.s32 @!p0 $0x80;
	[sflag:s1] =	ssyncset.done @!p0 $0x0  }
0x43: {  	s29 =	simm.s32 @!p0 $0x3400;
	s26 =	simm.s32 @!p0 $0x200;
	[sflag:s1] =	ssyncadd.s32 @!p0 $0xFFFFC000  }
0x44: {  	[tilespmem:s29], [sflag:$0x1] =	stream.indirect.gather @!p0 [hbm4b:s3+s28], $0x40, s26, s28, $0xb8;
	[tilespmem:$0x13400] =	vst v63  }
0x45: {  	s1 =	simm.s32 @!p0 $0x280;
	s26 =	simm.s32 @!p0 $0x5400  }
0x46: {  	[tilespmem:s26], [sflag:$0x1] =	stream.indirect.gather @!p0 [hbm4b:s3+s28], $0x40, s1, s28, $0xb8;
	[tilespmem:$0x13400] =	vst v63  }
0x47: {  	s1 =	simm.s32 @!p0 $0x1C00;
	s26 =	simm.s32 @!p0 $0x7400  }
0x48: {  	[tilespmem:s26], [sflag:$0x1] =	stream.indirect.gather @!p0 [hbm4b:s3+s28], $0x40, s1, s28, $0xb8;
	[tilespmem:$0x13400] =	vst v63  }
0x49: {  	s1 =	simm.s32 @!p0 $0x1C80;
	s26 =	simm.s32 @!p0 $0x9400  }
0x4a: {  	[tilespmem:s26], [sflag:$0x1] =	stream.indirect.gather @!p0 [hbm4b:s3+s28], $0x40, s1, s28, $0xb8;
	[tilespmem:$0x13400] =	vst v63  }
0x4b: {  	_ =	swait.ge [sflag:s22], $0x2000  }
0x4c: {  	[sflag:s22] =	ssyncset.done $0x0  }
0x4d: {  	[sflag:s22] =	ssyncadd.s32 $0xFFFFE000  }
0x4e: {  	_ =	swait.ge [sflag:s22], $0x2000  }
0x4f: {  	[sflag:s22] =	ssyncset.done $0x0  }
0x50: {  	[sflag:s22] =	ssyncadd.s32 $0xFFFFE000  }
0x51: {  	_ =	swait.ge [sflag:s22], $0x2000  }
0x52: {  	[sflag:s22] =	ssyncset.done $0x0  }
0x53: {  	[sflag:s22] =	ssyncadd.s32 $0xFFFFE000  }
0x54: {  	p6 =	por $0x0, $0x0;
	_ =	swait.ge [sflag:s22], $0x2000  }
0x55: {  	s30 =	simm.s32 $0x1000;
	s31 =	smov.u32 s8;
	[sflag:s22] =	ssyncset.done $0x0  }
0x56: {  	s29 =	sadd.s32 $0x2000, s7;
	s26 =	sadd.s32 $0xFFFFFFF8, s8;
	[sflag:s22] =	ssyncadd.s32 $0xFFFFE000  }
0x57: {  	[hbm4b:s26+s21] =	stream.strided.scatter [tilespmem:s17], [sflag:$0x4], $0x4000, s11, s21, $0x38;
	[tilespmem:$0x13400] =	vst v63  }
0x58: {  	s28 =	simm.s32 $0x800;
	p0 =	por p6, p6;
	s26 =	sadd.s32 $0x2000, s8  }
.LBB2_2:
0x59: {  	s0 =	simm.s32 @!p0 $0x4  }
0x5a: {  	[hbm4b:s31+s21] =	stream.strided.scatter [tilespmem:s18], [sflag:$0x4], $0x4000, s11, s21, $0x38;
	[tilespmem:$0x13400] =	vst v63  }
0x5b: {  	_ =	swait.ge @!p0 [sflag:s0], $0x4000  }
0x5c: {  	[sflag:s0] =	ssyncset.done @!p0 $0x0  }
0x5d: {  	[sflag:s0] =	ssyncadd.s32 @!p0 $0xFFFFC000  }
0x5e: {  	_ =	swait.ge @!p0 [sflag:s0], $0x4000  }
0x5f: {  	s13 =	sshra.s32 s28, $0x2;
	[sflag:s0] =	ssyncset.done @!p0 $0x0  }
0x60: {  	s16 =	sadd.s32 $0x100, s13;
	[sflag:s0] =	ssyncadd.s32 @!p0 $0xFFFFC000  }
0x61: {  	[tilespmem:s17], [sflag:$0x2] =	stream.indirect.gather [hbm4b:s3+s11], $0x40, s16, s11, $0xb8;
	[tilespmem:$0x13400] =	vst v63  }
0x62: {  	s4 =	sadd.s32 $0x180, s13;
	s15 =	rddreg [dreg:$0x2]  }
0x63: {  	[tilespmem:s15], [sflag:$0x2] =	stream.indirect.gather [hbm4b:s3+s11], $0x40, s4, s11, $0xb8;
	[tilespmem:$0x13400] =	vst v63  }
0x64: {  	s5 =	sadd.s32 $0x1B00, s13  }
0x65: {  	[tilespmem:s18], [sflag:$0x2] =	stream.indirect.gather [hbm4b:s3+s11], $0x40, s5, s11, $0xb8;
	[tilespmem:$0x13400] =	vst v63  }
0x66: {  	s13 =	sadd.s32 $0x1B80, s13  }
0x67: {  	[tilespmem:s19], [sflag:$0x2] =	stream.indirect.gather [hbm4b:s3+s11], $0x40, s13, s11, $0xb8;
	[tilespmem:$0x13400] =	vst v63  }
0x68: {  	_ =	swait.ge [sflag:s20], $0x2000  }
0x69: {  	[sflag:s20] =	ssyncset.done $0x0  }
0x6a: {  	[sflag:s20] =	ssyncadd.s32 $0xFFFFE000  }
0x6b: {  	_ =	swait.ge [sflag:s20], $0x2000  }
0x6c: {  	[sflag:s20] =	ssyncset.done $0x0  }
0x6d: {  	[sflag:s20] =	ssyncadd.s32 $0xFFFFE000  }
0x6e: {  	_ =	swait.ge [sflag:s20], $0x2000  }
0x6f: {  	[sflag:s20] =	ssyncset.done $0x0  }
0x70: {  	[sflag:s20] =	ssyncadd.s32 $0xFFFFE000  }
0x71: {  	p2 =	seq.s32 s30, $0x0;
	_ =	swait.ge [sflag:s20], $0x2000  }
0x72: {  	p0 =	por p2, p2;
	[sflag:s20] =	ssyncset.done $0x0  }
0x73: {  	p2 =	seq.s32 s28, $0x6000;
	s15 =	sadd.s32 $0xFFFFFFF8, s29;
	[sflag:s20] =	ssyncadd.s32 $0xFFFFE000  }
0x74: {  	[hbm4b:s15+s21] =	stream.strided.scatter [tilespmem:s12], [sflag:$0x3], $0x4000, s11, s21, $0x38;
	[tilespmem:$0x13400] =	vst v63  }
0x75: {  	s0 =	simm.s32 @!p2 $0x3  }
0x76: {  	[hbm4b:s29+s21] =	stream.strided.scatter [tilespmem:s14], [sflag:$0x3], $0x4000, s11, s21, $0x38;
	[tilespmem:$0x13400] =	vst v63  }
0x77: {  	_ =	swait.ge @!p2 [sflag:s0], $0x4000  }
0x78: {  	[sflag:s0] =	ssyncset.done @!p2 $0x0  }
0x79: {  	[sflag:s0] =	ssyncadd.s32 @!p2 $0xFFFFC000  }
0x7a: {  	s1 =	smov.u32 s30;
	s4 =	simm.s32 @!p2 $0x80;
	_ =	swait.ge @!p2 [sflag:s0], $0x4000  }
0x7b: {  	s5 =	simm.s32 @!p2 $0x3400;
	s13 =	sshra.s32 @!p2 s28, $0x2;
	[sflag:s0] =	ssyncset.done @!p2 $0x0  }
0x7c: {  	s28 =	smov.u32 s1;
	s1 =	sadd.s32 @!p2 $0x200, s13;
	[sflag:s0] =	ssyncadd.s32 @!p2 $0xFFFFC000  }
0x7d: {  	[tilespmem:s5], [sflag:$0x1] =	stream.indirect.gather @!p2 [hbm4b:s3+s4], $0x40, s1, s4, $0xb8;
	[tilespmem:$0x13400] =	vst v63  }
0x7e: {  	s15 =	sadd.s32 @!p2 $0x280, s13;
	s0 =	simm.s32 @!p2 $0x5400  }
0x7f: {  	[tilespmem:s0], [sflag:$0x1] =	stream.indirect.gather @!p2 [hbm4b:s3+s4], $0x40, s15, s4, $0xb8;
	[tilespmem:$0x13400] =	vst v63  }
0x80: {  	s16 =	sadd.s32 @!p2 $0x1C00, s13;
	s1 =	simm.s32 @!p2 $0x7400  }
0x81: {  	[tilespmem:s1], [sflag:$0x1] =	stream.indirect.gather @!p2 [hbm4b:s3+s4], $0x40, s16, s4, $0xb8;
	[tilespmem:$0x13400] =	vst v63  }
0x82: {  	s13 =	sadd.s32 @!p2 $0x1C80, s13;
	s0 =	simm.s32 @!p2 $0x9400  }
0x83: {  	[tilespmem:s0], [sflag:$0x1] =	stream.indirect.gather @!p2 [hbm4b:s3+s4], $0x40, s13, s4, $0xb8;
	[tilespmem:$0x13400] =	vst v63  }
0x84: {  	_ =	swait.ge [sflag:s22], $0x2000  }
0x85: {  	[sflag:s22] =	ssyncset.done $0x0  }
0x86: {  	[sflag:s22] =	ssyncadd.s32 $0xFFFFE000  }
0x87: {  	_ =	swait.ge [sflag:s22], $0x2000  }
0x88: {  	[sflag:s22] =	ssyncset.done $0x0  }
0x89: {  	[sflag:s22] =	ssyncadd.s32 $0xFFFFE000  }
0x8a: {  	s30 =	sadd.s32 $0x800, s30;
	_ =	swait.ge [sflag:s22], $0x2000  }
0x8b: {  	p1 =	sne.s32 s30, $0x6800;
	[sflag:s22] =	ssyncset.done $0x0  }
.Ltmp0:
0x8c: {  	[sflag:s22] =	ssyncadd.s32 $0xFFFFE000;
	(pc) =	sbr.rel @p1 .LBB2_2-.Ltmp0, $4  }
0x8d: {  	_ =	swait.ge [sflag:s22], $0x2000  }
0x8e: {  	s31 =	smov.u32 s26;
	s29 =	sadd.s32 $0x2000, s29;
	[sflag:s22] =	ssyncset.done $0x0  }
0x8f: {  	s16 =	sadd.s32 $0xFFFFFFF8, s26;
	s26 =	sadd.s32 $0x2000, s26;
	[sflag:s22] =	ssyncadd.s32 $0xFFFFE000  }
0x90: {  	[hbm4b:s16+s21] =	stream.strided.scatter [tilespmem:s17], [sflag:$0x4], $0x4000, s11, s21, $0x38;
	[tilespmem:$0x13400] =	vst v63  }
0x91: {  	s0 =	simm.s32 @!p0 $0x4  }
0x92: {  	[hbm4b:s31+s21] =	stream.strided.scatter [tilespmem:s18], [sflag:$0x4], $0x4000, s11, s21, $0x38;
	[tilespmem:$0x13400] =	vst v63  }
0x93: {  	_ =	swait.ge @!p0 [sflag:s0], $0x4000  }
0x94: {  	[sflag:s0] =	ssyncset.done @!p0 $0x0  }
0x95: {  	[sflag:s0] =	ssyncadd.s32 @!p0 $0xFFFFC000  }
0x96: {  	_ =	swait.ge @!p0 [sflag:s0], $0x4000  }
0x97: {  	s1 =	sshra.s32 s28, $0x2;
	[sflag:s0] =	ssyncset.done @!p0 $0x0  }
0x98: {  	s5 =	sadd.s32 $0x100, s1;
	[sflag:s0] =	ssyncadd.s32 @!p0 $0xFFFFC000  }
0x99: {  	[tilespmem:s17], [sflag:$0x2] =	stream.indirect.gather [hbm4b:s3+s11], $0x40, s5, s11, $0xb8;
	[tilespmem:$0x13400] =	vst v63  }
0x9a: {  	s13 =	sadd.s32 $0x180, s1;
	s4 =	rddreg [dreg:$0x2]  }
0x9b: {  	[tilespmem:s4], [sflag:$0x2] =	stream.indirect.gather [hbm4b:s3+s11], $0x40, s13, s11, $0xb8;
	[tilespmem:$0x13400] =	vst v63  }
0x9c: {  	s15 =	sadd.s32 $0x1B00, s1  }
0x9d: {  	[tilespmem:s18], [sflag:$0x2] =	stream.indirect.gather [hbm4b:s3+s11], $0x40, s15, s11, $0xb8;
	[tilespmem:$0x13400] =	vst v63  }
0x9e: {  	s16 =	sadd.s32 $0x1B80, s1  }
0x9f: {  	[tilespmem:s19], [sflag:$0x2] =	stream.indirect.gather [hbm4b:s3+s11], $0x40, s16, s11, $0xb8;
	[tilespmem:$0x13400] =	vst v63  }
0xa0: {  	_ =	swait.ge [sflag:s20], $0x2000  }
0xa1: {  	[sflag:s20] =	ssyncset.done $0x0  }
0xa2: {  	[sflag:s20] =	ssyncadd.s32 $0xFFFFE000  }
0xa3: {  	_ =	swait.ge [sflag:s20], $0x2000  }
0xa4: {  	[sflag:s20] =	ssyncset.done $0x0  }
0xa5: {  	[sflag:s20] =	ssyncadd.s32 $0xFFFFE000  }
0xa6: {  	_ =	swait.ge [sflag:s20], $0x2000  }
0xa7: {  	[sflag:s20] =	ssyncset.done $0x0  }
0xa8: {  	[sflag:s20] =	ssyncadd.s32 $0xFFFFE000  }
0xa9: {  	_ =	swait.ge [sflag:s20], $0x2000  }
0xaa: {  	[sflag:s20] =	ssyncset.done $0x0  }
0xab: {  	s30 =	sadd.s32 $0xFFFFFFF8, s29;
	p0 =	seq.s32 s28, $0x6000;
	[sflag:s20] =	ssyncadd.s32 $0xFFFFE000  }
0xac: {  	[hbm4b:s30+s21] =	stream.strided.scatter [tilespmem:s12], [sflag:$0x3], $0x4000, s11, s21, $0x38;
	[tilespmem:$0x13400] =	vst v63  }
0xad: {  	s0 =	simm.s32 @!p0 $0x3  }
0xae: {  	[hbm4b:s29+s21] =	stream.strided.scatter [tilespmem:s14], [sflag:$0x3], $0x4000, s11, s21, $0x38;
	[tilespmem:$0x13400] =	vst v63  }
0xaf: {  	_ =	swait.ge @!p0 [sflag:s0], $0x4000  }
0xb0: {  	[sflag:s0] =	ssyncset.done @!p0 $0x0  }
0xb1: {  	[sflag:s0] =	ssyncadd.s32 @!p0 $0xFFFFC000  }
0xb2: {  	_ =	swait.ge @!p0 [sflag:s0], $0x4000  }
0xb3: {  	s1 =	sshra.s32 @!p0 s28, $0x2;
	s5 =	simm.s32 @!p0 $0x80;
	[sflag:s0] =	ssyncset.done @!p0 $0x0  }
0xb4: {  	s4 =	sadd.s32 @!p0 $0x200, s1;
	s13 =	simm.s32 @!p0 $0x3400;
	[sflag:s0] =	ssyncadd.s32 @!p0 $0xFFFFC000  }
0xb5: {  	[tilespmem:s13], [sflag:$0x1] =	stream.indirect.gather @!p0 [hbm4b:s3+s5], $0x40, s4, s5, $0xb8;
	[tilespmem:$0x13400] =	vst v63  }
0xb6: {  	s0 =	sadd.s32 @!p0 $0x280, s1;
	s4 =	simm.s32 @!p0 $0x5400  }
0xb7: {  	[tilespmem:s4], [sflag:$0x1] =	stream.indirect.gather @!p0 [hbm4b:s3+s5], $0x40, s0, s5, $0xb8;
	[tilespmem:$0x13400] =	vst v63  }
0xb8: {  	s0 =	sadd.s32 @!p0 $0x1C00, s1;
	s4 =	simm.s32 @!p0 $0x7400  }
0xb9: {  	[tilespmem:s4], [sflag:$0x1] =	stream.indirect.gather @!p0 [hbm4b:s3+s5], $0x40, s0, s5, $0xb8;
	[tilespmem:$0x13400] =	vst v63  }
0xba: {  	s0 =	sadd.s32 @!p0 $0x1C80, s1;
	s1 =	simm.s32 @!p0 $0x9400  }
0xbb: {  	[tilespmem:s1], [sflag:$0x1] =	stream.indirect.gather @!p0 [hbm4b:s3+s5], $0x40, s0, s5, $0xb8;
	[tilespmem:$0x13400] =	vst v63  }
0xbc: {  	_ =	swait.ge [sflag:s22], $0x2000  }
0xbd: {  	[sflag:s22] =	ssyncset.done $0x0  }
0xbe: {  	[sflag:s22] =	ssyncadd.s32 $0xFFFFE000  }
0xbf: {  	_ =	swait.ge [sflag:s22], $0x2000  }
0xc0: {  	[sflag:s22] =	ssyncset.done $0x0  }
0xc1: {  	[sflag:s22] =	ssyncadd.s32 $0xFFFFE000  }
0xc2: {  	_ =	swait.ge [sflag:s22], $0x2000  }
0xc3: {  	[sflag:s22] =	ssyncset.done $0x0  }
0xc4: {  	[sflag:s22] =	ssyncadd.s32 $0xFFFFE000  }
0xc5: {  	_ =	swait.ge [sflag:s22], $0x2000  }
0xc6: {  	[sflag:s22] =	ssyncset.done $0x0  }
0xc7: {  	s31 =	sadd.s32 $0xFFFFFFF8, s26;
	[sflag:s22] =	ssyncadd.s32 $0xFFFFE000  }
0xc8: {  	[hbm4b:s31+s21] =	stream.strided.scatter [tilespmem:s17], [sflag:$0x4], $0x4000, s11, s21, $0x38;
	[tilespmem:$0x13400] =	vst v63  }
0xc9: {  	_ = 	snop  }
0xca: {  	[hbm4b:s26+s21] =	stream.strided.scatter [tilespmem:s18], [sflag:$0x4], $0x4000, s11, s21, $0x38;
	[tilespmem:$0x13400] =	vst v63  }
0xcb: {  	_ =	swait.ge [sflag:s23], $0x4000  }
0xcc: {  	[sflag:s23] =	ssyncset.done $0x0  }
0xcd: {  	[sflag:s23] =	ssyncadd.s32 $0xFFFFC000  }
0xce: {  	_ =	swait.ge [sflag:s23], $0x4000  }
0xcf: {  	[sflag:s23] =	ssyncset.done $0x0  }
0xd0: {  	s25 =	sadd.s32 $0x1, s25;
	[sflag:s23] =	ssyncadd.s32 $0xFFFFC000  }
0xd1: {  	p0 =	sne.s32 s25, s6;
	_ =	swait.ge [sflag:s24], $0x4000  }
.Ltmp1:
0xd2: {  	[sflag:s24] =	ssyncset.done $0x0;
	(pc) =	sbr.rel @p0 .LBB2_1-.Ltmp1, $4  }
0xd3: {  	[sflag:s24] =	ssyncadd.s32 $0xFFFFC000  }
0xd4: {  	_ =	swait.ge [sflag:s24], $0x4000  }
0xd5: {  	[sflag:s24] =	ssyncset.done $0x0  }
0xd6: {  	[sflag:s24] =	ssyncadd.s32 $0xFFFFC000  }
0xd7: {  	_ =	sfence.sel $0x180000  }
0xd8: {  	[bflag:$0x0] =	sbarrier.arrive $0xFFFF  }
0xd9: {  	_ =	strace $0x9000004D  }
0xda: {  	s0 =	stileid.u32;
	[bflag:$0x2] =	sbarrier.arrive $0xFFFF  }
0xdb: {  	p0 =	sne.s32 s0, $0x0;
	s0 =	rddreg [dreg:$0x1]  }
0xdc: {  	s0 =	sadd.s32 @!p0 $0x100000, s0  }
0xdd: {  	[sflag:s0] =	ssyncadd.tile.s32 @!p0 $0x1;
	_ =	shalt  }
.Lfunc_end2:
_tile_overlayer_lowered:
.L_overlay_start_2:
0xde: {  	(tag) =	ssettag $0x2  }
0xdf: {  	s0 =	rddreg [dreg:$0x0];
	s2 =	stileid.u32  }
0xe0: {  	s1 =	rddreg [dreg:$0x1];
	p0 =	sne.s32 s2, $0x0  }
0xe1: {  	s3 =	rddreg [dreg:$0x2];
	[bflag:$0x3] =	sbarrier.arrive $0xFFFF;
	s2 =	simm.s32 @!p0 $0x1C05  }
0xe2: {  	[timem:s3], [sflag:s2] =	dma.local @!p0 [hbm:s0], s1  }
0xe3: {  	s0 =	simm.s32 @!p0 $0x5  }
0xe4: {  	_ =	swait.ge @!p0 [sflag:s0], s1  }
0xe5: {  	s1 =	ssub.s32 @!p0 $0x0, s1;
	[sflag:s0] =	ssyncset.done @!p0 $0x0  }
0xe6: {  	[sflag:s0] =	ssyncadd.s32 @!p0 s1  }
0xe7: {  	[bflag:$0x3] =	sbarrier.arrive $0xFFFF  }
0xe8: {  	_ =	shalt  }

// kernel: kernel.14.cloned.1.call-start
scs
__scs_entry_jumppad:
0x0: {  	(pc) =	sbr.rel $0x88, $3  }
0x1: {  	(tag) =	ssettag $0x0;
	lr =	simm.s32 $0x1  }
0x2: {  	[smem:$0x3F9A] =	sst lr;
	_ =	strace $0xD0000000  }
0x3: {  	_ = 	snop  }
0x4: {  	_ = 	snop  }
0x5: {  	_ = 	snop  }
0x6: {  	_ = 	snop  }
0x7: {  	_ = 	snop  }
__scs_overlays_trampoline_lowered:
0x8: {  	[smem:$0x3FA9] =	sst s0  }
0x9: {  	[smem:$0x3FAA] =	sst s1  }
0xa: {  	[smem:$0x3FAB] =	sst s2  }
0xb: {  	[smem:$0x3FAC] =	sst s3  }
0xc: {  	[smem:$0x3FAD] =	sst s4  }
0xd: {  	[smem:$0x3FAE] =	sst s5  }
0xe: {  	[smem:$0x3FAF] =	sst s6  }
0xf: {  	[smem:$0x3FB0] =	sst s7  }
0x10: {  	[smem:$0x3FB1] =	sst s8  }
0x11: {  	[smem:$0x3FB2] =	sst s9;
	s0 =	simm.s32 @!p0 $0x0  }
0x12: {  	s1 =	sld [smem:$0x3F98];
	s0 =	simm.s32 @p0 $0x1  }
0x13: {  	[smem:$0x3FB3] =	sst s0;
	s0 =	simm.s32 @!p1 $0x0  }
0x14: {  	s2 =	sld [smem:$0x3F97];
	s0 =	simm.s32 @p1 $0x1  }
0x15: {  	[smem:$0x3FB4] =	sst s0;
	s0 =	simm.s32 @!p2 $0x0  }
0x16: {  	s3 =	sld [smem:$0x3FDB];
	s0 =	simm.s32 @p2 $0x1  }
0x17: {  	s4 =	simm.s32 $0x1BF5;
	[smem:$0x3FB6] =	sst s0  }
0x18: {  	s0 =	sld [smem:$0x3F99];
	_ =	swait.ge [sflag:s4], $0x0  }
0x19: {  	s7 =	sld [smem:$0x3F9A]  }
0x1a: {  	s8 =	sadd.s32 $0xFFFFE003, lr  }
0x1b: {  	s9 =	sadd.s32 $0xFFFFFEF7, lr;
	s5 =	simm.s32 $0xFFFFFFFF;
	p2 =	slt.u32 s8, $0xFFFFF086  }
0x1c: {  	p1 =	slt.u32 s9, $0xF7A;
	s5 =	simm.s32 @!p2 $0x0  }
0x1d: {  	s5 =	simm.s32 @p1 $0x1;
	p0 =	seq.s32 s7, s2  }
0x1e: {  	s7 =	smul.u32 @!p0 $0xF7A, s2;
	p2 =	seq.s32 @!p0 s5, $0x0  }
0x1f: {  	s9 =	smul.u32 $0xF7A, s1;
	s8 =	simm.s32 @!p0 $0x1BF5;
	p2 =	por !p2, p0  }
0x20: {  	[sflag:s8] =	ssyncset.s32 @!p0 $0xFFFFF086;
	s6 =	sadd.s32 @!p0 s3, s7;
	s7 =	simm.s32 @!p0 $0x108  }
0x21: {  	s3 =	sadd.s32 s3, s9;
	s6 =	sadd.s32 @!p0 $0x88, s6;
	s7 =	simm.s32 @p2 $0x1082  }
0x22: {  	[simem:s7], [sflag:s8] =	dma.local @!p0 [hbm:s6], $0xF7A  }
0x23: {  	s9 =	sor.u32 $0xD0000000, s2;
	s6 =	simm.s32 $0x108;
	_ =	swait.ge @!p0 [sflag:s8], $0x0  }
0x24: {  	s3 =	sadd.s32 $0x88, s3;
	s6 =	simm.s32 @!p1 $0x1082;
	[sflag:s4] =	ssyncset.s32 $0xFFFFF086  }
0x25: {  	[simem:s6], [sflag:s4] =	dma.local [hbm:s3], $0xF7A  }
0x26: {  	[smem:$0x3F9A] =	sst s1;
	(tag) =	ssettag s2;
	_ =	strace s9  }
0x27: {  	s1 =	sld [smem:$0x3FAA]  }
0x28: {  	s2 =	sld [smem:$0x3FAB]  }
0x29: {  	s4 =	sld [smem:$0x3FAD]  }
0x2a: {  	p0 =	seq.s32 s5, $0x0;
	s5 =	sld [smem:$0x3FAE]  }
0x2b: {  	s6 =	sld [smem:$0x3FAF]  }
0x2c: {  	s7 =	sld [smem:$0x3FB0]  }
0x2d: {  	s3 =	simm.s32 $0x108;
	s8 =	sld [smem:$0x3FB1]  }
0x2e: {  	s3 =	simm.s32 @!p0 $0x1082;
	s9 =	sld [smem:$0x3FB2]  }
0x2f: {  	lr =	sadd.s32 s0, s3;
	s0 =	sld [smem:$0x3FA9]  }
0x30: {  	s3 =	sld [smem:$0x3FAC]  }
0x31: {  	[smem:$0x3FB5] =	sst s10  }
0x32: {  	s10 =	sld [smem:$0x3FB3];
	_ =	sdelay $0x3  }
0x33: {  	p0 =	seq.s32 s10, $0x1;
	s10 =	sld [smem:$0x3FB5];
	_ =	sdelay $0x3  }
0x34: {  	[smem:$0x3FB5] =	sst s10  }
0x35: {  	s10 =	sld [smem:$0x3FB4];
	_ =	sdelay $0x3  }
0x36: {  	p1 =	seq.s32 s10, $0x1;
	s10 =	sld [smem:$0x3FB5];
	_ =	sdelay $0x3  }
0x37: {  	[smem:$0x3FB5] =	sst s10  }
0x38: {  	s10 =	sld [smem:$0x3FB6]  }
0x39: {  	_ = 	snop;
	(pc) =	sbr.ind lr, $3  }
0x3a: {  	_ = 	snop  }
0x3b: {  	_ = 	snop  }
0x3c: {  	p2 =	seq.s32 s10, $0x1;
	s10 =	sld [smem:$0x3FB5]  }
0x3d: {  	_ =	shalt  }
0x3e: {  	_ =	shalt  }
0x3f: {  	_ =	shalt  }
0x40: {  	_ =	shalt  }
0x41: {  	_ =	shalt  }
0x42: {  	_ =	shalt  }
0x43: {  	_ =	shalt  }
0x44: {  	_ =	shalt  }
0x45: {  	_ =	shalt  }
0x46: {  	_ =	shalt  }
0x47: {  	_ =	shalt  }
0x48: {  	_ =	shalt  }
0x49: {  	_ =	shalt  }
0x4a: {  	_ =	shalt  }
0x4b: {  	_ =	shalt  }
0x4c: {  	_ =	shalt  }
0x4d: {  	_ =	shalt  }
0x4e: {  	_ =	shalt  }
0x4f: {  	_ =	shalt  }
0x50: {  	_ =	shalt  }
0x51: {  	_ =	shalt  }
0x52: {  	_ =	shalt  }
0x53: {  	_ =	shalt  }
0x54: {  	_ =	shalt  }
0x55: {  	_ =	shalt  }
0x56: {  	_ =	shalt  }
0x57: {  	_ =	shalt  }
0x58: {  	_ =	shalt  }
0x59: {  	_ =	shalt  }
0x5a: {  	_ =	shalt  }
0x5b: {  	_ =	shalt  }
0x5c: {  	_ =	shalt  }
0x5d: {  	_ =	shalt  }
0x5e: {  	_ =	shalt  }
0x5f: {  	_ =	shalt  }
0x60: {  	_ =	shalt  }
0x61: {  	_ =	shalt  }
0x62: {  	_ =	shalt  }
0x63: {  	_ =	shalt  }
0x64: {  	_ =	shalt  }
0x65: {  	_ =	shalt  }
0x66: {  	_ =	shalt  }
0x67: {  	_ =	shalt  }
0x68: {  	_ =	shalt  }
0x69: {  	_ =	shalt  }
0x6a: {  	_ =	shalt  }
0x6b: {  	_ =	shalt  }
0x6c: {  	_ =	shalt  }
0x6d: {  	_ =	shalt  }
0x6e: {  	_ =	shalt  }
0x6f: {  	_ =	shalt  }
0x70: {  	_ =	shalt  }
0x71: {  	_ =	shalt  }
0x72: {  	_ =	shalt  }
0x73: {  	_ =	shalt  }
0x74: {  	_ =	shalt  }
0x75: {  	_ =	shalt  }
0x76: {  	_ =	shalt  }
0x77: {  	_ =	shalt  }
0x78: {  	_ =	shalt  }
0x79: {  	_ =	shalt  }
0x7a: {  	_ =	shalt  }
0x7b: {  	_ =	shalt  }
0x7c: {  	_ =	shalt  }
0x7d: {  	_ =	shalt  }
0x7e: {  	_ =	shalt  }
0x7f: {  	_ =	shalt  }
0x80: {  	_ =	shalt  }
0x81: {  	_ =	shalt  }
0x82: {  	_ =	shalt  }
0x83: {  	_ =	shalt  }
0x84: {  	_ =	shalt  }
0x85: {  	_ =	shalt  }
0x86: {  	_ =	shalt  }
0x87: {  	_ =	shalt  }
.Lfunc_end0:
.L_simem_size_0:
called_computation.2_lowered:
.L_overlay_start_0:
0x88: {  	s2 =	sld [smem:$0x3FD9]  }
0x89: {  	s3 =	sld [smem:$0x3FFE];
	_ =	sdelay $0x1  }
0x8a: {  	s1 =	srdreg.scid  }
0x8b: {  	s0 =	sand.u32 $0x1, s1  }
0x8c: {  	s16 =	sshll.u32 s0, $0xA;
	s2 =	sadd.s32 s3, s2  }
0x8d: {  	s2 =	sadd.s32 s2, s16  }
0x8e: {  	[smem:$0x3FC1] =	sst s2  }
0x8f: {  	_ = 	snop  }
0x90: {  	(tm) =	ssettm $0x1  }
0x91: {  	s17 =	sld [smem:$0x3FFB];
	_ =	sdelay $0x3  }
0x92: {  	_ =	strace s17  }
0x93: {  	s2 =	sld [smem:$0x3FFC];
	_ =	sdelay $0x3  }
0x94: {  	_ =	strace s2  }
0x95: {  	s2 =	sld [smem:$0x3FFD];
	_ =	sdelay $0x3  }
0x96: {  	_ =	strace s2  }
0x97: {  	_ =	strace $0x8FFFFFFF  }
0x98: {  	s18 =	sld [smem:$0x3FDB];
	_ =	sdelay $0x1  }
0x99: {  	s19 =	simm.s32 $_scs_section_size  }
0x9a: {  	s4 =	simm.s32 $_size__tile_overlayer_lowered;
	s5 =	simm.s32 $_tile_overlayer_lowered  }
0x9b: {  	s22 =	simm.s32 $0x1BFF;
	s21 =	sshll.u32 s5, $0x1;
	s2 =	sadd.s32 s19, s18  }
0x9c: {  	s6 =	simm.s32 $0x0;
	s20 =	sshll.u32 s4, $0x1;
	s4 =	sadd.s32 s21, s2  }
0x9d: {  	[timem:s6], [sflag:s22] =	dma.local [hbm:s4], s20  }
0x9e: {  	_ =	swait.ge [sflag:s22], s20  }
0x9f: {  	s3 =	ssub.s32 $0x0, s20;
	[sflag:s22] =	ssyncset.done $0x0  }
0xa0: {  	[sflag:s22] =	ssyncadd.s32 s3;
	_ =	sdelay $0x1  }
0xa1: {  	s23 =	simm.s32 $0x1B8B  }
0xa2: {  	_ =	swait.ge [sflag:s23], $0x1  }
0xa3: {  	[sflag:s23] =	ssyncset.done $0x0  }
0xa4: {  	s25 =	simm.s32 $0x1B8E;
	s24 =	sld [smem:$0x3FFE];
	[sflag:s23] =	ssyncadd.s32 $0xFFFFFFFF  }
0xa5: {  	s26 =	simm.s32 $execute0_lowered;
	[smem:$0x3FD2] =	sst s25  }
0xa6: {  	s4 =	sshll.u32 s26, $0x1;
	_ =	strace $0x80000049;
	[dreg:$0x1] =	wrdreg $0xFFFFFFFF  }
0xa7: {  	s28 =	simm.s32 $_size_execute0_lowered;
	s2 =	sadd.s32 s2, s4;
	[dreg:$0x0] =	wrdreg $0x0  }
0xa8: {  	s4 =	sshll.u32 s28, $0x1;
	[dreg:$0x2] =	wrdreg s2  }
0xa9: {  	[dreg:$0x3] =	wrdreg s4  }
0xaa: {  	[dreg:$0x4] =	wrdreg $0xC0  }
0xab: {  	_ =	task [dreg:s6], $0x5FFFF  }
0xac: {  	[dreg:$0x1] =	wrdreg $0xFFFFFFFF  }
0xad: {  	[dreg:$0x0] =	wrdreg $0x60  }
0xae: {  	[dreg:$0x2] =	wrdreg s24  }
0xaf: {  	[dreg:$0x3] =	wrdreg $0xA  }
0xb0: {  	_ =	task.clear_ibuf [dreg:s6], $0x4FFFF;
	_ =	strace $0x90000049  }
0xb1: {  	s29 =	simm.s32 $0xA;
	_ =	strace $0x8000004B  }
0xb2: {  	_ =	swait.ge [sflag:s29], $0x1  }
0xb3: {  	[sflag:s29] =	ssyncadd.s32 $0xFFFFFFFF  }
0xb4: {  	_ =	strace $0x9000004B  }
0xb5: {  	_ =	sfence  }
0xb6: {  	s30 =	sld [smem:$0x0];
	_ =	sdelay $0x2  }
0xb7: {  	s31 =	sshll.u32 s1, $0xD;
	s1 =	sshrl.u32 s1, $0x2  }
0xb8: {  	s3 =	sand.u32 $0x4000, s31;
	s1 =	sadd.s32 s1, s30  }
0xb9: {  	s0 =	sor.u32 s3, s0;
	s1 =	sshll.u32 s1, $0x11  }
0xba: {  	s0 =	sor.u32 s1, s0  }
0xbb: {  	s0 =	sadd.s32 $0x8F2B, s0  }
0xbc: {  	[sflag:s0] =	ssyncadd.remote.s32 $0x1  }
0xbd: {  	_ =	sfence.sel $0xFFFF  }
0xbe: {  	[dreg:$0x0] =	wrdreg $0xFFFFFFFF;
	(pc) =	sbr.abs _section_cstart, $3  }
0xbf: {  	[dreg:$0x1] =	wrdreg $0xFFFFFFFF  }
0xc0: {  	_ =	task.clear_ibuf [dreg:s6], $0x2FFFF;
	_ =	strace $0x9FFFFFFF  }
0xc1: {  	(tm) =	ssettm $0x7FFFFFFF  }
tec
execute0_lowered:
.L_overlay_start_1:
0x0: {  	(tag) =	ssettag $0x1  }
0x1: {  	s1 =	srdreg.scid;
	s0 =	stileid.u32  }
0x2: {  	s4 =	rddreg [dreg:$0x0];
	s10 =	simm.s32 $0x3200;
	s11 =	simm.s32 $0x80  }
0x3: {  	s12 =	simm.s32 $0x6400;
	s14 =	simm.s32 $0xA400;
	s17 =	simm.s32 $0xE400  }
0x4: {  	s31 =	simm.s32 $0x10400;
	s18 =	simm.s32 $0x12400;
	s19 =	simm.s32 $0x14400  }
0x5: {  	s20 =	simm.s32 $0x1;
	s21 =	simm.s32 $0x40;
	s22 =	simm.s32 $0x2  }
0x6: {  	s23 =	simm.s32 $0x3;
	s24 =	simm.s32 $0x4;
	s25 =	simm.s32 $0x0  }
0x7: {  	s1 =	sand.u32 $0x1, s1;
	s2 =	sshll.u32 s0, $0x1;
	s6 =	smul.u32 $0x320000, s0  }
0x8: {  	s8 =	sadd.s32 $0x1A7C00, s4;
	s3 =	sor.u32 s1, s2;
	s7 =	smul.u32 $0x190000, s1  }
0x9: {  	s2 =	simm.s32 $0x0;
	s1 =	ssub.s32 $0x2, s1;
	s5 =	smul.u32 $0x640, s3  }
0xa: {  	[smem:$0x7FF] =	sst s2;
	s3 =	sadd.s32 $0xCB600, s4;
	s26 =	sshrl.u32 s1, $0x1  }
0xb: {  	_ =	strace $0x8000004A;
	s6 =	sadd.s32 s7, s6;
	s1 =	ssub.s32 s1, s26  }
0xc: {  	[dreg:$0x2] =	wrdreg s31;
	s5 =	sadd.s32 s5, s4;
	s7 =	sor.u32 $0x8000, s6  }
0xd: {  	s9 =	sshrl.u32 s6, $0x3;
	s6 =	smax.u32 s1, $0x1;
	s28 =	sadd.s32 $0x19B400, s5  }
0xe: {  	s29 =	sadd.s32 $0x18EC00, s5;
	s7 =	sshrl.u32 s7, $0x3;
	s30 =	sadd.s32 s9, s8  }
0xf: {  	s9 =	simm.s32 $0x5;
	[dreg:$0x3] =	wrdreg s28;
	s8 =	sadd.s32 s7, s8  }
0x10: {  	[dreg:$0x4] =	wrdreg s29;
	s7 =	sadd.s32 $0x8, s30;
	s8 =	sadd.s32 $0x8, s8  }
.LBB2_1:
0x11: {  	s0 =	rddreg [dreg:$0x3]  }
0x12: {  	[tilespmem:s2], [sflag:$0x5] =	stream.linear.gather [hbm4b:s0+s2], $0x3200, $0x38;
	[tilespmem:$0x16400] =	vst v63  }
0x13: {  	_ =	swait.ge [sflag:s9], $0x3200  }
0x14: {  	[sflag:s9] =	ssyncset.done $0x0  }
0x15: {  	s15 =	rddreg [dreg:$0x4];
	[sflag:s9] =	ssyncadd.s32 $0xFFFFCE00  }
0x16: {  	[tilespmem:s10], [sflag:$0x5] =	stream.linear.gather [hbm4b:s15+s2], $0x3200, $0x38;
	[tilespmem:$0x16400] =	vst v63  }
0x17: {  	_ =	swait.ge [sflag:s9], $0x3200  }
0x18: {  	[sflag:s9] =	ssyncset.done $0x0  }
0x19: {  	[sflag:s9] =	ssyncadd.s32 $0xFFFFCE00  }
0x1a: {  	[tilespmem:s12], [sflag:$0x1] =	stream.indirect.gather [hbm4b:s3+s11], $0x40, s2, s11, $0xb8;
	[tilespmem:$0x16400] =	vst v63  }
0x1b: {  	s16 =	simm.s32 $0x8400  }
0x1c: {  	[tilespmem:s16], [sflag:$0x1] =	stream.indirect.gather [hbm4b:s3+s11], $0x40, s11, s11, $0xb8;
	[tilespmem:$0x16400] =	vst v63  }
0x1d: {  	p0 =	por $0x1, $0x1  }
0x1e: {  	[tilespmem:s14], [sflag:$0x1] =	stream.indirect.gather [hbm4b:s3+s11], $0x40, s10, s11, $0xb8;
	[tilespmem:$0x16400] =	vst v63  }
0x1f: {  	s26 =	simm.s32 $0x3280;
	s1 =	simm.s32 $0xC400;
	p0 =	por p0, p0  }
0x20: {  	[tilespmem:s1], [sflag:$0x1] =	stream.indirect.gather [hbm4b:s3+s11], $0x40, s26, s11, $0xb8;
	[tilespmem:$0x16400] =	vst v63  }
0x21: {  	s1 =	simm.s32 @!p0 $0x4  }
0x22: {  	_ =	swait.ge @!p0 [sflag:s1], $0x4000  }
0x23: {  	[sflag:s1] =	ssyncset.done @!p0 $0x0  }
0x24: {  	[sflag:s1] =	ssyncadd.s32 @!p0 $0xFFFFC000  }
0x25: {  	_ =	swait.ge @!p0 [sflag:s1], $0x4000  }
0x26: {  	[sflag:s1] =	ssyncset.done @!p0 $0x0  }
0x27: {  	s4 =	simm.s32 $0x100;
	[sflag:s1] =	ssyncadd.s32 @!p0 $0xFFFFC000  }
0x28: {  	[tilespmem:s17], [sflag:$0x2] =	stream.indirect.gather [hbm4b:s3+s11], $0x40, s4, s11, $0xb8;
	[tilespmem:$0x16400] =	vst v63  }
0x29: {  	s5 =	simm.s32 $0x180;
	s26 =	rddreg [dreg:$0x2]  }
0x2a: {  	[tilespmem:s26], [sflag:$0x2] =	stream.indirect.gather [hbm4b:s3+s11], $0x40, s5, s11, $0xb8;
	[tilespmem:$0x16400] =	vst v63  }
0x2b: {  	s13 =	simm.s32 $0x3300  }
0x2c: {  	[tilespmem:s18], [sflag:$0x2] =	stream.indirect.gather [hbm4b:s3+s11], $0x40, s13, s11, $0xb8;
	[tilespmem:$0x16400] =	vst v63  }
0x2d: {  	s15 =	simm.s32 $0x3380  }
0x2e: {  	[tilespmem:s19], [sflag:$0x2] =	stream.indirect.gather [hbm4b:s3+s11], $0x40, s15, s11, $0xb8;
	[tilespmem:$0x16400] =	vst v63  }
0x2f: {  	_ =	swait.ge [sflag:s20], $0x2000  }
0x30: {  	[sflag:s20] =	ssyncset.done $0x0  }
0x31: {  	[sflag:s20] =	ssyncadd.s32 $0xFFFFE000  }
0x32: {  	_ =	swait.ge [sflag:s20], $0x2000  }
0x33: {  	[sflag:s20] =	ssyncset.done $0x0  }
0x34: {  	[sflag:s20] =	ssyncadd.s32 $0xFFFFE000  }
0x35: {  	_ =	swait.ge [sflag:s20], $0x2000  }
0x36: {  	[sflag:s20] =	ssyncset.done $0x0  }
0x37: {  	[sflag:s20] =	ssyncadd.s32 $0xFFFFE000  }
0x38: {  	_ =	swait.ge [sflag:s20], $0x2000  }
0x39: {  	[sflag:s20] =	ssyncset.done $0x0  }
0x3a: {  	s16 =	sadd.s32 $0xFFFFFFF8, s7;
	p0 =	por $0x0, $0x0;
	[sflag:s20] =	ssyncadd.s32 $0xFFFFE000  }
0x3b: {  	[hbm4b:s16+s21] =	stream.strided.scatter [tilespmem:s12], [sflag:$0x3], $0x4000, s11, s21, $0x38;
	[tilespmem:$0x16400] =	vst v63  }
0x3c: {  	s1 =	simm.s32 @!p0 $0x3  }
0x3d: {  	[hbm4b:s7+s21] =	stream.strided.scatter [tilespmem:s14], [sflag:$0x3], $0x4000, s11, s21, $0x38;
	[tilespmem:$0x16400] =	vst v63  }
0x3e: {  	_ =	swait.ge @!p0 [sflag:s1], $0x4000  }
0x3f: {  	[sflag:s1] =	ssyncset.done @!p0 $0x0  }
0x40: {  	[sflag:s1] =	ssyncadd.s32 @!p0 $0xFFFFC000  }
0x41: {  	_ =	swait.ge @!p0 [sflag:s1], $0x4000  }
0x42: {  	s28 =	simm.s32 @!p0 $0x80;
	[sflag:s1] =	ssyncset.done @!p0 $0x0  }
0x43: {  	s29 =	simm.s32 @!p0 $0x6400;
	s26 =	simm.s32 @!p0 $0x200;
	[sflag:s1] =	ssyncadd.s32 @!p0 $0xFFFFC000  }
0x44: {  	[tilespmem:s29], [sflag:$0x1] =	stream.indirect.gather @!p0 [hbm4b:s3+s28], $0x40, s26, s28, $0xb8;
	[tilespmem:$0x16400] =	vst v63  }
0x45: {  	s1 =	simm.s32 @!p0 $0x280;
	s26 =	simm.s32 @!p0 $0x8400  }
0x46: {  	[tilespmem:s26], [sflag:$0x1] =	stream.indirect.gather @!p0 [hbm4b:s3+s28], $0x40, s1, s28, $0xb8;
	[tilespmem:$0x16400] =	vst v63  }
0x47: {  	s1 =	simm.s32 @!p0 $0x3400;
	s26 =	simm.s32 @!p0 $0xA400  }
0x48: {  	[tilespmem:s26], [sflag:$0x1] =	stream.indirect.gather @!p0 [hbm4b:s3+s28], $0x40, s1, s28, $0xb8;
	[tilespmem:$0x16400] =	vst v63  }
0x49: {  	s1 =	simm.s32 @!p0 $0x3480;
	s26 =	simm.s32 @!p0 $0xC400  }
0x4a: {  	[tilespmem:s26], [sflag:$0x1] =	stream.indirect.gather @!p0 [hbm4b:s3+s28], $0x40, s1, s28, $0xb8;
	[tilespmem:$0x16400] =	vst v63  }
0x4b: {  	_ =	swait.ge [sflag:s22], $0x2000  }
0x4c: {  	[sflag:s22] =	ssyncset.done $0x0  }
0x4d: {  	[sflag:s22] =	ssyncadd.s32 $0xFFFFE000  }
0x4e: {  	_ =	swait.ge [sflag:s22], $0x2000  }
0x4f: {  	[sflag:s22] =	ssyncset.done $0x0  }
0x50: {  	[sflag:s22] =	ssyncadd.s32 $0xFFFFE000  }
0x51: {  	_ =	swait.ge [sflag:s22], $0x2000  }
0x52: {  	[sflag:s22] =	ssyncset.done $0x0  }
0x53: {  	[sflag:s22] =	ssyncadd.s32 $0xFFFFE000  }
0x54: {  	p6 =	por $0x0, $0x0;
	_ =	swait.ge [sflag:s22], $0x2000  }
0x55: {  	s30 =	simm.s32 $0x1000;
	s31 =	smov.u32 s8;
	[sflag:s22] =	ssyncset.done $0x0  }
0x56: {  	s29 =	sadd.s32 $0x2000, s7;
	s26 =	sadd.s32 $0xFFFFFFF8, s8;
	[sflag:s22] =	ssyncadd.s32 $0xFFFFE000  }
0x57: {  	[hbm4b:s26+s21] =	stream.strided.scatter [tilespmem:s17], [sflag:$0x4], $0x4000, s11, s21, $0x38;
	[tilespmem:$0x16400] =	vst v63  }
0x58: {  	s28 =	simm.s32 $0x800;
	p0 =	por p6, p6;
	s26 =	sadd.s32 $0x2000, s8  }
.LBB2_2:
0x59: {  	s0 =	simm.s32 @!p0 $0x4  }
0x5a: {  	[hbm4b:s31+s21] =	stream.strided.scatter [tilespmem:s18], [sflag:$0x4], $0x4000, s11, s21, $0x38;
	[tilespmem:$0x16400] =	vst v63  }
0x5b: {  	_ =	swait.ge @!p0 [sflag:s0], $0x4000  }
0x5c: {  	[sflag:s0] =	ssyncset.done @!p0 $0x0  }
0x5d: {  	[sflag:s0] =	ssyncadd.s32 @!p0 $0xFFFFC000  }
0x5e: {  	_ =	swait.ge @!p0 [sflag:s0], $0x4000  }
0x5f: {  	s13 =	sshra.s32 s28, $0x2;
	[sflag:s0] =	ssyncset.done @!p0 $0x0  }
0x60: {  	s16 =	sadd.s32 $0x100, s13;
	[sflag:s0] =	ssyncadd.s32 @!p0 $0xFFFFC000  }
0x61: {  	[tilespmem:s17], [sflag:$0x2] =	stream.indirect.gather [hbm4b:s3+s11], $0x40, s16, s11, $0xb8;
	[tilespmem:$0x16400] =	vst v63  }
0x62: {  	s4 =	sadd.s32 $0x180, s13;
	s15 =	rddreg [dreg:$0x2]  }
0x63: {  	[tilespmem:s15], [sflag:$0x2] =	stream.indirect.gather [hbm4b:s3+s11], $0x40, s4, s11, $0xb8;
	[tilespmem:$0x16400] =	vst v63  }
0x64: {  	s5 =	sadd.s32 $0x3300, s13  }
0x65: {  	[tilespmem:s18], [sflag:$0x2] =	stream.indirect.gather [hbm4b:s3+s11], $0x40, s5, s11, $0xb8;
	[tilespmem:$0x16400] =	vst v63  }
0x66: {  	s13 =	sadd.s32 $0x3380, s13  }
0x67: {  	[tilespmem:s19], [sflag:$0x2] =	stream.indirect.gather [hbm4b:s3+s11], $0x40, s13, s11, $0xb8;
	[tilespmem:$0x16400] =	vst v63  }
0x68: {  	_ =	swait.ge [sflag:s20], $0x2000  }
0x69: {  	[sflag:s20] =	ssyncset.done $0x0  }
0x6a: {  	[sflag:s20] =	ssyncadd.s32 $0xFFFFE000  }
0x6b: {  	_ =	swait.ge [sflag:s20], $0x2000  }
0x6c: {  	[sflag:s20] =	ssyncset.done $0x0  }
0x6d: {  	[sflag:s20] =	ssyncadd.s32 $0xFFFFE000  }
0x6e: {  	_ =	swait.ge [sflag:s20], $0x2000  }
0x6f: {  	[sflag:s20] =	ssyncset.done $0x0  }
0x70: {  	[sflag:s20] =	ssyncadd.s32 $0xFFFFE000  }
0x71: {  	p2 =	seq.s32 s30, $0x0;
	_ =	swait.ge [sflag:s20], $0x2000  }
0x72: {  	p0 =	por p2, p2;
	[sflag:s20] =	ssyncset.done $0x0  }
0x73: {  	p2 =	seq.s32 s28, $0xC000;
	s15 =	sadd.s32 $0xFFFFFFF8, s29;
	[sflag:s20] =	ssyncadd.s32 $0xFFFFE000  }
0x74: {  	[hbm4b:s15+s21] =	stream.strided.scatter [tilespmem:s12], [sflag:$0x3], $0x4000, s11, s21, $0x38;
	[tilespmem:$0x16400] =	vst v63  }
0x75: {  	s0 =	simm.s32 @!p2 $0x3  }
0x76: {  	[hbm4b:s29+s21] =	stream.strided.scatter [tilespmem:s14], [sflag:$0x3], $0x4000, s11, s21, $0x38;
	[tilespmem:$0x16400] =	vst v63  }
0x77: {  	_ =	swait.ge @!p2 [sflag:s0], $0x4000  }
0x78: {  	[sflag:s0] =	ssyncset.done @!p2 $0x0  }
0x79: {  	[sflag:s0] =	ssyncadd.s32 @!p2 $0xFFFFC000  }
0x7a: {  	s1 =	smov.u32 s30;
	s4 =	simm.s32 @!p2 $0x80;
	_ =	swait.ge @!p2 [sflag:s0], $0x4000  }
0x7b: {  	s5 =	simm.s32 @!p2 $0x6400;
	s13 =	sshra.s32 @!p2 s28, $0x2;
	[sflag:s0] =	ssyncset.done @!p2 $0x0  }
0x7c: {  	s28 =	smov.u32 s1;
	s1 =	sadd.s32 @!p2 $0x200, s13;
	[sflag:s0] =	ssyncadd.s32 @!p2 $0xFFFFC000  }
0x7d: {  	[tilespmem:s5], [sflag:$0x1] =	stream.indirect.gather @!p2 [hbm4b:s3+s4], $0x40, s1, s4, $0xb8;
	[tilespmem:$0x16400] =	vst v63  }
0x7e: {  	s15 =	sadd.s32 @!p2 $0x280, s13;
	s0 =	simm.s32 @!p2 $0x8400  }
0x7f: {  	[tilespmem:s0], [sflag:$0x1] =	stream.indirect.gather @!p2 [hbm4b:s3+s4], $0x40, s15, s4, $0xb8;
	[tilespmem:$0x16400] =	vst v63  }
0x80: {  	s16 =	sadd.s32 @!p2 $0x3400, s13;
	s1 =	simm.s32 @!p2 $0xA400  }
0x81: {  	[tilespmem:s1], [sflag:$0x1] =	stream.indirect.gather @!p2 [hbm4b:s3+s4], $0x40, s16, s4, $0xb8;
	[tilespmem:$0x16400] =	vst v63  }
0x82: {  	s13 =	sadd.s32 @!p2 $0x3480, s13;
	s0 =	simm.s32 @!p2 $0xC400  }
0x83: {  	[tilespmem:s0], [sflag:$0x1] =	stream.indirect.gather @!p2 [hbm4b:s3+s4], $0x40, s13, s4, $0xb8;
	[tilespmem:$0x16400] =	vst v63  }
0x84: {  	_ =	swait.ge [sflag:s22], $0x2000  }
0x85: {  	[sflag:s22] =	ssyncset.done $0x0  }
0x86: {  	[sflag:s22] =	ssyncadd.s32 $0xFFFFE000  }
0x87: {  	_ =	swait.ge [sflag:s22], $0x2000  }
0x88: {  	[sflag:s22] =	ssyncset.done $0x0  }
0x89: {  	[sflag:s22] =	ssyncadd.s32 $0xFFFFE000  }
0x8a: {  	s30 =	sadd.s32 $0x800, s30;
	_ =	swait.ge [sflag:s22], $0x2000  }
0x8b: {  	p1 =	sne.s32 s30, $0xC800;
	[sflag:s22] =	ssyncset.done $0x0  }
.Ltmp0:
0x8c: {  	[sflag:s22] =	ssyncadd.s32 $0xFFFFE000;
	(pc) =	sbr.rel @p1 .LBB2_2-.Ltmp0, $4  }
0x8d: {  	_ =	swait.ge [sflag:s22], $0x2000  }
0x8e: {  	s31 =	smov.u32 s26;
	s29 =	sadd.s32 $0x2000, s29;
	[sflag:s22] =	ssyncset.done $0x0  }
0x8f: {  	s16 =	sadd.s32 $0xFFFFFFF8, s26;
	s26 =	sadd.s32 $0x2000, s26;
	[sflag:s22] =	ssyncadd.s32 $0xFFFFE000  }
0x90: {  	[hbm4b:s16+s21] =	stream.strided.scatter [tilespmem:s17], [sflag:$0x4], $0x4000, s11, s21, $0x38;
	[tilespmem:$0x16400] =	vst v63  }
0x91: {  	s0 =	simm.s32 @!p0 $0x4  }
0x92: {  	[hbm4b:s31+s21] =	stream.strided.scatter [tilespmem:s18], [sflag:$0x4], $0x4000, s11, s21, $0x38;
	[tilespmem:$0x16400] =	vst v63  }
0x93: {  	_ =	swait.ge @!p0 [sflag:s0], $0x4000  }
0x94: {  	[sflag:s0] =	ssyncset.done @!p0 $0x0  }
0x95: {  	[sflag:s0] =	ssyncadd.s32 @!p0 $0xFFFFC000  }
0x96: {  	_ =	swait.ge @!p0 [sflag:s0], $0x4000  }
0x97: {  	s1 =	sshra.s32 s28, $0x2;
	[sflag:s0] =	ssyncset.done @!p0 $0x0  }
0x98: {  	s5 =	sadd.s32 $0x100, s1;
	[sflag:s0] =	ssyncadd.s32 @!p0 $0xFFFFC000  }
0x99: {  	[tilespmem:s17], [sflag:$0x2] =	stream.indirect.gather [hbm4b:s3+s11], $0x40, s5, s11, $0xb8;
	[tilespmem:$0x16400] =	vst v63  }
0x9a: {  	s13 =	sadd.s32 $0x180, s1;
	s4 =	rddreg [dreg:$0x2]  }
0x9b: {  	[tilespmem:s4], [sflag:$0x2] =	stream.indirect.gather [hbm4b:s3+s11], $0x40, s13, s11, $0xb8;
	[tilespmem:$0x16400] =	vst v63  }
0x9c: {  	s15 =	sadd.s32 $0x3300, s1  }
0x9d: {  	[tilespmem:s18], [sflag:$0x2] =	stream.indirect.gather [hbm4b:s3+s11], $0x40, s15, s11, $0xb8;
	[tilespmem:$0x16400] =	vst v63  }
0x9e: {  	s16 =	sadd.s32 $0x3380, s1  }
0x9f: {  	[tilespmem:s19], [sflag:$0x2] =	stream.indirect.gather [hbm4b:s3+s11], $0x40, s16, s11, $0xb8;
	[tilespmem:$0x16400] =	vst v63  }
0xa0: {  	_ =	swait.ge [sflag:s20], $0x2000  }
0xa1: {  	[sflag:s20] =	ssyncset.done $0x0  }
0xa2: {  	[sflag:s20] =	ssyncadd.s32 $0xFFFFE000  }
0xa3: {  	_ =	swait.ge [sflag:s20], $0x2000  }
0xa4: {  	[sflag:s20] =	ssyncset.done $0x0  }
0xa5: {  	[sflag:s20] =	ssyncadd.s32 $0xFFFFE000  }
0xa6: {  	_ =	swait.ge [sflag:s20], $0x2000  }
0xa7: {  	[sflag:s20] =	ssyncset.done $0x0  }
0xa8: {  	[sflag:s20] =	ssyncadd.s32 $0xFFFFE000  }
0xa9: {  	_ =	swait.ge [sflag:s20], $0x2000  }
0xaa: {  	[sflag:s20] =	ssyncset.done $0x0  }
0xab: {  	s30 =	sadd.s32 $0xFFFFFFF8, s29;
	p0 =	seq.s32 s28, $0xC000;
	[sflag:s20] =	ssyncadd.s32 $0xFFFFE000  }
0xac: {  	[hbm4b:s30+s21] =	stream.strided.scatter [tilespmem:s12], [sflag:$0x3], $0x4000, s11, s21, $0x38;
	[tilespmem:$0x16400] =	vst v63  }
0xad: {  	s0 =	simm.s32 @!p0 $0x3  }
0xae: {  	[hbm4b:s29+s21] =	stream.strided.scatter [tilespmem:s14], [sflag:$0x3], $0x4000, s11, s21, $0x38;
	[tilespmem:$0x16400] =	vst v63  }
0xaf: {  	_ =	swait.ge @!p0 [sflag:s0], $0x4000  }
0xb0: {  	[sflag:s0] =	ssyncset.done @!p0 $0x0  }
0xb1: {  	[sflag:s0] =	ssyncadd.s32 @!p0 $0xFFFFC000  }
0xb2: {  	_ =	swait.ge @!p0 [sflag:s0], $0x4000  }
0xb3: {  	s1 =	sshra.s32 @!p0 s28, $0x2;
	s5 =	simm.s32 @!p0 $0x80;
	[sflag:s0] =	ssyncset.done @!p0 $0x0  }
0xb4: {  	s4 =	sadd.s32 @!p0 $0x200, s1;
	s13 =	simm.s32 @!p0 $0x6400;
	[sflag:s0] =	ssyncadd.s32 @!p0 $0xFFFFC000  }
0xb5: {  	[tilespmem:s13], [sflag:$0x1] =	stream.indirect.gather @!p0 [hbm4b:s3+s5], $0x40, s4, s5, $0xb8;
	[tilespmem:$0x16400] =	vst v63  }
0xb6: {  	s0 =	sadd.s32 @!p0 $0x280, s1;
	s4 =	simm.s32 @!p0 $0x8400  }
0xb7: {  	[tilespmem:s4], [sflag:$0x1] =	stream.indirect.gather @!p0 [hbm4b:s3+s5], $0x40, s0, s5, $0xb8;
	[tilespmem:$0x16400] =	vst v63  }
0xb8: {  	s0 =	sadd.s32 @!p0 $0x3400, s1;
	s4 =	simm.s32 @!p0 $0xA400  }
0xb9: {  	[tilespmem:s4], [sflag:$0x1] =	stream.indirect.gather @!p0 [hbm4b:s3+s5], $0x40, s0, s5, $0xb8;
	[tilespmem:$0x16400] =	vst v63  }
0xba: {  	s0 =	sadd.s32 @!p0 $0x3480, s1;
	s1 =	simm.s32 @!p0 $0xC400  }
0xbb: {  	[tilespmem:s1], [sflag:$0x1] =	stream.indirect.gather @!p0 [hbm4b:s3+s5], $0x40, s0, s5, $0xb8;
	[tilespmem:$0x16400] =	vst v63  }
0xbc: {  	_ =	swait.ge [sflag:s22], $0x2000  }
0xbd: {  	[sflag:s22] =	ssyncset.done $0x0  }
0xbe: {  	[sflag:s22] =	ssyncadd.s32 $0xFFFFE000  }
0xbf: {  	_ =	swait.ge [sflag:s22], $0x2000  }
0xc0: {  	[sflag:s22] =	ssyncset.done $0x0  }
0xc1: {  	[sflag:s22] =	ssyncadd.s32 $0xFFFFE000  }
0xc2: {  	_ =	swait.ge [sflag:s22], $0x2000  }
0xc3: {  	[sflag:s22] =	ssyncset.done $0x0  }
0xc4: {  	[sflag:s22] =	ssyncadd.s32 $0xFFFFE000  }
0xc5: {  	_ =	swait.ge [sflag:s22], $0x2000  }
0xc6: {  	[sflag:s22] =	ssyncset.done $0x0  }
0xc7: {  	s31 =	sadd.s32 $0xFFFFFFF8, s26;
	[sflag:s22] =	ssyncadd.s32 $0xFFFFE000  }
0xc8: {  	[hbm4b:s31+s21] =	stream.strided.scatter [tilespmem:s17], [sflag:$0x4], $0x4000, s11, s21, $0x38;
	[tilespmem:$0x16400] =	vst v63  }
0xc9: {  	_ = 	snop  }
0xca: {  	[hbm4b:s26+s21] =	stream.strided.scatter [tilespmem:s18], [sflag:$0x4], $0x4000, s11, s21, $0x38;
	[tilespmem:$0x16400] =	vst v63  }
0xcb: {  	_ =	swait.ge [sflag:s23], $0x4000  }
0xcc: {  	[sflag:s23] =	ssyncset.done $0x0  }
0xcd: {  	[sflag:s23] =	ssyncadd.s32 $0xFFFFC000  }
0xce: {  	_ =	swait.ge [sflag:s23], $0x4000  }
0xcf: {  	[sflag:s23] =	ssyncset.done $0x0  }
0xd0: {  	s25 =	sadd.s32 $0x1, s25;
	[sflag:s23] =	ssyncadd.s32 $0xFFFFC000  }
0xd1: {  	p0 =	sne.s32 s25, s6;
	_ =	swait.ge [sflag:s24], $0x4000  }
.Ltmp1:
0xd2: {  	[sflag:s24] =	ssyncset.done $0x0;
	(pc) =	sbr.rel @p0 .LBB2_1-.Ltmp1, $4  }
0xd3: {  	[sflag:s24] =	ssyncadd.s32 $0xFFFFC000  }
0xd4: {  	_ =	swait.ge [sflag:s24], $0x4000  }
0xd5: {  	[sflag:s24] =	ssyncset.done $0x0  }
0xd6: {  	[sflag:s24] =	ssyncadd.s32 $0xFFFFC000  }
0xd7: {  	_ =	sfence.sel $0x180000  }
0xd8: {  	[bflag:$0x0] =	sbarrier.arrive $0xFFFF  }
0xd9: {  	_ =	strace $0x9000004A  }
0xda: {  	s0 =	stileid.u32;
	[bflag:$0x2] =	sbarrier.arrive $0xFFFF  }
0xdb: {  	p0 =	sne.s32 s0, $0x0;
	s0 =	rddreg [dreg:$0x1]  }
0xdc: {  	s0 =	sadd.s32 @!p0 $0x100000, s0  }
0xdd: {  	[sflag:s0] =	ssyncadd.tile.s32 @!p0 $0x1;
	_ =	shalt  }
.Lfunc_end2:
_tile_overlayer_lowered:
.L_overlay_start_2:
0xde: {  	(tag) =	ssettag $0x2  }
0xdf: {  	s0 =	rddreg [dreg:$0x0];
	s2 =	stileid.u32  }
0xe0: {  	s1 =	rddreg [dreg:$0x1];
	p0 =	sne.s32 s2, $0x0  }
0xe1: {  	s3 =	rddreg [dreg:$0x2];
	[bflag:$0x3] =	sbarrier.arrive $0xFFFF;
	s2 =	simm.s32 @!p0 $0x1C05  }
0xe2: {  	[timem:s3], [sflag:s2] =	dma.local @!p0 [hbm:s0], s1  }
0xe3: {  	s0 =	simm.s32 @!p0 $0x5  }
0xe4: {  	_ =	swait.ge @!p0 [sflag:s0], s1  }
0xe5: {  	s1 =	ssub.s32 @!p0 $0x0, s1;
	[sflag:s0] =	ssyncset.done @!p0 $0x0  }
0xe6: {  	[sflag:s0] =	ssyncadd.s32 @!p0 s1  }
0xe7: {  	[bflag:$0x3] =	sbarrier.arrive $0xFFFF  }
0xe8: {  	_ =	shalt  }

// kernel: kernel.8.cloned.1.call-start
scs
__scs_entry_jumppad:
0x0: {  	(pc) =	sbr.rel $0x88, $3  }
0x1: {  	(tag) =	ssettag $0x0;
	lr =	simm.s32 $0x1  }
0x2: {  	[smem:$0x3F9A] =	sst lr;
	_ =	strace $0xD0000000  }
0x3: {  	_ = 	snop  }
0x4: {  	_ = 	snop  }
0x5: {  	_ = 	snop  }
0x6: {  	_ = 	snop  }
0x7: {  	_ = 	snop  }
__scs_overlays_trampoline_lowered:
0x8: {  	[smem:$0x3FA9] =	sst s0  }
0x9: {  	[smem:$0x3FAA] =	sst s1  }
0xa: {  	[smem:$0x3FAB] =	sst s2  }
0xb: {  	[smem:$0x3FAC] =	sst s3  }
0xc: {  	[smem:$0x3FAD] =	sst s4  }
0xd: {  	[smem:$0x3FAE] =	sst s5  }
0xe: {  	[smem:$0x3FAF] =	sst s6  }
0xf: {  	[smem:$0x3FB0] =	sst s7  }
0x10: {  	[smem:$0x3FB1] =	sst s8  }
0x11: {  	[smem:$0x3FB2] =	sst s9;
	s0 =	simm.s32 @!p0 $0x0  }
0x12: {  	s1 =	sld [smem:$0x3F98];
	s0 =	simm.s32 @p0 $0x1  }
0x13: {  	[smem:$0x3FB3] =	sst s0;
	s0 =	simm.s32 @!p1 $0x0  }
0x14: {  	s2 =	sld [smem:$0x3F97];
	s0 =	simm.s32 @p1 $0x1  }
0x15: {  	[smem:$0x3FB4] =	sst s0;
	s0 =	simm.s32 @!p2 $0x0  }
0x16: {  	s3 =	sld [smem:$0x3FDB];
	s0 =	simm.s32 @p2 $0x1  }
0x17: {  	s4 =	simm.s32 $0x1BF5;
	[smem:$0x3FB6] =	sst s0  }
0x18: {  	s0 =	sld [smem:$0x3F99];
	_ =	swait.ge [sflag:s4], $0x0  }
0x19: {  	s7 =	sld [smem:$0x3F9A]  }
0x1a: {  	s8 =	sadd.s32 $0xFFFFE003, lr  }
0x1b: {  	s9 =	sadd.s32 $0xFFFFFEF7, lr;
	s5 =	simm.s32 $0xFFFFFFFF;
	p2 =	slt.u32 s8, $0xFFFFF086  }
0x1c: {  	p1 =	slt.u32 s9, $0xF7A;
	s5 =	simm.s32 @!p2 $0x0  }
0x1d: {  	s5 =	simm.s32 @p1 $0x1;
	p0 =	seq.s32 s7, s2  }
0x1e: {  	s7 =	smul.u32 @!p0 $0xF7A, s2;
	p2 =	seq.s32 @!p0 s5, $0x0  }
0x1f: {  	s9 =	smul.u32 $0xF7A, s1;
	s8 =	simm.s32 @!p0 $0x1BF5;
	p2 =	por !p2, p0  }
0x20: {  	[sflag:s8] =	ssyncset.s32 @!p0 $0xFFFFF086;
	s6 =	sadd.s32 @!p0 s3, s7;
	s7 =	simm.s32 @!p0 $0x108  }
0x21: {  	s3 =	sadd.s32 s3, s9;
	s6 =	sadd.s32 @!p0 $0x88, s6;
	s7 =	simm.s32 @p2 $0x1082  }
0x22: {  	[simem:s7], [sflag:s8] =	dma.local @!p0 [hbm:s6], $0xF7A  }
0x23: {  	s9 =	sor.u32 $0xD0000000, s2;
	s6 =	simm.s32 $0x108;
	_ =	swait.ge @!p0 [sflag:s8], $0x0  }
0x24: {  	s3 =	sadd.s32 $0x88, s3;
	s6 =	simm.s32 @!p1 $0x1082;
	[sflag:s4] =	ssyncset.s32 $0xFFFFF086  }
0x25: {  	[simem:s6], [sflag:s4] =	dma.local [hbm:s3], $0xF7A  }
0x26: {  	[smem:$0x3F9A] =	sst s1;
	(tag) =	ssettag s2;
	_ =	strace s9  }
0x27: {  	s1 =	sld [smem:$0x3FAA]  }
0x28: {  	s2 =	sld [smem:$0x3FAB]  }
0x29: {  	s4 =	sld [smem:$0x3FAD]  }
0x2a: {  	p0 =	seq.s32 s5, $0x0;
	s5 =	sld [smem:$0x3FAE]  }
0x2b: {  	s6 =	sld [smem:$0x3FAF]  }
0x2c: {  	s7 =	sld [smem:$0x3FB0]  }
0x2d: {  	s3 =	simm.s32 $0x108;
	s8 =	sld [smem:$0x3FB1]  }
0x2e: {  	s3 =	simm.s32 @!p0 $0x1082;
	s9 =	sld [smem:$0x3FB2]  }
0x2f: {  	lr =	sadd.s32 s0, s3;
	s0 =	sld [smem:$0x3FA9]  }
0x30: {  	s3 =	sld [smem:$0x3FAC]  }
0x31: {  	[smem:$0x3FB5] =	sst s10  }
0x32: {  	s10 =	sld [smem:$0x3FB3];
	_ =	sdelay $0x3  }
0x33: {  	p0 =	seq.s32 s10, $0x1;
	s10 =	sld [smem:$0x3FB5];
	_ =	sdelay $0x3  }
0x34: {  	[smem:$0x3FB5] =	sst s10  }
0x35: {  	s10 =	sld [smem:$0x3FB4];
	_ =	sdelay $0x3  }
0x36: {  	p1 =	seq.s32 s10, $0x1;
	s10 =	sld [smem:$0x3FB5];
	_ =	sdelay $0x3  }
0x37: {  	[smem:$0x3FB5] =	sst s10  }
0x38: {  	s10 =	sld [smem:$0x3FB6]  }
0x39: {  	_ = 	snop;
	(pc) =	sbr.ind lr, $3  }
0x3a: {  	_ = 	snop  }
0x3b: {  	_ = 	snop  }
0x3c: {  	p2 =	seq.s32 s10, $0x1;
	s10 =	sld [smem:$0x3FB5]  }
0x3d: {  	_ =	shalt  }
0x3e: {  	_ =	shalt  }
0x3f: {  	_ =	shalt  }
0x40: {  	_ =	shalt  }
0x41: {  	_ =	shalt  }
0x42: {  	_ =	shalt  }
0x43: {  	_ =	shalt  }
0x44: {  	_ =	shalt  }
0x45: {  	_ =	shalt  }
0x46: {  	_ =	shalt  }
0x47: {  	_ =	shalt  }
0x48: {  	_ =	shalt  }
0x49: {  	_ =	shalt  }
0x4a: {  	_ =	shalt  }
0x4b: {  	_ =	shalt  }
0x4c: {  	_ =	shalt  }
0x4d: {  	_ =	shalt  }
0x4e: {  	_ =	shalt  }
0x4f: {  	_ =	shalt  }
0x50: {  	_ =	shalt  }
0x51: {  	_ =	shalt  }
0x52: {  	_ =	shalt  }
0x53: {  	_ =	shalt  }
0x54: {  	_ =	shalt  }
0x55: {  	_ =	shalt  }
0x56: {  	_ =	shalt  }
0x57: {  	_ =	shalt  }
0x58: {  	_ =	shalt  }
0x59: {  	_ =	shalt  }
0x5a: {  	_ =	shalt  }
0x5b: {  	_ =	shalt  }
0x5c: {  	_ =	shalt  }
0x5d: {  	_ =	shalt  }
0x5e: {  	_ =	shalt  }
0x5f: {  	_ =	shalt  }
0x60: {  	_ =	shalt  }
0x61: {  	_ =	shalt  }
0x62: {  	_ =	shalt  }
0x63: {  	_ =	shalt  }
0x64: {  	_ =	shalt  }
0x65: {  	_ =	shalt  }
0x66: {  	_ =	shalt  }
0x67: {  	_ =	shalt  }
0x68: {  	_ =	shalt  }
0x69: {  	_ =	shalt  }
0x6a: {  	_ =	shalt  }
0x6b: {  	_ =	shalt  }
0x6c: {  	_ =	shalt  }
0x6d: {  	_ =	shalt  }
0x6e: {  	_ =	shalt  }
0x6f: {  	_ =	shalt  }
0x70: {  	_ =	shalt  }
0x71: {  	_ =	shalt  }
0x72: {  	_ =	shalt  }
0x73: {  	_ =	shalt  }
0x74: {  	_ =	shalt  }
0x75: {  	_ =	shalt  }
0x76: {  	_ =	shalt  }
0x77: {  	_ =	shalt  }
0x78: {  	_ =	shalt  }
0x79: {  	_ =	shalt  }
0x7a: {  	_ =	shalt  }
0x7b: {  	_ =	shalt  }
0x7c: {  	_ =	shalt  }
0x7d: {  	_ =	shalt  }
0x7e: {  	_ =	shalt  }
0x7f: {  	_ =	shalt  }
0x80: {  	_ =	shalt  }
0x81: {  	_ =	shalt  }
0x82: {  	_ =	shalt  }
0x83: {  	_ =	shalt  }
0x84: {  	_ =	shalt  }
0x85: {  	_ =	shalt  }
0x86: {  	_ =	shalt  }
0x87: {  	_ =	shalt  }
.Lfunc_end0:
.L_simem_size_0:
called_computation_lowered:
.L_overlay_start_0:
0x88: {  	s2 =	sld [smem:$0x3FD9]  }
0x89: {  	s3 =	sld [smem:$0x3FFE];
	_ =	sdelay $0x1  }
0x8a: {  	s1 =	srdreg.scid  }
0x8b: {  	s0 =	sand.u32 $0x1, s1  }
0x8c: {  	s14 =	sshll.u32 s0, $0xA;
	s2 =	sadd.s32 s3, s2  }
0x8d: {  	s2 =	sadd.s32 s2, s14  }
0x8e: {  	[smem:$0x3FC1] =	sst s2  }
0x8f: {  	_ = 	snop  }
0x90: {  	s2 =	sld [smem:$0x3FD0];
	_ =	sdelay $0x2  }
0x91: {  	s15 =	simm.s32 $0xB;
	s4 =	simm.s32 $0x10  }
0x92: {  	[smem:s4], [sflag:s15] =	dma.local [hbm:s2], $0x1  }
0x93: {  	_ =	swait.eq [sflag:s15], $0x1  }
0x94: {  	[sflag:s15] =	ssyncset.done $0x0  }
0x95: {  	s16 =	sld [smem:$0x10];
	[sflag:s15] =	ssyncadd.s32 $0xFFFFFFFF  }
0x96: {  	s17 =	sld [smem:$0x12];
	(tm) =	ssettm $0x1  }
0x97: {  	s18 =	sld [smem:$0x3FFB];
	_ =	sdelay $0x3  }
0x98: {  	_ =	strace s18  }
0x99: {  	s4 =	sld [smem:$0x3FFC];
	_ =	sdelay $0x3  }
0x9a: {  	_ =	strace s4  }
0x9b: {  	s4 =	sld [smem:$0x3FFD];
	_ =	sdelay $0x3  }
0x9c: {  	_ =	strace s4  }
0x9d: {  	_ =	strace $0x8FFFFFFF  }
0x9e: {  	s19 =	sld [smem:$0x3FDB];
	_ =	sdelay $0x1  }
0x9f: {  	s5 =	simm.s32 $_scs_section_size  }
0xa0: {  	s6 =	simm.s32 $_size__tile_overlayer_lowered;
	s7 =	simm.s32 $_tile_overlayer_lowered  }
0xa1: {  	s22 =	simm.s32 $0x1BFF;
	s21 =	sshll.u32 s7, $0x1;
	s4 =	sadd.s32 s5, s19  }
0xa2: {  	s8 =	simm.s32 $0x0;
	s20 =	sshll.u32 s6, $0x1;
	s6 =	sadd.s32 s21, s4  }
0xa3: {  	[timem:s8], [sflag:s22] =	dma.local [hbm:s6], s20  }
0xa4: {  	_ =	swait.ge [sflag:s22], s20  }
0xa5: {  	s5 =	ssub.s32 $0x0, s20;
	[sflag:s22] =	ssyncset.done $0x0  }
0xa6: {  	[sflag:s22] =	ssyncadd.s32 s5;
	_ =	sdelay $0x1  }
0xa7: {  	s23 =	simm.s32 $0x1B8B  }
0xa8: {  	_ =	swait.ge [sflag:s23], $0x1  }
0xa9: {  	[sflag:s23] =	ssyncset.done $0x0  }
0xaa: {  	s25 =	simm.s32 $0x1B8E;
	s24 =	sld [smem:$0x3FFE];
	[sflag:s23] =	ssyncadd.s32 $0xFFFFFFFF  }
0xab: {  	s26 =	simm.s32 $execute0_lowered;
	[smem:$0x3FD2] =	sst s25  }
0xac: {  	s6 =	sshll.u32 s26, $0x1;
	_ =	strace $0x80000046;
	[dreg:$0x1] =	wrdreg $0xFFFFFFFF  }
0xad: {  	s28 =	simm.s32 $_size_execute0_lowered;
	s4 =	sadd.s32 s4, s6;
	[dreg:$0x0] =	wrdreg $0x0  }
0xae: {  	s6 =	sshll.u32 s28, $0x1;
	[dreg:$0x2] =	wrdreg s4  }
0xaf: {  	[dreg:$0x3] =	wrdreg s6  }
0xb0: {  	[dreg:$0x4] =	wrdreg $0xC0  }
0xb1: {  	_ =	task [dreg:s8], $0x5FFFF  }
0xb2: {  	[dreg:$0x1] =	wrdreg $0xFFFFFFFF  }
0xb3: {  	[dreg:$0x0] =	wrdreg $0x60  }
0xb4: {  	[dreg:$0x2] =	wrdreg s24  }
0xb5: {  	[dreg:$0x3] =	wrdreg s16  }
0xb6: {  	[dreg:$0x4] =	wrdreg s17  }
0xb7: {  	[dreg:$0x5] =	wrdreg $0x9  }
0xb8: {  	_ =	task.clear_ibuf [dreg:s8], $0x6FFFF;
	_ =	strace $0x90000046  }
0xb9: {  	s29 =	simm.s32 $0x9;
	_ =	strace $0x80000048  }
0xba: {  	_ =	swait.ge [sflag:s29], $0x1  }
0xbb: {  	[sflag:s29] =	ssyncadd.s32 $0xFFFFFFFF  }
0xbc: {  	_ =	strace $0x90000048  }
0xbd: {  	_ =	sfence  }
0xbe: {  	s30 =	sld [smem:$0x0];
	_ =	sdelay $0x2  }
0xbf: {  	s31 =	sshll.u32 s1, $0xD;
	s1 =	sshrl.u32 s1, $0x2  }
0xc0: {  	s3 =	sand.u32 $0x4000, s31;
	s1 =	sadd.s32 s1, s30  }
0xc1: {  	s0 =	sor.u32 s3, s0;
	s1 =	sshll.u32 s1, $0x11  }
0xc2: {  	s0 =	sor.u32 s1, s0  }
0xc3: {  	s0 =	sadd.s32 $0x8F2B, s0  }
0xc4: {  	[sflag:s0] =	ssyncadd.remote.s32 $0x1  }
0xc5: {  	_ =	sfence.sel $0xFFFF  }
0xc6: {  	[dreg:$0x0] =	wrdreg $0xFFFFFFFF;
	(pc) =	sbr.abs _section_cstart, $3  }
0xc7: {  	[dreg:$0x1] =	wrdreg $0xFFFFFFFF  }
0xc8: {  	_ =	task.clear_ibuf [dreg:s8], $0x2FFFF;
	_ =	strace $0x9FFFFFFF  }
0xc9: {  	(tm) =	ssettm $0x7FFFFFFF  }
tec
execute0_lowered:
.L_overlay_start_1:
0x0: {  	(tag) =	ssettag $0x1  }
0x1: {  	s4 =	rddreg [dreg:$0x0]  }
0x2: {  	s1 =	srdreg.scid;
	s5 =	rddreg [dreg:$0x1]  }
0x3: {  	s0 =	stileid.u32;
	s7 =	rddreg [dreg:$0x2];
	s11 =	simm.s32 $0x80  }
0x4: {  	s12 =	simm.s32 $0x3000;
	s14 =	simm.s32 $0x7000;
	s17 =	simm.s32 $0xB000  }
0x5: {  	s31 =	simm.s32 $0xD000;
	s18 =	simm.s32 $0xF000;
	s19 =	simm.s32 $0x11000  }
0x6: {  	s20 =	simm.s32 $0x1;
	s21 =	simm.s32 $0x40;
	s22 =	simm.s32 $0x2  }
0x7: {  	s1 =	sand.u32 $0x1, s1;
	s2 =	sshll.u32 s0, $0x1;
	s8 =	smul.u32 $0x180000, s0  }
0x8: {  	s3 =	sadd.s32 $0x8000, s4;
	s2 =	sor.u32 s1, s2;
	s9 =	smul.u32 $0xC0000, s1  }
0x9: {  	s1 =	ssub.s32 $0x2, s1;
	s6 =	smul.u32 $0x300, s2;
	s2 =	simm.s32 $0x0  }
0xa: {  	s23 =	sshrl.u32 s1, $0x1;
	[smem:$0x7FF] =	sst s2;
	s8 =	sadd.s32 s9, s8  }
0xb: {  	s1 =	ssub.s32 s1, s23;
	s9 =	simm.s32 $0x5;
	s23 =	simm.s32 $0x3  }
0xc: {  	_ =	strace $0x80000047;
	s10 =	sadd.s32 s6, s4;
	s24 =	sadd.s32 s5, s6  }
0xd: {  	s25 =	sor.u32 $0x8000, s8;
	s8 =	sshrl.u32 s8, $0x3;
	[dreg:$0x4] =	wrdreg s31  }
0xe: {  	s6 =	smax.u32 s1, $0x1;
	[dreg:$0x5] =	wrdreg s24;
	s26 =	sadd.s32 $0x2000, s10  }
0xf: {  	s28 =	sshrl.u32 s25, $0x3;
	s29 =	sadd.s32 s8, s7;
	s10 =	simm.s32 $0x1800  }
0x10: {  	s24 =	simm.s32 $0x4;
	s25 =	simm.s32 $0x0;
	s30 =	sadd.s32 s28, s7  }
0x11: {  	[dreg:$0x6] =	wrdreg s26;
	s7 =	sadd.s32 $0x8, s29;
	s8 =	sadd.s32 $0x8, s30  }
.LBB2_1:
0x12: {  	s0 =	rddreg [dreg:$0x5]  }
0x13: {  	[tilespmem:s2], [sflag:$0x5] =	stream.linear.gather [hbm4b:s0+s2], $0x1800, $0x38;
	[tilespmem:$0x13000] =	vst v63  }
0x14: {  	_ =	swait.ge [sflag:s9], $0x1800  }
0x15: {  	[sflag:s9] =	ssyncset.done $0x0  }
0x16: {  	s15 =	rddreg [dreg:$0x6];
	[sflag:s9] =	ssyncadd.s32 $0xFFFFE800  }
0x17: {  	[tilespmem:s10], [sflag:$0x5] =	stream.linear.gather [hbm4b:s15+s2], $0x1800, $0x38;
	[tilespmem:$0x13000] =	vst v63  }
0x18: {  	_ =	swait.ge [sflag:s9], $0x1800  }
0x19: {  	[sflag:s9] =	ssyncset.done $0x0  }
0x1a: {  	[sflag:s9] =	ssyncadd.s32 $0xFFFFE800  }
0x1b: {  	[tilespmem:s12], [sflag:$0x1] =	stream.indirect.gather [hbm4b:s3+s11], $0x40, s2, s11, $0xb8;
	[tilespmem:$0x13000] =	vst v63  }
0x1c: {  	s16 =	simm.s32 $0x5000  }
0x1d: {  	[tilespmem:s16], [sflag:$0x1] =	stream.indirect.gather [hbm4b:s3+s11], $0x40, s11, s11, $0xb8;
	[tilespmem:$0x13000] =	vst v63  }
0x1e: {  	p0 =	por $0x1, $0x1  }
0x1f: {  	[tilespmem:s14], [sflag:$0x1] =	stream.indirect.gather [hbm4b:s3+s11], $0x40, s10, s11, $0xb8;
	[tilespmem:$0x13000] =	vst v63  }
0x20: {  	s26 =	simm.s32 $0x1880;
	s1 =	simm.s32 $0x9000;
	p0 =	por p0, p0  }
0x21: {  	[tilespmem:s1], [sflag:$0x1] =	stream.indirect.gather [hbm4b:s3+s11], $0x40, s26, s11, $0xb8;
	[tilespmem:$0x13000] =	vst v63  }
0x22: {  	s1 =	simm.s32 @!p0 $0x4  }
0x23: {  	_ =	swait.ge @!p0 [sflag:s1], $0x4000  }
0x24: {  	[sflag:s1] =	ssyncset.done @!p0 $0x0  }
0x25: {  	[sflag:s1] =	ssyncadd.s32 @!p0 $0xFFFFC000  }
0x26: {  	_ =	swait.ge @!p0 [sflag:s1], $0x4000  }
0x27: {  	[sflag:s1] =	ssyncset.done @!p0 $0x0  }
0x28: {  	s4 =	simm.s32 $0x100;
	[sflag:s1] =	ssyncadd.s32 @!p0 $0xFFFFC000  }
0x29: {  	[tilespmem:s17], [sflag:$0x2] =	stream.indirect.gather [hbm4b:s3+s11], $0x40, s4, s11, $0xb8;
	[tilespmem:$0x13000] =	vst v63  }
0x2a: {  	s5 =	simm.s32 $0x180;
	s26 =	rddreg [dreg:$0x4]  }
0x2b: {  	[tilespmem:s26], [sflag:$0x2] =	stream.indirect.gather [hbm4b:s3+s11], $0x40, s5, s11, $0xb8;
	[tilespmem:$0x13000] =	vst v63  }
0x2c: {  	s13 =	simm.s32 $0x1900  }
0x2d: {  	[tilespmem:s18], [sflag:$0x2] =	stream.indirect.gather [hbm4b:s3+s11], $0x40, s13, s11, $0xb8;
	[tilespmem:$0x13000] =	vst v63  }
0x2e: {  	s15 =	simm.s32 $0x1980  }
0x2f: {  	[tilespmem:s19], [sflag:$0x2] =	stream.indirect.gather [hbm4b:s3+s11], $0x40, s15, s11, $0xb8;
	[tilespmem:$0x13000] =	vst v63  }
0x30: {  	_ =	swait.ge [sflag:s20], $0x2000  }
0x31: {  	[sflag:s20] =	ssyncset.done $0x0  }
0x32: {  	[sflag:s20] =	ssyncadd.s32 $0xFFFFE000  }
0x33: {  	_ =	swait.ge [sflag:s20], $0x2000  }
0x34: {  	[sflag:s20] =	ssyncset.done $0x0  }
0x35: {  	[sflag:s20] =	ssyncadd.s32 $0xFFFFE000  }
0x36: {  	_ =	swait.ge [sflag:s20], $0x2000  }
0x37: {  	[sflag:s20] =	ssyncset.done $0x0  }
0x38: {  	[sflag:s20] =	ssyncadd.s32 $0xFFFFE000  }
0x39: {  	_ =	swait.ge [sflag:s20], $0x2000  }
0x3a: {  	[sflag:s20] =	ssyncset.done $0x0  }
0x3b: {  	s16 =	sadd.s32 $0xFFFFFFF8, s7;
	p0 =	por $0x0, $0x0;
	[sflag:s20] =	ssyncadd.s32 $0xFFFFE000  }
0x3c: {  	[hbm4b:s16+s21] =	stream.strided.scatter [tilespmem:s12], [sflag:$0x3], $0x4000, s11, s21, $0x38;
	[tilespmem:$0x13000] =	vst v63  }
0x3d: {  	s1 =	simm.s32 @!p0 $0x3  }
0x3e: {  	[hbm4b:s7+s21] =	stream.strided.scatter [tilespmem:s14], [sflag:$0x3], $0x4000, s11, s21, $0x38;
	[tilespmem:$0x13000] =	vst v63  }
0x3f: {  	_ =	swait.ge @!p0 [sflag:s1], $0x4000  }
0x40: {  	[sflag:s1] =	ssyncset.done @!p0 $0x0  }
0x41: {  	[sflag:s1] =	ssyncadd.s32 @!p0 $0xFFFFC000  }
0x42: {  	_ =	swait.ge @!p0 [sflag:s1], $0x4000  }
0x43: {  	s28 =	simm.s32 @!p0 $0x80;
	[sflag:s1] =	ssyncset.done @!p0 $0x0  }
0x44: {  	s29 =	simm.s32 @!p0 $0x3000;
	s26 =	simm.s32 @!p0 $0x200;
	[sflag:s1] =	ssyncadd.s32 @!p0 $0xFFFFC000  }
0x45: {  	[tilespmem:s29], [sflag:$0x1] =	stream.indirect.gather @!p0 [hbm4b:s3+s28], $0x40, s26, s28, $0xb8;
	[tilespmem:$0x13000] =	vst v63  }
0x46: {  	s1 =	simm.s32 @!p0 $0x280;
	s26 =	simm.s32 @!p0 $0x5000  }
0x47: {  	[tilespmem:s26], [sflag:$0x1] =	stream.indirect.gather @!p0 [hbm4b:s3+s28], $0x40, s1, s28, $0xb8;
	[tilespmem:$0x13000] =	vst v63  }
0x48: {  	s1 =	simm.s32 @!p0 $0x1A00;
	s26 =	simm.s32 @!p0 $0x7000  }
0x49: {  	[tilespmem:s26], [sflag:$0x1] =	stream.indirect.gather @!p0 [hbm4b:s3+s28], $0x40, s1, s28, $0xb8;
	[tilespmem:$0x13000] =	vst v63  }
0x4a: {  	s1 =	simm.s32 @!p0 $0x1A80;
	s26 =	simm.s32 @!p0 $0x9000  }
0x4b: {  	[tilespmem:s26], [sflag:$0x1] =	stream.indirect.gather @!p0 [hbm4b:s3+s28], $0x40, s1, s28, $0xb8;
	[tilespmem:$0x13000] =	vst v63  }
0x4c: {  	_ =	swait.ge [sflag:s22], $0x2000  }
0x4d: {  	[sflag:s22] =	ssyncset.done $0x0  }
0x4e: {  	[sflag:s22] =	ssyncadd.s32 $0xFFFFE000  }
0x4f: {  	_ =	swait.ge [sflag:s22], $0x2000  }
0x50: {  	[sflag:s22] =	ssyncset.done $0x0  }
0x51: {  	[sflag:s22] =	ssyncadd.s32 $0xFFFFE000  }
0x52: {  	_ =	swait.ge [sflag:s22], $0x2000  }
0x53: {  	[sflag:s22] =	ssyncset.done $0x0  }
0x54: {  	[sflag:s22] =	ssyncadd.s32 $0xFFFFE000  }
0x55: {  	p6 =	por $0x0, $0x0;
	_ =	swait.ge [sflag:s22], $0x2000  }
0x56: {  	s30 =	simm.s32 $0x1000;
	s31 =	smov.u32 s8;
	[sflag:s22] =	ssyncset.done $0x0  }
0x57: {  	s29 =	sadd.s32 $0x2000, s7;
	s26 =	sadd.s32 $0xFFFFFFF8, s8;
	[sflag:s22] =	ssyncadd.s32 $0xFFFFE000  }
0x58: {  	[hbm4b:s26+s21] =	stream.strided.scatter [tilespmem:s17], [sflag:$0x4], $0x4000, s11, s21, $0x38;
	[tilespmem:$0x13000] =	vst v63  }
0x59: {  	s28 =	simm.s32 $0x800;
	p0 =	por p6, p6;
	s26 =	sadd.s32 $0x2000, s8  }
.LBB2_2:
0x5a: {  	s0 =	simm.s32 @!p0 $0x4  }
0x5b: {  	[hbm4b:s31+s21] =	stream.strided.scatter [tilespmem:s18], [sflag:$0x4], $0x4000, s11, s21, $0x38;
	[tilespmem:$0x13000] =	vst v63  }
0x5c: {  	_ =	swait.ge @!p0 [sflag:s0], $0x4000  }
0x5d: {  	[sflag:s0] =	ssyncset.done @!p0 $0x0  }
0x5e: {  	[sflag:s0] =	ssyncadd.s32 @!p0 $0xFFFFC000  }
0x5f: {  	_ =	swait.ge @!p0 [sflag:s0], $0x4000  }
0x60: {  	s13 =	sshra.s32 s28, $0x2;
	[sflag:s0] =	ssyncset.done @!p0 $0x0  }
0x61: {  	s16 =	sadd.s32 $0x100, s13;
	[sflag:s0] =	ssyncadd.s32 @!p0 $0xFFFFC000  }
0x62: {  	[tilespmem:s17], [sflag:$0x2] =	stream.indirect.gather [hbm4b:s3+s11], $0x40, s16, s11, $0xb8;
	[tilespmem:$0x13000] =	vst v63  }
0x63: {  	s4 =	sadd.s32 $0x180, s13;
	s15 =	rddreg [dreg:$0x4]  }
0x64: {  	[tilespmem:s15], [sflag:$0x2] =	stream.indirect.gather [hbm4b:s3+s11], $0x40, s4, s11, $0xb8;
	[tilespmem:$0x13000] =	vst v63  }
0x65: {  	s5 =	sadd.s32 $0x1900, s13  }
0x66: {  	[tilespmem:s18], [sflag:$0x2] =	stream.indirect.gather [hbm4b:s3+s11], $0x40, s5, s11, $0xb8;
	[tilespmem:$0x13000] =	vst v63  }
0x67: {  	s13 =	sadd.s32 $0x1980, s13  }
0x68: {  	[tilespmem:s19], [sflag:$0x2] =	stream.indirect.gather [hbm4b:s3+s11], $0x40, s13, s11, $0xb8;
	[tilespmem:$0x13000] =	vst v63  }
0x69: {  	_ =	swait.ge [sflag:s20], $0x2000  }
0x6a: {  	[sflag:s20] =	ssyncset.done $0x0  }
0x6b: {  	[sflag:s20] =	ssyncadd.s32 $0xFFFFE000  }
0x6c: {  	_ =	swait.ge [sflag:s20], $0x2000  }
0x6d: {  	[sflag:s20] =	ssyncset.done $0x0  }
0x6e: {  	[sflag:s20] =	ssyncadd.s32 $0xFFFFE000  }
0x6f: {  	_ =	swait.ge [sflag:s20], $0x2000  }
0x70: {  	[sflag:s20] =	ssyncset.done $0x0  }
0x71: {  	[sflag:s20] =	ssyncadd.s32 $0xFFFFE000  }
0x72: {  	p2 =	seq.s32 s30, $0x0;
	_ =	swait.ge [sflag:s20], $0x2000  }
0x73: {  	p0 =	por p2, p2;
	[sflag:s20] =	ssyncset.done $0x0  }
0x74: {  	p2 =	seq.s32 s28, $0x5800;
	s15 =	sadd.s32 $0xFFFFFFF8, s29;
	[sflag:s20] =	ssyncadd.s32 $0xFFFFE000  }
0x75: {  	[hbm4b:s15+s21] =	stream.strided.scatter [tilespmem:s12], [sflag:$0x3], $0x4000, s11, s21, $0x38;
	[tilespmem:$0x13000] =	vst v63  }
0x76: {  	s0 =	simm.s32 @!p2 $0x3  }
0x77: {  	[hbm4b:s29+s21] =	stream.strided.scatter [tilespmem:s14], [sflag:$0x3], $0x4000, s11, s21, $0x38;
	[tilespmem:$0x13000] =	vst v63  }
0x78: {  	_ =	swait.ge @!p2 [sflag:s0], $0x4000  }
0x79: {  	[sflag:s0] =	ssyncset.done @!p2 $0x0  }
0x7a: {  	[sflag:s0] =	ssyncadd.s32 @!p2 $0xFFFFC000  }
0x7b: {  	s1 =	smov.u32 s30;
	s4 =	simm.s32 @!p2 $0x80;
	_ =	swait.ge @!p2 [sflag:s0], $0x4000  }
0x7c: {  	s5 =	simm.s32 @!p2 $0x3000;
	s13 =	sshra.s32 @!p2 s28, $0x2;
	[sflag:s0] =	ssyncset.done @!p2 $0x0  }
0x7d: {  	s28 =	smov.u32 s1;
	s1 =	sadd.s32 @!p2 $0x200, s13;
	[sflag:s0] =	ssyncadd.s32 @!p2 $0xFFFFC000  }
0x7e: {  	[tilespmem:s5], [sflag:$0x1] =	stream.indirect.gather @!p2 [hbm4b:s3+s4], $0x40, s1, s4, $0xb8;
	[tilespmem:$0x13000] =	vst v63  }
0x7f: {  	s15 =	sadd.s32 @!p2 $0x280, s13;
	s0 =	simm.s32 @!p2 $0x5000  }
0x80: {  	[tilespmem:s0], [sflag:$0x1] =	stream.indirect.gather @!p2 [hbm4b:s3+s4], $0x40, s15, s4, $0xb8;
	[tilespmem:$0x13000] =	vst v63  }
0x81: {  	s16 =	sadd.s32 @!p2 $0x1A00, s13;
	s1 =	simm.s32 @!p2 $0x7000  }
0x82: {  	[tilespmem:s1], [sflag:$0x1] =	stream.indirect.gather @!p2 [hbm4b:s3+s4], $0x40, s16, s4, $0xb8;
	[tilespmem:$0x13000] =	vst v63  }
0x83: {  	s13 =	sadd.s32 @!p2 $0x1A80, s13;
	s0 =	simm.s32 @!p2 $0x9000  }
0x84: {  	[tilespmem:s0], [sflag:$0x1] =	stream.indirect.gather @!p2 [hbm4b:s3+s4], $0x40, s13, s4, $0xb8;
	[tilespmem:$0x13000] =	vst v63  }
0x85: {  	_ =	swait.ge [sflag:s22], $0x2000  }
0x86: {  	[sflag:s22] =	ssyncset.done $0x0  }
0x87: {  	[sflag:s22] =	ssyncadd.s32 $0xFFFFE000  }
0x88: {  	_ =	swait.ge [sflag:s22], $0x2000  }
0x89: {  	[sflag:s22] =	ssyncset.done $0x0  }
0x8a: {  	[sflag:s22] =	ssyncadd.s32 $0xFFFFE000  }
0x8b: {  	s30 =	sadd.s32 $0x800, s30;
	_ =	swait.ge [sflag:s22], $0x2000  }
0x8c: {  	p1 =	sne.s32 s30, $0x6000;
	[sflag:s22] =	ssyncset.done $0x0  }
.Ltmp0:
0x8d: {  	[sflag:s22] =	ssyncadd.s32 $0xFFFFE000;
	(pc) =	sbr.rel @p1 .LBB2_2-.Ltmp0, $4  }
0x8e: {  	_ =	swait.ge [sflag:s22], $0x2000  }
0x8f: {  	s31 =	smov.u32 s26;
	s29 =	sadd.s32 $0x2000, s29;
	[sflag:s22] =	ssyncset.done $0x0  }
0x90: {  	s16 =	sadd.s32 $0xFFFFFFF8, s26;
	s26 =	sadd.s32 $0x2000, s26;
	[sflag:s22] =	ssyncadd.s32 $0xFFFFE000  }
0x91: {  	[hbm4b:s16+s21] =	stream.strided.scatter [tilespmem:s17], [sflag:$0x4], $0x4000, s11, s21, $0x38;
	[tilespmem:$0x13000] =	vst v63  }
0x92: {  	s0 =	simm.s32 @!p0 $0x4  }
0x93: {  	[hbm4b:s31+s21] =	stream.strided.scatter [tilespmem:s18], [sflag:$0x4], $0x4000, s11, s21, $0x38;
	[tilespmem:$0x13000] =	vst v63  }
0x94: {  	_ =	swait.ge @!p0 [sflag:s0], $0x4000  }
0x95: {  	[sflag:s0] =	ssyncset.done @!p0 $0x0  }
0x96: {  	[sflag:s0] =	ssyncadd.s32 @!p0 $0xFFFFC000  }
0x97: {  	_ =	swait.ge @!p0 [sflag:s0], $0x4000  }
0x98: {  	s1 =	sshra.s32 s28, $0x2;
	[sflag:s0] =	ssyncset.done @!p0 $0x0  }
0x99: {  	s5 =	sadd.s32 $0x100, s1;
	[sflag:s0] =	ssyncadd.s32 @!p0 $0xFFFFC000  }
0x9a: {  	[tilespmem:s17], [sflag:$0x2] =	stream.indirect.gather [hbm4b:s3+s11], $0x40, s5, s11, $0xb8;
	[tilespmem:$0x13000] =	vst v63  }
0x9b: {  	s13 =	sadd.s32 $0x180, s1;
	s4 =	rddreg [dreg:$0x4]  }
0x9c: {  	[tilespmem:s4], [sflag:$0x2] =	stream.indirect.gather [hbm4b:s3+s11], $0x40, s13, s11, $0xb8;
	[tilespmem:$0x13000] =	vst v63  }
0x9d: {  	s15 =	sadd.s32 $0x1900, s1  }
0x9e: {  	[tilespmem:s18], [sflag:$0x2] =	stream.indirect.gather [hbm4b:s3+s11], $0x40, s15, s11, $0xb8;
	[tilespmem:$0x13000] =	vst v63  }
0x9f: {  	s16 =	sadd.s32 $0x1980, s1  }
0xa0: {  	[tilespmem:s19], [sflag:$0x2] =	stream.indirect.gather [hbm4b:s3+s11], $0x40, s16, s11, $0xb8;
	[tilespmem:$0x13000] =	vst v63  }
0xa1: {  	_ =	swait.ge [sflag:s20], $0x2000  }
0xa2: {  	[sflag:s20] =	ssyncset.done $0x0  }
0xa3: {  	[sflag:s20] =	ssyncadd.s32 $0xFFFFE000  }
0xa4: {  	_ =	swait.ge [sflag:s20], $0x2000  }
0xa5: {  	[sflag:s20] =	ssyncset.done $0x0  }
0xa6: {  	[sflag:s20] =	ssyncadd.s32 $0xFFFFE000  }
0xa7: {  	_ =	swait.ge [sflag:s20], $0x2000  }
0xa8: {  	[sflag:s20] =	ssyncset.done $0x0  }
0xa9: {  	[sflag:s20] =	ssyncadd.s32 $0xFFFFE000  }
0xaa: {  	_ =	swait.ge [sflag:s20], $0x2000  }
0xab: {  	[sflag:s20] =	ssyncset.done $0x0  }
0xac: {  	s30 =	sadd.s32 $0xFFFFFFF8, s29;
	p0 =	seq.s32 s28, $0x5800;
	[sflag:s20] =	ssyncadd.s32 $0xFFFFE000  }
0xad: {  	[hbm4b:s30+s21] =	stream.strided.scatter [tilespmem:s12], [sflag:$0x3], $0x4000, s11, s21, $0x38;
	[tilespmem:$0x13000] =	vst v63  }
0xae: {  	s0 =	simm.s32 @!p0 $0x3  }
0xaf: {  	[hbm4b:s29+s21] =	stream.strided.scatter [tilespmem:s14], [sflag:$0x3], $0x4000, s11, s21, $0x38;
	[tilespmem:$0x13000] =	vst v63  }
0xb0: {  	_ =	swait.ge @!p0 [sflag:s0], $0x4000  }
0xb1: {  	[sflag:s0] =	ssyncset.done @!p0 $0x0  }
0xb2: {  	[sflag:s0] =	ssyncadd.s32 @!p0 $0xFFFFC000  }
0xb3: {  	_ =	swait.ge @!p0 [sflag:s0], $0x4000  }
0xb4: {  	s1 =	sshra.s32 @!p0 s28, $0x2;
	s5 =	simm.s32 @!p0 $0x80;
	[sflag:s0] =	ssyncset.done @!p0 $0x0  }
0xb5: {  	s4 =	sadd.s32 @!p0 $0x200, s1;
	s13 =	simm.s32 @!p0 $0x3000;
	[sflag:s0] =	ssyncadd.s32 @!p0 $0xFFFFC000  }
0xb6: {  	[tilespmem:s13], [sflag:$0x1] =	stream.indirect.gather @!p0 [hbm4b:s3+s5], $0x40, s4, s5, $0xb8;
	[tilespmem:$0x13000] =	vst v63  }
0xb7: {  	s0 =	sadd.s32 @!p0 $0x280, s1;
	s4 =	simm.s32 @!p0 $0x5000  }
0xb8: {  	[tilespmem:s4], [sflag:$0x1] =	stream.indirect.gather @!p0 [hbm4b:s3+s5], $0x40, s0, s5, $0xb8;
	[tilespmem:$0x13000] =	vst v63  }
0xb9: {  	s0 =	sadd.s32 @!p0 $0x1A00, s1;
	s4 =	simm.s32 @!p0 $0x7000  }
0xba: {  	[tilespmem:s4], [sflag:$0x1] =	stream.indirect.gather @!p0 [hbm4b:s3+s5], $0x40, s0, s5, $0xb8;
	[tilespmem:$0x13000] =	vst v63  }
0xbb: {  	s0 =	sadd.s32 @!p0 $0x1A80, s1;
	s1 =	simm.s32 @!p0 $0x9000  }
0xbc: {  	[tilespmem:s1], [sflag:$0x1] =	stream.indirect.gather @!p0 [hbm4b:s3+s5], $0x40, s0, s5, $0xb8;
	[tilespmem:$0x13000] =	vst v63  }
0xbd: {  	_ =	swait.ge [sflag:s22], $0x2000  }
0xbe: {  	[sflag:s22] =	ssyncset.done $0x0  }
0xbf: {  	[sflag:s22] =	ssyncadd.s32 $0xFFFFE000  }
0xc0: {  	_ =	swait.ge [sflag:s22], $0x2000  }
0xc1: {  	[sflag:s22] =	ssyncset.done $0x0  }
0xc2: {  	[sflag:s22] =	ssyncadd.s32 $0xFFFFE000  }
0xc3: {  	_ =	swait.ge [sflag:s22], $0x2000  }
0xc4: {  	[sflag:s22] =	ssyncset.done $0x0  }
0xc5: {  	[sflag:s22] =	ssyncadd.s32 $0xFFFFE000  }
0xc6: {  	_ =	swait.ge [sflag:s22], $0x2000  }
0xc7: {  	[sflag:s22] =	ssyncset.done $0x0  }
0xc8: {  	s31 =	sadd.s32 $0xFFFFFFF8, s26;
	[sflag:s22] =	ssyncadd.s32 $0xFFFFE000  }
0xc9: {  	[hbm4b:s31+s21] =	stream.strided.scatter [tilespmem:s17], [sflag:$0x4], $0x4000, s11, s21, $0x38;
	[tilespmem:$0x13000] =	vst v63  }
0xca: {  	_ = 	snop  }
0xcb: {  	[hbm4b:s26+s21] =	stream.strided.scatter [tilespmem:s18], [sflag:$0x4], $0x4000, s11, s21, $0x38;
	[tilespmem:$0x13000] =	vst v63  }
0xcc: {  	_ =	swait.ge [sflag:s23], $0x4000  }
0xcd: {  	[sflag:s23] =	ssyncset.done $0x0  }
0xce: {  	[sflag:s23] =	ssyncadd.s32 $0xFFFFC000  }
0xcf: {  	_ =	swait.ge [sflag:s23], $0x4000  }
0xd0: {  	[sflag:s23] =	ssyncset.done $0x0  }
0xd1: {  	s25 =	sadd.s32 $0x1, s25;
	[sflag:s23] =	ssyncadd.s32 $0xFFFFC000  }
0xd2: {  	p0 =	sne.s32 s25, s6;
	_ =	swait.ge [sflag:s24], $0x4000  }
.Ltmp1:
0xd3: {  	[sflag:s24] =	ssyncset.done $0x0;
	(pc) =	sbr.rel @p0 .LBB2_1-.Ltmp1, $4  }
0xd4: {  	[sflag:s24] =	ssyncadd.s32 $0xFFFFC000  }
0xd5: {  	_ =	swait.ge [sflag:s24], $0x4000  }
0xd6: {  	[sflag:s24] =	ssyncset.done $0x0  }
0xd7: {  	[sflag:s24] =	ssyncadd.s32 $0xFFFFC000  }
0xd8: {  	_ =	sfence.sel $0x180000  }
0xd9: {  	[bflag:$0x0] =	sbarrier.arrive $0xFFFF  }
0xda: {  	_ =	strace $0x90000047  }
0xdb: {  	s0 =	stileid.u32;
	[bflag:$0x2] =	sbarrier.arrive $0xFFFF  }
0xdc: {  	p0 =	sne.s32 s0, $0x0;
	s0 =	rddreg [dreg:$0x3]  }
0xdd: {  	s0 =	sadd.s32 @!p0 $0x100000, s0  }
0xde: {  	[sflag:s0] =	ssyncadd.tile.s32 @!p0 $0x1;
	_ =	shalt  }
.Lfunc_end2:
_tile_overlayer_lowered:
.L_overlay_start_2:
0xdf: {  	(tag) =	ssettag $0x2  }
0xe0: {  	s0 =	rddreg [dreg:$0x0];
	s2 =	stileid.u32  }
0xe1: {  	s1 =	rddreg [dreg:$0x1];
	p0 =	sne.s32 s2, $0x0  }
0xe2: {  	s3 =	rddreg [dreg:$0x2];
	[bflag:$0x3] =	sbarrier.arrive $0xFFFF;
	s2 =	simm.s32 @!p0 $0x1C05  }
0xe3: {  	[timem:s3], [sflag:s2] =	dma.local @!p0 [hbm:s0], s1  }
0xe4: {  	s0 =	simm.s32 @!p0 $0x5  }
0xe5: {  	_ =	swait.ge @!p0 [sflag:s0], s1  }
0xe6: {  	s1 =	ssub.s32 @!p0 $0x0, s1;
	[sflag:s0] =	ssyncset.done @!p0 $0x0  }
0xe7: {  	[sflag:s0] =	ssyncadd.s32 @!p0 s1  }
0xe8: {  	[bflag:$0x3] =	sbarrier.arrive $0xFFFF  }
0xe9: {  	_ =	shalt  }

</sc_bundles>
